<compile_context>
chip_gen: v7x
topology: tpu7x:2x2x1
jax: 0.10.2.dev20260603
libtpu: 0.0.44.dev20260713+nightly
codegen_flags: <defaults>
</compile_context>

<pallas_src>
import functools

import jax
import jax.numpy as jnp
from jax import lax
from jax.experimental import pallas as pl
from jax.experimental.pallas import tpu as pltpu
from jax.experimental.pallas import tpu_sc as plsc

B = 16384
D = 64
T = 25
NPOS = 5
NC = 2
NS = 16
NW = NC * NS
BW = B // NW
W = 16
CH = BW // W
WT = W * T
LANES = 16

_GCHUNK = 128


def _sc_scores_body(pos_u_hbm, tgt_hbm, u_w_hbm, v_w_hbm, out_hbm,
                    uidx, tidx, urows0, urows1, vrows0, vrows1, pbuf0, pbuf1,
                    gsem0, gsem1, osem0, osem1):
    wid = lax.axis_index("s") * NC + lax.axis_index("c")
    base = wid * BW

    pltpu.sync_copy(pos_u_hbm.at[pl.ds(base, BW)], uidx)
    pltpu.sync_copy(tgt_hbm.at[pl.ds(base * T, BW * T)], tidx)

    def gather_copies(ch, urows, vrows, sem):
        cps = [pltpu.make_async_copy(
            u_w_hbm.at[uidx.at[pl.ds(ch * W, W)]], urows, sem)]
        for k in range(0, WT, _GCHUNK):
            n = min(_GCHUNK, WT - k)
            cps.append(pltpu.make_async_copy(
                v_w_hbm.at[tidx.at[pl.ds(ch * WT + k, n)]],
                vrows.at[pl.ds(k, n)], sem))
        return cps

    def start_gathers(ch, urows, vrows, sem):
        for cp in gather_copies(ch, urows, vrows, sem):
            cp.start()

    def wait_gathers(ch, urows, vrows, sem):
        for cp in gather_copies(ch, urows, vrows, sem):
            cp.wait()

    def compute(ch, urows, vrows, pbuf):
        @plsc.parallel_loop(0, W)
        def _elem(b):
            u0 = urows[b, pl.ds(0, LANES)]
            u1 = urows[b, pl.ds(LANES, LANES)]
            u2 = urows[b, pl.ds(2 * LANES, LANES)]
            u3 = urows[b, pl.ds(3 * LANES, LANES)]
            r0 = b * T
            for t in range(T):
                v0 = vrows[r0 + t, pl.ds(0, LANES)]
                v1 = vrows[r0 + t, pl.ds(LANES, LANES)]
                v2 = vrows[r0 + t, pl.ds(2 * LANES, LANES)]
                v3 = vrows[r0 + t, pl.ds(3 * LANES, LANES)]
                pbuf[r0 + t, :] = (u0 * v0 + u1 * v1) + (u2 * v2 + u3 * v3)

    def store_copy(ch, pbuf, sem):
        return pltpu.make_async_copy(
            pbuf, out_hbm.at[pl.ds((base + ch * W) * T, WT)], sem)

    start_gathers(0, urows0, vrows0, gsem0)

    @pl.loop(0, CH // 2)
    def _pair(g):
        ch0 = 2 * g
        ch1 = ch0 + 1

        start_gathers(ch1, urows1, vrows1, gsem1)
        wait_gathers(ch0, urows0, vrows0, gsem0)

        @pl.when(g > 0)
        def _():
            store_copy(ch0 - 2, pbuf0, osem0).wait()
        compute(ch0, urows0, vrows0, pbuf0)
        store_copy(ch0, pbuf0, osem0).start()

        @pl.when(g < CH // 2 - 1)
        def _():
            start_gathers(ch0 + 2, urows0, vrows0, gsem0)
        wait_gathers(ch1, urows1, vrows1, gsem1)

        @pl.when(g > 0)
        def _():
            store_copy(ch1 - 2, pbuf1, osem1).wait()
        compute(ch1, urows1, vrows1, pbuf1)
        store_copy(ch1, pbuf1, osem1).start()

    store_copy(CH - 2, pbuf0, osem0).wait()
    store_copy(CH - 1, pbuf1, osem1).wait()


def _make_sc_scores():
    mesh = plsc.VectorSubcoreMesh(core_axis_name="c", subcore_axis_name="s")
    return pl.kernel(
        _sc_scores_body,
        out_type=jax.ShapeDtypeStruct((B * T, LANES), jnp.float32),
        mesh=mesh,
        compiler_params=pltpu.CompilerParams(use_tc_tiling_on_sc=False),
        scratch_types=[
            pltpu.VMEM((BW,), jnp.int32),
            pltpu.VMEM((BW * T,), jnp.int32),
            pltpu.VMEM((W, D), jnp.float32),
            pltpu.VMEM((W, D), jnp.float32),
            pltpu.VMEM((WT, D), jnp.float32),
            pltpu.VMEM((WT, D), jnp.float32),
            pltpu.VMEM((WT, LANES), jnp.float32),
            pltpu.VMEM((WT, LANES), jnp.float32),
            pltpu.SemaphoreType.DMA,
            pltpu.SemaphoreType.DMA,
            pltpu.SemaphoreType.DMA,
            pltpu.SemaphoreType.DMA,
        ],
    )


_TC_ROWS = 400
_TC_COLS = 2048
_TC_GRID = (B * T * LANES) // (_TC_ROWS * _TC_COLS)
_DOTS_PER_ROW = _TC_COLS // LANES


def _tc_loss_body(x_ref, o_ref):
    i = pl.program_id(0)
    x = x_ref[...]
    j = lax.broadcasted_iota(jnp.int32, (_TC_COLS, _DOTS_PER_ROW), 0)
    d = lax.broadcasted_iota(jnp.int32, (_TC_COLS, _DOTS_PER_ROW), 1)
    m = (j // LANES == d).astype(jnp.bfloat16)
    s = lax.dot_general(x.astype(jnp.bfloat16), m, (((1,), (0,)), ((), ())),
                        preferred_element_type=jnp.float32)
    rr = lax.broadcasted_iota(jnp.int32, (_TC_ROWS, _DOTS_PER_ROW), 0)
    cc = lax.broadcasted_iota(jnp.int32, (_TC_ROWS, _DOTS_PER_ROW), 1)
    dot_id = (i * _TC_ROWS + rr) * _DOTS_PER_ROW + cc
    t = lax.rem(dot_id, T)
    sign = jnp.where(t < NPOS, 1.0, -1.0).astype(jnp.float32)
    z = sign * s
    val = jnp.minimum(z, 0.0) - jnp.log(1.0 + jnp.exp(-jnp.abs(z)))

    @pl.when(i == 0)
    def _():
        o_ref[0, 0] = 0.0

    o_ref[0, 0] -= jnp.sum(val)


def _make_tc_loss():
    return pl.pallas_call(
        _tc_loss_body,
        out_shape=jax.ShapeDtypeStruct((1, 1), jnp.float32),
        grid=(_TC_GRID,),
        in_specs=[pl.BlockSpec((_TC_ROWS, _TC_COLS), lambda i: (i, 0))],
        out_specs=pl.BlockSpec(block_shape=(1, 1), index_map=lambda i: (0, 0),
                               memory_space=pltpu.SMEM),
    )


def kernel(pos_u, pos_v, neg_v, u_weight, v_weight):
    pos_u = pos_u.astype(jnp.int32)
    tgt = jnp.concatenate([pos_v.astype(jnp.int32), neg_v.astype(jnp.int32)],
                          axis=1).reshape(B * T)
    partials = _make_sc_scores()(pos_u, tgt, u_weight, v_weight)
    p2 = partials.reshape((B * T * LANES) // _TC_COLS, _TC_COLS)
    loss = _make_tc_loss()(p2)
    return loss[0, 0]

# --- scband reference (transcript-rebuilt; emitter-appended) ---
"""Pipeline reference for scband-skip-gram-72129680769335 (READ-ONLY COPY).

The authoritative reference and input builder live on the scoring server;
editing this copy changes nothing except your own understanding.
"""

import jax, jax.numpy as jnp
import numpy as np

NUM_VOCAB = 1000000
EMBED_DIM = 64
BATCH = 16384
N_POS = 5
N_NEG = 20


def setup_inputs(seed: int = 0) -> dict:
    key = jax.random.key(seed)
    k1, k2, k3, k4, k5 = jax.random.split(key, 5)
    pos_u = jax.random.randint(k1, (BATCH,), 0, NUM_VOCAB, dtype=jnp.int64 if jax.config.jax_enable_x64 else jnp.int32)
    pos_v = jax.random.randint(k2, (BATCH, N_POS), 0, NUM_VOCAB, dtype=jnp.int64 if jax.config.jax_enable_x64 else jnp.int32)
    neg_v = jax.random.randint(k3, (BATCH, N_NEG), 0, NUM_VOCAB, dtype=jnp.int64 if jax.config.jax_enable_x64 else jnp.int32)
    initrange = 0.5 / EMBED_DIM
    u_weight = jax.random.uniform(k4, (NUM_VOCAB, EMBED_DIM), dtype=jnp.float32, minval=-initrange, maxval=initrange)
    # v_embeddings initialized to zero in the torch module; use tiny random values so the
    # computation is non-degenerate but numerically faithful in structure.
    v_weight = jax.random.uniform(k5, (NUM_VOCAB, EMBED_DIM), dtype=jnp.float32, minval=-initrange, maxval=initrange)
    return {"pos_u": pos_u, "pos_v": pos_v, "neg_v": neg_v, "u_weight": u_weight, "v_weight": v_weight}


def reference(pos_u, pos_v, neg_v, u_weight, v_weight):
    # skip-gram branch (cbow=False)
    embed_u = jnp.take(u_weight, pos_u, axis=0)            # [B, d]
    embed_v = jnp.take(v_weight, pos_v, axis=0)            # [B, P, d]
    score = embed_u[:, None, :] * embed_v                  # [B, P, d]
    score = jnp.sum(score, axis=-1)                        # [B, P]
    score = jax.nn.log_sigmoid(score)
    neg_embed_v = jnp.take(v_weight, neg_v, axis=0)        # [B, N, d]
    neg_score = jnp.einsum('bnd,bd->bn', neg_embed_v, embed_u)  # bmm equivalent
    neg_score = jax.nn.log_sigmoid(-1.0 * neg_score)
    return -1.0 * (jnp.sum(score) + jnp.sum(neg_score))

if __name__ == "__main__":
    import jax
    _d = setup_inputs()
    print(jax.jit(kernel)(*tuple(_d.values())))

</pallas_src>

<mosaic_0001>
#map = affine_map<(d0, d1) -> (0)>
#map1 = affine_map<(d0, d1) -> (0, 0)>
module attributes {stable_mosaic.version = 14 : i64} {
  func.func @_sc_scores_body(%arg0: i32, %arg1: i32, %arg2: memref<16384xi32, #tpu.memory_space<hbm>>, %arg3: memref<409600xi32, #tpu.memory_space<hbm>>, %arg4: memref<1000000x64xf32, #tpu.memory_space<hbm>>, %arg5: memref<1000000x64xf32, #tpu.memory_space<hbm>>, %arg6: memref<409600x16xf32, #tpu.memory_space<hbm>>, %arg7: memref<512xi32, #tpu.memory_space<vmem>>, %arg8: memref<12800xi32, #tpu.memory_space<vmem>>, %arg9: memref<16x64xf32, #tpu.memory_space<vmem>>, %arg10: memref<16x64xf32, #tpu.memory_space<vmem>>, %arg11: memref<400x64xf32, #tpu.memory_space<vmem>>, %arg12: memref<400x64xf32, #tpu.memory_space<vmem>>, %arg13: memref<400x16xf32, #tpu.memory_space<vmem>>, %arg14: memref<400x16xf32, #tpu.memory_space<vmem>>, %arg15: memref<!tpu.dma_semaphore, #tpu.memory_space<semaphore_mem>>, %arg16: memref<!tpu.dma_semaphore, #tpu.memory_space<semaphore_mem>>, %arg17: memref<!tpu.dma_semaphore, #tpu.memory_space<semaphore_mem>>, %arg18: memref<!tpu.dma_semaphore, #tpu.memory_space<semaphore_mem>>) attributes {dimension_semantics = [#tpu.dimension_semantics<core_parallel>, #tpu.dimension_semantics<subcore_parallel>], iteration_bounds = array<i64: 2, 16>, scalar_prefetch = 0 : i64, scratch_operands = 12 : i64, tpu.core_type = #tpu.core_type<sc_vector_subcore>, window_params = [{transform_indices = #map}, {transform_indices = #map}, {transform_indices = #map1}, {transform_indices = #map1}, {transform_indices = #map1}]} {
    %mul3A = arith.constant 2 : i32
    %mul3A_0 = arith.muli %arg1, %mul3A : i32
    %add3A = arith.addi %mul3A_0, %arg0 : i32
    %mul3A_1 = arith.constant 512 : i32
    %mul3A_2 = arith.muli %add3A, %mul3A_1 : i32
    "tpu.region"() ({
      %run_scoped3A = tpu.sem_alloc : memref<!tpu.dma_semaphore, #tpu.memory_space<semaphore_mem>>
      %dma_start3A_60 = tpu.memref_slice %arg2[%mul3A_2] : memref<16384xi32, #tpu.memory_space<hbm>> -> memref<512xi32, #tpu.memory_space<hbm>>
      %dma_start3A_61 = tpu.memref_slice %arg2[%mul3A_2] : memref<16384xi32, #tpu.memory_space<hbm>> -> memref<512xi32, #tpu.memory_space<hbm>>
      tpu.enqueue_dma source(%dma_start3A_61 : memref<512xi32, #tpu.memory_space<hbm>>) target(%arg7 : memref<512xi32, #tpu.memory_space<vmem>>) target_semaphore(%run_scoped3A : memref<!tpu.dma_semaphore, #tpu.memory_space<semaphore_mem>>)
      %dma_wait3A_62 = tpu.memref_slice %arg2[%mul3A_2] : memref<16384xi32, #tpu.memory_space<hbm>> -> memref<512xi32, #tpu.memory_space<hbm>>
      %dma_wait3A_63 = tpu.memref_slice %arg2[%mul3A_2] : memref<16384xi32, #tpu.memory_space<hbm>> -> memref<512xi32, #tpu.memory_space<hbm>>
      tpu.wait_dma2 semaphore(%run_scoped3A : memref<!tpu.dma_semaphore, #tpu.memory_space<semaphore_mem>>) src(%dma_wait3A_63 : memref<512xi32, #tpu.memory_space<hbm>>) dst(%arg7 : memref<512xi32, #tpu.memory_space<vmem>>)
      tpu.yield
    }) : () -> ()
    %mul3A_3 = arith.constant 25 : i32
    %mul3A_4 = arith.muli %mul3A_2, %mul3A_3 : i32
    "tpu.region"() ({
      %run_scoped3A = tpu.sem_alloc : memref<!tpu.dma_semaphore, #tpu.memory_space<semaphore_mem>>
      %dma_start3A_60 = tpu.memref_slice %arg3[%mul3A_4] : memref<409600xi32, #tpu.memory_space<hbm>> -> memref<12800xi32, #tpu.memory_space<hbm>>
      %dma_start3A_61 = tpu.memref_slice %arg3[%mul3A_4] : memref<409600xi32, #tpu.memory_space<hbm>> -> memref<12800xi32, #tpu.memory_space<hbm>>
      tpu.enqueue_dma source(%dma_start3A_61 : memref<12800xi32, #tpu.memory_space<hbm>>) target(%arg8 : memref<12800xi32, #tpu.memory_space<vmem>>) target_semaphore(%run_scoped3A : memref<!tpu.dma_semaphore, #tpu.memory_space<semaphore_mem>>)
      %dma_wait3A_62 = tpu.memref_slice %arg3[%mul3A_4] : memref<409600xi32, #tpu.memory_space<hbm>> -> memref<12800xi32, #tpu.memory_space<hbm>>
      %dma_wait3A_63 = tpu.memref_slice %arg3[%mul3A_4] : memref<409600xi32, #tpu.memory_space<hbm>> -> memref<12800xi32, #tpu.memory_space<hbm>>
      tpu.wait_dma2 semaphore(%run_scoped3A : memref<!tpu.dma_semaphore, #tpu.memory_space<semaphore_mem>>) src(%dma_wait3A_63 : memref<12800xi32, #tpu.memory_space<hbm>>) dst(%arg8 : memref<12800xi32, #tpu.memory_space<vmem>>)
      tpu.yield
    }) : () -> ()
    %dma_start3A = arith.constant 0 : i32
    %dma_start3A_5 = tpu.memref_slice %arg7[%dma_start3A] : memref<512xi32, #tpu.memory_space<vmem>> -> memref<16xi32, #tpu.memory_space<vmem>>
    %dma_start3A_6 = arith.constant 0 : i32
    %dma_start3A_7 = arith.constant 0 : i32
    %dma_start3A_8 = tpu.memref_slice %arg4[%dma_start3A_6, %dma_start3A_7] : memref<1000000x64xf32, #tpu.memory_space<hbm>> -> memref<1000000x64xf32, #tpu.memory_space<hbm>>
    tpu.enqueue_indirect_dma source(%dma_start3A_8 : memref<1000000x64xf32, #tpu.memory_space<hbm>>) target(%arg9 : memref<16x64xf32, #tpu.memory_space<vmem>>) offsets(%dma_start3A_5 : memref<16xi32, #tpu.memory_space<vmem>>) semaphore(%arg15 : memref<!tpu.dma_semaphore, #tpu.memory_space<semaphore_mem>>)
    %dma_start3A_9 = arith.constant 0 : i32
    %dma_start3A_10 = arith.constant 0 : i32
    %dma_start3A_11 = tpu.memref_slice %arg11[%dma_start3A_9, %dma_start3A_10] : memref<400x64xf32, #tpu.memory_space<vmem>> -> memref<128x64xf32, #tpu.memory_space<vmem>>
    %dma_start3A_12 = arith.constant 0 : i32
    %dma_start3A_13 = tpu.memref_slice %arg8[%dma_start3A_12] : memref<12800xi32, #tpu.memory_space<vmem>> -> memref<128xi32, #tpu.memory_space<vmem>>
    %dma_start3A_14 = arith.constant 0 : i32
    %dma_start3A_15 = arith.constant 0 : i32
    %dma_start3A_16 = tpu.memref_slice %arg5[%dma_start3A_14, %dma_start3A_15] : memref<1000000x64xf32, #tpu.memory_space<hbm>> -> memref<1000000x64xf32, #tpu.memory_space<hbm>>
    tpu.enqueue_indirect_dma source(%dma_start3A_16 : memref<1000000x64xf32, #tpu.memory_space<hbm>>) target(%dma_start3A_11 : memref<128x64xf32, #tpu.memory_space<vmem>>) offsets(%dma_start3A_13 : memref<128xi32, #tpu.memory_space<vmem>>) semaphore(%arg15 : memref<!tpu.dma_semaphore, #tpu.memory_space<semaphore_mem>>)
    %dma_start3A_17 = arith.constant 128 : i32
    %dma_start3A_18 = arith.constant 0 : i32
    %dma_start3A_19 = tpu.memref_slice %arg11[%dma_start3A_17, %dma_start3A_18] : memref<400x64xf32, #tpu.memory_space<vmem>> -> memref<128x64xf32, #tpu.memory_space<vmem>>
    %dma_start3A_20 = arith.constant 128 : i32
    %dma_start3A_21 = tpu.memref_slice %arg8[%dma_start3A_20] : memref<12800xi32, #tpu.memory_space<vmem>> -> memref<128xi32, #tpu.memory_space<vmem>>
    %dma_start3A_22 = arith.constant 0 : i32
    %dma_start3A_23 = arith.constant 0 : i32
    %dma_start3A_24 = tpu.memref_slice %arg5[%dma_start3A_22, %dma_start3A_23] : memref<1000000x64xf32, #tpu.memory_space<hbm>> -> memref<1000000x64xf32, #tpu.memory_space<hbm>>
    tpu.enqueue_indirect_dma source(%dma_start3A_24 : memref<1000000x64xf32, #tpu.memory_space<hbm>>) target(%dma_start3A_19 : memref<128x64xf32, #tpu.memory_space<vmem>>) offsets(%dma_start3A_21 : memref<128xi32, #tpu.memory_space<vmem>>) semaphore(%arg15 : memref<!tpu.dma_semaphore, #tpu.memory_space<semaphore_mem>>)
    %dma_start3A_25 = arith.constant 256 : i32
    %dma_start3A_26 = arith.constant 0 : i32
    %dma_start3A_27 = tpu.memref_slice %arg11[%dma_start3A_25, %dma_start3A_26] : memref<400x64xf32, #tpu.memory_space<vmem>> -> memref<128x64xf32, #tpu.memory_space<vmem>>
    %dma_start3A_28 = arith.constant 256 : i32
    %dma_start3A_29 = tpu.memref_slice %arg8[%dma_start3A_28] : memref<12800xi32, #tpu.memory_space<vmem>> -> memref<128xi32, #tpu.memory_space<vmem>>
    %dma_start3A_30 = arith.constant 0 : i32
    %dma_start3A_31 = arith.constant 0 : i32
    %dma_start3A_32 = tpu.memref_slice %arg5[%dma_start3A_30, %dma_start3A_31] : memref<1000000x64xf32, #tpu.memory_space<hbm>> -> memref<1000000x64xf32, #tpu.memory_space<hbm>>
    tpu.enqueue_indirect_dma source(%dma_start3A_32 : memref<1000000x64xf32, #tpu.memory_space<hbm>>) target(%dma_start3A_27 : memref<128x64xf32, #tpu.memory_space<vmem>>) offsets(%dma_start3A_29 : memref<128xi32, #tpu.memory_space<vmem>>) semaphore(%arg15 : memref<!tpu.dma_semaphore, #tpu.memory_space<semaphore_mem>>)
    %dma_start3A_33 = arith.constant 384 : i32
    %dma_start3A_34 = arith.constant 0 : i32
    %dma_start3A_35 = tpu.memref_slice %arg11[%dma_start3A_33, %dma_start3A_34] : memref<400x64xf32, #tpu.memory_space<vmem>> -> memref<16x64xf32, #tpu.memory_space<vmem>>
    %dma_start3A_36 = arith.constant 384 : i32
    %dma_start3A_37 = tpu.memref_slice %arg8[%dma_start3A_36] : memref<12800xi32, #tpu.memory_space<vmem>> -> memref<16xi32, #tpu.memory_space<vmem>>
    %dma_start3A_38 = arith.constant 0 : i32
    %dma_start3A_39 = arith.constant 0 : i32
    %dma_start3A_40 = tpu.memref_slice %arg5[%dma_start3A_38, %dma_start3A_39] : memref<1000000x64xf32, #tpu.memory_space<hbm>> -> memref<1000000x64xf32, #tpu.memory_space<hbm>>
    tpu.enqueue_indirect_dma source(%dma_start3A_40 : memref<1000000x64xf32, #tpu.memory_space<hbm>>) target(%dma_start3A_35 : memref<16x64xf32, #tpu.memory_space<vmem>>) offsets(%dma_start3A_37 : memref<16xi32, #tpu.memory_space<vmem>>) semaphore(%arg15 : memref<!tpu.dma_semaphore, #tpu.memory_space<semaphore_mem>>)
    %scan3A = arith.constant 0 : i32
    %scan3A_41 = arith.constant 16 : i32
    %scan3A_42 = arith.addi %scan3A, %scan3A_41 : i32
    %scan3A_43 = arith.constant 1 : i32
    scf.for %scan3A_60 = %scan3A to %scan3A_42 step %scan3A_43  : i32 {
      %mul3A_61 = arith.constant 1 : i32
      %mul3A_62 = arith.muli %scan3A_60, %mul3A_61 : i32
      %add3A_63 = arith.constant 0 : i32
      %add3A_64 = arith.addi %add3A_63, %mul3A_62 : i32
      %mul3A_65 = arith.constant 2 : i32
      %mul3A_66 = arith.muli %mul3A_65, %add3A_64 : i32
      %add3A_67 = arith.constant 1 : i32
      %add3A_68 = arith.addi %mul3A_66, %add3A_67 : i32
      %mul3A_69 = arith.constant 16 : i32
      %mul3A_70 = arith.muli %add3A_68, %mul3A_69 : i32
      %mul3A_71 = arith.constant 400 : i32
      %mul3A_72 = arith.muli %add3A_68, %mul3A_71 : i32
      %add3A_73 = arith.constant 0 : i32
      %add3A_74 = arith.addi %mul3A_72, %add3A_73 : i32
      %mul3A_75 = arith.constant 400 : i32
      %mul3A_76 = arith.muli %add3A_68, %mul3A_75 : i32
      %add3A_77 = arith.constant 128 : i32
      %add3A_78 = arith.addi %mul3A_76, %add3A_77 : i32
      %mul3A_79 = arith.constant 400 : i32
      %mul3A_80 = arith.muli %add3A_68, %mul3A_79 : i32
      %add3A_81 = arith.constant 256 : i32
      %add3A_82 = arith.addi %mul3A_80, %add3A_81 : i32
      %mul3A_83 = arith.constant 400 : i32
      %mul3A_84 = arith.muli %add3A_68, %mul3A_83 : i32
      %add3A_85 = arith.constant 384 : i32
      %add3A_86 = arith.addi %mul3A_84, %add3A_85 : i32
      %dma_start3A_87 = tpu.memref_slice %arg7[%mul3A_70] : memref<512xi32, #tpu.memory_space<vmem>> -> memref<16xi32, #tpu.memory_space<vmem>>
      %dma_start3A_88 = arith.constant 0 : i32
      %dma_start3A_89 = arith.constant 0 : i32
      %dma_start3A_90 = tpu.memref_slice %arg4[%dma_start3A_88, %dma_start3A_89] : memref<1000000x64xf32, #tpu.memory_space<hbm>> -> memref<1000000x64xf32, #tpu.memory_space<hbm>>
      tpu.enqueue_indirect_dma source(%dma_start3A_90 : memref<1000000x64xf32, #tpu.memory_space<hbm>>) target(%arg10 : memref<16x64xf32, #tpu.memory_space<vmem>>) offsets(%dma_start3A_87 : memref<16xi32, #tpu.memory_space<vmem>>) semaphore(%arg16 : memref<!tpu.dma_semaphore, #tpu.memory_space<semaphore_mem>>)
      %dma_start3A_91 = arith.constant 0 : i32
      %dma_start3A_92 = arith.constant 0 : i32
      %dma_start3A_93 = tpu.memref_slice %arg12[%dma_start3A_91, %dma_start3A_92] : memref<400x64xf32, #tpu.memory_space<vmem>> -> memref<128x64xf32, #tpu.memory_space<vmem>>
      %dma_start3A_94 = tpu.memref_slice %arg8[%add3A_74] : memref<12800xi32, #tpu.memory_space<vmem>> -> memref<128xi32, #tpu.memory_space<vmem>>
      %dma_start3A_95 = arith.constant 0 : i32
      %dma_start3A_96 = arith.constant 0 : i32
      %dma_start3A_97 = tpu.memref_slice %arg5[%dma_start3A_95, %dma_start3A_96] : memref<1000000x64xf32, #tpu.memory_space<hbm>> -> memref<1000000x64xf32, #tpu.memory_space<hbm>>
      tpu.enqueue_indirect_dma source(%dma_start3A_97 : memref<1000000x64xf32, #tpu.memory_space<hbm>>) target(%dma_start3A_93 : memref<128x64xf32, #tpu.memory_space<vmem>>) offsets(%dma_start3A_94 : memref<128xi32, #tpu.memory_space<vmem>>) semaphore(%arg16 : memref<!tpu.dma_semaphore, #tpu.memory_space<semaphore_mem>>)
      %dma_start3A_98 = arith.constant 128 : i32
      %dma_start3A_99 = arith.constant 0 : i32
      %dma_start3A_100 = tpu.memref_slice %arg12[%dma_start3A_98, %dma_start3A_99] : memref<400x64xf32, #tpu.memory_space<vmem>> -> memref<128x64xf32, #tpu.memory_space<vmem>>
      %dma_start3A_101 = tpu.memref_slice %arg8[%add3A_78] : memref<12800xi32, #tpu.memory_space<vmem>> -> memref<128xi32, #tpu.memory_space<vmem>>
      %dma_start3A_102 = arith.constant 0 : i32
      %dma_start3A_103 = arith.constant 0 : i32
      %dma_start3A_104 = tpu.memref_slice %arg5[%dma_start3A_102, %dma_start3A_103] : memref<1000000x64xf32, #tpu.memory_space<hbm>> -> memref<1000000x64xf32, #tpu.memory_space<hbm>>
      tpu.enqueue_indirect_dma source(%dma_start3A_104 : memref<1000000x64xf32, #tpu.memory_space<hbm>>) target(%dma_start3A_100 : memref<128x64xf32, #tpu.memory_space<vmem>>) offsets(%dma_start3A_101 : memref<128xi32, #tpu.memory_space<vmem>>) semaphore(%arg16 : memref<!tpu.dma_semaphore, #tpu.memory_space<semaphore_mem>>)
      %dma_start3A_105 = arith.constant 256 : i32
      %dma_start3A_106 = arith.constant 0 : i32
      %dma_start3A_107 = tpu.memref_slice %arg12[%dma_start3A_105, %dma_start3A_106] : memref<400x64xf32, #tpu.memory_space<vmem>> -> memref<128x64xf32, #tpu.memory_space<vmem>>
      %dma_start3A_108 = tpu.memref_slice %arg8[%add3A_82] : memref<12800xi32, #tpu.memory_space<vmem>> -> memref<128xi32, #tpu.memory_space<vmem>>
      %dma_start3A_109 = arith.constant 0 : i32
      %dma_start3A_110 = arith.constant 0 : i32
      %dma_start3A_111 = tpu.memref_slice %arg5[%dma_start3A_109, %dma_start3A_110] : memref<1000000x64xf32, #tpu.memory_space<hbm>> -> memref<1000000x64xf32, #tpu.memory_space<hbm>>
      tpu.enqueue_indirect_dma source(%dma_start3A_111 : memref<1000000x64xf32, #tpu.memory_space<hbm>>) target(%dma_start3A_107 : memref<128x64xf32, #tpu.memory_space<vmem>>) offsets(%dma_start3A_108 : memref<128xi32, #tpu.memory_space<vmem>>) semaphore(%arg16 : memref<!tpu.dma_semaphore, #tpu.memory_space<semaphore_mem>>)
      %dma_start3A_112 = arith.constant 384 : i32
      %dma_start3A_113 = arith.constant 0 : i32
      %dma_start3A_114 = tpu.memref_slice %arg12[%dma_start3A_112, %dma_start3A_113] : memref<400x64xf32, #tpu.memory_space<vmem>> -> memref<16x64xf32, #tpu.memory_space<vmem>>
      %dma_start3A_115 = tpu.memref_slice %arg8[%add3A_86] : memref<12800xi32, #tpu.memory_space<vmem>> -> memref<16xi32, #tpu.memory_space<vmem>>
      %dma_start3A_116 = arith.constant 0 : i32
      %dma_start3A_117 = arith.constant 0 : i32
      %dma_start3A_118 = tpu.memref_slice %arg5[%dma_start3A_116, %dma_start3A_117] : memref<1000000x64xf32, #tpu.memory_space<hbm>> -> memref<1000000x64xf32, #tpu.memory_space<hbm>>
      tpu.enqueue_indirect_dma source(%dma_start3A_118 : memref<1000000x64xf32, #tpu.memory_space<hbm>>) target(%dma_start3A_114 : memref<16x64xf32, #tpu.memory_space<vmem>>) offsets(%dma_start3A_115 : memref<16xi32, #tpu.memory_space<vmem>>) semaphore(%arg16 : memref<!tpu.dma_semaphore, #tpu.memory_space<semaphore_mem>>)
      %mul3A_119 = arith.constant 16 : i32
      %mul3A_120 = arith.muli %mul3A_66, %mul3A_119 : i32
      %mul3A_121 = arith.constant 400 : i32
      %mul3A_122 = arith.muli %mul3A_66, %mul3A_121 : i32
      %add3A_123 = arith.constant 0 : i32
      %add3A_124 = arith.addi %mul3A_122, %add3A_123 : i32
      %mul3A_125 = arith.constant 400 : i32
      %mul3A_126 = arith.muli %mul3A_66, %mul3A_125 : i32
      %add3A_127 = arith.constant 128 : i32
      %add3A_128 = arith.addi %mul3A_126, %add3A_127 : i32
      %mul3A_129 = arith.constant 400 : i32
      %mul3A_130 = arith.muli %mul3A_66, %mul3A_129 : i32
      %add3A_131 = arith.constant 256 : i32
      %add3A_132 = arith.addi %mul3A_130, %add3A_131 : i32
      %mul3A_133 = arith.constant 400 : i32
      %mul3A_134 = arith.muli %mul3A_66, %mul3A_133 : i32
      %add3A_135 = arith.constant 384 : i32
      %add3A_136 = arith.addi %mul3A_134, %add3A_135 : i32
      %dma_wait3A_137 = tpu.memref_slice %arg7[%mul3A_120] : memref<512xi32, #tpu.memory_space<vmem>> -> memref<16xi32, #tpu.memory_space<vmem>>
      %dma_wait3A_138 = arith.constant 0 : i32
      %dma_wait3A_139 = arith.constant 0 : i32
      %dma_wait3A_140 = tpu.memref_slice %arg4[%dma_wait3A_138, %dma_wait3A_139] : memref<1000000x64xf32, #tpu.memory_space<hbm>> -> memref<1000000x64xf32, #tpu.memory_space<hbm>>
      tpu.wait_indirect_dma semaphore(%arg15 : memref<!tpu.dma_semaphore, #tpu.memory_space<semaphore_mem>>) src(%dma_wait3A_140 : memref<1000000x64xf32, #tpu.memory_space<hbm>>) dst(%arg9 : memref<16x64xf32, #tpu.memory_space<vmem>>)
      %dma_wait3A_141 = arith.constant 0 : i32
      %dma_wait3A_142 = arith.constant 0 : i32
      %dma_wait3A_143 = tpu.memref_slice %arg11[%dma_wait3A_141, %dma_wait3A_142] : memref<400x64xf32, #tpu.memory_space<vmem>> -> memref<128x64xf32, #tpu.memory_space<vmem>>
      %dma_wait3A_144 = tpu.memref_slice %arg8[%add3A_124] : memref<12800xi32, #tpu.memory_space<vmem>> -> memref<128xi32, #tpu.memory_space<vmem>>
      %dma_wait3A_145 = arith.constant 0 : i32
      %dma_wait3A_146 = arith.constant 0 : i32
      %dma_wait3A_147 = tpu.memref_slice %arg5[%dma_wait3A_145, %dma_wait3A_146] : memref<1000000x64xf32, #tpu.memory_space<hbm>> -> memref<1000000x64xf32, #tpu.memory_space<hbm>>
      tpu.wait_indirect_dma semaphore(%arg15 : memref<!tpu.dma_semaphore, #tpu.memory_space<semaphore_mem>>) src(%dma_wait3A_147 : memref<1000000x64xf32, #tpu.memory_space<hbm>>) dst(%dma_wait3A_143 : memref<128x64xf32, #tpu.memory_space<vmem>>)
      %dma_wait3A_148 = arith.constant 128 : i32
      %dma_wait3A_149 = arith.constant 0 : i32
      %dma_wait3A_150 = tpu.memref_slice %arg11[%dma_wait3A_148, %dma_wait3A_149] : memref<400x64xf32, #tpu.memory_space<vmem>> -> memref<128x64xf32, #tpu.memory_space<vmem>>
      %dma_wait3A_151 = tpu.memref_slice %arg8[%add3A_128] : memref<12800xi32, #tpu.memory_space<vmem>> -> memref<128xi32, #tpu.memory_space<vmem>>
      %dma_wait3A_152 = arith.constant 0 : i32
      %dma_wait3A_153 = arith.constant 0 : i32
      %dma_wait3A_154 = tpu.memref_slice %arg5[%dma_wait3A_152, %dma_wait3A_153] : memref<1000000x64xf32, #tpu.memory_space<hbm>> -> memref<1000000x64xf32, #tpu.memory_space<hbm>>
      tpu.wait_indirect_dma semaphore(%arg15 : memref<!tpu.dma_semaphore, #tpu.memory_space<semaphore_mem>>) src(%dma_wait3A_154 : memref<1000000x64xf32, #tpu.memory_space<hbm>>) dst(%dma_wait3A_150 : memref<128x64xf32, #tpu.memory_space<vmem>>)
      %dma_wait3A_155 = arith.constant 256 : i32
      %dma_wait3A_156 = arith.constant 0 : i32
      %dma_wait3A_157 = tpu.memref_slice %arg11[%dma_wait3A_155, %dma_wait3A_156] : memref<400x64xf32, #tpu.memory_space<vmem>> -> memref<128x64xf32, #tpu.memory_space<vmem>>
      %dma_wait3A_158 = tpu.memref_slice %arg8[%add3A_132] : memref<12800xi32, #tpu.memory_space<vmem>> -> memref<128xi32, #tpu.memory_space<vmem>>
      %dma_wait3A_159 = arith.constant 0 : i32
      %dma_wait3A_160 = arith.constant 0 : i32
      %dma_wait3A_161 = tpu.memref_slice %arg5[%dma_wait3A_159, %dma_wait3A_160] : memref<1000000x64xf32, #tpu.memory_space<hbm>> -> memref<1000000x64xf32, #tpu.memory_space<hbm>>
      tpu.wait_indirect_dma semaphore(%arg15 : memref<!tpu.dma_semaphore, #tpu.memory_space<semaphore_mem>>) src(%dma_wait3A_161 : memref<1000000x64xf32, #tpu.memory_space<hbm>>) dst(%dma_wait3A_157 : memref<128x64xf32, #tpu.memory_space<vmem>>)
      %dma_wait3A_162 = arith.constant 384 : i32
      %dma_wait3A_163 = arith.constant 0 : i32
      %dma_wait3A_164 = tpu.memref_slice %arg11[%dma_wait3A_162, %dma_wait3A_163] : memref<400x64xf32, #tpu.memory_space<vmem>> -> memref<16x64xf32, #tpu.memory_space<vmem>>
      %dma_wait3A_165 = tpu.memref_slice %arg8[%add3A_136] : memref<12800xi32, #tpu.memory_space<vmem>> -> memref<16xi32, #tpu.memory_space<vmem>>
      %dma_wait3A_166 = arith.constant 0 : i32
      %dma_wait3A_167 = arith.constant 0 : i32
      %dma_wait3A_168 = tpu.memref_slice %arg5[%dma_wait3A_166, %dma_wait3A_167] : memref<1000000x64xf32, #tpu.memory_space<hbm>> -> memref<1000000x64xf32, #tpu.memory_space<hbm>>
      tpu.wait_indirect_dma semaphore(%arg15 : memref<!tpu.dma_semaphore, #tpu.memory_space<semaphore_mem>>) src(%dma_wait3A_168 : memref<1000000x64xf32, #tpu.memory_space<hbm>>) dst(%dma_wait3A_164 : memref<16x64xf32, #tpu.memory_space<vmem>>)
      %gt3A = arith.constant 0 : i32
      %gt3A_169 = arith.cmpi sgt, %add3A_64, %gt3A : i32
      %convert_element_type3A = arith.extui %gt3A_169 : i1 to i32
      %cond3A = arith.constant 0 : i32
      %cond3A_170 = arith.cmpi ne, %convert_element_type3A, %cond3A : i32
      scf.if %cond3A_170 {
        %sub3A = arith.constant 2 : i32
        %sub3A_253 = arith.subi %mul3A_66, %sub3A : i32
        %mul3A_254 = arith.constant 16 : i32
        %mul3A_255 = arith.muli %sub3A_253, %mul3A_254 : i32
        %add3A_256 = arith.addi %mul3A_2, %mul3A_255 : i32
        %mul3A_257 = arith.constant 25 : i32
        %mul3A_258 = arith.muli %add3A_256, %mul3A_257 : i32
        %dma_wait3A_259 = arith.constant 0 : i32
        %dma_wait3A_260 = tpu.memref_slice %arg6[%mul3A_258, %dma_wait3A_259] : memref<409600x16xf32, #tpu.memory_space<hbm>> -> memref<400x16xf32, #tpu.memory_space<hbm>>
        %dma_wait3A_261 = arith.constant 0 : i32
        %dma_wait3A_262 = tpu.memref_slice %arg6[%mul3A_258, %dma_wait3A_261] : memref<409600x16xf32, #tpu.memory_space<hbm>> -> memref<400x16xf32, #tpu.memory_space<hbm>>
        tpu.wait_dma2 semaphore(%arg17 : memref<!tpu.dma_semaphore, #tpu.memory_space<semaphore_mem>>) src(%arg13 : memref<400x16xf32, #tpu.memory_space<vmem>>) dst(%dma_wait3A_262 : memref<400x16xf32, #tpu.memory_space<hbm>>)
      } else {
      }
      %parallel_loop3A = arith.constant 0 : i32
      %parallel_loop3A_171 = arith.constant 16 : i32
      %parallel_loop3A_172 = arith.constant 1 : i32
      scf.for %parallel_loop3A_253 = %parallel_loop3A to %parallel_loop3A_171 step %parallel_loop3A_172  : i32 {
        %parallel_loop3A_254 = arith.index_cast %parallel_loop3A_253 : i32 to index
        %parallel_loop3A_255 = arith.constant 0 : index
        %parallel_loop3A_256 = tpu.vector_load %arg9[%parallel_loop3A_254, %parallel_loop3A_255] {strides = array<i32>} : memref<16x64xf32, #tpu.memory_space<vmem>>, vector<1x16xf32>,
        %parallel_loop3A_257 = vector.shape_cast %parallel_loop3A_256 : vector<1x16xf32> to vector<16xf32>
        %parallel_loop3A_258 = arith.index_cast %parallel_loop3A_253 : i32 to index
        %parallel_loop3A_259 = arith.constant 16 : index
        %parallel_loop3A_260 = tpu.vector_load %arg9[%parallel_loop3A_258, %parallel_loop3A_259] {strides = array<i32>} : memref<16x64xf32, #tpu.memory_space<vmem>>, vector<1x16xf32>,
        %parallel_loop3A_261 = vector.shape_cast %parallel_loop3A_260 : vector<1x16xf32> to vector<16xf32>
        %parallel_loop3A_262 = arith.index_cast %parallel_loop3A_253 : i32 to index
        %parallel_loop3A_263 = arith.constant 32 : index
        %parallel_loop3A_264 = tpu.vector_load %arg9[%parallel_loop3A_262, %parallel_loop3A_263] {strides = array<i32>} : memref<16x64xf32, #tpu.memory_space<vmem>>, vector<1x16xf32>,
        %parallel_loop3A_265 = vector.shape_cast %parallel_loop3A_264 : vector<1x16xf32> to vector<16xf32>
        %parallel_loop3A_266 = arith.index_cast %parallel_loop3A_253 : i32 to index
        %parallel_loop3A_267 = arith.constant 48 : index
        %parallel_loop3A_268 = tpu.vector_load %arg9[%parallel_loop3A_266, %parallel_loop3A_267] {strides = array<i32>} : memref<16x64xf32, #tpu.memory_space<vmem>>, vector<1x16xf32>,
        %parallel_loop3A_269 = vector.shape_cast %parallel_loop3A_268 : vector<1x16xf32> to vector<16xf32>
        %parallel_loop3A_270 = arith.constant 25 : i32
        %parallel_loop3A_271 = arith.muli %parallel_loop3A_253, %parallel_loop3A_270 : i32
        %parallel_loop3A_272 = arith.constant 0 : i32
        %parallel_loop3A_273 = arith.addi %parallel_loop3A_271, %parallel_loop3A_272 : i32
        %parallel_loop3A_274 = arith.index_cast %parallel_loop3A_273 : i32 to index
        %parallel_loop3A_275 = arith.constant 0 : index
        %parallel_loop3A_276 = tpu.vector_load %arg11[%parallel_loop3A_274, %parallel_loop3A_275] {strides = array<i32>} : memref<400x64xf32, #tpu.memory_space<vmem>>, vector<1x16xf32>,
        %parallel_loop3A_277 = vector.shape_cast %parallel_loop3A_276 : vector<1x16xf32> to vector<16xf32>
        %parallel_loop3A_278 = arith.constant 0 : i32
        %parallel_loop3A_279 = arith.addi %parallel_loop3A_271, %parallel_loop3A_278 : i32
        %parallel_loop3A_280 = arith.index_cast %parallel_loop3A_279 : i32 to index
        %parallel_loop3A_281 = arith.constant 16 : index
        %parallel_loop3A_282 = tpu.vector_load %arg11[%parallel_loop3A_280, %parallel_loop3A_281] {strides = array<i32>} : memref<400x64xf32, #tpu.memory_space<vmem>>, vector<1x16xf32>,
        %parallel_loop3A_283 = vector.shape_cast %parallel_loop3A_282 : vector<1x16xf32> to vector<16xf32>
        %parallel_loop3A_284 = arith.constant 0 : i32
        %parallel_loop3A_285 = arith.addi %parallel_loop3A_271, %parallel_loop3A_284 : i32
        %parallel_loop3A_286 = arith.index_cast %parallel_loop3A_285 : i32 to index
        %parallel_loop3A_287 = arith.constant 32 : index
        %parallel_loop3A_288 = tpu.vector_load %arg11[%parallel_loop3A_286, %parallel_loop3A_287] {strides = array<i32>} : memref<400x64xf32, #tpu.memory_space<vmem>>, vector<1x16xf32>,
        %parallel_loop3A_289 = vector.shape_cast %parallel_loop3A_288 : vector<1x16xf32> to vector<16xf32>
        %parallel_loop3A_290 = arith.constant 0 : i32
        %parallel_loop3A_291 = arith.addi %parallel_loop3A_271, %parallel_loop3A_290 : i32
        %parallel_loop3A_292 = arith.index_cast %parallel_loop3A_291 : i32 to index
        %parallel_loop3A_293 = arith.constant 48 : index
        %parallel_loop3A_294 = tpu.vector_load %arg11[%parallel_loop3A_292, %parallel_loop3A_293] {strides = array<i32>} : memref<400x64xf32, #tpu.memory_space<vmem>>, vector<1x16xf32>,
        %parallel_loop3A_295 = vector.shape_cast %parallel_loop3A_294 : vector<1x16xf32> to vector<16xf32>
        %parallel_loop3A_296 = arith.mulf %parallel_loop3A_257, %parallel_loop3A_277 : vector<16xf32>
        %parallel_loop3A_297 = arith.mulf %parallel_loop3A_261, %parallel_loop3A_283 : vector<16xf32>
        %parallel_loop3A_298 = arith.addf %parallel_loop3A_296, %parallel_loop3A_297 : vector<16xf32>
        %parallel_loop3A_299 = arith.mulf %parallel_loop3A_265, %parallel_loop3A_289 : vector<16xf32>
        %parallel_loop3A_300 = arith.mulf %parallel_loop3A_269, %parallel_loop3A_295 : vector<16xf32>
        %parallel_loop3A_301 = arith.addf %parallel_loop3A_299, %parallel_loop3A_300 : vector<16xf32>
        %parallel_loop3A_302 = arith.addf %parallel_loop3A_298, %parallel_loop3A_301 : vector<16xf32>
        %parallel_loop3A_303 = arith.constant 0 : i32
        %parallel_loop3A_304 = arith.addi %parallel_loop3A_271, %parallel_loop3A_303 : i32
        %parallel_loop3A_305 = arith.index_cast %parallel_loop3A_304 : i32 to index
        %parallel_loop3A_306 = arith.constant 0 : index
        %parallel_loop3A_307 = tpu.vector_load %arg13[%parallel_loop3A_305, %parallel_loop3A_306] {strides = array<i32>} : memref<400x16xf32, #tpu.memory_space<vmem>>, vector<1x16xf32>,
        %parallel_loop3A_308 = vector.shape_cast %parallel_loop3A_307 : vector<1x16xf32> to vector<16xf32>
        %parallel_loop3A_309 = vector.shape_cast %parallel_loop3A_302 : vector<16xf32> to vector<1x16xf32>
        tpu.vector_store %arg13[%parallel_loop3A_305, %parallel_loop3A_306], %parallel_loop3A_309 {strides = array<i32>} : memref<400x16xf32, #tpu.memory_space<vmem>>, vector<1x16xf32>,
        %parallel_loop3A_310 = arith.constant 1 : i32
        %parallel_loop3A_311 = arith.addi %parallel_loop3A_271, %parallel_loop3A_310 : i32
        %parallel_loop3A_312 = arith.index_cast %parallel_loop3A_311 : i32 to index
        %parallel_loop3A_313 = arith.constant 0 : index
        %parallel_loop3A_314 = tpu.vector_load %arg11[%parallel_loop3A_312, %parallel_loop3A_313] {strides = array<i32>} : memref<400x64xf32, #tpu.memory_space<vmem>>, vector<1x16xf32>,
        %parallel_loop3A_315 = vector.shape_cast %parallel_loop3A_314 : vector<1x16xf32> to vector<16xf32>
        %parallel_loop3A_316 = arith.constant 1 : i32
        %parallel_loop3A_317 = arith.addi %parallel_loop3A_271, %parallel_loop3A_316 : i32
        %parallel_loop3A_318 = arith.index_cast %parallel_loop3A_317 : i32 to index
        %parallel_loop3A_319 = arith.constant 16 : index
        %parallel_loop3A_320 = tpu.vector_load %arg11[%parallel_loop3A_318, %parallel_loop3A_319] {strides = array<i32>} : memref<400x64xf32, #tpu.memory_space<vmem>>, vector<1x16xf32>,
        %parallel_loop3A_321 = vector.shape_cast %parallel_loop3A_320 : vector<1x16xf32> to vector<16xf32>
        %parallel_loop3A_322 = arith.constant 1 : i32
        %parallel_loop3A_323 = arith.addi %parallel_loop3A_271, %parallel_loop3A_322 : i32
        %parallel_loop3A_324 = arith.index_cast %parallel_loop3A_323 : i32 to index
        %parallel_loop3A_325 = arith.constant 32 : index
        %parallel_loop3A_326 = tpu.vector_load %arg11[%parallel_loop3A_324, %parallel_loop3A_325] {strides = array<i32>} : memref<400x64xf32, #tpu.memory_space<vmem>>, vector<1x16xf32>,
        %parallel_loop3A_327 = vector.shape_cast %parallel_loop3A_326 : vector<1x16xf32> to vector<16xf32>
        %parallel_loop3A_328 = arith.constant 1 : i32
        %parallel_loop3A_329 = arith.addi %parallel_loop3A_271, %parallel_loop3A_328 : i32
        %parallel_loop3A_330 = arith.index_cast %parallel_loop3A_329 : i32 to index
        %parallel_loop3A_331 = arith.constant 48 : index
        %parallel_loop3A_332 = tpu.vector_load %arg11[%parallel_loop3A_330, %parallel_loop3A_331] {strides = array<i32>} : memref<400x64xf32, #tpu.memory_space<vmem>>, vector<1x16xf32>,
        %parallel_loop3A_333 = vector.shape_cast %parallel_loop3A_332 : vector<1x16xf32> to vector<16xf32>
        %parallel_loop3A_334 = arith.mulf %parallel_loop3A_257, %parallel_loop3A_315 : vector<16xf32>
        %parallel_loop3A_335 = arith.mulf %parallel_loop3A_261, %parallel_loop3A_321 : vector<16xf32>
        %parallel_loop3A_336 = arith.addf %parallel_loop3A_334, %parallel_loop3A_335 : vector<16xf32>
        %parallel_loop3A_337 = arith.mulf %parallel_loop3A_265, %parallel_loop3A_327 : vector<16xf32>
        %parallel_loop3A_338 = arith.mulf %parallel_loop3A_269, %parallel_loop3A_333 : vector<16xf32>
        %parallel_loop3A_339 = arith.addf %parallel_loop3A_337, %parallel_loop3A_338 : vector<16xf32>
        %parallel_loop3A_340 = arith.addf %parallel_loop3A_336, %parallel_loop3A_339 : vector<16xf32>
        %parallel_loop3A_341 = arith.constant 1 : i32
        %parallel_loop3A_342 = arith.addi %parallel_loop3A_271, %parallel_loop3A_341 : i32
        %parallel_loop3A_343 = arith.index_cast %parallel_loop3A_342 : i32 to index
        %parallel_loop3A_344 = arith.constant 0 : index
        %parallel_loop3A_345 = tpu.vector_load %arg13[%parallel_loop3A_343, %parallel_loop3A_344] {strides = array<i32>} : memref<400x16xf32, #tpu.memory_space<vmem>>, vector<1x16xf32>,
        %parallel_loop3A_346 = vector.shape_cast %parallel_loop3A_345 : vector<1x16xf32> to vector<16xf32>
        %parallel_loop3A_347 = vector.shape_cast %parallel_loop3A_340 : vector<16xf32> to vector<1x16xf32>
        tpu.vector_store %arg13[%parallel_loop3A_343, %parallel_loop3A_344], %parallel_loop3A_347 {strides = array<i32>} : memref<400x16xf32, #tpu.memory_space<vmem>>, vector<1x16xf32>,
        %parallel_loop3A_348 = arith.constant 2 : i32
        %parallel_loop3A_349 = arith.addi %parallel_loop3A_271, %parallel_loop3A_348 : i32
        %parallel_loop3A_350 = arith.index_cast %parallel_loop3A_349 : i32 to index
        %parallel_loop3A_351 = arith.constant 0 : index
        %parallel_loop3A_352 = tpu.vector_load %arg11[%parallel_loop3A_350, %parallel_loop3A_351] {strides = array<i32>} : memref<400x64xf32, #tpu.memory_space<vmem>>, vector<1x16xf32>,
        %parallel_loop3A_353 = vector.shape_cast %parallel_loop3A_352 : vector<1x16xf32> to vector<16xf32>
        %parallel_loop3A_354 = arith.constant 2 : i32
        %parallel_loop3A_355 = arith.addi %parallel_loop3A_271, %parallel_loop3A_354 : i32
        %parallel_loop3A_356 = arith.index_cast %parallel_loop3A_355 : i32 to index
        %parallel_loop3A_357 = arith.constant 16 : index
        %parallel_loop3A_358 = tpu.vector_load %arg11[%parallel_loop3A_356, %parallel_loop3A_357] {strides = array<i32>} : memref<400x64xf32, #tpu.memory_space<vmem>>, vector<1x16xf32>,
        %parallel_loop3A_359 = vector.shape_cast %parallel_loop3A_358 : vector<1x16xf32> to vector<16xf32>
        %parallel_loop3A_360 = arith.constant 2 : i32
        %parallel_loop3A_361 = arith.addi %parallel_loop3A_271, %parallel_loop3A_360 : i32
        %parallel_loop3A_362 = arith.index_cast %parallel_loop3A_361 : i32 to index
        %parallel_loop3A_363 = arith.constant 32 : index
        %parallel_loop3A_364 = tpu.vector_load %arg11[%parallel_loop3A_362, %parallel_loop3A_363] {strides = array<i32>} : memref<400x64xf32, #tpu.memory_space<vmem>>, vector<1x16xf32>,
        %parallel_loop3A_365 = vector.shape_cast %parallel_loop3A_364 : vector<1x16xf32> to vector<16xf32>
        %parallel_loop3A_366 = arith.constant 2 : i32
        %parallel_loop3A_367 = arith.addi %parallel_loop3A_271, %parallel_loop3A_366 : i32
        %parallel_loop3A_368 = arith.index_cast %parallel_loop3A_367 : i32 to index
        %parallel_loop3A_369 = arith.constant 48 : index
        %parallel_loop3A_370 = tpu.vector_load %arg11[%parallel_loop3A_368, %parallel_loop3A_369] {strides = array<i32>} : memref<400x64xf32, #tpu.memory_space<vmem>>, vector<1x16xf32>,
        %parallel_loop3A_371 = vector.shape_cast %parallel_loop3A_370 : vector<1x16xf32> to vector<16xf32>
        %parallel_loop3A_372 = arith.mulf %parallel_loop3A_257, %parallel_loop3A_353 : vector<16xf32>
        %parallel_loop3A_373 = arith.mulf %parallel_loop3A_261, %parallel_loop3A_359 : vector<16xf32>
        %parallel_loop3A_374 = arith.addf %parallel_loop3A_372, %parallel_loop3A_373 : vector<16xf32>
        %parallel_loop3A_375 = arith.mulf %parallel_loop3A_265, %parallel_loop3A_365 : vector<16xf32>
        %parallel_loop3A_376 = arith.mulf %parallel_loop3A_269, %parallel_loop3A_371 : vector<16xf32>
        %parallel_loop3A_377 = arith.addf %parallel_loop3A_375, %parallel_loop3A_376 : vector<16xf32>
        %parallel_loop3A_378 = arith.addf %parallel_loop3A_374, %parallel_loop3A_377 : vector<16xf32>
        %parallel_loop3A_379 = arith.constant 2 : i32
        %parallel_loop3A_380 = arith.addi %parallel_loop3A_271, %parallel_loop3A_379 : i32
        %parallel_loop3A_381 = arith.index_cast %parallel_loop3A_380 : i32 to index
        %parallel_loop3A_382 = arith.constant 0 : index
        %parallel_loop3A_383 = tpu.vector_load %arg13[%parallel_loop3A_381, %parallel_loop3A_382] {strides = array<i32>} : memref<400x16xf32, #tpu.memory_space<vmem>>, vector<1x16xf32>,
        %parallel_loop3A_384 = vector.shape_cast %parallel_loop3A_383 : vector<1x16xf32> to vector<16xf32>
        %parallel_loop3A_385 = vector.shape_cast %parallel_loop3A_378 : vector<16xf32> to vector<1x16xf32>
        tpu.vector_store %arg13[%parallel_loop3A_381, %parallel_loop3A_382], %parallel_loop3A_385 {strides = array<i32>} : memref<400x16xf32, #tpu.memory_space<vmem>>, vector<1x16xf32>,
        %parallel_loop3A_386 = arith.constant 3 : i32
        %parallel_loop3A_387 = arith.addi %parallel_loop3A_271, %parallel_loop3A_386 : i32
        %parallel_loop3A_388 = arith.index_cast %parallel_loop3A_387 : i32 to index
        %parallel_loop3A_389 = arith.constant 0 : index
        %parallel_loop3A_390 = tpu.vector_load %arg11[%parallel_loop3A_388, %parallel_loop3A_389] {strides = array<i32>} : memref<400x64xf32, #tpu.memory_space<vmem>>, vector<1x16xf32>,
        %parallel_loop3A_391 = vector.shape_cast %parallel_loop3A_390 : vector<1x16xf32> to vector<16xf32>
        %parallel_loop3A_392 = arith.constant 3 : i32
        %parallel_loop3A_393 = arith.addi %parallel_loop3A_271, %parallel_loop3A_392 : i32
        %parallel_loop3A_394 = arith.index_cast %parallel_loop3A_393 : i32 to index
        %parallel_loop3A_395 = arith.constant 16 : index
        %parallel_loop3A_396 = tpu.vector_load %arg11[%parallel_loop3A_394, %parallel_loop3A_395] {strides = array<i32>} : memref<400x64xf32, #tpu.memory_space<vmem>>, vector<1x16xf32>,
        %parallel_loop3A_397 = vector.shape_cast %parallel_loop3A_396 : vector<1x16xf32> to vector<16xf32>
        %parallel_loop3A_398 = arith.constant 3 : i32
        %parallel_loop3A_399 = arith.addi %parallel_loop3A_271, %parallel_loop3A_398 : i32
        %parallel_loop3A_400 = arith.index_cast %parallel_loop3A_399 : i32 to index
        %parallel_loop3A_401 = arith.constant 32 : index
        %parallel_loop3A_402 = tpu.vector_load %arg11[%parallel_loop3A_400, %parallel_loop3A_401] {strides = array<i32>} : memref<400x64xf32, #tpu.memory_space<vmem>>, vector<1x16xf32>,
        %parallel_loop3A_403 = vector.shape_cast %parallel_loop3A_402 : vector<1x16xf32> to vector<16xf32>
        %parallel_loop3A_404 = arith.constant 3 : i32
        %parallel_loop3A_405 = arith.addi %parallel_loop3A_271, %parallel_loop3A_404 : i32
        %parallel_loop3A_406 = arith.index_cast %parallel_loop3A_405 : i32 to index
        %parallel_loop3A_407 = arith.constant 48 : index
        %parallel_loop3A_408 = tpu.vector_load %arg11[%parallel_loop3A_406, %parallel_loop3A_407] {strides = array<i32>} : memref<400x64xf32, #tpu.memory_space<vmem>>, vector<1x16xf32>,
        %parallel_loop3A_409 = vector.shape_cast %parallel_loop3A_408 : vector<1x16xf32> to vector<16xf32>
        %parallel_loop3A_410 = arith.mulf %parallel_loop3A_257, %parallel_loop3A_391 : vector<16xf32>
        %parallel_loop3A_411 = arith.mulf %parallel_loop3A_261, %parallel_loop3A_397 : vector<16xf32>
        %parallel_loop3A_412 = arith.addf %parallel_loop3A_410, %parallel_loop3A_411 : vector<16xf32>
        %parallel_loop3A_413 = arith.mulf %parallel_loop3A_265, %parallel_loop3A_403 : vector<16xf32>
        %parallel_loop3A_414 = arith.mulf %parallel_loop3A_269, %parallel_loop3A_409 : vector<16xf32>
        %parallel_loop3A_415 = arith.addf %parallel_loop3A_413, %parallel_loop3A_414 : vector<16xf32>
        %parallel_loop3A_416 = arith.addf %parallel_loop3A_412, %parallel_loop3A_415 : vector<16xf32>
        %parallel_loop3A_417 = arith.constant 3 : i32
        %parallel_loop3A_418 = arith.addi %parallel_loop3A_271, %parallel_loop3A_417 : i32
        %parallel_loop3A_419 = arith.index_cast %parallel_loop3A_418 : i32 to index
        %parallel_loop3A_420 = arith.constant 0 : index
        %parallel_loop3A_421 = tpu.vector_load %arg13[%parallel_loop3A_419, %parallel_loop3A_420] {strides = array<i32>} : memref<400x16xf32, #tpu.memory_space<vmem>>, vector<1x16xf32>,
        %parallel_loop3A_422 = vector.shape_cast %parallel_loop3A_421 : vector<1x16xf32> to vector<16xf32>
        %parallel_loop3A_423 = vector.shape_cast %parallel_loop3A_416 : vector<16xf32> to vector<1x16xf32>
        tpu.vector_store %arg13[%parallel_loop3A_419, %parallel_loop3A_420], %parallel_loop3A_423 {strides = array<i32>} : memref<400x16xf32, #tpu.memory_space<vmem>>, vector<1x16xf32>,
        %parallel_loop3A_424 = arith.constant 4 : i32
        %parallel_loop3A_425 = arith.addi %parallel_loop3A_271, %parallel_loop3A_424 : i32
        %parallel_loop3A_426 = arith.index_cast %parallel_loop3A_425 : i32 to index
        %parallel_loop3A_427 = arith.constant 0 : index
        %parallel_loop3A_428 = tpu.vector_load %arg11[%parallel_loop3A_426, %parallel_loop3A_427] {strides = array<i32>} : memref<400x64xf32, #tpu.memory_space<vmem>>, vector<1x16xf32>,
        %parallel_loop3A_429 = vector.shape_cast %parallel_loop3A_428 : vector<1x16xf32> to vector<16xf32>
        %parallel_loop3A_430 = arith.constant 4 : i32
        %parallel_loop3A_431 = arith.addi %parallel_loop3A_271, %parallel_loop3A_430 : i32
        %parallel_loop3A_432 = arith.index_cast %parallel_loop3A_431 : i32 to index
        %parallel_loop3A_433 = arith.constant 16 : index
        %parallel_loop3A_434 = tpu.vector_load %arg11[%parallel_loop3A_432, %parallel_loop3A_433] {strides = array<i32>} : memref<400x64xf32, #tpu.memory_space<vmem>>, vector<1x16xf32>,
        %parallel_loop3A_435 = vector.shape_cast %parallel_loop3A_434 : vector<1x16xf32> to vector<16xf32>
        %parallel_loop3A_436 = arith.constant 4 : i32
        %parallel_loop3A_437 = arith.addi %parallel_loop3A_271, %parallel_loop3A_436 : i32
        %parallel_loop3A_438 = arith.index_cast %parallel_loop3A_437 : i32 to index
        %parallel_loop3A_439 = arith.constant 32 : index
        %parallel_loop3A_440 = tpu.vector_load %arg11[%parallel_loop3A_438, %parallel_loop3A_439] {strides = array<i32>} : memref<400x64xf32, #tpu.memory_space<vmem>>, vector<1x16xf32>,
        %parallel_loop3A_441 = vector.shape_cast %parallel_loop3A_440 : vector<1x16xf32> to vector<16xf32>
        %parallel_loop3A_442 = arith.constant 4 : i32
        %parallel_loop3A_443 = arith.addi %parallel_loop3A_271, %parallel_loop3A_442 : i32
        %parallel_loop3A_444 = arith.index_cast %parallel_loop3A_443 : i32 to index
        %parallel_loop3A_445 = arith.constant 48 : index
        %parallel_loop3A_446 = tpu.vector_load %arg11[%parallel_loop3A_444, %parallel_loop3A_445] {strides = array<i32>} : memref<400x64xf32, #tpu.memory_space<vmem>>, vector<1x16xf32>,
        %parallel_loop3A_447 = vector.shape_cast %parallel_loop3A_446 : vector<1x16xf32> to vector<16xf32>
        %parallel_loop3A_448 = arith.mulf %parallel_loop3A_257, %parallel_loop3A_429 : vector<16xf32>
        %parallel_loop3A_449 = arith.mulf %parallel_loop3A_261, %parallel_loop3A_435 : vector<16xf32>
        %parallel_loop3A_450 = arith.addf %parallel_loop3A_448, %parallel_loop3A_449 : vector<16xf32>
        %parallel_loop3A_451 = arith.mulf %parallel_loop3A_265, %parallel_loop3A_441 : vector<16xf32>
        %parallel_loop3A_452 = arith.mulf %parallel_loop3A_269, %parallel_loop3A_447 : vector<16xf32>
        %parallel_loop3A_453 = arith.addf %parallel_loop3A_451, %parallel_loop3A_452 : vector<16xf32>
        %parallel_loop3A_454 = arith.addf %parallel_loop3A_450, %parallel_loop3A_453 : vector<16xf32>
        %parallel_loop3A_455 = arith.constant 4 : i32
        %parallel_loop3A_456 = arith.addi %parallel_loop3A_271, %parallel_loop3A_455 : i32
        %parallel_loop3A_457 = arith.index_cast %parallel_loop3A_456 : i32 to index
        %parallel_loop3A_458 = arith.constant 0 : index
        %parallel_loop3A_459 = tpu.vector_load %arg13[%parallel_loop3A_457, %parallel_loop3A_458] {strides = array<i32>} : memref<400x16xf32, #tpu.memory_space<vmem>>, vector<1x16xf32>,
        %parallel_loop3A_460 = vector.shape_cast %parallel_loop3A_459 : vector<1x16xf32> to vector<16xf32>
        %parallel_loop3A_461 = vector.shape_cast %parallel_loop3A_454 : vector<16xf32> to vector<1x16xf32>
        tpu.vector_store %arg13[%parallel_loop3A_457, %parallel_loop3A_458], %parallel_loop3A_461 {strides = array<i32>} : memref<400x16xf32, #tpu.memory_space<vmem>>, vector<1x16xf32>,
        %parallel_loop3A_462 = arith.constant 5 : i32
        %parallel_loop3A_463 = arith.addi %parallel_loop3A_271, %parallel_loop3A_462 : i32
        %parallel_loop3A_464 = arith.index_cast %parallel_loop3A_463 : i32 to index
        %parallel_loop3A_465 = arith.constant 0 : index
        %parallel_loop3A_466 = tpu.vector_load %arg11[%parallel_loop3A_464, %parallel_loop3A_465] {strides = array<i32>} : memref<400x64xf32, #tpu.memory_space<vmem>>, vector<1x16xf32>,
        %parallel_loop3A_467 = vector.shape_cast %parallel_loop3A_466 : vector<1x16xf32> to vector<16xf32>
        %parallel_loop3A_468 = arith.constant 5 : i32
        %parallel_loop3A_469 = arith.addi %parallel_loop3A_271, %parallel_loop3A_468 : i32
        %parallel_loop3A_470 = arith.index_cast %parallel_loop3A_469 : i32 to index
        %parallel_loop3A_471 = arith.constant 16 : index
        %parallel_loop3A_472 = tpu.vector_load %arg11[%parallel_loop3A_470, %parallel_loop3A_471] {strides = array<i32>} : memref<400x64xf32, #tpu.memory_space<vmem>>, vector<1x16xf32>,
        %parallel_loop3A_473 = vector.shape_cast %parallel_loop3A_472 : vector<1x16xf32> to vector<16xf32>
        %parallel_loop3A_474 = arith.constant 5 : i32
        %parallel_loop3A_475 = arith.addi %parallel_loop3A_271, %parallel_loop3A_474 : i32
        %parallel_loop3A_476 = arith.index_cast %parallel_loop3A_475 : i32 to index
        %parallel_loop3A_477 = arith.constant 32 : index
        %parallel_loop3A_478 = tpu.vector_load %arg11[%parallel_loop3A_476, %parallel_loop3A_477] {strides = array<i32>} : memref<400x64xf32, #tpu.memory_space<vmem>>, vector<1x16xf32>,
        %parallel_loop3A_479 = vector.shape_cast %parallel_loop3A_478 : vector<1x16xf32> to vector<16xf32>
        %parallel_loop3A_480 = arith.constant 5 : i32
        %parallel_loop3A_481 = arith.addi %parallel_loop3A_271, %parallel_loop3A_480 : i32
        %parallel_loop3A_482 = arith.index_cast %parallel_loop3A_481 : i32 to index
        %parallel_loop3A_483 = arith.constant 48 : index
        %parallel_loop3A_484 = tpu.vector_load %arg11[%parallel_loop3A_482, %parallel_loop3A_483] {strides = array<i32>} : memref<400x64xf32, #tpu.memory_space<vmem>>, vector<1x16xf32>,
        %parallel_loop3A_485 = vector.shape_cast %parallel_loop3A_484 : vector<1x16xf32> to vector<16xf32>
        %parallel_loop3A_486 = arith.mulf %parallel_loop3A_257, %parallel_loop3A_467 : vector<16xf32>
        %parallel_loop3A_487 = arith.mulf %parallel_loop3A_261, %parallel_loop3A_473 : vector<16xf32>
        %parallel_loop3A_488 = arith.addf %parallel_loop3A_486, %parallel_loop3A_487 : vector<16xf32>
        %parallel_loop3A_489 = arith.mulf %parallel_loop3A_265, %parallel_loop3A_479 : vector<16xf32>
        %parallel_loop3A_490 = arith.mulf %parallel_loop3A_269, %parallel_loop3A_485 : vector<16xf32>
        %parallel_loop3A_491 = arith.addf %parallel_loop3A_489, %parallel_loop3A_490 : vector<16xf32>
        %parallel_loop3A_492 = arith.addf %parallel_loop3A_488, %parallel_loop3A_491 : vector<16xf32>
        %parallel_loop3A_493 = arith.constant 5 : i32
        %parallel_loop3A_494 = arith.addi %parallel_loop3A_271, %parallel_loop3A_493 : i32
        %parallel_loop3A_495 = arith.index_cast %parallel_loop3A_494 : i32 to index
        %parallel_loop3A_496 = arith.constant 0 : index
        %parallel_loop3A_497 = tpu.vector_load %arg13[%parallel_loop3A_495, %parallel_loop3A_496] {strides = array<i32>} : memref<400x16xf32, #tpu.memory_space<vmem>>, vector<1x16xf32>,
        %parallel_loop3A_498 = vector.shape_cast %parallel_loop3A_497 : vector<1x16xf32> to vector<16xf32>
        %parallel_loop3A_499 = vector.shape_cast %parallel_loop3A_492 : vector<16xf32> to vector<1x16xf32>
        tpu.vector_store %arg13[%parallel_loop3A_495, %parallel_loop3A_496], %parallel_loop3A_499 {strides = array<i32>} : memref<400x16xf32, #tpu.memory_space<vmem>>, vector<1x16xf32>,
        %parallel_loop3A_500 = arith.constant 6 : i32
        %parallel_loop3A_501 = arith.addi %parallel_loop3A_271, %parallel_loop3A_500 : i32
        %parallel_loop3A_502 = arith.index_cast %parallel_loop3A_501 : i32 to index
        %parallel_loop3A_503 = arith.constant 0 : index
        %parallel_loop3A_504 = tpu.vector_load %arg11[%parallel_loop3A_502, %parallel_loop3A_503] {strides = array<i32>} : memref<400x64xf32, #tpu.memory_space<vmem>>, vector<1x16xf32>,
        %parallel_loop3A_505 = vector.shape_cast %parallel_loop3A_504 : vector<1x16xf32> to vector<16xf32>
        %parallel_loop3A_506 = arith.constant 6 : i32
        %parallel_loop3A_507 = arith.addi %parallel_loop3A_271, %parallel_loop3A_506 : i32
        %parallel_loop3A_508 = arith.index_cast %parallel_loop3A_507 : i32 to index
        %parallel_loop3A_509 = arith.constant 16 : index
        %parallel_loop3A_510 = tpu.vector_load %arg11[%parallel_loop3A_508, %parallel_loop3A_509] {strides = array<i32>} : memref<400x64xf32, #tpu.memory_space<vmem>>, vector<1x16xf32>,
        %parallel_loop3A_511 = vector.shape_cast %parallel_loop3A_510 : vector<1x16xf32> to vector<16xf32>
        %parallel_loop3A_512 = arith.constant 6 : i32
        %parallel_loop3A_513 = arith.addi %parallel_loop3A_271, %parallel_loop3A_512 : i32
        %parallel_loop3A_514 = arith.index_cast %parallel_loop3A_513 : i32 to index
        %parallel_loop3A_515 = arith.constant 32 : index
        %parallel_loop3A_516 = tpu.vector_load %arg11[%parallel_loop3A_514, %parallel_loop3A_515] {strides = array<i32>} : memref<400x64xf32, #tpu.memory_space<vmem>>, vector<1x16xf32>,
        %parallel_loop3A_517 = vector.shape_cast %parallel_loop3A_516 : vector<1x16xf32> to vector<16xf32>
        %parallel_loop3A_518 = arith.constant 6 : i32
        %parallel_loop3A_519 = arith.addi %parallel_loop3A_271, %parallel_loop3A_518 : i32
        %parallel_loop3A_520 = arith.index_cast %parallel_loop3A_519 : i32 to index
        %parallel_loop3A_521 = arith.constant 48 : index
        %parallel_loop3A_522 = tpu.vector_load %arg11[%parallel_loop3A_520, %parallel_loop3A_521] {strides = array<i32>} : memref<400x64xf32, #tpu.memory_space<vmem>>, vector<1x16xf32>,
        %parallel_loop3A_523 = vector.shape_cast %parallel_loop3A_522 : vector<1x16xf32> to vector<16xf32>
        %parallel_loop3A_524 = arith.mulf %parallel_loop3A_257, %parallel_loop3A_505 : vector<16xf32>
        %parallel_loop3A_525 = arith.mulf %parallel_loop3A_261, %parallel_loop3A_511 : vector<16xf32>
        %parallel_loop3A_526 = arith.addf %parallel_loop3A_524, %parallel_loop3A_525 : vector<16xf32>
        %parallel_loop3A_527 = arith.mulf %parallel_loop3A_265, %parallel_loop3A_517 : vector<16xf32>
        %parallel_loop3A_528 = arith.mulf %parallel_loop3A_269, %parallel_loop3A_523 : vector<16xf32>
        %parallel_loop3A_529 = arith.addf %parallel_loop3A_527, %parallel_loop3A_528 : vector<16xf32>
        %parallel_loop3A_530 = arith.addf %parallel_loop3A_526, %parallel_loop3A_529 : vector<16xf32>
        %parallel_loop3A_531 = arith.constant 6 : i32
        %parallel_loop3A_532 = arith.addi %parallel_loop3A_271, %parallel_loop3A_531 : i32
        %parallel_loop3A_533 = arith.index_cast %parallel_loop3A_532 : i32 to index
        %parallel_loop3A_534 = arith.constant 0 : index
        %parallel_loop3A_535 = tpu.vector_load %arg13[%parallel_loop3A_533, %parallel_loop3A_534] {strides = array<i32>} : memref<400x16xf32, #tpu.memory_space<vmem>>, vector<1x16xf32>,
        %parallel_loop3A_536 = vector.shape_cast %parallel_loop3A_535 : vector<1x16xf32> to vector<16xf32>
        %parallel_loop3A_537 = vector.shape_cast %parallel_loop3A_530 : vector<16xf32> to vector<1x16xf32>
        tpu.vector_store %arg13[%parallel_loop3A_533, %parallel_loop3A_534], %parallel_loop3A_537 {strides = array<i32>} : memref<400x16xf32, #tpu.memory_space<vmem>>, vector<1x16xf32>,
        %parallel_loop3A_538 = arith.constant 7 : i32
        %parallel_loop3A_539 = arith.addi %parallel_loop3A_271, %parallel_loop3A_538 : i32
        %parallel_loop3A_540 = arith.index_cast %parallel_loop3A_539 : i32 to index
        %parallel_loop3A_541 = arith.constant 0 : index
        %parallel_loop3A_542 = tpu.vector_load %arg11[%parallel_loop3A_540, %parallel_loop3A_541] {strides = array<i32>} : memref<400x64xf32, #tpu.memory_space<vmem>>, vector<1x16xf32>,
        %parallel_loop3A_543 = vector.shape_cast %parallel_loop3A_542 : vector<1x16xf32> to vector<16xf32>
        %parallel_loop3A_544 = arith.constant 7 : i32
        %parallel_loop3A_545 = arith.addi %parallel_loop3A_271, %parallel_loop3A_544 : i32
        %parallel_loop3A_546 = arith.index_cast %parallel_loop3A_545 : i32 to index
        %parallel_loop3A_547 = arith.constant 16 : index
        %parallel_loop3A_548 = tpu.vector_load %arg11[%parallel_loop3A_546, %parallel_loop3A_547] {strides = array<i32>} : memref<400x64xf32, #tpu.memory_space<vmem>>, vector<1x16xf32>,
        %parallel_loop3A_549 = vector.shape_cast %parallel_loop3A_548 : vector<1x16xf32> to vector<16xf32>
        %parallel_loop3A_550 = arith.constant 7 : i32
        %parallel_loop3A_551 = arith.addi %parallel_loop3A_271, %parallel_loop3A_550 : i32
        %parallel_loop3A_552 = arith.index_cast %parallel_loop3A_551 : i32 to index
        %parallel_loop3A_553 = arith.constant 32 : index
        %parallel_loop3A_554 = tpu.vector_load %arg11[%parallel_loop3A_552, %parallel_loop3A_553] {strides = array<i32>} : memref<400x64xf32, #tpu.memory_space<vmem>>, vector<1x16xf32>,
        %parallel_loop3A_555 = vector.shape_cast %parallel_loop3A_554 : vector<1x16xf32> to vector<16xf32>
        %parallel_loop3A_556 = arith.constant 7 : i32
        %parallel_loop3A_557 = arith.addi %parallel_loop3A_271, %parallel_loop3A_556 : i32
        %parallel_loop3A_558 = arith.index_cast %parallel_loop3A_557 : i32 to index
        %parallel_loop3A_559 = arith.constant 48 : index
        %parallel_loop3A_560 = tpu.vector_load %arg11[%parallel_loop3A_558, %parallel_loop3A_559] {strides = array<i32>} : memref<400x64xf32, #tpu.memory_space<vmem>>, vector<1x16xf32>,
        %parallel_loop3A_561 = vector.shape_cast %parallel_loop3A_560 : vector<1x16xf32> to vector<16xf32>
        %parallel_loop3A_562 = arith.mulf %parallel_loop3A_257, %parallel_loop3A_543 : vector<16xf32>
        %parallel_loop3A_563 = arith.mulf %parallel_loop3A_261, %parallel_loop3A_549 : vector<16xf32>
        %parallel_loop3A_564 = arith.addf %parallel_loop3A_562, %parallel_loop3A_563 : vector<16xf32>
        %parallel_loop3A_565 = arith.mulf %parallel_loop3A_265, %parallel_loop3A_555 : vector<16xf32>
        %parallel_loop3A_566 = arith.mulf %parallel_loop3A_269, %parallel_loop3A_561 : vector<16xf32>
        %parallel_loop3A_567 = arith.addf %parallel_loop3A_565, %parallel_loop3A_566 : vector<16xf32>
        %parallel_loop3A_568 = arith.addf %parallel_loop3A_564, %parallel_loop3A_567 : vector<16xf32>
        %parallel_loop3A_569 = arith.constant 7 : i32
        %parallel_loop3A_570 = arith.addi %parallel_loop3A_271, %parallel_loop3A_569 : i32
        %parallel_loop3A_571 = arith.index_cast %parallel_loop3A_570 : i32 to index
        %parallel_loop3A_572 = arith.constant 0 : index
        %parallel_loop3A_573 = tpu.vector_load %arg13[%parallel_loop3A_571, %parallel_loop3A_572] {strides = array<i32>} : memref<400x16xf32, #tpu.memory_space<vmem>>, vector<1x16xf32>,
        %parallel_loop3A_574 = vector.shape_cast %parallel_loop3A_573 : vector<1x16xf32> to vector<16xf32>
        %parallel_loop3A_575 = vector.shape_cast %parallel_loop3A_568 : vector<16xf32> to vector<1x16xf32>
        tpu.vector_store %arg13[%parallel_loop3A_571, %parallel_loop3A_572], %parallel_loop3A_575 {strides = array<i32>} : memref<400x16xf32, #tpu.memory_space<vmem>>, vector<1x16xf32>,
        %parallel_loop3A_576 = arith.constant 8 : i32
        %parallel_loop3A_577 = arith.addi %parallel_loop3A_271, %parallel_loop3A_576 : i32
        %parallel_loop3A_578 = arith.index_cast %parallel_loop3A_577 : i32 to index
        %parallel_loop3A_579 = arith.constant 0 : index
        %parallel_loop3A_580 = tpu.vector_load %arg11[%parallel_loop3A_578, %parallel_loop3A_579] {strides = array<i32>} : memref<400x64xf32, #tpu.memory_space<vmem>>, vector<1x16xf32>,
        %parallel_loop3A_581 = vector.shape_cast %parallel_loop3A_580 : vector<1x16xf32> to vector<16xf32>
        %parallel_loop3A_582 = arith.constant 8 : i32
        %parallel_loop3A_583 = arith.addi %parallel_loop3A_271, %parallel_loop3A_582 : i32
        %parallel_loop3A_584 = arith.index_cast %parallel_loop3A_583 : i32 to index
        %parallel_loop3A_585 = arith.constant 16 : index
        %parallel_loop3A_586 = tpu.vector_load %arg11[%parallel_loop3A_584, %parallel_loop3A_585] {strides = array<i32>} : memref<400x64xf32, #tpu.memory_space<vmem>>, vector<1x16xf32>,
        %parallel_loop3A_587 = vector.shape_cast %parallel_loop3A_586 : vector<1x16xf32> to vector<16xf32>
        %parallel_loop3A_588 = arith.constant 8 : i32
        %parallel_loop3A_589 = arith.addi %parallel_loop3A_271, %parallel_loop3A_588 : i32
        %parallel_loop3A_590 = arith.index_cast %parallel_loop3A_589 : i32 to index
        %parallel_loop3A_591 = arith.constant 32 : index
        %parallel_loop3A_592 = tpu.vector_load %arg11[%parallel_loop3A_590, %parallel_loop3A_591] {strides = array<i32>} : memref<400x64xf32, #tpu.memory_space<vmem>>, vector<1x16xf32>,
        %parallel_loop3A_593 = vector.shape_cast %parallel_loop3A_592 : vector<1x16xf32> to vector<16xf32>
        %parallel_loop3A_594 = arith.constant 8 : i32
        %parallel_loop3A_595 = arith.addi %parallel_loop3A_271, %parallel_loop3A_594 : i32
        %parallel_loop3A_596 = arith.index_cast %parallel_loop3A_595 : i32 to index
        %parallel_loop3A_597 = arith.constant 48 : index
        %parallel_loop3A_598 = tpu.vector_load %arg11[%parallel_loop3A_596, %parallel_loop3A_597] {strides = array<i32>} : memref<400x64xf32, #tpu.memory_space<vmem>>, vector<1x16xf32>,
        %parallel_loop3A_599 = vector.shape_cast %parallel_loop3A_598 : vector<1x16xf32> to vector<16xf32>
        %parallel_loop3A_600 = arith.mulf %parallel_loop3A_257, %parallel_loop3A_581 : vector<16xf32>
        %parallel_loop3A_601 = arith.mulf %parallel_loop3A_261, %parallel_loop3A_587 : vector<16xf32>
        %parallel_loop3A_602 = arith.addf %parallel_loop3A_600, %parallel_loop3A_601 : vector<16xf32>
        %parallel_loop3A_603 = arith.mulf %parallel_loop3A_265, %parallel_loop3A_593 : vector<16xf32>
        %parallel_loop3A_604 = arith.mulf %parallel_loop3A_269, %parallel_loop3A_599 : vector<16xf32>
        %parallel_loop3A_605 = arith.addf %parallel_loop3A_603, %parallel_loop3A_604 : vector<16xf32>
        %parallel_loop3A_606 = arith.addf %parallel_loop3A_602, %parallel_loop3A_605 : vector<16xf32>
        %parallel_loop3A_607 = arith.constant 8 : i32
        %parallel_loop3A_608 = arith.addi %parallel_loop3A_271, %parallel_loop3A_607 : i32
        %parallel_loop3A_609 = arith.index_cast %parallel_loop3A_608 : i32 to index
        %parallel_loop3A_610 = arith.constant 0 : index
        %parallel_loop3A_611 = tpu.vector_load %arg13[%parallel_loop3A_609, %parallel_loop3A_610] {strides = array<i32>} : memref<400x16xf32, #tpu.memory_space<vmem>>, vector<1x16xf32>,
        %parallel_loop3A_612 = vector.shape_cast %parallel_loop3A_611 : vector<1x16xf32> to vector<16xf32>
        %parallel_loop3A_613 = vector.shape_cast %parallel_loop3A_606 : vector<16xf32> to vector<1x16xf32>
        tpu.vector_store %arg13[%parallel_loop3A_609, %parallel_loop3A_610], %parallel_loop3A_613 {strides = array<i32>} : memref<400x16xf32, #tpu.memory_space<vmem>>, vector<1x16xf32>,
        %parallel_loop3A_614 = arith.constant 9 : i32
        %parallel_loop3A_615 = arith.addi %parallel_loop3A_271, %parallel_loop3A_614 : i32
        %parallel_loop3A_616 = arith.index_cast %parallel_loop3A_615 : i32 to index
        %parallel_loop3A_617 = arith.constant 0 : index
        %parallel_loop3A_618 = tpu.vector_load %arg11[%parallel_loop3A_616, %parallel_loop3A_617] {strides = array<i32>} : memref<400x64xf32, #tpu.memory_space<vmem>>, vector<1x16xf32>,
        %parallel_loop3A_619 = vector.shape_cast %parallel_loop3A_618 : vector<1x16xf32> to vector<16xf32>
        %parallel_loop3A_620 = arith.constant 9 : i32
        %parallel_loop3A_621 = arith.addi %parallel_loop3A_271, %parallel_loop3A_620 : i32
        %parallel_loop3A_622 = arith.index_cast %parallel_loop3A_621 : i32 to index
        %parallel_loop3A_623 = arith.constant 16 : index
        %parallel_loop3A_624 = tpu.vector_load %arg11[%parallel_loop3A_622, %parallel_loop3A_623] {strides = array<i32>} : memref<400x64xf32, #tpu.memory_space<vmem>>, vector<1x16xf32>,
        %parallel_loop3A_625 = vector.shape_cast %parallel_loop3A_624 : vector<1x16xf32> to vector<16xf32>
        %parallel_loop3A_626 = arith.constant 9 : i32
        %parallel_loop3A_627 = arith.addi %parallel_loop3A_271, %parallel_loop3A_626 : i32
        %parallel_loop3A_628 = arith.index_cast %parallel_loop3A_627 : i32 to index
        %parallel_loop3A_629 = arith.constant 32 : index
        %parallel_loop3A_630 = tpu.vector_load %arg11[%parallel_loop3A_628, %parallel_loop3A_629] {strides = array<i32>} : memref<400x64xf32, #tpu.memory_space<vmem>>, vector<1x16xf32>,
        %parallel_loop3A_631 = vector.shape_cast %parallel_loop3A_630 : vector<1x16xf32> to vector<16xf32>
        %parallel_loop3A_632 = arith.constant 9 : i32
        %parallel_loop3A_633 = arith.addi %parallel_loop3A_271, %parallel_loop3A_632 : i32
        %parallel_loop3A_634 = arith.index_cast %parallel_loop3A_633 : i32 to index
        %parallel_loop3A_635 = arith.constant 48 : index
        %parallel_loop3A_636 = tpu.vector_load %arg11[%parallel_loop3A_634, %parallel_loop3A_635] {strides = array<i32>} : memref<400x64xf32, #tpu.memory_space<vmem>>, vector<1x16xf32>,
        %parallel_loop3A_637 = vector.shape_cast %parallel_loop3A_636 : vector<1x16xf32> to vector<16xf32>
        %parallel_loop3A_638 = arith.mulf %parallel_loop3A_257, %parallel_loop3A_619 : vector<16xf32>
        %parallel_loop3A_639 = arith.mulf %parallel_loop3A_261, %parallel_loop3A_625 : vector<16xf32>
        %parallel_loop3A_640 = arith.addf %parallel_loop3A_638, %parallel_loop3A_639 : vector<16xf32>
        %parallel_loop3A_641 = arith.mulf %parallel_loop3A_265, %parallel_loop3A_631 : vector<16xf32>
        %parallel_loop3A_642 = arith.mulf %parallel_loop3A_269, %parallel_loop3A_637 : vector<16xf32>
        %parallel_loop3A_643 = arith.addf %parallel_loop3A_641, %parallel_loop3A_642 : vector<16xf32>
        %parallel_loop3A_644 = arith.addf %parallel_loop3A_640, %parallel_loop3A_643 : vector<16xf32>
        %parallel_loop3A_645 = arith.constant 9 : i32
        %parallel_loop3A_646 = arith.addi %parallel_loop3A_271, %parallel_loop3A_645 : i32
        %parallel_loop3A_647 = arith.index_cast %parallel_loop3A_646 : i32 to index
        %parallel_loop3A_648 = arith.constant 0 : index
        %parallel_loop3A_649 = tpu.vector_load %arg13[%parallel_loop3A_647, %parallel_loop3A_648] {strides = array<i32>} : memref<400x16xf32, #tpu.memory_space<vmem>>, vector<1x16xf32>,
        %parallel_loop3A_650 = vector.shape_cast %parallel_loop3A_649 : vector<1x16xf32> to vector<16xf32>
        %parallel_loop3A_651 = vector.shape_cast %parallel_loop3A_644 : vector<16xf32> to vector<1x16xf32>
        tpu.vector_store %arg13[%parallel_loop3A_647, %parallel_loop3A_648], %parallel_loop3A_651 {strides = array<i32>} : memref<400x16xf32, #tpu.memory_space<vmem>>, vector<1x16xf32>,
        %parallel_loop3A_652 = arith.constant 10 : i32
        %parallel_loop3A_653 = arith.addi %parallel_loop3A_271, %parallel_loop3A_652 : i32
        %parallel_loop3A_654 = arith.index_cast %parallel_loop3A_653 : i32 to index
        %parallel_loop3A_655 = arith.constant 0 : index
        %parallel_loop3A_656 = tpu.vector_load %arg11[%parallel_loop3A_654, %parallel_loop3A_655] {strides = array<i32>} : memref<400x64xf32, #tpu.memory_space<vmem>>, vector<1x16xf32>,
        %parallel_loop3A_657 = vector.shape_cast %parallel_loop3A_656 : vector<1x16xf32> to vector<16xf32>
        %parallel_loop3A_658 = arith.constant 10 : i32
        %parallel_loop3A_659 = arith.addi %parallel_loop3A_271, %parallel_loop3A_658 : i32
        %parallel_loop3A_660 = arith.index_cast %parallel_loop3A_659 : i32 to index
        %parallel_loop3A_661 = arith.constant 16 : index
        %parallel_loop3A_662 = tpu.vector_load %arg11[%parallel_loop3A_660, %parallel_loop3A_661] {strides = array<i32>} : memref<400x64xf32, #tpu.memory_space<vmem>>, vector<1x16xf32>,
        %parallel_loop3A_663 = vector.shape_cast %parallel_loop3A_662 : vector<1x16xf32> to vector<16xf32>
        %parallel_loop3A_664 = arith.constant 10 : i32
        %parallel_loop3A_665 = arith.addi %parallel_loop3A_271, %parallel_loop3A_664 : i32
        %parallel_loop3A_666 = arith.index_cast %parallel_loop3A_665 : i32 to index
        %parallel_loop3A_667 = arith.constant 32 : index
        %parallel_loop3A_668 = tpu.vector_load %arg11[%parallel_loop3A_666, %parallel_loop3A_667] {strides = array<i32>} : memref<400x64xf32, #tpu.memory_space<vmem>>, vector<1x16xf32>,
        %parallel_loop3A_669 = vector.shape_cast %parallel_loop3A_668 : vector<1x16xf32> to vector<16xf32>
        %parallel_loop3A_670 = arith.constant 10 : i32
        %parallel_loop3A_671 = arith.addi %parallel_loop3A_271, %parallel_loop3A_670 : i32
        %parallel_loop3A_672 = arith.index_cast %parallel_loop3A_671 : i32 to index
        %parallel_loop3A_673 = arith.constant 48 : index
        %parallel_loop3A_674 = tpu.vector_load %arg11[%parallel_loop3A_672, %parallel_loop3A_673] {strides = array<i32>} : memref<400x64xf32, #tpu.memory_space<vmem>>, vector<1x16xf32>,
        %parallel_loop3A_675 = vector.shape_cast %parallel_loop3A_674 : vector<1x16xf32> to vector<16xf32>
        %parallel_loop3A_676 = arith.mulf %parallel_loop3A_257, %parallel_loop3A_657 : vector<16xf32>
        %parallel_loop3A_677 = arith.mulf %parallel_loop3A_261, %parallel_loop3A_663 : vector<16xf32>
        %parallel_loop3A_678 = arith.addf %parallel_loop3A_676, %parallel_loop3A_677 : vector<16xf32>
        %parallel_loop3A_679 = arith.mulf %parallel_loop3A_265, %parallel_loop3A_669 : vector<16xf32>
        %parallel_loop3A_680 = arith.mulf %parallel_loop3A_269, %parallel_loop3A_675 : vector<16xf32>
        %parallel_loop3A_681 = arith.addf %parallel_loop3A_679, %parallel_loop3A_680 : vector<16xf32>
        %parallel_loop3A_682 = arith.addf %parallel_loop3A_678, %parallel_loop3A_681 : vector<16xf32>
        %parallel_loop3A_683 = arith.constant 10 : i32
        %parallel_loop3A_684 = arith.addi %parallel_loop3A_271, %parallel_loop3A_683 : i32
        %parallel_loop3A_685 = arith.index_cast %parallel_loop3A_684 : i32 to index
        %parallel_loop3A_686 = arith.constant 0 : index
        %parallel_loop3A_687 = tpu.vector_load %arg13[%parallel_loop3A_685, %parallel_loop3A_686] {strides = array<i32>} : memref<400x16xf32, #tpu.memory_space<vmem>>, vector<1x16xf32>,
        %parallel_loop3A_688 = vector.shape_cast %parallel_loop3A_687 : vector<1x16xf32> to vector<16xf32>
        %parallel_loop3A_689 = vector.shape_cast %parallel_loop3A_682 : vector<16xf32> to vector<1x16xf32>
        tpu.vector_store %arg13[%parallel_loop3A_685, %parallel_loop3A_686], %parallel_loop3A_689 {strides = array<i32>} : memref<400x16xf32, #tpu.memory_space<vmem>>, vector<1x16xf32>,
        %parallel_loop3A_690 = arith.constant 11 : i32
        %parallel_loop3A_691 = arith.addi %parallel_loop3A_271, %parallel_loop3A_690 : i32
        %parallel_loop3A_692 = arith.index_cast %parallel_loop3A_691 : i32 to index
        %parallel_loop3A_693 = arith.constant 0 : index
        %parallel_loop3A_694 = tpu.vector_load %arg11[%parallel_loop3A_692, %parallel_loop3A_693] {strides = array<i32>} : memref<400x64xf32, #tpu.memory_space<vmem>>, vector<1x16xf32>,
        %parallel_loop3A_695 = vector.shape_cast %parallel_loop3A_694 : vector<1x16xf32> to vector<16xf32>
        %parallel_loop3A_696 = arith.constant 11 : i32
        %parallel_loop3A_697 = arith.addi %parallel_loop3A_271, %parallel_loop3A_696 : i32
        %parallel_loop3A_698 = arith.index_cast %parallel_loop3A_697 : i32 to index
        %parallel_loop3A_699 = arith.constant 16 : index
        %parallel_loop3A_700 = tpu.vector_load %arg11[%parallel_loop3A_698, %parallel_loop3A_699] {strides = array<i32>} : memref<400x64xf32, #tpu.memory_space<vmem>>, vector<1x16xf32>,
        %parallel_loop3A_701 = vector.shape_cast %parallel_loop3A_700 : vector<1x16xf32> to vector<16xf32>
        %parallel_loop3A_702 = arith.constant 11 : i32
        %parallel_loop3A_703 = arith.addi %parallel_loop3A_271, %parallel_loop3A_702 : i32
        %parallel_loop3A_704 = arith.index_cast %parallel_loop3A_703 : i32 to index
        %parallel_loop3A_705 = arith.constant 32 : index
        %parallel_loop3A_706 = tpu.vector_load %arg11[%parallel_loop3A_704, %parallel_loop3A_705] {strides = array<i32>} : memref<400x64xf32, #tpu.memory_space<vmem>>, vector<1x16xf32>,
        %parallel_loop3A_707 = vector.shape_cast %parallel_loop3A_706 : vector<1x16xf32> to vector<16xf32>
        %parallel_loop3A_708 = arith.constant 11 : i32
        %parallel_loop3A_709 = arith.addi %parallel_loop3A_271, %parallel_loop3A_708 : i32
        %parallel_loop3A_710 = arith.index_cast %parallel_loop3A_709 : i32 to index
        %parallel_loop3A_711 = arith.constant 48 : index
        %parallel_loop3A_712 = tpu.vector_load %arg11[%parallel_loop3A_710, %parallel_loop3A_711] {strides = array<i32>} : memref<400x64xf32, #tpu.memory_space<vmem>>, vector<1x16xf32>,
        %parallel_loop3A_713 = vector.shape_cast %parallel_loop3A_712 : vector<1x16xf32> to vector<16xf32>
        %parallel_loop3A_714 = arith.mulf %parallel_loop3A_257, %parallel_loop3A_695 : vector<16xf32>
        %parallel_loop3A_715 = arith.mulf %parallel_loop3A_261, %parallel_loop3A_701 : vector<16xf32>
        %parallel_loop3A_716 = arith.addf %parallel_loop3A_714, %parallel_loop3A_715 : vector<16xf32>
        %parallel_loop3A_717 = arith.mulf %parallel_loop3A_265, %parallel_loop3A_707 : vector<16xf32>
        %parallel_loop3A_718 = arith.mulf %parallel_loop3A_269, %parallel_loop3A_713 : vector<16xf32>
        %parallel_loop3A_719 = arith.addf %parallel_loop3A_717, %parallel_loop3A_718 : vector<16xf32>
        %parallel_loop3A_720 = arith.addf %parallel_loop3A_716, %parallel_loop3A_719 : vector<16xf32>
        %parallel_loop3A_721 = arith.constant 11 : i32
        %parallel_loop3A_722 = arith.addi %parallel_loop3A_271, %parallel_loop3A_721 : i32
        %parallel_loop3A_723 = arith.index_cast %parallel_loop3A_722 : i32 to index
        %parallel_loop3A_724 = arith.constant 0 : index
        %parallel_loop3A_725 = tpu.vector_load %arg13[%parallel_loop3A_723, %parallel_loop3A_724] {strides = array<i32>} : memref<400x16xf32, #tpu.memory_space<vmem>>, vector<1x16xf32>,
        %parallel_loop3A_726 = vector.shape_cast %parallel_loop3A_725 : vector<1x16xf32> to vector<16xf32>
        %parallel_loop3A_727 = vector.shape_cast %parallel_loop3A_720 : vector<16xf32> to vector<1x16xf32>
        tpu.vector_store %arg13[%parallel_loop3A_723, %parallel_loop3A_724], %parallel_loop3A_727 {strides = array<i32>} : memref<400x16xf32, #tpu.memory_space<vmem>>, vector<1x16xf32>,
        %parallel_loop3A_728 = arith.constant 12 : i32
        %parallel_loop3A_729 = arith.addi %parallel_loop3A_271, %parallel_loop3A_728 : i32
        %parallel_loop3A_730 = arith.index_cast %parallel_loop3A_729 : i32 to index
        %parallel_loop3A_731 = arith.constant 0 : index
        %parallel_loop3A_732 = tpu.vector_load %arg11[%parallel_loop3A_730, %parallel_loop3A_731] {strides = array<i32>} : memref<400x64xf32, #tpu.memory_space<vmem>>, vector<1x16xf32>,
        %parallel_loop3A_733 = vector.shape_cast %parallel_loop3A_732 : vector<1x16xf32> to vector<16xf32>
        %parallel_loop3A_734 = arith.constant 12 : i32
        %parallel_loop3A_735 = arith.addi %parallel_loop3A_271, %parallel_loop3A_734 : i32
        %parallel_loop3A_736 = arith.index_cast %parallel_loop3A_735 : i32 to index
        %parallel_loop3A_737 = arith.constant 16 : index
        %parallel_loop3A_738 = tpu.vector_load %arg11[%parallel_loop3A_736, %parallel_loop3A_737] {strides = array<i32>} : memref<400x64xf32, #tpu.memory_space<vmem>>, vector<1x16xf32>,
        %parallel_loop3A_739 = vector.shape_cast %parallel_loop3A_738 : vector<1x16xf32> to vector<16xf32>
        %parallel_loop3A_740 = arith.constant 12 : i32
        %parallel_loop3A_741 = arith.addi %parallel_loop3A_271, %parallel_loop3A_740 : i32
        %parallel_loop3A_742 = arith.index_cast %parallel_loop3A_741 : i32 to index
        %parallel_loop3A_743 = arith.constant 32 : index
        %parallel_loop3A_744 = tpu.vector_load %arg11[%parallel_loop3A_742, %parallel_loop3A_743] {strides = array<i32>} : memref<400x64xf32, #tpu.memory_space<vmem>>, vector<1x16xf32>,
        %parallel_loop3A_745 = vector.shape_cast %parallel_loop3A_744 : vector<1x16xf32> to vector<16xf32>
        %parallel_loop3A_746 = arith.constant 12 : i32
        %parallel_loop3A_747 = arith.addi %parallel_loop3A_271, %parallel_loop3A_746 : i32
        %parallel_loop3A_748 = arith.index_cast %parallel_loop3A_747 : i32 to index
        %parallel_loop3A_749 = arith.constant 48 : index
        %parallel_loop3A_750 = tpu.vector_load %arg11[%parallel_loop3A_748, %parallel_loop3A_749] {strides = array<i32>} : memref<400x64xf32, #tpu.memory_space<vmem>>, vector<1x16xf32>,
        %parallel_loop3A_751 = vector.shape_cast %parallel_loop3A_750 : vector<1x16xf32> to vector<16xf32>
        %parallel_loop3A_752 = arith.mulf %parallel_loop3A_257, %parallel_loop3A_733 : vector<16xf32>
        %parallel_loop3A_753 = arith.mulf %parallel_loop3A_261, %parallel_loop3A_739 : vector<16xf32>
        %parallel_loop3A_754 = arith.addf %parallel_loop3A_752, %parallel_loop3A_753 : vector<16xf32>
        %parallel_loop3A_755 = arith.mulf %parallel_loop3A_265, %parallel_loop3A_745 : vector<16xf32>
        %parallel_loop3A_756 = arith.mulf %parallel_loop3A_269, %parallel_loop3A_751 : vector<16xf32>
        %parallel_loop3A_757 = arith.addf %parallel_loop3A_755, %parallel_loop3A_756 : vector<16xf32>
        %parallel_loop3A_758 = arith.addf %parallel_loop3A_754, %parallel_loop3A_757 : vector<16xf32>
        %parallel_loop3A_759 = arith.constant 12 : i32
        %parallel_loop3A_760 = arith.addi %parallel_loop3A_271, %parallel_loop3A_759 : i32
        %parallel_loop3A_761 = arith.index_cast %parallel_loop3A_760 : i32 to index
        %parallel_loop3A_762 = arith.constant 0 : index
        %parallel_loop3A_763 = tpu.vector_load %arg13[%parallel_loop3A_761, %parallel_loop3A_762] {strides = array<i32>} : memref<400x16xf32, #tpu.memory_space<vmem>>, vector<1x16xf32>,
        %parallel_loop3A_764 = vector.shape_cast %parallel_loop3A_763 : vector<1x16xf32> to vector<16xf32>
        %parallel_loop3A_765 = vector.shape_cast %parallel_loop3A_758 : vector<16xf32> to vector<1x16xf32>
        tpu.vector_store %arg13[%parallel_loop3A_761, %parallel_loop3A_762], %parallel_loop3A_765 {strides = array<i32>} : memref<400x16xf32, #tpu.memory_space<vmem>>, vector<1x16xf32>,
        %parallel_loop3A_766 = arith.constant 13 : i32
        %parallel_loop3A_767 = arith.addi %parallel_loop3A_271, %parallel_loop3A_766 : i32
        %parallel_loop3A_768 = arith.index_cast %parallel_loop3A_767 : i32 to index
        %parallel_loop3A_769 = arith.constant 0 : index
        %parallel_loop3A_770 = tpu.vector_load %arg11[%parallel_loop3A_768, %parallel_loop3A_769] {strides = array<i32>} : memref<400x64xf32, #tpu.memory_space<vmem>>, vector<1x16xf32>,
        %parallel_loop3A_771 = vector.shape_cast %parallel_loop3A_770 : vector<1x16xf32> to vector<16xf32>
        %parallel_loop3A_772 = arith.constant 13 : i32
        %parallel_loop3A_773 = arith.addi %parallel_loop3A_271, %parallel_loop3A_772 : i32
        %parallel_loop3A_774 = arith.index_cast %parallel_loop3A_773 : i32 to index
        %parallel_loop3A_775 = arith.constant 16 : index
        %parallel_loop3A_776 = tpu.vector_load %arg11[%parallel_loop3A_774, %parallel_loop3A_775] {strides = array<i32>} : memref<400x64xf32, #tpu.memory_space<vmem>>, vector<1x16xf32>,
        %parallel_loop3A_777 = vector.shape_cast %parallel_loop3A_776 : vector<1x16xf32> to vector<16xf32>
        %parallel_loop3A_778 = arith.constant 13 : i32
        %parallel_loop3A_779 = arith.addi %parallel_loop3A_271, %parallel_loop3A_778 : i32
        %parallel_loop3A_780 = arith.index_cast %parallel_loop3A_779 : i32 to index
        %parallel_loop3A_781 = arith.constant 32 : index
        %parallel_loop3A_782 = tpu.vector_load %arg11[%parallel_loop3A_780, %parallel_loop3A_781] {strides = array<i32>} : memref<400x64xf32, #tpu.memory_space<vmem>>, vector<1x16xf32>,
        %parallel_loop3A_783 = vector.shape_cast %parallel_loop3A_782 : vector<1x16xf32> to vector<16xf32>
        %parallel_loop3A_784 = arith.constant 13 : i32
        %parallel_loop3A_785 = arith.addi %parallel_loop3A_271, %parallel_loop3A_784 : i32
        %parallel_loop3A_786 = arith.index_cast %parallel_loop3A_785 : i32 to index
        %parallel_loop3A_787 = arith.constant 48 : index
        %parallel_loop3A_788 = tpu.vector_load %arg11[%parallel_loop3A_786, %parallel_loop3A_787] {strides = array<i32>} : memref<400x64xf32, #tpu.memory_space<vmem>>, vector<1x16xf32>,
        %parallel_loop3A_789 = vector.shape_cast %parallel_loop3A_788 : vector<1x16xf32> to vector<16xf32>
        %parallel_loop3A_790 = arith.mulf %parallel_loop3A_257, %parallel_loop3A_771 : vector<16xf32>
        %parallel_loop3A_791 = arith.mulf %parallel_loop3A_261, %parallel_loop3A_777 : vector<16xf32>
        %parallel_loop3A_792 = arith.addf %parallel_loop3A_790, %parallel_loop3A_791 : vector<16xf32>
        %parallel_loop3A_793 = arith.mulf %parallel_loop3A_265, %parallel_loop3A_783 : vector<16xf32>
        %parallel_loop3A_794 = arith.mulf %parallel_loop3A_269, %parallel_loop3A_789 : vector<16xf32>
        %parallel_loop3A_795 = arith.addf %parallel_loop3A_793, %parallel_loop3A_794 : vector<16xf32>
        %parallel_loop3A_796 = arith.addf %parallel_loop3A_792, %parallel_loop3A_795 : vector<16xf32>
        %parallel_loop3A_797 = arith.constant 13 : i32
        %parallel_loop3A_798 = arith.addi %parallel_loop3A_271, %parallel_loop3A_797 : i32
        %parallel_loop3A_799 = arith.index_cast %parallel_loop3A_798 : i32 to index
        %parallel_loop3A_800 = arith.constant 0 : index
        %parallel_loop3A_801 = tpu.vector_load %arg13[%parallel_loop3A_799, %parallel_loop3A_800] {strides = array<i32>} : memref<400x16xf32, #tpu.memory_space<vmem>>, vector<1x16xf32>,
        %parallel_loop3A_802 = vector.shape_cast %parallel_loop3A_801 : vector<1x16xf32> to vector<16xf32>
        %parallel_loop3A_803 = vector.shape_cast %parallel_loop3A_796 : vector<16xf32> to vector<1x16xf32>
        tpu.vector_store %arg13[%parallel_loop3A_799, %parallel_loop3A_800], %parallel_loop3A_803 {strides = array<i32>} : memref<400x16xf32, #tpu.memory_space<vmem>>, vector<1x16xf32>,
        %parallel_loop3A_804 = arith.constant 14 : i32
        %parallel_loop3A_805 = arith.addi %parallel_loop3A_271, %parallel_loop3A_804 : i32
        %parallel_loop3A_806 = arith.index_cast %parallel_loop3A_805 : i32 to index
        %parallel_loop3A_807 = arith.constant 0 : index
        %parallel_loop3A_808 = tpu.vector_load %arg11[%parallel_loop3A_806, %parallel_loop3A_807] {strides = array<i32>} : memref<400x64xf32, #tpu.memory_space<vmem>>, vector<1x16xf32>,
        %parallel_loop3A_809 = vector.shape_cast %parallel_loop3A_808 : vector<1x16xf32> to vector<16xf32>
        %parallel_loop3A_810 = arith.constant 14 : i32
        %parallel_loop3A_811 = arith.addi %parallel_loop3A_271, %parallel_loop3A_810 : i32
        %parallel_loop3A_812 = arith.index_cast %parallel_loop3A_811 : i32 to index
        %parallel_loop3A_813 = arith.constant 16 : index
        %parallel_loop3A_814 = tpu.vector_load %arg11[%parallel_loop3A_812, %parallel_loop3A_813] {strides = array<i32>} : memref<400x64xf32, #tpu.memory_space<vmem>>, vector<1x16xf32>,
        %parallel_loop3A_815 = vector.shape_cast %parallel_loop3A_814 : vector<1x16xf32> to vector<16xf32>
        %parallel_loop3A_816 = arith.constant 14 : i32
        %parallel_loop3A_817 = arith.addi %parallel_loop3A_271, %parallel_loop3A_816 : i32
        %parallel_loop3A_818 = arith.index_cast %parallel_loop3A_817 : i32 to index
        %parallel_loop3A_819 = arith.constant 32 : index
        %parallel_loop3A_820 = tpu.vector_load %arg11[%parallel_loop3A_818, %parallel_loop3A_819] {strides = array<i32>} : memref<400x64xf32, #tpu.memory_space<vmem>>, vector<1x16xf32>,
        %parallel_loop3A_821 = vector.shape_cast %parallel_loop3A_820 : vector<1x16xf32> to vector<16xf32>
        %parallel_loop3A_822 = arith.constant 14 : i32
        %parallel_loop3A_823 = arith.addi %parallel_loop3A_271, %parallel_loop3A_822 : i32
        %parallel_loop3A_824 = arith.index_cast %parallel_loop3A_823 : i32 to index
        %parallel_loop3A_825 = arith.constant 48 : index
        %parallel_loop3A_826 = tpu.vector_load %arg11[%parallel_loop3A_824, %parallel_loop3A_825] {strides = array<i32>} : memref<400x64xf32, #tpu.memory_space<vmem>>, vector<1x16xf32>,
        %parallel_loop3A_827 = vector.shape_cast %parallel_loop3A_826 : vector<1x16xf32> to vector<16xf32>
        %parallel_loop3A_828 = arith.mulf %parallel_loop3A_257, %parallel_loop3A_809 : vector<16xf32>
        %parallel_loop3A_829 = arith.mulf %parallel_loop3A_261, %parallel_loop3A_815 : vector<16xf32>
        %parallel_loop3A_830 = arith.addf %parallel_loop3A_828, %parallel_loop3A_829 : vector<16xf32>
        %parallel_loop3A_831 = arith.mulf %parallel_loop3A_265, %parallel_loop3A_821 : vector<16xf32>
        %parallel_loop3A_832 = arith.mulf %parallel_loop3A_269, %parallel_loop3A_827 : vector<16xf32>
        %parallel_loop3A_833 = arith.addf %parallel_loop3A_831, %parallel_loop3A_832 : vector<16xf32>
        %parallel_loop3A_834 = arith.addf %parallel_loop3A_830, %parallel_loop3A_833 : vector<16xf32>
        %parallel_loop3A_835 = arith.constant 14 : i32
        %parallel_loop3A_836 = arith.addi %parallel_loop3A_271, %parallel_loop3A_835 : i32
        %parallel_loop3A_837 = arith.index_cast %parallel_loop3A_836 : i32 to index
        %parallel_loop3A_838 = arith.constant 0 : index
        %parallel_loop3A_839 = tpu.vector_load %arg13[%parallel_loop3A_837, %parallel_loop3A_838] {strides = array<i32>} : memref<400x16xf32, #tpu.memory_space<vmem>>, vector<1x16xf32>,
        %parallel_loop3A_840 = vector.shape_cast %parallel_loop3A_839 : vector<1x16xf32> to vector<16xf32>
        %parallel_loop3A_841 = vector.shape_cast %parallel_loop3A_834 : vector<16xf32> to vector<1x16xf32>
        tpu.vector_store %arg13[%parallel_loop3A_837, %parallel_loop3A_838], %parallel_loop3A_841 {strides = array<i32>} : memref<400x16xf32, #tpu.memory_space<vmem>>, vector<1x16xf32>,
        %parallel_loop3A_842 = arith.constant 15 : i32
        %parallel_loop3A_843 = arith.addi %parallel_loop3A_271, %parallel_loop3A_842 : i32
        %parallel_loop3A_844 = arith.index_cast %parallel_loop3A_843 : i32 to index
        %parallel_loop3A_845 = arith.constant 0 : index
        %parallel_loop3A_846 = tpu.vector_load %arg11[%parallel_loop3A_844, %parallel_loop3A_845] {strides = array<i32>} : memref<400x64xf32, #tpu.memory_space<vmem>>, vector<1x16xf32>,
        %parallel_loop3A_847 = vector.shape_cast %parallel_loop3A_846 : vector<1x16xf32> to vector<16xf32>
        %parallel_loop3A_848 = arith.constant 15 : i32
        %parallel_loop3A_849 = arith.addi %parallel_loop3A_271, %parallel_loop3A_848 : i32
        %parallel_loop3A_850 = arith.index_cast %parallel_loop3A_849 : i32 to index
        %parallel_loop3A_851 = arith.constant 16 : index
        %parallel_loop3A_852 = tpu.vector_load %arg11[%parallel_loop3A_850, %parallel_loop3A_851] {strides = array<i32>} : memref<400x64xf32, #tpu.memory_space<vmem>>, vector<1x16xf32>,
        %parallel_loop3A_853 = vector.shape_cast %parallel_loop3A_852 : vector<1x16xf32> to vector<16xf32>
        %parallel_loop3A_854 = arith.constant 15 : i32
        %parallel_loop3A_855 = arith.addi %parallel_loop3A_271, %parallel_loop3A_854 : i32
        %parallel_loop3A_856 = arith.index_cast %parallel_loop3A_855 : i32 to index
        %parallel_loop3A_857 = arith.constant 32 : index
        %parallel_loop3A_858 = tpu.vector_load %arg11[%parallel_loop3A_856, %parallel_loop3A_857] {strides = array<i32>} : memref<400x64xf32, #tpu.memory_space<vmem>>, vector<1x16xf32>,
        %parallel_loop3A_859 = vector.shape_cast %parallel_loop3A_858 : vector<1x16xf32> to vector<16xf32>
        %parallel_loop3A_860 = arith.constant 15 : i32
        %parallel_loop3A_861 = arith.addi %parallel_loop3A_271, %parallel_loop3A_860 : i32
        %parallel_loop3A_862 = arith.index_cast %parallel_loop3A_861 : i32 to index
        %parallel_loop3A_863 = arith.constant 48 : index
        %parallel_loop3A_864 = tpu.vector_load %arg11[%parallel_loop3A_862, %parallel_loop3A_863] {strides = array<i32>} : memref<400x64xf32, #tpu.memory_space<vmem>>, vector<1x16xf32>,
        %parallel_loop3A_865 = vector.shape_cast %parallel_loop3A_864 : vector<1x16xf32> to vector<16xf32>
        %parallel_loop3A_866 = arith.mulf %parallel_loop3A_257, %parallel_loop3A_847 : vector<16xf32>
        %parallel_loop3A_867 = arith.mulf %parallel_loop3A_261, %parallel_loop3A_853 : vector<16xf32>
        %parallel_loop3A_868 = arith.addf %parallel_loop3A_866, %parallel_loop3A_867 : vector<16xf32>
        %parallel_loop3A_869 = arith.mulf %parallel_loop3A_265, %parallel_loop3A_859 : vector<16xf32>
        %parallel_loop3A_870 = arith.mulf %parallel_loop3A_269, %parallel_loop3A_865 : vector<16xf32>
        %parallel_loop3A_871 = arith.addf %parallel_loop3A_869, %parallel_loop3A_870 : vector<16xf32>
        %parallel_loop3A_872 = arith.addf %parallel_loop3A_868, %parallel_loop3A_871 : vector<16xf32>
        %parallel_loop3A_873 = arith.constant 15 : i32
        %parallel_loop3A_874 = arith.addi %parallel_loop3A_271, %parallel_loop3A_873 : i32
        %parallel_loop3A_875 = arith.index_cast %parallel_loop3A_874 : i32 to index
        %parallel_loop3A_876 = arith.constant 0 : index
        %parallel_loop3A_877 = tpu.vector_load %arg13[%parallel_loop3A_875, %parallel_loop3A_876] {strides = array<i32>} : memref<400x16xf32, #tpu.memory_space<vmem>>, vector<1x16xf32>,
        %parallel_loop3A_878 = vector.shape_cast %parallel_loop3A_877 : vector<1x16xf32> to vector<16xf32>
        %parallel_loop3A_879 = vector.shape_cast %parallel_loop3A_872 : vector<16xf32> to vector<1x16xf32>
        tpu.vector_store %arg13[%parallel_loop3A_875, %parallel_loop3A_876], %parallel_loop3A_879 {strides = array<i32>} : memref<400x16xf32, #tpu.memory_space<vmem>>, vector<1x16xf32>,
        %parallel_loop3A_880 = arith.constant 16 : i32
        %parallel_loop3A_881 = arith.addi %parallel_loop3A_271, %parallel_loop3A_880 : i32
        %parallel_loop3A_882 = arith.index_cast %parallel_loop3A_881 : i32 to index
        %parallel_loop3A_883 = arith.constant 0 : index
        %parallel_loop3A_884 = tpu.vector_load %arg11[%parallel_loop3A_882, %parallel_loop3A_883] {strides = array<i32>} : memref<400x64xf32, #tpu.memory_space<vmem>>, vector<1x16xf32>,
        %parallel_loop3A_885 = vector.shape_cast %parallel_loop3A_884 : vector<1x16xf32> to vector<16xf32>
        %parallel_loop3A_886 = arith.constant 16 : i32
        %parallel_loop3A_887 = arith.addi %parallel_loop3A_271, %parallel_loop3A_886 : i32
        %parallel_loop3A_888 = arith.index_cast %parallel_loop3A_887 : i32 to index
        %parallel_loop3A_889 = arith.constant 16 : index
        %parallel_loop3A_890 = tpu.vector_load %arg11[%parallel_loop3A_888, %parallel_loop3A_889] {strides = array<i32>} : memref<400x64xf32, #tpu.memory_space<vmem>>, vector<1x16xf32>,
        %parallel_loop3A_891 = vector.shape_cast %parallel_loop3A_890 : vector<1x16xf32> to vector<16xf32>
        %parallel_loop3A_892 = arith.constant 16 : i32
        %parallel_loop3A_893 = arith.addi %parallel_loop3A_271, %parallel_loop3A_892 : i32
        %parallel_loop3A_894 = arith.index_cast %parallel_loop3A_893 : i32 to index
        %parallel_loop3A_895 = arith.constant 32 : index
        %parallel_loop3A_896 = tpu.vector_load %arg11[%parallel_loop3A_894, %parallel_loop3A_895] {strides = array<i32>} : memref<400x64xf32, #tpu.memory_space<vmem>>, vector<1x16xf32>,
        %parallel_loop3A_897 = vector.shape_cast %parallel_loop3A_896 : vector<1x16xf32> to vector<16xf32>
        %parallel_loop3A_898 = arith.constant 16 : i32
        %parallel_loop3A_899 = arith.addi %parallel_loop3A_271, %parallel_loop3A_898 : i32
        %parallel_loop3A_900 = arith.index_cast %parallel_loop3A_899 : i32 to index
        %parallel_loop3A_901 = arith.constant 48 : index
        %parallel_loop3A_902 = tpu.vector_load %arg11[%parallel_loop3A_900, %parallel_loop3A_901] {strides = array<i32>} : memref<400x64xf32, #tpu.memory_space<vmem>>, vector<1x16xf32>,
        %parallel_loop3A_903 = vector.shape_cast %parallel_loop3A_902 : vector<1x16xf32> to vector<16xf32>
        %parallel_loop3A_904 = arith.mulf %parallel_loop3A_257, %parallel_loop3A_885 : vector<16xf32>
        %parallel_loop3A_905 = arith.mulf %parallel_loop3A_261, %parallel_loop3A_891 : vector<16xf32>
        %parallel_loop3A_906 = arith.addf %parallel_loop3A_904, %parallel_loop3A_905 : vector<16xf32>
        %parallel_loop3A_907 = arith.mulf %parallel_loop3A_265, %parallel_loop3A_897 : vector<16xf32>
        %parallel_loop3A_908 = arith.mulf %parallel_loop3A_269, %parallel_loop3A_903 : vector<16xf32>
        %parallel_loop3A_909 = arith.addf %parallel_loop3A_907, %parallel_loop3A_908 : vector<16xf32>
        %parallel_loop3A_910 = arith.addf %parallel_loop3A_906, %parallel_loop3A_909 : vector<16xf32>
        %parallel_loop3A_911 = arith.constant 16 : i32
        %parallel_loop3A_912 = arith.addi %parallel_loop3A_271, %parallel_loop3A_911 : i32
        %parallel_loop3A_913 = arith.index_cast %parallel_loop3A_912 : i32 to index
        %parallel_loop3A_914 = arith.constant 0 : index
        %parallel_loop3A_915 = tpu.vector_load %arg13[%parallel_loop3A_913, %parallel_loop3A_914] {strides = array<i32>} : memref<400x16xf32, #tpu.memory_space<vmem>>, vector<1x16xf32>,
        %parallel_loop3A_916 = vector.shape_cast %parallel_loop3A_915 : vector<1x16xf32> to vector<16xf32>
        %parallel_loop3A_917 = vector.shape_cast %parallel_loop3A_910 : vector<16xf32> to vector<1x16xf32>
        tpu.vector_store %arg13[%parallel_loop3A_913, %parallel_loop3A_914], %parallel_loop3A_917 {strides = array<i32>} : memref<400x16xf32, #tpu.memory_space<vmem>>, vector<1x16xf32>,
        %parallel_loop3A_918 = arith.constant 17 : i32
        %parallel_loop3A_919 = arith.addi %parallel_loop3A_271, %parallel_loop3A_918 : i32
        %parallel_loop3A_920 = arith.index_cast %parallel_loop3A_919 : i32 to index
        %parallel_loop3A_921 = arith.constant 0 : index
        %parallel_loop3A_922 = tpu.vector_load %arg11[%parallel_loop3A_920, %parallel_loop3A_921] {strides = array<i32>} : memref<400x64xf32, #tpu.memory_space<vmem>>, vector<1x16xf32>,
        %parallel_loop3A_923 = vector.shape_cast %parallel_loop3A_922 : vector<1x16xf32> to vector<16xf32>
        %parallel_loop3A_924 = arith.constant 17 : i32
        %parallel_loop3A_925 = arith.addi %parallel_loop3A_271, %parallel_loop3A_924 : i32
        %parallel_loop3A_926 = arith.index_cast %parallel_loop3A_925 : i32 to index
        %parallel_loop3A_927 = arith.constant 16 : index
        %parallel_loop3A_928 = tpu.vector_load %arg11[%parallel_loop3A_926, %parallel_loop3A_927] {strides = array<i32>} : memref<400x64xf32, #tpu.memory_space<vmem>>, vector<1x16xf32>,
        %parallel_loop3A_929 = vector.shape_cast %parallel_loop3A_928 : vector<1x16xf32> to vector<16xf32>
        %parallel_loop3A_930 = arith.constant 17 : i32
        %parallel_loop3A_931 = arith.addi %parallel_loop3A_271, %parallel_loop3A_930 : i32
        %parallel_loop3A_932 = arith.index_cast %parallel_loop3A_931 : i32 to index
        %parallel_loop3A_933 = arith.constant 32 : index
        %parallel_loop3A_934 = tpu.vector_load %arg11[%parallel_loop3A_932, %parallel_loop3A_933] {strides = array<i32>} : memref<400x64xf32, #tpu.memory_space<vmem>>, vector<1x16xf32>,
        %parallel_loop3A_935 = vector.shape_cast %parallel_loop3A_934 : vector<1x16xf32> to vector<16xf32>
        %parallel_loop3A_936 = arith.constant 17 : i32
        %parallel_loop3A_937 = arith.addi %parallel_loop3A_271, %parallel_loop3A_936 : i32
        %parallel_loop3A_938 = arith.index_cast %parallel_loop3A_937 : i32 to index
        %parallel_loop3A_939 = arith.constant 48 : index
        %parallel_loop3A_940 = tpu.vector_load %arg11[%parallel_loop3A_938, %parallel_loop3A_939] {strides = array<i32>} : memref<400x64xf32, #tpu.memory_space<vmem>>, vector<1x16xf32>,
        %parallel_loop3A_941 = vector.shape_cast %parallel_loop3A_940 : vector<1x16xf32> to vector<16xf32>
        %parallel_loop3A_942 = arith.mulf %parallel_loop3A_257, %parallel_loop3A_923 : vector<16xf32>
        %parallel_loop3A_943 = arith.mulf %parallel_loop3A_261, %parallel_loop3A_929 : vector<16xf32>
        %parallel_loop3A_944 = arith.addf %parallel_loop3A_942, %parallel_loop3A_943 : vector<16xf32>
        %parallel_loop3A_945 = arith.mulf %parallel_loop3A_265, %parallel_loop3A_935 : vector<16xf32>
        %parallel_loop3A_946 = arith.mulf %parallel_loop3A_269, %parallel_loop3A_941 : vector<16xf32>
        %parallel_loop3A_947 = arith.addf %parallel_loop3A_945, %parallel_loop3A_946 : vector<16xf32>
        %parallel_loop3A_948 = arith.addf %parallel_loop3A_944, %parallel_loop3A_947 : vector<16xf32>
        %parallel_loop3A_949 = arith.constant 17 : i32
        %parallel_loop3A_950 = arith.addi %parallel_loop3A_271, %parallel_loop3A_949 : i32
        %parallel_loop3A_951 = arith.index_cast %parallel_loop3A_950 : i32 to index
        %parallel_loop3A_952 = arith.constant 0 : index
        %parallel_loop3A_953 = tpu.vector_load %arg13[%parallel_loop3A_951, %parallel_loop3A_952] {strides = array<i32>} : memref<400x16xf32, #tpu.memory_space<vmem>>, vector<1x16xf32>,
        %parallel_loop3A_954 = vector.shape_cast %parallel_loop3A_953 : vector<1x16xf32> to vector<16xf32>
        %parallel_loop3A_955 = vector.shape_cast %parallel_loop3A_948 : vector<16xf32> to vector<1x16xf32>
        tpu.vector_store %arg13[%parallel_loop3A_951, %parallel_loop3A_952], %parallel_loop3A_955 {strides = array<i32>} : memref<400x16xf32, #tpu.memory_space<vmem>>, vector<1x16xf32>,
        %parallel_loop3A_956 = arith.constant 18 : i32
        %parallel_loop3A_957 = arith.addi %parallel_loop3A_271, %parallel_loop3A_956 : i32
        %parallel_loop3A_958 = arith.index_cast %parallel_loop3A_957 : i32 to index
        %parallel_loop3A_959 = arith.constant 0 : index
        %parallel_loop3A_960 = tpu.vector_load %arg11[%parallel_loop3A_958, %parallel_loop3A_959] {strides = array<i32>} : memref<400x64xf32, #tpu.memory_space<vmem>>, vector<1x16xf32>,
        %parallel_loop3A_961 = vector.shape_cast %parallel_loop3A_960 : vector<1x16xf32> to vector<16xf32>
        %parallel_loop3A_962 = arith.constant 18 : i32
        %parallel_loop3A_963 = arith.addi %parallel_loop3A_271, %parallel_loop3A_962 : i32
        %parallel_loop3A_964 = arith.index_cast %parallel_loop3A_963 : i32 to index
        %parallel_loop3A_965 = arith.constant 16 : index
        %parallel_loop3A_966 = tpu.vector_load %arg11[%parallel_loop3A_964, %parallel_loop3A_965] {strides = array<i32>} : memref<400x64xf32, #tpu.memory_space<vmem>>, vector<1x16xf32>,
        %parallel_loop3A_967 = vector.shape_cast %parallel_loop3A_966 : vector<1x16xf32> to vector<16xf32>
        %parallel_loop3A_968 = arith.constant 18 : i32
        %parallel_loop3A_969 = arith.addi %parallel_loop3A_271, %parallel_loop3A_968 : i32
        %parallel_loop3A_970 = arith.index_cast %parallel_loop3A_969 : i32 to index
        %parallel_loop3A_971 = arith.constant 32 : index
        %parallel_loop3A_972 = tpu.vector_load %arg11[%parallel_loop3A_970, %parallel_loop3A_971] {strides = array<i32>} : memref<400x64xf32, #tpu.memory_space<vmem>>, vector<1x16xf32>,
        %parallel_loop3A_973 = vector.shape_cast %parallel_loop3A_972 : vector<1x16xf32> to vector<16xf32>
        %parallel_loop3A_974 = arith.constant 18 : i32
        %parallel_loop3A_975 = arith.addi %parallel_loop3A_271, %parallel_loop3A_974 : i32
        %parallel_loop3A_976 = arith.index_cast %parallel_loop3A_975 : i32 to index
        %parallel_loop3A_977 = arith.constant 48 : index
        %parallel_loop3A_978 = tpu.vector_load %arg11[%parallel_loop3A_976, %parallel_loop3A_977] {strides = array<i32>} : memref<400x64xf32, #tpu.memory_space<vmem>>, vector<1x16xf32>,
        %parallel_loop3A_979 = vector.shape_cast %parallel_loop3A_978 : vector<1x16xf32> to vector<16xf32>
        %parallel_loop3A_980 = arith.mulf %parallel_loop3A_257, %parallel_loop3A_961 : vector<16xf32>
        %parallel_loop3A_981 = arith.mulf %parallel_loop3A_261, %parallel_loop3A_967 : vector<16xf32>
        %parallel_loop3A_982 = arith.addf %parallel_loop3A_980, %parallel_loop3A_981 : vector<16xf32>
        %parallel_loop3A_983 = arith.mulf %parallel_loop3A_265, %parallel_loop3A_973 : vector<16xf32>
        %parallel_loop3A_984 = arith.mulf %parallel_loop3A_269, %parallel_loop3A_979 : vector<16xf32>
        %parallel_loop3A_985 = arith.addf %parallel_loop3A_983, %parallel_loop3A_984 : vector<16xf32>
        %parallel_loop3A_986 = arith.addf %parallel_loop3A_982, %parallel_loop3A_985 : vector<16xf32>
        %parallel_loop3A_987 = arith.constant 18 : i32
        %parallel_loop3A_988 = arith.addi %parallel_loop3A_271, %parallel_loop3A_987 : i32
        %parallel_loop3A_989 = arith.index_cast %parallel_loop3A_988 : i32 to index
        %parallel_loop3A_990 = arith.constant 0 : index
        %parallel_loop3A_991 = tpu.vector_load %arg13[%parallel_loop3A_989, %parallel_loop3A_990] {strides = array<i32>} : memref<400x16xf32, #tpu.memory_space<vmem>>, vector<1x16xf32>,
        %parallel_loop3A_992 = vector.shape_cast %parallel_loop3A_991 : vector<1x16xf32> to vector<16xf32>
        %parallel_loop3A_993 = vector.shape_cast %parallel_loop3A_986 : vector<16xf32> to vector<1x16xf32>
        tpu.vector_store %arg13[%parallel_loop3A_989, %parallel_loop3A_990], %parallel_loop3A_993 {strides = array<i32>} : memref<400x16xf32, #tpu.memory_space<vmem>>, vector<1x16xf32>,
        %parallel_loop3A_994 = arith.constant 19 : i32
        %parallel_loop3A_995 = arith.addi %parallel_loop3A_271, %parallel_loop3A_994 : i32
        %parallel_loop3A_996 = arith.index_cast %parallel_loop3A_995 : i32 to index
        %parallel_loop3A_997 = arith.constant 0 : index
        %parallel_loop3A_998 = tpu.vector_load %arg11[%parallel_loop3A_996, %parallel_loop3A_997] {strides = array<i32>} : memref<400x64xf32, #tpu.memory_space<vmem>>, vector<1x16xf32>,
        %parallel_loop3A_999 = vector.shape_cast %parallel_loop3A_998 : vector<1x16xf32> to vector<16xf32>
        %parallel_loop3A_1000 = arith.constant 19 : i32
        %parallel_loop3A_1001 = arith.addi %parallel_loop3A_271, %parallel_loop3A_1000 : i32
        %parallel_loop3A_1002 = arith.index_cast %parallel_loop3A_1001 : i32 to index
        %parallel_loop3A_1003 = arith.constant 16 : index
        %parallel_loop3A_1004 = tpu.vector_load %arg11[%parallel_loop3A_1002, %parallel_loop3A_1003] {strides = array<i32>} : memref<400x64xf32, #tpu.memory_space<vmem>>, vector<1x16xf32>,
        %parallel_loop3A_1005 = vector.shape_cast %parallel_loop3A_1004 : vector<1x16xf32> to vector<16xf32>
        %parallel_loop3A_1006 = arith.constant 19 : i32
        %parallel_loop3A_1007 = arith.addi %parallel_loop3A_271, %parallel_loop3A_1006 : i32
        %parallel_loop3A_1008 = arith.index_cast %parallel_loop3A_1007 : i32 to index
        %parallel_loop3A_1009 = arith.constant 32 : index
        %parallel_loop3A_1010 = tpu.vector_load %arg11[%parallel_loop3A_1008, %parallel_loop3A_1009] {strides = array<i32>} : memref<400x64xf32, #tpu.memory_space<vmem>>, vector<1x16xf32>,
        %parallel_loop3A_1011 = vector.shape_cast %parallel_loop3A_1010 : vector<1x16xf32> to vector<16xf32>
        %parallel_loop3A_1012 = arith.constant 19 : i32
        %parallel_loop3A_1013 = arith.addi %parallel_loop3A_271, %parallel_loop3A_1012 : i32
        %parallel_loop3A_1014 = arith.index_cast %parallel_loop3A_1013 : i32 to index
        %parallel_loop3A_1015 = arith.constant 48 : index
        %parallel_loop3A_1016 = tpu.vector_load %arg11[%parallel_loop3A_1014, %parallel_loop3A_1015] {strides = array<i32>} : memref<400x64xf32, #tpu.memory_space<vmem>>, vector<1x16xf32>,
        %parallel_loop3A_1017 = vector.shape_cast %parallel_loop3A_1016 : vector<1x16xf32> to vector<16xf32>
        %parallel_loop3A_1018 = arith.mulf %parallel_loop3A_257, %parallel_loop3A_999 : vector<16xf32>
        %parallel_loop3A_1019 = arith.mulf %parallel_loop3A_261, %parallel_loop3A_1005 : vector<16xf32>
        %parallel_loop3A_1020 = arith.addf %parallel_loop3A_1018, %parallel_loop3A_1019 : vector<16xf32>
        %parallel_loop3A_1021 = arith.mulf %parallel_loop3A_265, %parallel_loop3A_1011 : vector<16xf32>
        %parallel_loop3A_1022 = arith.mulf %parallel_loop3A_269, %parallel_loop3A_1017 : vector<16xf32>
        %parallel_loop3A_1023 = arith.addf %parallel_loop3A_1021, %parallel_loop3A_1022 : vector<16xf32>
        %parallel_loop3A_1024 = arith.addf %parallel_loop3A_1020, %parallel_loop3A_1023 : vector<16xf32>
        %parallel_loop3A_1025 = arith.constant 19 : i32
        %parallel_loop3A_1026 = arith.addi %parallel_loop3A_271, %parallel_loop3A_1025 : i32
        %parallel_loop3A_1027 = arith.index_cast %parallel_loop3A_1026 : i32 to index
        %parallel_loop3A_1028 = arith.constant 0 : index
        %parallel_loop3A_1029 = tpu.vector_load %arg13[%parallel_loop3A_1027, %parallel_loop3A_1028] {strides = array<i32>} : memref<400x16xf32, #tpu.memory_space<vmem>>, vector<1x16xf32>,
        %parallel_loop3A_1030 = vector.shape_cast %parallel_loop3A_1029 : vector<1x16xf32> to vector<16xf32>
        %parallel_loop3A_1031 = vector.shape_cast %parallel_loop3A_1024 : vector<16xf32> to vector<1x16xf32>
        tpu.vector_store %arg13[%parallel_loop3A_1027, %parallel_loop3A_1028], %parallel_loop3A_1031 {strides = array<i32>} : memref<400x16xf32, #tpu.memory_space<vmem>>, vector<1x16xf32>,
        %parallel_loop3A_1032 = arith.constant 20 : i32
        %parallel_loop3A_1033 = arith.addi %parallel_loop3A_271, %parallel_loop3A_1032 : i32
        %parallel_loop3A_1034 = arith.index_cast %parallel_loop3A_1033 : i32 to index
        %parallel_loop3A_1035 = arith.constant 0 : index
        %parallel_loop3A_1036 = tpu.vector_load %arg11[%parallel_loop3A_1034, %parallel_loop3A_1035] {strides = array<i32>} : memref<400x64xf32, #tpu.memory_space<vmem>>, vector<1x16xf32>,
        %parallel_loop3A_1037 = vector.shape_cast %parallel_loop3A_1036 : vector<1x16xf32> to vector<16xf32>
        %parallel_loop3A_1038 = arith.constant 20 : i32
        %parallel_loop3A_1039 = arith.addi %parallel_loop3A_271, %parallel_loop3A_1038 : i32
        %parallel_loop3A_1040 = arith.index_cast %parallel_loop3A_1039 : i32 to index
        %parallel_loop3A_1041 = arith.constant 16 : index
        %parallel_loop3A_1042 = tpu.vector_load %arg11[%parallel_loop3A_1040, %parallel_loop3A_1041] {strides = array<i32>} : memref<400x64xf32, #tpu.memory_space<vmem>>, vector<1x16xf32>,
        %parallel_loop3A_1043 = vector.shape_cast %parallel_loop3A_1042 : vector<1x16xf32> to vector<16xf32>
        %parallel_loop3A_1044 = arith.constant 20 : i32
        %parallel_loop3A_1045 = arith.addi %parallel_loop3A_271, %parallel_loop3A_1044 : i32
        %parallel_loop3A_1046 = arith.index_cast %parallel_loop3A_1045 : i32 to index
        %parallel_loop3A_1047 = arith.constant 32 : index
        %parallel_loop3A_1048 = tpu.vector_load %arg11[%parallel_loop3A_1046, %parallel_loop3A_1047] {strides = array<i32>} : memref<400x64xf32, #tpu.memory_space<vmem>>, vector<1x16xf32>,
        %parallel_loop3A_1049 = vector.shape_cast %parallel_loop3A_1048 : vector<1x16xf32> to vector<16xf32>
        %parallel_loop3A_1050 = arith.constant 20 : i32
        %parallel_loop3A_1051 = arith.addi %parallel_loop3A_271, %parallel_loop3A_1050 : i32
        %parallel_loop3A_1052 = arith.index_cast %parallel_loop3A_1051 : i32 to index
        %parallel_loop3A_1053 = arith.constant 48 : index
        %parallel_loop3A_1054 = tpu.vector_load %arg11[%parallel_loop3A_1052, %parallel_loop3A_1053] {strides = array<i32>} : memref<400x64xf32, #tpu.memory_space<vmem>>, vector<1x16xf32>,
        %parallel_loop3A_1055 = vector.shape_cast %parallel_loop3A_1054 : vector<1x16xf32> to vector<16xf32>
        %parallel_loop3A_1056 = arith.mulf %parallel_loop3A_257, %parallel_loop3A_1037 : vector<16xf32>
        %parallel_loop3A_1057 = arith.mulf %parallel_loop3A_261, %parallel_loop3A_1043 : vector<16xf32>
        %parallel_loop3A_1058 = arith.addf %parallel_loop3A_1056, %parallel_loop3A_1057 : vector<16xf32>
        %parallel_loop3A_1059 = arith.mulf %parallel_loop3A_265, %parallel_loop3A_1049 : vector<16xf32>
        %parallel_loop3A_1060 = arith.mulf %parallel_loop3A_269, %parallel_loop3A_1055 : vector<16xf32>
        %parallel_loop3A_1061 = arith.addf %parallel_loop3A_1059, %parallel_loop3A_1060 : vector<16xf32>
        %parallel_loop3A_1062 = arith.addf %parallel_loop3A_1058, %parallel_loop3A_1061 : vector<16xf32>
        %parallel_loop3A_1063 = arith.constant 20 : i32
        %parallel_loop3A_1064 = arith.addi %parallel_loop3A_271, %parallel_loop3A_1063 : i32
        %parallel_loop3A_1065 = arith.index_cast %parallel_loop3A_1064 : i32 to index
        %parallel_loop3A_1066 = arith.constant 0 : index
        %parallel_loop3A_1067 = tpu.vector_load %arg13[%parallel_loop3A_1065, %parallel_loop3A_1066] {strides = array<i32>} : memref<400x16xf32, #tpu.memory_space<vmem>>, vector<1x16xf32>,
        %parallel_loop3A_1068 = vector.shape_cast %parallel_loop3A_1067 : vector<1x16xf32> to vector<16xf32>
        %parallel_loop3A_1069 = vector.shape_cast %parallel_loop3A_1062 : vector<16xf32> to vector<1x16xf32>
        tpu.vector_store %arg13[%parallel_loop3A_1065, %parallel_loop3A_1066], %parallel_loop3A_1069 {strides = array<i32>} : memref<400x16xf32, #tpu.memory_space<vmem>>, vector<1x16xf32>,
        %parallel_loop3A_1070 = arith.constant 21 : i32
        %parallel_loop3A_1071 = arith.addi %parallel_loop3A_271, %parallel_loop3A_1070 : i32
        %parallel_loop3A_1072 = arith.index_cast %parallel_loop3A_1071 : i32 to index
        %parallel_loop3A_1073 = arith.constant 0 : index
        %parallel_loop3A_1074 = tpu.vector_load %arg11[%parallel_loop3A_1072, %parallel_loop3A_1073] {strides = array<i32>} : memref<400x64xf32, #tpu.memory_space<vmem>>, vector<1x16xf32>,
        %parallel_loop3A_1075 = vector.shape_cast %parallel_loop3A_1074 : vector<1x16xf32> to vector<16xf32>
        %parallel_loop3A_1076 = arith.constant 21 : i32
        %parallel_loop3A_1077 = arith.addi %parallel_loop3A_271, %parallel_loop3A_1076 : i32
        %parallel_loop3A_1078 = arith.index_cast %parallel_loop3A_1077 : i32 to index
        %parallel_loop3A_1079 = arith.constant 16 : index
        %parallel_loop3A_1080 = tpu.vector_load %arg11[%parallel_loop3A_1078, %parallel_loop3A_1079] {strides = array<i32>} : memref<400x64xf32, #tpu.memory_space<vmem>>, vector<1x16xf32>,
        %parallel_loop3A_1081 = vector.shape_cast %parallel_loop3A_1080 : vector<1x16xf32> to vector<16xf32>
        %parallel_loop3A_1082 = arith.constant 21 : i32
        %parallel_loop3A_1083 = arith.addi %parallel_loop3A_271, %parallel_loop3A_1082 : i32
        %parallel_loop3A_1084 = arith.index_cast %parallel_loop3A_1083 : i32 to index
        %parallel_loop3A_1085 = arith.constant 32 : index
        %parallel_loop3A_1086 = tpu.vector_load %arg11[%parallel_loop3A_1084, %parallel_loop3A_1085] {strides = array<i32>} : memref<400x64xf32, #tpu.memory_space<vmem>>, vector<1x16xf32>,
        %parallel_loop3A_1087 = vector.shape_cast %parallel_loop3A_1086 : vector<1x16xf32> to vector<16xf32>
        %parallel_loop3A_1088 = arith.constant 21 : i32
        %parallel_loop3A_1089 = arith.addi %parallel_loop3A_271, %parallel_loop3A_1088 : i32
        %parallel_loop3A_1090 = arith.index_cast %parallel_loop3A_1089 : i32 to index
        %parallel_loop3A_1091 = arith.constant 48 : index
        %parallel_loop3A_1092 = tpu.vector_load %arg11[%parallel_loop3A_1090, %parallel_loop3A_1091] {strides = array<i32>} : memref<400x64xf32, #tpu.memory_space<vmem>>, vector<1x16xf32>,
        %parallel_loop3A_1093 = vector.shape_cast %parallel_loop3A_1092 : vector<1x16xf32> to vector<16xf32>
        %parallel_loop3A_1094 = arith.mulf %parallel_loop3A_257, %parallel_loop3A_1075 : vector<16xf32>
        %parallel_loop3A_1095 = arith.mulf %parallel_loop3A_261, %parallel_loop3A_1081 : vector<16xf32>
        %parallel_loop3A_1096 = arith.addf %parallel_loop3A_1094, %parallel_loop3A_1095 : vector<16xf32>
        %parallel_loop3A_1097 = arith.mulf %parallel_loop3A_265, %parallel_loop3A_1087 : vector<16xf32>
        %parallel_loop3A_1098 = arith.mulf %parallel_loop3A_269, %parallel_loop3A_1093 : vector<16xf32>
        %parallel_loop3A_1099 = arith.addf %parallel_loop3A_1097, %parallel_loop3A_1098 : vector<16xf32>
        %parallel_loop3A_1100 = arith.addf %parallel_loop3A_1096, %parallel_loop3A_1099 : vector<16xf32>
        %parallel_loop3A_1101 = arith.constant 21 : i32
        %parallel_loop3A_1102 = arith.addi %parallel_loop3A_271, %parallel_loop3A_1101 : i32
        %parallel_loop3A_1103 = arith.index_cast %parallel_loop3A_1102 : i32 to index
        %parallel_loop3A_1104 = arith.constant 0 : index
        %parallel_loop3A_1105 = tpu.vector_load %arg13[%parallel_loop3A_1103, %parallel_loop3A_1104] {strides = array<i32>} : memref<400x16xf32, #tpu.memory_space<vmem>>, vector<1x16xf32>,
        %parallel_loop3A_1106 = vector.shape_cast %parallel_loop3A_1105 : vector<1x16xf32> to vector<16xf32>
        %parallel_loop3A_1107 = vector.shape_cast %parallel_loop3A_1100 : vector<16xf32> to vector<1x16xf32>
        tpu.vector_store %arg13[%parallel_loop3A_1103, %parallel_loop3A_1104], %parallel_loop3A_1107 {strides = array<i32>} : memref<400x16xf32, #tpu.memory_space<vmem>>, vector<1x16xf32>,
        %parallel_loop3A_1108 = arith.constant 22 : i32
        %parallel_loop3A_1109 = arith.addi %parallel_loop3A_271, %parallel_loop3A_1108 : i32
        %parallel_loop3A_1110 = arith.index_cast %parallel_loop3A_1109 : i32 to index
        %parallel_loop3A_1111 = arith.constant 0 : index
        %parallel_loop3A_1112 = tpu.vector_load %arg11[%parallel_loop3A_1110, %parallel_loop3A_1111] {strides = array<i32>} : memref<400x64xf32, #tpu.memory_space<vmem>>, vector<1x16xf32>,
        %parallel_loop3A_1113 = vector.shape_cast %parallel_loop3A_1112 : vector<1x16xf32> to vector<16xf32>
        %parallel_loop3A_1114 = arith.constant 22 : i32
        %parallel_loop3A_1115 = arith.addi %parallel_loop3A_271, %parallel_loop3A_1114 : i32
        %parallel_loop3A_1116 = arith.index_cast %parallel_loop3A_1115 : i32 to index
        %parallel_loop3A_1117 = arith.constant 16 : index
        %parallel_loop3A_1118 = tpu.vector_load %arg11[%parallel_loop3A_1116, %parallel_loop3A_1117] {strides = array<i32>} : memref<400x64xf32, #tpu.memory_space<vmem>>, vector<1x16xf32>,
        %parallel_loop3A_1119 = vector.shape_cast %parallel_loop3A_1118 : vector<1x16xf32> to vector<16xf32>
        %parallel_loop3A_1120 = arith.constant 22 : i32
        %parallel_loop3A_1121 = arith.addi %parallel_loop3A_271, %parallel_loop3A_1120 : i32
        %parallel_loop3A_1122 = arith.index_cast %parallel_loop3A_1121 : i32 to index
        %parallel_loop3A_1123 = arith.constant 32 : index
        %parallel_loop3A_1124 = tpu.vector_load %arg11[%parallel_loop3A_1122, %parallel_loop3A_1123] {strides = array<i32>} : memref<400x64xf32, #tpu.memory_space<vmem>>, vector<1x16xf32>,
        %parallel_loop3A_1125 = vector.shape_cast %parallel_loop3A_1124 : vector<1x16xf32> to vector<16xf32>
        %parallel_loop3A_1126 = arith.constant 22 : i32
        %parallel_loop3A_1127 = arith.addi %parallel_loop3A_271, %parallel_loop3A_1126 : i32
        %parallel_loop3A_1128 = arith.index_cast %parallel_loop3A_1127 : i32 to index
        %parallel_loop3A_1129 = arith.constant 48 : index
        %parallel_loop3A_1130 = tpu.vector_load %arg11[%parallel_loop3A_1128, %parallel_loop3A_1129] {strides = array<i32>} : memref<400x64xf32, #tpu.memory_space<vmem>>, vector<1x16xf32>,
        %parallel_loop3A_1131 = vector.shape_cast %parallel_loop3A_1130 : vector<1x16xf32> to vector<16xf32>
        %parallel_loop3A_1132 = arith.mulf %parallel_loop3A_257, %parallel_loop3A_1113 : vector<16xf32>
        %parallel_loop3A_1133 = arith.mulf %parallel_loop3A_261, %parallel_loop3A_1119 : vector<16xf32>
        %parallel_loop3A_1134 = arith.addf %parallel_loop3A_1132, %parallel_loop3A_1133 : vector<16xf32>
        %parallel_loop3A_1135 = arith.mulf %parallel_loop3A_265, %parallel_loop3A_1125 : vector<16xf32>
        %parallel_loop3A_1136 = arith.mulf %parallel_loop3A_269, %parallel_loop3A_1131 : vector<16xf32>
        %parallel_loop3A_1137 = arith.addf %parallel_loop3A_1135, %parallel_loop3A_1136 : vector<16xf32>
        %parallel_loop3A_1138 = arith.addf %parallel_loop3A_1134, %parallel_loop3A_1137 : vector<16xf32>
        %parallel_loop3A_1139 = arith.constant 22 : i32
        %parallel_loop3A_1140 = arith.addi %parallel_loop3A_271, %parallel_loop3A_1139 : i32
        %parallel_loop3A_1141 = arith.index_cast %parallel_loop3A_1140 : i32 to index
        %parallel_loop3A_1142 = arith.constant 0 : index
        %parallel_loop3A_1143 = tpu.vector_load %arg13[%parallel_loop3A_1141, %parallel_loop3A_1142] {strides = array<i32>} : memref<400x16xf32, #tpu.memory_space<vmem>>, vector<1x16xf32>,
        %parallel_loop3A_1144 = vector.shape_cast %parallel_loop3A_1143 : vector<1x16xf32> to vector<16xf32>
        %parallel_loop3A_1145 = vector.shape_cast %parallel_loop3A_1138 : vector<16xf32> to vector<1x16xf32>
        tpu.vector_store %arg13[%parallel_loop3A_1141, %parallel_loop3A_1142], %parallel_loop3A_1145 {strides = array<i32>} : memref<400x16xf32, #tpu.memory_space<vmem>>, vector<1x16xf32>,
        %parallel_loop3A_1146 = arith.constant 23 : i32
        %parallel_loop3A_1147 = arith.addi %parallel_loop3A_271, %parallel_loop3A_1146 : i32
        %parallel_loop3A_1148 = arith.index_cast %parallel_loop3A_1147 : i32 to index
        %parallel_loop3A_1149 = arith.constant 0 : index
        %parallel_loop3A_1150 = tpu.vector_load %arg11[%parallel_loop3A_1148, %parallel_loop3A_1149] {strides = array<i32>} : memref<400x64xf32, #tpu.memory_space<vmem>>, vector<1x16xf32>,
        %parallel_loop3A_1151 = vector.shape_cast %parallel_loop3A_1150 : vector<1x16xf32> to vector<16xf32>
        %parallel_loop3A_1152 = arith.constant 23 : i32
        %parallel_loop3A_1153 = arith.addi %parallel_loop3A_271, %parallel_loop3A_1152 : i32
        %parallel_loop3A_1154 = arith.index_cast %parallel_loop3A_1153 : i32 to index
        %parallel_loop3A_1155 = arith.constant 16 : index
        %parallel_loop3A_1156 = tpu.vector_load %arg11[%parallel_loop3A_1154, %parallel_loop3A_1155] {strides = array<i32>} : memref<400x64xf32, #tpu.memory_space<vmem>>, vector<1x16xf32>,
        %parallel_loop3A_1157 = vector.shape_cast %parallel_loop3A_1156 : vector<1x16xf32> to vector<16xf32>
        %parallel_loop3A_1158 = arith.constant 23 : i32
        %parallel_loop3A_1159 = arith.addi %parallel_loop3A_271, %parallel_loop3A_1158 : i32
        %parallel_loop3A_1160 = arith.index_cast %parallel_loop3A_1159 : i32 to index
        %parallel_loop3A_1161 = arith.constant 32 : index
        %parallel_loop3A_1162 = tpu.vector_load %arg11[%parallel_loop3A_1160, %parallel_loop3A_1161] {strides = array<i32>} : memref<400x64xf32, #tpu.memory_space<vmem>>, vector<1x16xf32>,
        %parallel_loop3A_1163 = vector.shape_cast %parallel_loop3A_1162 : vector<1x16xf32> to vector<16xf32>
        %parallel_loop3A_1164 = arith.constant 23 : i32
        %parallel_loop3A_1165 = arith.addi %parallel_loop3A_271, %parallel_loop3A_1164 : i32
        %parallel_loop3A_1166 = arith.index_cast %parallel_loop3A_1165 : i32 to index
        %parallel_loop3A_1167 = arith.constant 48 : index
        %parallel_loop3A_1168 = tpu.vector_load %arg11[%parallel_loop3A_1166, %parallel_loop3A_1167] {strides = array<i32>} : memref<400x64xf32, #tpu.memory_space<vmem>>, vector<1x16xf32>,
        %parallel_loop3A_1169 = vector.shape_cast %parallel_loop3A_1168 : vector<1x16xf32> to vector<16xf32>
        %parallel_loop3A_1170 = arith.mulf %parallel_loop3A_257, %parallel_loop3A_1151 : vector<16xf32>
        %parallel_loop3A_1171 = arith.mulf %parallel_loop3A_261, %parallel_loop3A_1157 : vector<16xf32>
        %parallel_loop3A_1172 = arith.addf %parallel_loop3A_1170, %parallel_loop3A_1171 : vector<16xf32>
        %parallel_loop3A_1173 = arith.mulf %parallel_loop3A_265, %parallel_loop3A_1163 : vector<16xf32>
        %parallel_loop3A_1174 = arith.mulf %parallel_loop3A_269, %parallel_loop3A_1169 : vector<16xf32>
        %parallel_loop3A_1175 = arith.addf %parallel_loop3A_1173, %parallel_loop3A_1174 : vector<16xf32>
        %parallel_loop3A_1176 = arith.addf %parallel_loop3A_1172, %parallel_loop3A_1175 : vector<16xf32>
        %parallel_loop3A_1177 = arith.constant 23 : i32
        %parallel_loop3A_1178 = arith.addi %parallel_loop3A_271, %parallel_loop3A_1177 : i32
        %parallel_loop3A_1179 = arith.index_cast %parallel_loop3A_1178 : i32 to index
        %parallel_loop3A_1180 = arith.constant 0 : index
        %parallel_loop3A_1181 = tpu.vector_load %arg13[%parallel_loop3A_1179, %parallel_loop3A_1180] {strides = array<i32>} : memref<400x16xf32, #tpu.memory_space<vmem>>, vector<1x16xf32>,
        %parallel_loop3A_1182 = vector.shape_cast %parallel_loop3A_1181 : vector<1x16xf32> to vector<16xf32>
        %parallel_loop3A_1183 = vector.shape_cast %parallel_loop3A_1176 : vector<16xf32> to vector<1x16xf32>
        tpu.vector_store %arg13[%parallel_loop3A_1179, %parallel_loop3A_1180], %parallel_loop3A_1183 {strides = array<i32>} : memref<400x16xf32, #tpu.memory_space<vmem>>, vector<1x16xf32>,
        %parallel_loop3A_1184 = arith.constant 24 : i32
        %parallel_loop3A_1185 = arith.addi %parallel_loop3A_271, %parallel_loop3A_1184 : i32
        %parallel_loop3A_1186 = arith.index_cast %parallel_loop3A_1185 : i32 to index
        %parallel_loop3A_1187 = arith.constant 0 : index
        %parallel_loop3A_1188 = tpu.vector_load %arg11[%parallel_loop3A_1186, %parallel_loop3A_1187] {strides = array<i32>} : memref<400x64xf32, #tpu.memory_space<vmem>>, vector<1x16xf32>,
        %parallel_loop3A_1189 = vector.shape_cast %parallel_loop3A_1188 : vector<1x16xf32> to vector<16xf32>
        %parallel_loop3A_1190 = arith.constant 24 : i32
        %parallel_loop3A_1191 = arith.addi %parallel_loop3A_271, %parallel_loop3A_1190 : i32
        %parallel_loop3A_1192 = arith.index_cast %parallel_loop3A_1191 : i32 to index
        %parallel_loop3A_1193 = arith.constant 16 : index
        %parallel_loop3A_1194 = tpu.vector_load %arg11[%parallel_loop3A_1192, %parallel_loop3A_1193] {strides = array<i32>} : memref<400x64xf32, #tpu.memory_space<vmem>>, vector<1x16xf32>,
        %parallel_loop3A_1195 = vector.shape_cast %parallel_loop3A_1194 : vector<1x16xf32> to vector<16xf32>
        %parallel_loop3A_1196 = arith.constant 24 : i32
        %parallel_loop3A_1197 = arith.addi %parallel_loop3A_271, %parallel_loop3A_1196 : i32
        %parallel_loop3A_1198 = arith.index_cast %parallel_loop3A_1197 : i32 to index
        %parallel_loop3A_1199 = arith.constant 32 : index
        %parallel_loop3A_1200 = tpu.vector_load %arg11[%parallel_loop3A_1198, %parallel_loop3A_1199] {strides = array<i32>} : memref<400x64xf32, #tpu.memory_space<vmem>>, vector<1x16xf32>,
        %parallel_loop3A_1201 = vector.shape_cast %parallel_loop3A_1200 : vector<1x16xf32> to vector<16xf32>
        %parallel_loop3A_1202 = arith.constant 24 : i32
        %parallel_loop3A_1203 = arith.addi %parallel_loop3A_271, %parallel_loop3A_1202 : i32
        %parallel_loop3A_1204 = arith.index_cast %parallel_loop3A_1203 : i32 to index
        %parallel_loop3A_1205 = arith.constant 48 : index
        %parallel_loop3A_1206 = tpu.vector_load %arg11[%parallel_loop3A_1204, %parallel_loop3A_1205] {strides = array<i32>} : memref<400x64xf32, #tpu.memory_space<vmem>>, vector<1x16xf32>,
        %parallel_loop3A_1207 = vector.shape_cast %parallel_loop3A_1206 : vector<1x16xf32> to vector<16xf32>
        %parallel_loop3A_1208 = arith.mulf %parallel_loop3A_257, %parallel_loop3A_1189 : vector<16xf32>
        %parallel_loop3A_1209 = arith.mulf %parallel_loop3A_261, %parallel_loop3A_1195 : vector<16xf32>
        %parallel_loop3A_1210 = arith.addf %parallel_loop3A_1208, %parallel_loop3A_1209 : vector<16xf32>
        %parallel_loop3A_1211 = arith.mulf %parallel_loop3A_265, %parallel_loop3A_1201 : vector<16xf32>
        %parallel_loop3A_1212 = arith.mulf %parallel_loop3A_269, %parallel_loop3A_1207 : vector<16xf32>
        %parallel_loop3A_1213 = arith.addf %parallel_loop3A_1211, %parallel_loop3A_1212 : vector<16xf32>
        %parallel_loop3A_1214 = arith.addf %parallel_loop3A_1210, %parallel_loop3A_1213 : vector<16xf32>
        %parallel_loop3A_1215 = arith.constant 24 : i32
        %parallel_loop3A_1216 = arith.addi %parallel_loop3A_271, %parallel_loop3A_1215 : i32
        %parallel_loop3A_1217 = arith.index_cast %parallel_loop3A_1216 : i32 to index
        %parallel_loop3A_1218 = arith.constant 0 : index
        %parallel_loop3A_1219 = tpu.vector_load %arg13[%parallel_loop3A_1217, %parallel_loop3A_1218] {strides = array<i32>} : memref<400x16xf32, #tpu.memory_space<vmem>>, vector<1x16xf32>,
        %parallel_loop3A_1220 = vector.shape_cast %parallel_loop3A_1219 : vector<1x16xf32> to vector<16xf32>
        %parallel_loop3A_1221 = vector.shape_cast %parallel_loop3A_1214 : vector<16xf32> to vector<1x16xf32>
        tpu.vector_store %arg13[%parallel_loop3A_1217, %parallel_loop3A_1218], %parallel_loop3A_1221 {strides = array<i32>} : memref<400x16xf32, #tpu.memory_space<vmem>>, vector<1x16xf32>,
      } {sc.loop_unroll_factor = 1 : i64, sc.parallel_access}
      %mul3A_173 = arith.constant 16 : i32
      %mul3A_174 = arith.muli %mul3A_66, %mul3A_173 : i32
      %add3A_175 = arith.addi %mul3A_2, %mul3A_174 : i32
      %mul3A_176 = arith.constant 25 : i32
      %mul3A_177 = arith.muli %add3A_175, %mul3A_176 : i32
      %dma_start3A_178 = arith.constant 0 : i32
      %dma_start3A_179 = tpu.memref_slice %arg6[%mul3A_177, %dma_start3A_178] : memref<409600x16xf32, #tpu.memory_space<hbm>> -> memref<400x16xf32, #tpu.memory_space<hbm>>
      %dma_start3A_180 = arith.constant 0 : i32
      %dma_start3A_181 = tpu.memref_slice %arg6[%mul3A_177, %dma_start3A_180] : memref<409600x16xf32, #tpu.memory_space<hbm>> -> memref<400x16xf32, #tpu.memory_space<hbm>>
      tpu.enqueue_dma source(%arg13 : memref<400x16xf32, #tpu.memory_space<vmem>>) target(%dma_start3A_181 : memref<400x16xf32, #tpu.memory_space<hbm>>) target_semaphore(%arg17 : memref<!tpu.dma_semaphore, #tpu.memory_space<semaphore_mem>>)
      %lt3A = arith.constant 15 : i32
      %lt3A_182 = arith.cmpi slt, %add3A_64, %lt3A : i32
      %convert_element_type3A_183 = arith.extui %lt3A_182 : i1 to i32
      %cond3A_184 = arith.constant 0 : i32
      %cond3A_185 = arith.cmpi ne, %convert_element_type3A_183, %cond3A_184 : i32
      scf.if %cond3A_185 {
        %add3A_253 = arith.constant 2 : i32
        %add3A_254 = arith.addi %mul3A_66, %add3A_253 : i32
        %mul3A_255 = arith.constant 16 : i32
        %mul3A_256 = arith.muli %add3A_254, %mul3A_255 : i32
        %mul3A_257 = arith.constant 400 : i32
        %mul3A_258 = arith.muli %add3A_254, %mul3A_257 : i32
        %add3A_259 = arith.constant 0 : i32
        %add3A_260 = arith.addi %mul3A_258, %add3A_259 : i32
        %mul3A_261 = arith.constant 400 : i32
        %mul3A_262 = arith.muli %add3A_254, %mul3A_261 : i32
        %add3A_263 = arith.constant 128 : i32
        %add3A_264 = arith.addi %mul3A_262, %add3A_263 : i32
        %mul3A_265 = arith.constant 400 : i32
        %mul3A_266 = arith.muli %add3A_254, %mul3A_265 : i32
        %add3A_267 = arith.constant 256 : i32
        %add3A_268 = arith.addi %mul3A_266, %add3A_267 : i32
        %mul3A_269 = arith.constant 400 : i32
        %mul3A_270 = arith.muli %add3A_254, %mul3A_269 : i32
        %add3A_271 = arith.constant 384 : i32
        %add3A_272 = arith.addi %mul3A_270, %add3A_271 : i32
        %dma_start3A_273 = tpu.memref_slice %arg7[%mul3A_256] : memref<512xi32, #tpu.memory_space<vmem>> -> memref<16xi32, #tpu.memory_space<vmem>>
        %dma_start3A_274 = arith.constant 0 : i32
        %dma_start3A_275 = arith.constant 0 : i32
        %dma_start3A_276 = tpu.memref_slice %arg4[%dma_start3A_274, %dma_start3A_275] : memref<1000000x64xf32, #tpu.memory_space<hbm>> -> memref<1000000x64xf32, #tpu.memory_space<hbm>>
        tpu.enqueue_indirect_dma source(%dma_start3A_276 : memref<1000000x64xf32, #tpu.memory_space<hbm>>) target(%arg9 : memref<16x64xf32, #tpu.memory_space<vmem>>) offsets(%dma_start3A_273 : memref<16xi32, #tpu.memory_space<vmem>>) semaphore(%arg15 : memref<!tpu.dma_semaphore, #tpu.memory_space<semaphore_mem>>)
        %dma_start3A_277 = arith.constant 0 : i32
        %dma_start3A_278 = arith.constant 0 : i32
        %dma_start3A_279 = tpu.memref_slice %arg11[%dma_start3A_277, %dma_start3A_278] : memref<400x64xf32, #tpu.memory_space<vmem>> -> memref<128x64xf32, #tpu.memory_space<vmem>>
        %dma_start3A_280 = tpu.memref_slice %arg8[%add3A_260] : memref<12800xi32, #tpu.memory_space<vmem>> -> memref<128xi32, #tpu.memory_space<vmem>>
        %dma_start3A_281 = arith.constant 0 : i32
        %dma_start3A_282 = arith.constant 0 : i32
        %dma_start3A_283 = tpu.memref_slice %arg5[%dma_start3A_281, %dma_start3A_282] : memref<1000000x64xf32, #tpu.memory_space<hbm>> -> memref<1000000x64xf32, #tpu.memory_space<hbm>>
        tpu.enqueue_indirect_dma source(%dma_start3A_283 : memref<1000000x64xf32, #tpu.memory_space<hbm>>) target(%dma_start3A_279 : memref<128x64xf32, #tpu.memory_space<vmem>>) offsets(%dma_start3A_280 : memref<128xi32, #tpu.memory_space<vmem>>) semaphore(%arg15 : memref<!tpu.dma_semaphore, #tpu.memory_space<semaphore_mem>>)
        %dma_start3A_284 = arith.constant 128 : i32
        %dma_start3A_285 = arith.constant 0 : i32
        %dma_start3A_286 = tpu.memref_slice %arg11[%dma_start3A_284, %dma_start3A_285] : memref<400x64xf32, #tpu.memory_space<vmem>> -> memref<128x64xf32, #tpu.memory_space<vmem>>
        %dma_start3A_287 = tpu.memref_slice %arg8[%add3A_264] : memref<12800xi32, #tpu.memory_space<vmem>> -> memref<128xi32, #tpu.memory_space<vmem>>
        %dma_start3A_288 = arith.constant 0 : i32
        %dma_start3A_289 = arith.constant 0 : i32
        %dma_start3A_290 = tpu.memref_slice %arg5[%dma_start3A_288, %dma_start3A_289] : memref<1000000x64xf32, #tpu.memory_space<hbm>> -> memref<1000000x64xf32, #tpu.memory_space<hbm>>
        tpu.enqueue_indirect_dma source(%dma_start3A_290 : memref<1000000x64xf32, #tpu.memory_space<hbm>>) target(%dma_start3A_286 : memref<128x64xf32, #tpu.memory_space<vmem>>) offsets(%dma_start3A_287 : memref<128xi32, #tpu.memory_space<vmem>>) semaphore(%arg15 : memref<!tpu.dma_semaphore, #tpu.memory_space<semaphore_mem>>)
        %dma_start3A_291 = arith.constant 256 : i32
        %dma_start3A_292 = arith.constant 0 : i32
        %dma_start3A_293 = tpu.memref_slice %arg11[%dma_start3A_291, %dma_start3A_292] : memref<400x64xf32, #tpu.memory_space<vmem>> -> memref<128x64xf32, #tpu.memory_space<vmem>>
        %dma_start3A_294 = tpu.memref_slice %arg8[%add3A_268] : memref<12800xi32, #tpu.memory_space<vmem>> -> memref<128xi32, #tpu.memory_space<vmem>>
        %dma_start3A_295 = arith.constant 0 : i32
        %dma_start3A_296 = arith.constant 0 : i32
        %dma_start3A_297 = tpu.memref_slice %arg5[%dma_start3A_295, %dma_start3A_296] : memref<1000000x64xf32, #tpu.memory_space<hbm>> -> memref<1000000x64xf32, #tpu.memory_space<hbm>>
        tpu.enqueue_indirect_dma source(%dma_start3A_297 : memref<1000000x64xf32, #tpu.memory_space<hbm>>) target(%dma_start3A_293 : memref<128x64xf32, #tpu.memory_space<vmem>>) offsets(%dma_start3A_294 : memref<128xi32, #tpu.memory_space<vmem>>) semaphore(%arg15 : memref<!tpu.dma_semaphore, #tpu.memory_space<semaphore_mem>>)
        %dma_start3A_298 = arith.constant 384 : i32
        %dma_start3A_299 = arith.constant 0 : i32
        %dma_start3A_300 = tpu.memref_slice %arg11[%dma_start3A_298, %dma_start3A_299] : memref<400x64xf32, #tpu.memory_space<vmem>> -> memref<16x64xf32, #tpu.memory_space<vmem>>
        %dma_start3A_301 = tpu.memref_slice %arg8[%add3A_272] : memref<12800xi32, #tpu.memory_space<vmem>> -> memref<16xi32, #tpu.memory_space<vmem>>
        %dma_start3A_302 = arith.constant 0 : i32
        %dma_start3A_303 = arith.constant 0 : i32
        %dma_start3A_304 = tpu.memref_slice %arg5[%dma_start3A_302, %dma_start3A_303] : memref<1000000x64xf32, #tpu.memory_space<hbm>> -> memref<1000000x64xf32, #tpu.memory_space<hbm>>
        tpu.enqueue_indirect_dma source(%dma_start3A_304 : memref<1000000x64xf32, #tpu.memory_space<hbm>>) target(%dma_start3A_300 : memref<16x64xf32, #tpu.memory_space<vmem>>) offsets(%dma_start3A_301 : memref<16xi32, #tpu.memory_space<vmem>>) semaphore(%arg15 : memref<!tpu.dma_semaphore, #tpu.memory_space<semaphore_mem>>)
      } else {
      }
      %mul3A_186 = arith.constant 16 : i32
      %mul3A_187 = arith.muli %add3A_68, %mul3A_186 : i32
      %mul3A_188 = arith.constant 400 : i32
      %mul3A_189 = arith.muli %add3A_68, %mul3A_188 : i32
      %add3A_190 = arith.constant 0 : i32
      %add3A_191 = arith.addi %mul3A_189, %add3A_190 : i32
      %mul3A_192 = arith.constant 400 : i32
      %mul3A_193 = arith.muli %add3A_68, %mul3A_192 : i32
      %add3A_194 = arith.constant 128 : i32
      %add3A_195 = arith.addi %mul3A_193, %add3A_194 : i32
      %mul3A_196 = arith.constant 400 : i32
      %mul3A_197 = arith.muli %add3A_68, %mul3A_196 : i32
      %add3A_198 = arith.constant 256 : i32
      %add3A_199 = arith.addi %mul3A_197, %add3A_198 : i32
      %mul3A_200 = arith.constant 400 : i32
      %mul3A_201 = arith.muli %add3A_68, %mul3A_200 : i32
      %add3A_202 = arith.constant 384 : i32
      %add3A_203 = arith.addi %mul3A_201, %add3A_202 : i32
      %dma_wait3A_204 = tpu.memref_slice %arg7[%mul3A_187] : memref<512xi32, #tpu.memory_space<vmem>> -> memref<16xi32, #tpu.memory_space<vmem>>
      %dma_wait3A_205 = arith.constant 0 : i32
      %dma_wait3A_206 = arith.constant 0 : i32
      %dma_wait3A_207 = tpu.memref_slice %arg4[%dma_wait3A_205, %dma_wait3A_206] : memref<1000000x64xf32, #tpu.memory_space<hbm>> -> memref<1000000x64xf32, #tpu.memory_space<hbm>>
      tpu.wait_indirect_dma semaphore(%arg16 : memref<!tpu.dma_semaphore, #tpu.memory_space<semaphore_mem>>) src(%dma_wait3A_207 : memref<1000000x64xf32, #tpu.memory_space<hbm>>) dst(%arg10 : memref<16x64xf32, #tpu.memory_space<vmem>>)
      %dma_wait3A_208 = arith.constant 0 : i32
      %dma_wait3A_209 = arith.constant 0 : i32
      %dma_wait3A_210 = tpu.memref_slice %arg12[%dma_wait3A_208, %dma_wait3A_209] : memref<400x64xf32, #tpu.memory_space<vmem>> -> memref<128x64xf32, #tpu.memory_space<vmem>>
      %dma_wait3A_211 = tpu.memref_slice %arg8[%add3A_191] : memref<12800xi32, #tpu.memory_space<vmem>> -> memref<128xi32, #tpu.memory_space<vmem>>
      %dma_wait3A_212 = arith.constant 0 : i32
      %dma_wait3A_213 = arith.constant 0 : i32
      %dma_wait3A_214 = tpu.memref_slice %arg5[%dma_wait3A_212, %dma_wait3A_213] : memref<1000000x64xf32, #tpu.memory_space<hbm>> -> memref<1000000x64xf32, #tpu.memory_space<hbm>>
      tpu.wait_indirect_dma semaphore(%arg16 : memref<!tpu.dma_semaphore, #tpu.memory_space<semaphore_mem>>) src(%dma_wait3A_214 : memref<1000000x64xf32, #tpu.memory_space<hbm>>) dst(%dma_wait3A_210 : memref<128x64xf32, #tpu.memory_space<vmem>>)
      %dma_wait3A_215 = arith.constant 128 : i32
      %dma_wait3A_216 = arith.constant 0 : i32
      %dma_wait3A_217 = tpu.memref_slice %arg12[%dma_wait3A_215, %dma_wait3A_216] : memref<400x64xf32, #tpu.memory_space<vmem>> -> memref<128x64xf32, #tpu.memory_space<vmem>>
      %dma_wait3A_218 = tpu.memref_slice %arg8[%add3A_195] : memref<12800xi32, #tpu.memory_space<vmem>> -> memref<128xi32, #tpu.memory_space<vmem>>
      %dma_wait3A_219 = arith.constant 0 : i32
      %dma_wait3A_220 = arith.constant 0 : i32
      %dma_wait3A_221 = tpu.memref_slice %arg5[%dma_wait3A_219, %dma_wait3A_220] : memref<1000000x64xf32, #tpu.memory_space<hbm>> -> memref<1000000x64xf32, #tpu.memory_space<hbm>>
      tpu.wait_indirect_dma semaphore(%arg16 : memref<!tpu.dma_semaphore, #tpu.memory_space<semaphore_mem>>) src(%dma_wait3A_221 : memref<1000000x64xf32, #tpu.memory_space<hbm>>) dst(%dma_wait3A_217 : memref<128x64xf32, #tpu.memory_space<vmem>>)
      %dma_wait3A_222 = arith.constant 256 : i32
      %dma_wait3A_223 = arith.constant 0 : i32
      %dma_wait3A_224 = tpu.memref_slice %arg12[%dma_wait3A_222, %dma_wait3A_223] : memref<400x64xf32, #tpu.memory_space<vmem>> -> memref<128x64xf32, #tpu.memory_space<vmem>>
      %dma_wait3A_225 = tpu.memref_slice %arg8[%add3A_199] : memref<12800xi32, #tpu.memory_space<vmem>> -> memref<128xi32, #tpu.memory_space<vmem>>
      %dma_wait3A_226 = arith.constant 0 : i32
      %dma_wait3A_227 = arith.constant 0 : i32
      %dma_wait3A_228 = tpu.memref_slice %arg5[%dma_wait3A_226, %dma_wait3A_227] : memref<1000000x64xf32, #tpu.memory_space<hbm>> -> memref<1000000x64xf32, #tpu.memory_space<hbm>>
      tpu.wait_indirect_dma semaphore(%arg16 : memref<!tpu.dma_semaphore, #tpu.memory_space<semaphore_mem>>) src(%dma_wait3A_228 : memref<1000000x64xf32, #tpu.memory_space<hbm>>) dst(%dma_wait3A_224 : memref<128x64xf32, #tpu.memory_space<vmem>>)
      %dma_wait3A_229 = arith.constant 384 : i32
      %dma_wait3A_230 = arith.constant 0 : i32
      %dma_wait3A_231 = tpu.memref_slice %arg12[%dma_wait3A_229, %dma_wait3A_230] : memref<400x64xf32, #tpu.memory_space<vmem>> -> memref<16x64xf32, #tpu.memory_space<vmem>>
      %dma_wait3A_232 = tpu.memref_slice %arg8[%add3A_203] : memref<12800xi32, #tpu.memory_space<vmem>> -> memref<16xi32, #tpu.memory_space<vmem>>
      %dma_wait3A_233 = arith.constant 0 : i32
      %dma_wait3A_234 = arith.constant 0 : i32
      %dma_wait3A_235 = tpu.memref_slice %arg5[%dma_wait3A_233, %dma_wait3A_234] : memref<1000000x64xf32, #tpu.memory_space<hbm>> -> memref<1000000x64xf32, #tpu.memory_space<hbm>>
      tpu.wait_indirect_dma semaphore(%arg16 : memref<!tpu.dma_semaphore, #tpu.memory_space<semaphore_mem>>) src(%dma_wait3A_235 : memref<1000000x64xf32, #tpu.memory_space<hbm>>) dst(%dma_wait3A_231 : memref<16x64xf32, #tpu.memory_space<vmem>>)
      %gt3A_236 = arith.constant 0 : i32
      %gt3A_237 = arith.cmpi sgt, %add3A_64, %gt3A_236 : i32
      %convert_element_type3A_238 = arith.extui %gt3A_237 : i1 to i32
      %cond3A_239 = arith.constant 0 : i32
      %cond3A_240 = arith.cmpi ne, %convert_element_type3A_238, %cond3A_239 : i32
      scf.if %cond3A_240 {
        %sub3A = arith.constant 2 : i32
        %sub3A_253 = arith.subi %add3A_68, %sub3A : i32
        %mul3A_254 = arith.constant 16 : i32
        %mul3A_255 = arith.muli %sub3A_253, %mul3A_254 : i32
        %add3A_256 = arith.addi %mul3A_2, %mul3A_255 : i32
        %mul3A_257 = arith.constant 25 : i32
        %mul3A_258 = arith.muli %add3A_256, %mul3A_257 : i32
        %dma_wait3A_259 = arith.constant 0 : i32
        %dma_wait3A_260 = tpu.memref_slice %arg6[%mul3A_258, %dma_wait3A_259] : memref<409600x16xf32, #tpu.memory_space<hbm>> -> memref<400x16xf32, #tpu.memory_space<hbm>>
        %dma_wait3A_261 = arith.constant 0 : i32
        %dma_wait3A_262 = tpu.memref_slice %arg6[%mul3A_258, %dma_wait3A_261] : memref<409600x16xf32, #tpu.memory_space<hbm>> -> memref<400x16xf32, #tpu.memory_space<hbm>>
        tpu.wait_dma2 semaphore(%arg18 : memref<!tpu.dma_semaphore, #tpu.memory_space<semaphore_mem>>) src(%arg14 : memref<400x16xf32, #tpu.memory_space<vmem>>) dst(%dma_wait3A_262 : memref<400x16xf32, #tpu.memory_space<hbm>>)
      } else {
      }
      %parallel_loop3A_241 = arith.constant 0 : i32
      %parallel_loop3A_242 = arith.constant 16 : i32
      %parallel_loop3A_243 = arith.constant 1 : i32
      scf.for %parallel_loop3A_253 = %parallel_loop3A_241 to %parallel_loop3A_242 step %parallel_loop3A_243  : i32 {
        %parallel_loop3A_254 = arith.index_cast %parallel_loop3A_253 : i32 to index
        %parallel_loop3A_255 = arith.constant 0 : index
        %parallel_loop3A_256 = tpu.vector_load %arg10[%parallel_loop3A_254, %parallel_loop3A_255] {strides = array<i32>} : memref<16x64xf32, #tpu.memory_space<vmem>>, vector<1x16xf32>,
        %parallel_loop3A_257 = vector.shape_cast %parallel_loop3A_256 : vector<1x16xf32> to vector<16xf32>
        %parallel_loop3A_258 = arith.index_cast %parallel_loop3A_253 : i32 to index
        %parallel_loop3A_259 = arith.constant 16 : index
        %parallel_loop3A_260 = tpu.vector_load %arg10[%parallel_loop3A_258, %parallel_loop3A_259] {strides = array<i32>} : memref<16x64xf32, #tpu.memory_space<vmem>>, vector<1x16xf32>,
        %parallel_loop3A_261 = vector.shape_cast %parallel_loop3A_260 : vector<1x16xf32> to vector<16xf32>
        %parallel_loop3A_262 = arith.index_cast %parallel_loop3A_253 : i32 to index
        %parallel_loop3A_263 = arith.constant 32 : index
        %parallel_loop3A_264 = tpu.vector_load %arg10[%parallel_loop3A_262, %parallel_loop3A_263] {strides = array<i32>} : memref<16x64xf32, #tpu.memory_space<vmem>>, vector<1x16xf32>,
        %parallel_loop3A_265 = vector.shape_cast %parallel_loop3A_264 : vector<1x16xf32> to vector<16xf32>
        %parallel_loop3A_266 = arith.index_cast %parallel_loop3A_253 : i32 to index
        %parallel_loop3A_267 = arith.constant 48 : index
        %parallel_loop3A_268 = tpu.vector_load %arg10[%parallel_loop3A_266, %parallel_loop3A_267] {strides = array<i32>} : memref<16x64xf32, #tpu.memory_space<vmem>>, vector<1x16xf32>,
        %parallel_loop3A_269 = vector.shape_cast %parallel_loop3A_268 : vector<1x16xf32> to vector<16xf32>
        %parallel_loop3A_270 = arith.constant 25 : i32
        %parallel_loop3A_271 = arith.muli %parallel_loop3A_253, %parallel_loop3A_270 : i32
        %parallel_loop3A_272 = arith.constant 0 : i32
        %parallel_loop3A_273 = arith.addi %parallel_loop3A_271, %parallel_loop3A_272 : i32
        %parallel_loop3A_274 = arith.index_cast %parallel_loop3A_273 : i32 to index
        %parallel_loop3A_275 = arith.constant 0 : index
        %parallel_loop3A_276 = tpu.vector_load %arg12[%parallel_loop3A_274, %parallel_loop3A_275] {strides = array<i32>} : memref<400x64xf32, #tpu.memory_space<vmem>>, vector<1x16xf32>,
        %parallel_loop3A_277 = vector.shape_cast %parallel_loop3A_276 : vector<1x16xf32> to vector<16xf32>
        %parallel_loop3A_278 = arith.constant 0 : i32
        %parallel_loop3A_279 = arith.addi %parallel_loop3A_271, %parallel_loop3A_278 : i32
        %parallel_loop3A_280 = arith.index_cast %parallel_loop3A_279 : i32 to index
        %parallel_loop3A_281 = arith.constant 16 : index
        %parallel_loop3A_282 = tpu.vector_load %arg12[%parallel_loop3A_280, %parallel_loop3A_281] {strides = array<i32>} : memref<400x64xf32, #tpu.memory_space<vmem>>, vector<1x16xf32>,
        %parallel_loop3A_283 = vector.shape_cast %parallel_loop3A_282 : vector<1x16xf32> to vector<16xf32>
        %parallel_loop3A_284 = arith.constant 0 : i32
        %parallel_loop3A_285 = arith.addi %parallel_loop3A_271, %parallel_loop3A_284 : i32
        %parallel_loop3A_286 = arith.index_cast %parallel_loop3A_285 : i32 to index
        %parallel_loop3A_287 = arith.constant 32 : index
        %parallel_loop3A_288 = tpu.vector_load %arg12[%parallel_loop3A_286, %parallel_loop3A_287] {strides = array<i32>} : memref<400x64xf32, #tpu.memory_space<vmem>>, vector<1x16xf32>,
        %parallel_loop3A_289 = vector.shape_cast %parallel_loop3A_288 : vector<1x16xf32> to vector<16xf32>
        %parallel_loop3A_290 = arith.constant 0 : i32
        %parallel_loop3A_291 = arith.addi %parallel_loop3A_271, %parallel_loop3A_290 : i32
        %parallel_loop3A_292 = arith.index_cast %parallel_loop3A_291 : i32 to index
        %parallel_loop3A_293 = arith.constant 48 : index
        %parallel_loop3A_294 = tpu.vector_load %arg12[%parallel_loop3A_292, %parallel_loop3A_293] {strides = array<i32>} : memref<400x64xf32, #tpu.memory_space<vmem>>, vector<1x16xf32>,
        %parallel_loop3A_295 = vector.shape_cast %parallel_loop3A_294 : vector<1x16xf32> to vector<16xf32>
        %parallel_loop3A_296 = arith.mulf %parallel_loop3A_257, %parallel_loop3A_277 : vector<16xf32>
        %parallel_loop3A_297 = arith.mulf %parallel_loop3A_261, %parallel_loop3A_283 : vector<16xf32>
        %parallel_loop3A_298 = arith.addf %parallel_loop3A_296, %parallel_loop3A_297 : vector<16xf32>
        %parallel_loop3A_299 = arith.mulf %parallel_loop3A_265, %parallel_loop3A_289 : vector<16xf32>
        %parallel_loop3A_300 = arith.mulf %parallel_loop3A_269, %parallel_loop3A_295 : vector<16xf32>
        %parallel_loop3A_301 = arith.addf %parallel_loop3A_299, %parallel_loop3A_300 : vector<16xf32>
        %parallel_loop3A_302 = arith.addf %parallel_loop3A_298, %parallel_loop3A_301 : vector<16xf32>
        %parallel_loop3A_303 = arith.constant 0 : i32
        %parallel_loop3A_304 = arith.addi %parallel_loop3A_271, %parallel_loop3A_303 : i32
        %parallel_loop3A_305 = arith.index_cast %parallel_loop3A_304 : i32 to index
        %parallel_loop3A_306 = arith.constant 0 : index
        %parallel_loop3A_307 = tpu.vector_load %arg14[%parallel_loop3A_305, %parallel_loop3A_306] {strides = array<i32>} : memref<400x16xf32, #tpu.memory_space<vmem>>, vector<1x16xf32>,
        %parallel_loop3A_308 = vector.shape_cast %parallel_loop3A_307 : vector<1x16xf32> to vector<16xf32>
        %parallel_loop3A_309 = vector.shape_cast %parallel_loop3A_302 : vector<16xf32> to vector<1x16xf32>
        tpu.vector_store %arg14[%parallel_loop3A_305, %parallel_loop3A_306], %parallel_loop3A_309 {strides = array<i32>} : memref<400x16xf32, #tpu.memory_space<vmem>>, vector<1x16xf32>,
        %parallel_loop3A_310 = arith.constant 1 : i32
        %parallel_loop3A_311 = arith.addi %parallel_loop3A_271, %parallel_loop3A_310 : i32
        %parallel_loop3A_312 = arith.index_cast %parallel_loop3A_311 : i32 to index
        %parallel_loop3A_313 = arith.constant 0 : index
        %parallel_loop3A_314 = tpu.vector_load %arg12[%parallel_loop3A_312, %parallel_loop3A_313] {strides = array<i32>} : memref<400x64xf32, #tpu.memory_space<vmem>>, vector<1x16xf32>,
        %parallel_loop3A_315 = vector.shape_cast %parallel_loop3A_314 : vector<1x16xf32> to vector<16xf32>
        %parallel_loop3A_316 = arith.constant 1 : i32
        %parallel_loop3A_317 = arith.addi %parallel_loop3A_271, %parallel_loop3A_316 : i32
        %parallel_loop3A_318 = arith.index_cast %parallel_loop3A_317 : i32 to index
        %parallel_loop3A_319 = arith.constant 16 : index
        %parallel_loop3A_320 = tpu.vector_load %arg12[%parallel_loop3A_318, %parallel_loop3A_319] {strides = array<i32>} : memref<400x64xf32, #tpu.memory_space<vmem>>, vector<1x16xf32>,
        %parallel_loop3A_321 = vector.shape_cast %parallel_loop3A_320 : vector<1x16xf32> to vector<16xf32>
        %parallel_loop3A_322 = arith.constant 1 : i32
        %parallel_loop3A_323 = arith.addi %parallel_loop3A_271, %parallel_loop3A_322 : i32
        %parallel_loop3A_324 = arith.index_cast %parallel_loop3A_323 : i32 to index
        %parallel_loop3A_325 = arith.constant 32 : index
        %parallel_loop3A_326 = tpu.vector_load %arg12[%parallel_loop3A_324, %parallel_loop3A_325] {strides = array<i32>} : memref<400x64xf32, #tpu.memory_space<vmem>>, vector<1x16xf32>,
        %parallel_loop3A_327 = vector.shape_cast %parallel_loop3A_326 : vector<1x16xf32> to vector<16xf32>
        %parallel_loop3A_328 = arith.constant 1 : i32
        %parallel_loop3A_329 = arith.addi %parallel_loop3A_271, %parallel_loop3A_328 : i32
        %parallel_loop3A_330 = arith.index_cast %parallel_loop3A_329 : i32 to index
        %parallel_loop3A_331 = arith.constant 48 : index
        %parallel_loop3A_332 = tpu.vector_load %arg12[%parallel_loop3A_330, %parallel_loop3A_331] {strides = array<i32>} : memref<400x64xf32, #tpu.memory_space<vmem>>, vector<1x16xf32>,
        %parallel_loop3A_333 = vector.shape_cast %parallel_loop3A_332 : vector<1x16xf32> to vector<16xf32>
        %parallel_loop3A_334 = arith.mulf %parallel_loop3A_257, %parallel_loop3A_315 : vector<16xf32>
        %parallel_loop3A_335 = arith.mulf %parallel_loop3A_261, %parallel_loop3A_321 : vector<16xf32>
        %parallel_loop3A_336 = arith.addf %parallel_loop3A_334, %parallel_loop3A_335 : vector<16xf32>
        %parallel_loop3A_337 = arith.mulf %parallel_loop3A_265, %parallel_loop3A_327 : vector<16xf32>
        %parallel_loop3A_338 = arith.mulf %parallel_loop3A_269, %parallel_loop3A_333 : vector<16xf32>
        %parallel_loop3A_339 = arith.addf %parallel_loop3A_337, %parallel_loop3A_338 : vector<16xf32>
        %parallel_loop3A_340 = arith.addf %parallel_loop3A_336, %parallel_loop3A_339 : vector<16xf32>
        %parallel_loop3A_341 = arith.constant 1 : i32
        %parallel_loop3A_342 = arith.addi %parallel_loop3A_271, %parallel_loop3A_341 : i32
        %parallel_loop3A_343 = arith.index_cast %parallel_loop3A_342 : i32 to index
        %parallel_loop3A_344 = arith.constant 0 : index
        %parallel_loop3A_345 = tpu.vector_load %arg14[%parallel_loop3A_343, %parallel_loop3A_344] {strides = array<i32>} : memref<400x16xf32, #tpu.memory_space<vmem>>, vector<1x16xf32>,
        %parallel_loop3A_346 = vector.shape_cast %parallel_loop3A_345 : vector<1x16xf32> to vector<16xf32>
        %parallel_loop3A_347 = vector.shape_cast %parallel_loop3A_340 : vector<16xf32> to vector<1x16xf32>
        tpu.vector_store %arg14[%parallel_loop3A_343, %parallel_loop3A_344], %parallel_loop3A_347 {strides = array<i32>} : memref<400x16xf32, #tpu.memory_space<vmem>>, vector<1x16xf32>,
        %parallel_loop3A_348 = arith.constant 2 : i32
        %parallel_loop3A_349 = arith.addi %parallel_loop3A_271, %parallel_loop3A_348 : i32
        %parallel_loop3A_350 = arith.index_cast %parallel_loop3A_349 : i32 to index
        %parallel_loop3A_351 = arith.constant 0 : index
        %parallel_loop3A_352 = tpu.vector_load %arg12[%parallel_loop3A_350, %parallel_loop3A_351] {strides = array<i32>} : memref<400x64xf32, #tpu.memory_space<vmem>>, vector<1x16xf32>,
        %parallel_loop3A_353 = vector.shape_cast %parallel_loop3A_352 : vector<1x16xf32> to vector<16xf32>
        %parallel_loop3A_354 = arith.constant 2 : i32
        %parallel_loop3A_355 = arith.addi %parallel_loop3A_271, %parallel_loop3A_354 : i32
        %parallel_loop3A_356 = arith.index_cast %parallel_loop3A_355 : i32 to index
        %parallel_loop3A_357 = arith.constant 16 : index
        %parallel_loop3A_358 = tpu.vector_load %arg12[%parallel_loop3A_356, %parallel_loop3A_357] {strides = array<i32>} : memref<400x64xf32, #tpu.memory_space<vmem>>, vector<1x16xf32>,
        %parallel_loop3A_359 = vector.shape_cast %parallel_loop3A_358 : vector<1x16xf32> to vector<16xf32>
        %parallel_loop3A_360 = arith.constant 2 : i32
        %parallel_loop3A_361 = arith.addi %parallel_loop3A_271, %parallel_loop3A_360 : i32
        %parallel_loop3A_362 = arith.index_cast %parallel_loop3A_361 : i32 to index
        %parallel_loop3A_363 = arith.constant 32 : index
        %parallel_loop3A_364 = tpu.vector_load %arg12[%parallel_loop3A_362, %parallel_loop3A_363] {strides = array<i32>} : memref<400x64xf32, #tpu.memory_space<vmem>>, vector<1x16xf32>,
        %parallel_loop3A_365 = vector.shape_cast %parallel_loop3A_364 : vector<1x16xf32> to vector<16xf32>
        %parallel_loop3A_366 = arith.constant 2 : i32
        %parallel_loop3A_367 = arith.addi %parallel_loop3A_271, %parallel_loop3A_366 : i32
        %parallel_loop3A_368 = arith.index_cast %parallel_loop3A_367 : i32 to index
        %parallel_loop3A_369 = arith.constant 48 : index
        %parallel_loop3A_370 = tpu.vector_load %arg12[%parallel_loop3A_368, %parallel_loop3A_369] {strides = array<i32>} : memref<400x64xf32, #tpu.memory_space<vmem>>, vector<1x16xf32>,
        %parallel_loop3A_371 = vector.shape_cast %parallel_loop3A_370 : vector<1x16xf32> to vector<16xf32>
        %parallel_loop3A_372 = arith.mulf %parallel_loop3A_257, %parallel_loop3A_353 : vector<16xf32>
        %parallel_loop3A_373 = arith.mulf %parallel_loop3A_261, %parallel_loop3A_359 : vector<16xf32>
        %parallel_loop3A_374 = arith.addf %parallel_loop3A_372, %parallel_loop3A_373 : vector<16xf32>
        %parallel_loop3A_375 = arith.mulf %parallel_loop3A_265, %parallel_loop3A_365 : vector<16xf32>
        %parallel_loop3A_376 = arith.mulf %parallel_loop3A_269, %parallel_loop3A_371 : vector<16xf32>
        %parallel_loop3A_377 = arith.addf %parallel_loop3A_375, %parallel_loop3A_376 : vector<16xf32>
        %parallel_loop3A_378 = arith.addf %parallel_loop3A_374, %parallel_loop3A_377 : vector<16xf32>
        %parallel_loop3A_379 = arith.constant 2 : i32
        %parallel_loop3A_380 = arith.addi %parallel_loop3A_271, %parallel_loop3A_379 : i32
        %parallel_loop3A_381 = arith.index_cast %parallel_loop3A_380 : i32 to index
        %parallel_loop3A_382 = arith.constant 0 : index
        %parallel_loop3A_383 = tpu.vector_load %arg14[%parallel_loop3A_381, %parallel_loop3A_382] {strides = array<i32>} : memref<400x16xf32, #tpu.memory_space<vmem>>, vector<1x16xf32>,
        %parallel_loop3A_384 = vector.shape_cast %parallel_loop3A_383 : vector<1x16xf32> to vector<16xf32>
        %parallel_loop3A_385 = vector.shape_cast %parallel_loop3A_378 : vector<16xf32> to vector<1x16xf32>
        tpu.vector_store %arg14[%parallel_loop3A_381, %parallel_loop3A_382], %parallel_loop3A_385 {strides = array<i32>} : memref<400x16xf32, #tpu.memory_space<vmem>>, vector<1x16xf32>,
        %parallel_loop3A_386 = arith.constant 3 : i32
        %parallel_loop3A_387 = arith.addi %parallel_loop3A_271, %parallel_loop3A_386 : i32
        %parallel_loop3A_388 = arith.index_cast %parallel_loop3A_387 : i32 to index
        %parallel_loop3A_389 = arith.constant 0 : index
        %parallel_loop3A_390 = tpu.vector_load %arg12[%parallel_loop3A_388, %parallel_loop3A_389] {strides = array<i32>} : memref<400x64xf32, #tpu.memory_space<vmem>>, vector<1x16xf32>,
        %parallel_loop3A_391 = vector.shape_cast %parallel_loop3A_390 : vector<1x16xf32> to vector<16xf32>
        %parallel_loop3A_392 = arith.constant 3 : i32
        %parallel_loop3A_393 = arith.addi %parallel_loop3A_271, %parallel_loop3A_392 : i32
        %parallel_loop3A_394 = arith.index_cast %parallel_loop3A_393 : i32 to index
        %parallel_loop3A_395 = arith.constant 16 : index
        %parallel_loop3A_396 = tpu.vector_load %arg12[%parallel_loop3A_394, %parallel_loop3A_395] {strides = array<i32>} : memref<400x64xf32, #tpu.memory_space<vmem>>, vector<1x16xf32>,
        %parallel_loop3A_397 = vector.shape_cast %parallel_loop3A_396 : vector<1x16xf32> to vector<16xf32>
        %parallel_loop3A_398 = arith.constant 3 : i32
        %parallel_loop3A_399 = arith.addi %parallel_loop3A_271, %parallel_loop3A_398 : i32
        %parallel_loop3A_400 = arith.index_cast %parallel_loop3A_399 : i32 to index
        %parallel_loop3A_401 = arith.constant 32 : index
        %parallel_loop3A_402 = tpu.vector_load %arg12[%parallel_loop3A_400, %parallel_loop3A_401] {strides = array<i32>} : memref<400x64xf32, #tpu.memory_space<vmem>>, vector<1x16xf32>,
        %parallel_loop3A_403 = vector.shape_cast %parallel_loop3A_402 : vector<1x16xf32> to vector<16xf32>
        %parallel_loop3A_404 = arith.constant 3 : i32
        %parallel_loop3A_405 = arith.addi %parallel_loop3A_271, %parallel_loop3A_404 : i32
        %parallel_loop3A_406 = arith.index_cast %parallel_loop3A_405 : i32 to index
        %parallel_loop3A_407 = arith.constant 48 : index
        %parallel_loop3A_408 = tpu.vector_load %arg12[%parallel_loop3A_406, %parallel_loop3A_407] {strides = array<i32>} : memref<400x64xf32, #tpu.memory_space<vmem>>, vector<1x16xf32>,
        %parallel_loop3A_409 = vector.shape_cast %parallel_loop3A_408 : vector<1x16xf32> to vector<16xf32>
        %parallel_loop3A_410 = arith.mulf %parallel_loop3A_257, %parallel_loop3A_391 : vector<16xf32>
        %parallel_loop3A_411 = arith.mulf %parallel_loop3A_261, %parallel_loop3A_397 : vector<16xf32>
        %parallel_loop3A_412 = arith.addf %parallel_loop3A_410, %parallel_loop3A_411 : vector<16xf32>
        %parallel_loop3A_413 = arith.mulf %parallel_loop3A_265, %parallel_loop3A_403 : vector<16xf32>
        %parallel_loop3A_414 = arith.mulf %parallel_loop3A_269, %parallel_loop3A_409 : vector<16xf32>
        %parallel_loop3A_415 = arith.addf %parallel_loop3A_413, %parallel_loop3A_414 : vector<16xf32>
        %parallel_loop3A_416 = arith.addf %parallel_loop3A_412, %parallel_loop3A_415 : vector<16xf32>
        %parallel_loop3A_417 = arith.constant 3 : i32
        %parallel_loop3A_418 = arith.addi %parallel_loop3A_271, %parallel_loop3A_417 : i32
        %parallel_loop3A_419 = arith.index_cast %parallel_loop3A_418 : i32 to index
        %parallel_loop3A_420 = arith.constant 0 : index
        %parallel_loop3A_421 = tpu.vector_load %arg14[%parallel_loop3A_419, %parallel_loop3A_420] {strides = array<i32>} : memref<400x16xf32, #tpu.memory_space<vmem>>, vector<1x16xf32>,
        %parallel_loop3A_422 = vector.shape_cast %parallel_loop3A_421 : vector<1x16xf32> to vector<16xf32>
        %parallel_loop3A_423 = vector.shape_cast %parallel_loop3A_416 : vector<16xf32> to vector<1x16xf32>
        tpu.vector_store %arg14[%parallel_loop3A_419, %parallel_loop3A_420], %parallel_loop3A_423 {strides = array<i32>} : memref<400x16xf32, #tpu.memory_space<vmem>>, vector<1x16xf32>,
        %parallel_loop3A_424 = arith.constant 4 : i32
        %parallel_loop3A_425 = arith.addi %parallel_loop3A_271, %parallel_loop3A_424 : i32
        %parallel_loop3A_426 = arith.index_cast %parallel_loop3A_425 : i32 to index
        %parallel_loop3A_427 = arith.constant 0 : index
        %parallel_loop3A_428 = tpu.vector_load %arg12[%parallel_loop3A_426, %parallel_loop3A_427] {strides = array<i32>} : memref<400x64xf32, #tpu.memory_space<vmem>>, vector<1x16xf32>,
        %parallel_loop3A_429 = vector.shape_cast %parallel_loop3A_428 : vector<1x16xf32> to vector<16xf32>
        %parallel_loop3A_430 = arith.constant 4 : i32
        %parallel_loop3A_431 = arith.addi %parallel_loop3A_271, %parallel_loop3A_430 : i32
        %parallel_loop3A_432 = arith.index_cast %parallel_loop3A_431 : i32 to index
        %parallel_loop3A_433 = arith.constant 16 : index
        %parallel_loop3A_434 = tpu.vector_load %arg12[%parallel_loop3A_432, %parallel_loop3A_433] {strides = array<i32>} : memref<400x64xf32, #tpu.memory_space<vmem>>, vector<1x16xf32>,
        %parallel_loop3A_435 = vector.shape_cast %parallel_loop3A_434 : vector<1x16xf32> to vector<16xf32>
        %parallel_loop3A_436 = arith.constant 4 : i32
        %parallel_loop3A_437 = arith.addi %parallel_loop3A_271, %parallel_loop3A_436 : i32
        %parallel_loop3A_438 = arith.index_cast %parallel_loop3A_437 : i32 to index
        %parallel_loop3A_439 = arith.constant 32 : index
        %parallel_loop3A_440 = tpu.vector_load %arg12[%parallel_loop3A_438, %parallel_loop3A_439] {strides = array<i32>} : memref<400x64xf32, #tpu.memory_space<vmem>>, vector<1x16xf32>,
        %parallel_loop3A_441 = vector.shape_cast %parallel_loop3A_440 : vector<1x16xf32> to vector<16xf32>
        %parallel_loop3A_442 = arith.constant 4 : i32
        %parallel_loop3A_443 = arith.addi %parallel_loop3A_271, %parallel_loop3A_442 : i32
        %parallel_loop3A_444 = arith.index_cast %parallel_loop3A_443 : i32 to index
        %parallel_loop3A_445 = arith.constant 48 : index
        %parallel_loop3A_446 = tpu.vector_load %arg12[%parallel_loop3A_444, %parallel_loop3A_445] {strides = array<i32>} : memref<400x64xf32, #tpu.memory_space<vmem>>, vector<1x16xf32>,
        %parallel_loop3A_447 = vector.shape_cast %parallel_loop3A_446 : vector<1x16xf32> to vector<16xf32>
        %parallel_loop3A_448 = arith.mulf %parallel_loop3A_257, %parallel_loop3A_429 : vector<16xf32>
        %parallel_loop3A_449 = arith.mulf %parallel_loop3A_261, %parallel_loop3A_435 : vector<16xf32>
        %parallel_loop3A_450 = arith.addf %parallel_loop3A_448, %parallel_loop3A_449 : vector<16xf32>
        %parallel_loop3A_451 = arith.mulf %parallel_loop3A_265, %parallel_loop3A_441 : vector<16xf32>
        %parallel_loop3A_452 = arith.mulf %parallel_loop3A_269, %parallel_loop3A_447 : vector<16xf32>
        %parallel_loop3A_453 = arith.addf %parallel_loop3A_451, %parallel_loop3A_452 : vector<16xf32>
        %parallel_loop3A_454 = arith.addf %parallel_loop3A_450, %parallel_loop3A_453 : vector<16xf32>
        %parallel_loop3A_455 = arith.constant 4 : i32
        %parallel_loop3A_456 = arith.addi %parallel_loop3A_271, %parallel_loop3A_455 : i32
        %parallel_loop3A_457 = arith.index_cast %parallel_loop3A_456 : i32 to index
        %parallel_loop3A_458 = arith.constant 0 : index
        %parallel_loop3A_459 = tpu.vector_load %arg14[%parallel_loop3A_457, %parallel_loop3A_458] {strides = array<i32>} : memref<400x16xf32, #tpu.memory_space<vmem>>, vector<1x16xf32>,
        %parallel_loop3A_460 = vector.shape_cast %parallel_loop3A_459 : vector<1x16xf32> to vector<16xf32>
        %parallel_loop3A_461 = vector.shape_cast %parallel_loop3A_454 : vector<16xf32> to vector<1x16xf32>
        tpu.vector_store %arg14[%parallel_loop3A_457, %parallel_loop3A_458], %parallel_loop3A_461 {strides = array<i32>} : memref<400x16xf32, #tpu.memory_space<vmem>>, vector<1x16xf32>,
        %parallel_loop3A_462 = arith.constant 5 : i32
        %parallel_loop3A_463 = arith.addi %parallel_loop3A_271, %parallel_loop3A_462 : i32
        %parallel_loop3A_464 = arith.index_cast %parallel_loop3A_463 : i32 to index
        %parallel_loop3A_465 = arith.constant 0 : index
        %parallel_loop3A_466 = tpu.vector_load %arg12[%parallel_loop3A_464, %parallel_loop3A_465] {strides = array<i32>} : memref<400x64xf32, #tpu.memory_space<vmem>>, vector<1x16xf32>,
        %parallel_loop3A_467 = vector.shape_cast %parallel_loop3A_466 : vector<1x16xf32> to vector<16xf32>
        %parallel_loop3A_468 = arith.constant 5 : i32
        %parallel_loop3A_469 = arith.addi %parallel_loop3A_271, %parallel_loop3A_468 : i32
        %parallel_loop3A_470 = arith.index_cast %parallel_loop3A_469 : i32 to index
        %parallel_loop3A_471 = arith.constant 16 : index
        %parallel_loop3A_472 = tpu.vector_load %arg12[%parallel_loop3A_470, %parallel_loop3A_471] {strides = array<i32>} : memref<400x64xf32, #tpu.memory_space<vmem>>, vector<1x16xf32>,
        %parallel_loop3A_473 = vector.shape_cast %parallel_loop3A_472 : vector<1x16xf32> to vector<16xf32>
        %parallel_loop3A_474 = arith.constant 5 : i32
        %parallel_loop3A_475 = arith.addi %parallel_loop3A_271, %parallel_loop3A_474 : i32
        %parallel_loop3A_476 = arith.index_cast %parallel_loop3A_475 : i32 to index
        %parallel_loop3A_477 = arith.constant 32 : index
        %parallel_loop3A_478 = tpu.vector_load %arg12[%parallel_loop3A_476, %parallel_loop3A_477] {strides = array<i32>} : memref<400x64xf32, #tpu.memory_space<vmem>>, vector<1x16xf32>,
        %parallel_loop3A_479 = vector.shape_cast %parallel_loop3A_478 : vector<1x16xf32> to vector<16xf32>
        %parallel_loop3A_480 = arith.constant 5 : i32
        %parallel_loop3A_481 = arith.addi %parallel_loop3A_271, %parallel_loop3A_480 : i32
        %parallel_loop3A_482 = arith.index_cast %parallel_loop3A_481 : i32 to index
        %parallel_loop3A_483 = arith.constant 48 : index
        %parallel_loop3A_484 = tpu.vector_load %arg12[%parallel_loop3A_482, %parallel_loop3A_483] {strides = array<i32>} : memref<400x64xf32, #tpu.memory_space<vmem>>, vector<1x16xf32>,
        %parallel_loop3A_485 = vector.shape_cast %parallel_loop3A_484 : vector<1x16xf32> to vector<16xf32>
        %parallel_loop3A_486 = arith.mulf %parallel_loop3A_257, %parallel_loop3A_467 : vector<16xf32>
        %parallel_loop3A_487 = arith.mulf %parallel_loop3A_261, %parallel_loop3A_473 : vector<16xf32>
        %parallel_loop3A_488 = arith.addf %parallel_loop3A_486, %parallel_loop3A_487 : vector<16xf32>
        %parallel_loop3A_489 = arith.mulf %parallel_loop3A_265, %parallel_loop3A_479 : vector<16xf32>
        %parallel_loop3A_490 = arith.mulf %parallel_loop3A_269, %parallel_loop3A_485 : vector<16xf32>
        %parallel_loop3A_491 = arith.addf %parallel_loop3A_489, %parallel_loop3A_490 : vector<16xf32>
        %parallel_loop3A_492 = arith.addf %parallel_loop3A_488, %parallel_loop3A_491 : vector<16xf32>
        %parallel_loop3A_493 = arith.constant 5 : i32
        %parallel_loop3A_494 = arith.addi %parallel_loop3A_271, %parallel_loop3A_493 : i32
        %parallel_loop3A_495 = arith.index_cast %parallel_loop3A_494 : i32 to index
        %parallel_loop3A_496 = arith.constant 0 : index
        %parallel_loop3A_497 = tpu.vector_load %arg14[%parallel_loop3A_495, %parallel_loop3A_496] {strides = array<i32>} : memref<400x16xf32, #tpu.memory_space<vmem>>, vector<1x16xf32>,
        %parallel_loop3A_498 = vector.shape_cast %parallel_loop3A_497 : vector<1x16xf32> to vector<16xf32>
        %parallel_loop3A_499 = vector.shape_cast %parallel_loop3A_492 : vector<16xf32> to vector<1x16xf32>
        tpu.vector_store %arg14[%parallel_loop3A_495, %parallel_loop3A_496], %parallel_loop3A_499 {strides = array<i32>} : memref<400x16xf32, #tpu.memory_space<vmem>>, vector<1x16xf32>,
        %parallel_loop3A_500 = arith.constant 6 : i32
        %parallel_loop3A_501 = arith.addi %parallel_loop3A_271, %parallel_loop3A_500 : i32
        %parallel_loop3A_502 = arith.index_cast %parallel_loop3A_501 : i32 to index
        %parallel_loop3A_503 = arith.constant 0 : index
        %parallel_loop3A_504 = tpu.vector_load %arg12[%parallel_loop3A_502, %parallel_loop3A_503] {strides = array<i32>} : memref<400x64xf32, #tpu.memory_space<vmem>>, vector<1x16xf32>,
        %parallel_loop3A_505 = vector.shape_cast %parallel_loop3A_504 : vector<1x16xf32> to vector<16xf32>
        %parallel_loop3A_506 = arith.constant 6 : i32
        %parallel_loop3A_507 = arith.addi %parallel_loop3A_271, %parallel_loop3A_506 : i32
        %parallel_loop3A_508 = arith.index_cast %parallel_loop3A_507 : i32 to index
        %parallel_loop3A_509 = arith.constant 16 : index
        %parallel_loop3A_510 = tpu.vector_load %arg12[%parallel_loop3A_508, %parallel_loop3A_509] {strides = array<i32>} : memref<400x64xf32, #tpu.memory_space<vmem>>, vector<1x16xf32>,
        %parallel_loop3A_511 = vector.shape_cast %parallel_loop3A_510 : vector<1x16xf32> to vector<16xf32>
        %parallel_loop3A_512 = arith.constant 6 : i32
        %parallel_loop3A_513 = arith.addi %parallel_loop3A_271, %parallel_loop3A_512 : i32
        %parallel_loop3A_514 = arith.index_cast %parallel_loop3A_513 : i32 to index
        %parallel_loop3A_515 = arith.constant 32 : index
        %parallel_loop3A_516 = tpu.vector_load %arg12[%parallel_loop3A_514, %parallel_loop3A_515] {strides = array<i32>} : memref<400x64xf32, #tpu.memory_space<vmem>>, vector<1x16xf32>,
        %parallel_loop3A_517 = vector.shape_cast %parallel_loop3A_516 : vector<1x16xf32> to vector<16xf32>
        %parallel_loop3A_518 = arith.constant 6 : i32
        %parallel_loop3A_519 = arith.addi %parallel_loop3A_271, %parallel_loop3A_518 : i32
        %parallel_loop3A_520 = arith.index_cast %parallel_loop3A_519 : i32 to index
        %parallel_loop3A_521 = arith.constant 48 : index
        %parallel_loop3A_522 = tpu.vector_load %arg12[%parallel_loop3A_520, %parallel_loop3A_521] {strides = array<i32>} : memref<400x64xf32, #tpu.memory_space<vmem>>, vector<1x16xf32>,
        %parallel_loop3A_523 = vector.shape_cast %parallel_loop3A_522 : vector<1x16xf32> to vector<16xf32>
        %parallel_loop3A_524 = arith.mulf %parallel_loop3A_257, %parallel_loop3A_505 : vector<16xf32>
        %parallel_loop3A_525 = arith.mulf %parallel_loop3A_261, %parallel_loop3A_511 : vector<16xf32>
        %parallel_loop3A_526 = arith.addf %parallel_loop3A_524, %parallel_loop3A_525 : vector<16xf32>
        %parallel_loop3A_527 = arith.mulf %parallel_loop3A_265, %parallel_loop3A_517 : vector<16xf32>
        %parallel_loop3A_528 = arith.mulf %parallel_loop3A_269, %parallel_loop3A_523 : vector<16xf32>
        %parallel_loop3A_529 = arith.addf %parallel_loop3A_527, %parallel_loop3A_528 : vector<16xf32>
        %parallel_loop3A_530 = arith.addf %parallel_loop3A_526, %parallel_loop3A_529 : vector<16xf32>
        %parallel_loop3A_531 = arith.constant 6 : i32
        %parallel_loop3A_532 = arith.addi %parallel_loop3A_271, %parallel_loop3A_531 : i32
        %parallel_loop3A_533 = arith.index_cast %parallel_loop3A_532 : i32 to index
        %parallel_loop3A_534 = arith.constant 0 : index
        %parallel_loop3A_535 = tpu.vector_load %arg14[%parallel_loop3A_533, %parallel_loop3A_534] {strides = array<i32>} : memref<400x16xf32, #tpu.memory_space<vmem>>, vector<1x16xf32>,
        %parallel_loop3A_536 = vector.shape_cast %parallel_loop3A_535 : vector<1x16xf32> to vector<16xf32>
        %parallel_loop3A_537 = vector.shape_cast %parallel_loop3A_530 : vector<16xf32> to vector<1x16xf32>
        tpu.vector_store %arg14[%parallel_loop3A_533, %parallel_loop3A_534], %parallel_loop3A_537 {strides = array<i32>} : memref<400x16xf32, #tpu.memory_space<vmem>>, vector<1x16xf32>,
        %parallel_loop3A_538 = arith.constant 7 : i32
        %parallel_loop3A_539 = arith.addi %parallel_loop3A_271, %parallel_loop3A_538 : i32
        %parallel_loop3A_540 = arith.index_cast %parallel_loop3A_539 : i32 to index
        %parallel_loop3A_541 = arith.constant 0 : index
        %parallel_loop3A_542 = tpu.vector_load %arg12[%parallel_loop3A_540, %parallel_loop3A_541] {strides = array<i32>} : memref<400x64xf32, #tpu.memory_space<vmem>>, vector<1x16xf32>,
        %parallel_loop3A_543 = vector.shape_cast %parallel_loop3A_542 : vector<1x16xf32> to vector<16xf32>
        %parallel_loop3A_544 = arith.constant 7 : i32
        %parallel_loop3A_545 = arith.addi %parallel_loop3A_271, %parallel_loop3A_544 : i32
        %parallel_loop3A_546 = arith.index_cast %parallel_loop3A_545 : i32 to index
        %parallel_loop3A_547 = arith.constant 16 : index
        %parallel_loop3A_548 = tpu.vector_load %arg12[%parallel_loop3A_546, %parallel_loop3A_547] {strides = array<i32>} : memref<400x64xf32, #tpu.memory_space<vmem>>, vector<1x16xf32>,
        %parallel_loop3A_549 = vector.shape_cast %parallel_loop3A_548 : vector<1x16xf32> to vector<16xf32>
        %parallel_loop3A_550 = arith.constant 7 : i32
        %parallel_loop3A_551 = arith.addi %parallel_loop3A_271, %parallel_loop3A_550 : i32
        %parallel_loop3A_552 = arith.index_cast %parallel_loop3A_551 : i32 to index
        %parallel_loop3A_553 = arith.constant 32 : index
        %parallel_loop3A_554 = tpu.vector_load %arg12[%parallel_loop3A_552, %parallel_loop3A_553] {strides = array<i32>} : memref<400x64xf32, #tpu.memory_space<vmem>>, vector<1x16xf32>,
        %parallel_loop3A_555 = vector.shape_cast %parallel_loop3A_554 : vector<1x16xf32> to vector<16xf32>
        %parallel_loop3A_556 = arith.constant 7 : i32
        %parallel_loop3A_557 = arith.addi %parallel_loop3A_271, %parallel_loop3A_556 : i32
        %parallel_loop3A_558 = arith.index_cast %parallel_loop3A_557 : i32 to index
        %parallel_loop3A_559 = arith.constant 48 : index
        %parallel_loop3A_560 = tpu.vector_load %arg12[%parallel_loop3A_558, %parallel_loop3A_559] {strides = array<i32>} : memref<400x64xf32, #tpu.memory_space<vmem>>, vector<1x16xf32>,
        %parallel_loop3A_561 = vector.shape_cast %parallel_loop3A_560 : vector<1x16xf32> to vector<16xf32>
        %parallel_loop3A_562 = arith.mulf %parallel_loop3A_257, %parallel_loop3A_543 : vector<16xf32>
        %parallel_loop3A_563 = arith.mulf %parallel_loop3A_261, %parallel_loop3A_549 : vector<16xf32>
        %parallel_loop3A_564 = arith.addf %parallel_loop3A_562, %parallel_loop3A_563 : vector<16xf32>
        %parallel_loop3A_565 = arith.mulf %parallel_loop3A_265, %parallel_loop3A_555 : vector<16xf32>
        %parallel_loop3A_566 = arith.mulf %parallel_loop3A_269, %parallel_loop3A_561 : vector<16xf32>
        %parallel_loop3A_567 = arith.addf %parallel_loop3A_565, %parallel_loop3A_566 : vector<16xf32>
        %parallel_loop3A_568 = arith.addf %parallel_loop3A_564, %parallel_loop3A_567 : vector<16xf32>
        %parallel_loop3A_569 = arith.constant 7 : i32
        %parallel_loop3A_570 = arith.addi %parallel_loop3A_271, %parallel_loop3A_569 : i32
        %parallel_loop3A_571 = arith.index_cast %parallel_loop3A_570 : i32 to index
        %parallel_loop3A_572 = arith.constant 0 : index
        %parallel_loop3A_573 = tpu.vector_load %arg14[%parallel_loop3A_571, %parallel_loop3A_572] {strides = array<i32>} : memref<400x16xf32, #tpu.memory_space<vmem>>, vector<1x16xf32>,
        %parallel_loop3A_574 = vector.shape_cast %parallel_loop3A_573 : vector<1x16xf32> to vector<16xf32>
        %parallel_loop3A_575 = vector.shape_cast %parallel_loop3A_568 : vector<16xf32> to vector<1x16xf32>
        tpu.vector_store %arg14[%parallel_loop3A_571, %parallel_loop3A_572], %parallel_loop3A_575 {strides = array<i32>} : memref<400x16xf32, #tpu.memory_space<vmem>>, vector<1x16xf32>,
        %parallel_loop3A_576 = arith.constant 8 : i32
        %parallel_loop3A_577 = arith.addi %parallel_loop3A_271, %parallel_loop3A_576 : i32
        %parallel_loop3A_578 = arith.index_cast %parallel_loop3A_577 : i32 to index
        %parallel_loop3A_579 = arith.constant 0 : index
        %parallel_loop3A_580 = tpu.vector_load %arg12[%parallel_loop3A_578, %parallel_loop3A_579] {strides = array<i32>} : memref<400x64xf32, #tpu.memory_space<vmem>>, vector<1x16xf32>,
        %parallel_loop3A_581 = vector.shape_cast %parallel_loop3A_580 : vector<1x16xf32> to vector<16xf32>
        %parallel_loop3A_582 = arith.constant 8 : i32
        %parallel_loop3A_583 = arith.addi %parallel_loop3A_271, %parallel_loop3A_582 : i32
        %parallel_loop3A_584 = arith.index_cast %parallel_loop3A_583 : i32 to index
        %parallel_loop3A_585 = arith.constant 16 : index
        %parallel_loop3A_586 = tpu.vector_load %arg12[%parallel_loop3A_584, %parallel_loop3A_585] {strides = array<i32>} : memref<400x64xf32, #tpu.memory_space<vmem>>, vector<1x16xf32>,
        %parallel_loop3A_587 = vector.shape_cast %parallel_loop3A_586 : vector<1x16xf32> to vector<16xf32>
        %parallel_loop3A_588 = arith.constant 8 : i32
        %parallel_loop3A_589 = arith.addi %parallel_loop3A_271, %parallel_loop3A_588 : i32
        %parallel_loop3A_590 = arith.index_cast %parallel_loop3A_589 : i32 to index
        %parallel_loop3A_591 = arith.constant 32 : index
        %parallel_loop3A_592 = tpu.vector_load %arg12[%parallel_loop3A_590, %parallel_loop3A_591] {strides = array<i32>} : memref<400x64xf32, #tpu.memory_space<vmem>>, vector<1x16xf32>,
        %parallel_loop3A_593 = vector.shape_cast %parallel_loop3A_592 : vector<1x16xf32> to vector<16xf32>
        %parallel_loop3A_594 = arith.constant 8 : i32
        %parallel_loop3A_595 = arith.addi %parallel_loop3A_271, %parallel_loop3A_594 : i32
        %parallel_loop3A_596 = arith.index_cast %parallel_loop3A_595 : i32 to index
        %parallel_loop3A_597 = arith.constant 48 : index
        %parallel_loop3A_598 = tpu.vector_load %arg12[%parallel_loop3A_596, %parallel_loop3A_597] {strides = array<i32>} : memref<400x64xf32, #tpu.memory_space<vmem>>, vector<1x16xf32>,
        %parallel_loop3A_599 = vector.shape_cast %parallel_loop3A_598 : vector<1x16xf32> to vector<16xf32>
        %parallel_loop3A_600 = arith.mulf %parallel_loop3A_257, %parallel_loop3A_581 : vector<16xf32>
        %parallel_loop3A_601 = arith.mulf %parallel_loop3A_261, %parallel_loop3A_587 : vector<16xf32>
        %parallel_loop3A_602 = arith.addf %parallel_loop3A_600, %parallel_loop3A_601 : vector<16xf32>
        %parallel_loop3A_603 = arith.mulf %parallel_loop3A_265, %parallel_loop3A_593 : vector<16xf32>
        %parallel_loop3A_604 = arith.mulf %parallel_loop3A_269, %parallel_loop3A_599 : vector<16xf32>
        %parallel_loop3A_605 = arith.addf %parallel_loop3A_603, %parallel_loop3A_604 : vector<16xf32>
        %parallel_loop3A_606 = arith.addf %parallel_loop3A_602, %parallel_loop3A_605 : vector<16xf32>
        %parallel_loop3A_607 = arith.constant 8 : i32
        %parallel_loop3A_608 = arith.addi %parallel_loop3A_271, %parallel_loop3A_607 : i32
        %parallel_loop3A_609 = arith.index_cast %parallel_loop3A_608 : i32 to index
        %parallel_loop3A_610 = arith.constant 0 : index
        %parallel_loop3A_611 = tpu.vector_load %arg14[%parallel_loop3A_609, %parallel_loop3A_610] {strides = array<i32>} : memref<400x16xf32, #tpu.memory_space<vmem>>, vector<1x16xf32>,
        %parallel_loop3A_612 = vector.shape_cast %parallel_loop3A_611 : vector<1x16xf32> to vector<16xf32>
        %parallel_loop3A_613 = vector.shape_cast %parallel_loop3A_606 : vector<16xf32> to vector<1x16xf32>
        tpu.vector_store %arg14[%parallel_loop3A_609, %parallel_loop3A_610], %parallel_loop3A_613 {strides = array<i32>} : memref<400x16xf32, #tpu.memory_space<vmem>>, vector<1x16xf32>,
        %parallel_loop3A_614 = arith.constant 9 : i32
        %parallel_loop3A_615 = arith.addi %parallel_loop3A_271, %parallel_loop3A_614 : i32
        %parallel_loop3A_616 = arith.index_cast %parallel_loop3A_615 : i32 to index
        %parallel_loop3A_617 = arith.constant 0 : index
        %parallel_loop3A_618 = tpu.vector_load %arg12[%parallel_loop3A_616, %parallel_loop3A_617] {strides = array<i32>} : memref<400x64xf32, #tpu.memory_space<vmem>>, vector<1x16xf32>,
        %parallel_loop3A_619 = vector.shape_cast %parallel_loop3A_618 : vector<1x16xf32> to vector<16xf32>
        %parallel_loop3A_620 = arith.constant 9 : i32
        %parallel_loop3A_621 = arith.addi %parallel_loop3A_271, %parallel_loop3A_620 : i32
        %parallel_loop3A_622 = arith.index_cast %parallel_loop3A_621 : i32 to index
        %parallel_loop3A_623 = arith.constant 16 : index
        %parallel_loop3A_624 = tpu.vector_load %arg12[%parallel_loop3A_622, %parallel_loop3A_623] {strides = array<i32>} : memref<400x64xf32, #tpu.memory_space<vmem>>, vector<1x16xf32>,
        %parallel_loop3A_625 = vector.shape_cast %parallel_loop3A_624 : vector<1x16xf32> to vector<16xf32>
        %parallel_loop3A_626 = arith.constant 9 : i32
        %parallel_loop3A_627 = arith.addi %parallel_loop3A_271, %parallel_loop3A_626 : i32
        %parallel_loop3A_628 = arith.index_cast %parallel_loop3A_627 : i32 to index
        %parallel_loop3A_629 = arith.constant 32 : index
        %parallel_loop3A_630 = tpu.vector_load %arg12[%parallel_loop3A_628, %parallel_loop3A_629] {strides = array<i32>} : memref<400x64xf32, #tpu.memory_space<vmem>>, vector<1x16xf32>,
        %parallel_loop3A_631 = vector.shape_cast %parallel_loop3A_630 : vector<1x16xf32> to vector<16xf32>
        %parallel_loop3A_632 = arith.constant 9 : i32
        %parallel_loop3A_633 = arith.addi %parallel_loop3A_271, %parallel_loop3A_632 : i32
        %parallel_loop3A_634 = arith.index_cast %parallel_loop3A_633 : i32 to index
        %parallel_loop3A_635 = arith.constant 48 : index
        %parallel_loop3A_636 = tpu.vector_load %arg12[%parallel_loop3A_634, %parallel_loop3A_635] {strides = array<i32>} : memref<400x64xf32, #tpu.memory_space<vmem>>, vector<1x16xf32>,
        %parallel_loop3A_637 = vector.shape_cast %parallel_loop3A_636 : vector<1x16xf32> to vector<16xf32>
        %parallel_loop3A_638 = arith.mulf %parallel_loop3A_257, %parallel_loop3A_619 : vector<16xf32>
        %parallel_loop3A_639 = arith.mulf %parallel_loop3A_261, %parallel_loop3A_625 : vector<16xf32>
        %parallel_loop3A_640 = arith.addf %parallel_loop3A_638, %parallel_loop3A_639 : vector<16xf32>
        %parallel_loop3A_641 = arith.mulf %parallel_loop3A_265, %parallel_loop3A_631 : vector<16xf32>
        %parallel_loop3A_642 = arith.mulf %parallel_loop3A_269, %parallel_loop3A_637 : vector<16xf32>
        %parallel_loop3A_643 = arith.addf %parallel_loop3A_641, %parallel_loop3A_642 : vector<16xf32>
        %parallel_loop3A_644 = arith.addf %parallel_loop3A_640, %parallel_loop3A_643 : vector<16xf32>
        %parallel_loop3A_645 = arith.constant 9 : i32
        %parallel_loop3A_646 = arith.addi %parallel_loop3A_271, %parallel_loop3A_645 : i32
        %parallel_loop3A_647 = arith.index_cast %parallel_loop3A_646 : i32 to index
        %parallel_loop3A_648 = arith.constant 0 : index
        %parallel_loop3A_649 = tpu.vector_load %arg14[%parallel_loop3A_647, %parallel_loop3A_648] {strides = array<i32>} : memref<400x16xf32, #tpu.memory_space<vmem>>, vector<1x16xf32>,
        %parallel_loop3A_650 = vector.shape_cast %parallel_loop3A_649 : vector<1x16xf32> to vector<16xf32>
        %parallel_loop3A_651 = vector.shape_cast %parallel_loop3A_644 : vector<16xf32> to vector<1x16xf32>
        tpu.vector_store %arg14[%parallel_loop3A_647, %parallel_loop3A_648], %parallel_loop3A_651 {strides = array<i32>} : memref<400x16xf32, #tpu.memory_space<vmem>>, vector<1x16xf32>,
        %parallel_loop3A_652 = arith.constant 10 : i32
        %parallel_loop3A_653 = arith.addi %parallel_loop3A_271, %parallel_loop3A_652 : i32
        %parallel_loop3A_654 = arith.index_cast %parallel_loop3A_653 : i32 to index
        %parallel_loop3A_655 = arith.constant 0 : index
        %parallel_loop3A_656 = tpu.vector_load %arg12[%parallel_loop3A_654, %parallel_loop3A_655] {strides = array<i32>} : memref<400x64xf32, #tpu.memory_space<vmem>>, vector<1x16xf32>,
        %parallel_loop3A_657 = vector.shape_cast %parallel_loop3A_656 : vector<1x16xf32> to vector<16xf32>
        %parallel_loop3A_658 = arith.constant 10 : i32
        %parallel_loop3A_659 = arith.addi %parallel_loop3A_271, %parallel_loop3A_658 : i32
        %parallel_loop3A_660 = arith.index_cast %parallel_loop3A_659 : i32 to index
        %parallel_loop3A_661 = arith.constant 16 : index
        %parallel_loop3A_662 = tpu.vector_load %arg12[%parallel_loop3A_660, %parallel_loop3A_661] {strides = array<i32>} : memref<400x64xf32, #tpu.memory_space<vmem>>, vector<1x16xf32>,
        %parallel_loop3A_663 = vector.shape_cast %parallel_loop3A_662 : vector<1x16xf32> to vector<16xf32>
        %parallel_loop3A_664 = arith.constant 10 : i32
        %parallel_loop3A_665 = arith.addi %parallel_loop3A_271, %parallel_loop3A_664 : i32
        %parallel_loop3A_666 = arith.index_cast %parallel_loop3A_665 : i32 to index
        %parallel_loop3A_667 = arith.constant 32 : index
        %parallel_loop3A_668 = tpu.vector_load %arg12[%parallel_loop3A_666, %parallel_loop3A_667] {strides = array<i32>} : memref<400x64xf32, #tpu.memory_space<vmem>>, vector<1x16xf32>,
        %parallel_loop3A_669 = vector.shape_cast %parallel_loop3A_668 : vector<1x16xf32> to vector<16xf32>
        %parallel_loop3A_670 = arith.constant 10 : i32
        %parallel_loop3A_671 = arith.addi %parallel_loop3A_271, %parallel_loop3A_670 : i32
        %parallel_loop3A_672 = arith.index_cast %parallel_loop3A_671 : i32 to index
        %parallel_loop3A_673 = arith.constant 48 : index
        %parallel_loop3A_674 = tpu.vector_load %arg12[%parallel_loop3A_672, %parallel_loop3A_673] {strides = array<i32>} : memref<400x64xf32, #tpu.memory_space<vmem>>, vector<1x16xf32>,
        %parallel_loop3A_675 = vector.shape_cast %parallel_loop3A_674 : vector<1x16xf32> to vector<16xf32>
        %parallel_loop3A_676 = arith.mulf %parallel_loop3A_257, %parallel_loop3A_657 : vector<16xf32>
        %parallel_loop3A_677 = arith.mulf %parallel_loop3A_261, %parallel_loop3A_663 : vector<16xf32>
        %parallel_loop3A_678 = arith.addf %parallel_loop3A_676, %parallel_loop3A_677 : vector<16xf32>
        %parallel_loop3A_679 = arith.mulf %parallel_loop3A_265, %parallel_loop3A_669 : vector<16xf32>
        %parallel_loop3A_680 = arith.mulf %parallel_loop3A_269, %parallel_loop3A_675 : vector<16xf32>
        %parallel_loop3A_681 = arith.addf %parallel_loop3A_679, %parallel_loop3A_680 : vector<16xf32>
        %parallel_loop3A_682 = arith.addf %parallel_loop3A_678, %parallel_loop3A_681 : vector<16xf32>
        %parallel_loop3A_683 = arith.constant 10 : i32
        %parallel_loop3A_684 = arith.addi %parallel_loop3A_271, %parallel_loop3A_683 : i32
        %parallel_loop3A_685 = arith.index_cast %parallel_loop3A_684 : i32 to index
        %parallel_loop3A_686 = arith.constant 0 : index
        %parallel_loop3A_687 = tpu.vector_load %arg14[%parallel_loop3A_685, %parallel_loop3A_686] {strides = array<i32>} : memref<400x16xf32, #tpu.memory_space<vmem>>, vector<1x16xf32>,
        %parallel_loop3A_688 = vector.shape_cast %parallel_loop3A_687 : vector<1x16xf32> to vector<16xf32>
        %parallel_loop3A_689 = vector.shape_cast %parallel_loop3A_682 : vector<16xf32> to vector<1x16xf32>
        tpu.vector_store %arg14[%parallel_loop3A_685, %parallel_loop3A_686], %parallel_loop3A_689 {strides = array<i32>} : memref<400x16xf32, #tpu.memory_space<vmem>>, vector<1x16xf32>,
        %parallel_loop3A_690 = arith.constant 11 : i32
        %parallel_loop3A_691 = arith.addi %parallel_loop3A_271, %parallel_loop3A_690 : i32
        %parallel_loop3A_692 = arith.index_cast %parallel_loop3A_691 : i32 to index
        %parallel_loop3A_693 = arith.constant 0 : index
        %parallel_loop3A_694 = tpu.vector_load %arg12[%parallel_loop3A_692, %parallel_loop3A_693] {strides = array<i32>} : memref<400x64xf32, #tpu.memory_space<vmem>>, vector<1x16xf32>,
        %parallel_loop3A_695 = vector.shape_cast %parallel_loop3A_694 : vector<1x16xf32> to vector<16xf32>
        %parallel_loop3A_696 = arith.constant 11 : i32
        %parallel_loop3A_697 = arith.addi %parallel_loop3A_271, %parallel_loop3A_696 : i32
        %parallel_loop3A_698 = arith.index_cast %parallel_loop3A_697 : i32 to index
        %parallel_loop3A_699 = arith.constant 16 : index
        %parallel_loop3A_700 = tpu.vector_load %arg12[%parallel_loop3A_698, %parallel_loop3A_699] {strides = array<i32>} : memref<400x64xf32, #tpu.memory_space<vmem>>, vector<1x16xf32>,
        %parallel_loop3A_701 = vector.shape_cast %parallel_loop3A_700 : vector<1x16xf32> to vector<16xf32>
        %parallel_loop3A_702 = arith.constant 11 : i32
        %parallel_loop3A_703 = arith.addi %parallel_loop3A_271, %parallel_loop3A_702 : i32
        %parallel_loop3A_704 = arith.index_cast %parallel_loop3A_703 : i32 to index
        %parallel_loop3A_705 = arith.constant 32 : index
        %parallel_loop3A_706 = tpu.vector_load %arg12[%parallel_loop3A_704, %parallel_loop3A_705] {strides = array<i32>} : memref<400x64xf32, #tpu.memory_space<vmem>>, vector<1x16xf32>,
        %parallel_loop3A_707 = vector.shape_cast %parallel_loop3A_706 : vector<1x16xf32> to vector<16xf32>
        %parallel_loop3A_708 = arith.constant 11 : i32
        %parallel_loop3A_709 = arith.addi %parallel_loop3A_271, %parallel_loop3A_708 : i32
        %parallel_loop3A_710 = arith.index_cast %parallel_loop3A_709 : i32 to index
        %parallel_loop3A_711 = arith.constant 48 : index
        %parallel_loop3A_712 = tpu.vector_load %arg12[%parallel_loop3A_710, %parallel_loop3A_711] {strides = array<i32>} : memref<400x64xf32, #tpu.memory_space<vmem>>, vector<1x16xf32>,
        %parallel_loop3A_713 = vector.shape_cast %parallel_loop3A_712 : vector<1x16xf32> to vector<16xf32>
        %parallel_loop3A_714 = arith.mulf %parallel_loop3A_257, %parallel_loop3A_695 : vector<16xf32>
        %parallel_loop3A_715 = arith.mulf %parallel_loop3A_261, %parallel_loop3A_701 : vector<16xf32>
        %parallel_loop3A_716 = arith.addf %parallel_loop3A_714, %parallel_loop3A_715 : vector<16xf32>
        %parallel_loop3A_717 = arith.mulf %parallel_loop3A_265, %parallel_loop3A_707 : vector<16xf32>
        %parallel_loop3A_718 = arith.mulf %parallel_loop3A_269, %parallel_loop3A_713 : vector<16xf32>
        %parallel_loop3A_719 = arith.addf %parallel_loop3A_717, %parallel_loop3A_718 : vector<16xf32>
        %parallel_loop3A_720 = arith.addf %parallel_loop3A_716, %parallel_loop3A_719 : vector<16xf32>
        %parallel_loop3A_721 = arith.constant 11 : i32
        %parallel_loop3A_722 = arith.addi %parallel_loop3A_271, %parallel_loop3A_721 : i32
        %parallel_loop3A_723 = arith.index_cast %parallel_loop3A_722 : i32 to index
        %parallel_loop3A_724 = arith.constant 0 : index
        %parallel_loop3A_725 = tpu.vector_load %arg14[%parallel_loop3A_723, %parallel_loop3A_724] {strides = array<i32>} : memref<400x16xf32, #tpu.memory_space<vmem>>, vector<1x16xf32>,
        %parallel_loop3A_726 = vector.shape_cast %parallel_loop3A_725 : vector<1x16xf32> to vector<16xf32>
        %parallel_loop3A_727 = vector.shape_cast %parallel_loop3A_720 : vector<16xf32> to vector<1x16xf32>
        tpu.vector_store %arg14[%parallel_loop3A_723, %parallel_loop3A_724], %parallel_loop3A_727 {strides = array<i32>} : memref<400x16xf32, #tpu.memory_space<vmem>>, vector<1x16xf32>,
        %parallel_loop3A_728 = arith.constant 12 : i32
        %parallel_loop3A_729 = arith.addi %parallel_loop3A_271, %parallel_loop3A_728 : i32
        %parallel_loop3A_730 = arith.index_cast %parallel_loop3A_729 : i32 to index
        %parallel_loop3A_731 = arith.constant 0 : index
        %parallel_loop3A_732 = tpu.vector_load %arg12[%parallel_loop3A_730, %parallel_loop3A_731] {strides = array<i32>} : memref<400x64xf32, #tpu.memory_space<vmem>>, vector<1x16xf32>,
        %parallel_loop3A_733 = vector.shape_cast %parallel_loop3A_732 : vector<1x16xf32> to vector<16xf32>
        %parallel_loop3A_734 = arith.constant 12 : i32
        %parallel_loop3A_735 = arith.addi %parallel_loop3A_271, %parallel_loop3A_734 : i32
        %parallel_loop3A_736 = arith.index_cast %parallel_loop3A_735 : i32 to index
        %parallel_loop3A_737 = arith.constant 16 : index
        %parallel_loop3A_738 = tpu.vector_load %arg12[%parallel_loop3A_736, %parallel_loop3A_737] {strides = array<i32>} : memref<400x64xf32, #tpu.memory_space<vmem>>, vector<1x16xf32>,
        %parallel_loop3A_739 = vector.shape_cast %parallel_loop3A_738 : vector<1x16xf32> to vector<16xf32>
        %parallel_loop3A_740 = arith.constant 12 : i32
        %parallel_loop3A_741 = arith.addi %parallel_loop3A_271, %parallel_loop3A_740 : i32
        %parallel_loop3A_742 = arith.index_cast %parallel_loop3A_741 : i32 to index
        %parallel_loop3A_743 = arith.constant 32 : index
        %parallel_loop3A_744 = tpu.vector_load %arg12[%parallel_loop3A_742, %parallel_loop3A_743] {strides = array<i32>} : memref<400x64xf32, #tpu.memory_space<vmem>>, vector<1x16xf32>,
        %parallel_loop3A_745 = vector.shape_cast %parallel_loop3A_744 : vector<1x16xf32> to vector<16xf32>
        %parallel_loop3A_746 = arith.constant 12 : i32
        %parallel_loop3A_747 = arith.addi %parallel_loop3A_271, %parallel_loop3A_746 : i32
        %parallel_loop3A_748 = arith.index_cast %parallel_loop3A_747 : i32 to index
        %parallel_loop3A_749 = arith.constant 48 : index
        %parallel_loop3A_750 = tpu.vector_load %arg12[%parallel_loop3A_748, %parallel_loop3A_749] {strides = array<i32>} : memref<400x64xf32, #tpu.memory_space<vmem>>, vector<1x16xf32>,
        %parallel_loop3A_751 = vector.shape_cast %parallel_loop3A_750 : vector<1x16xf32> to vector<16xf32>
        %parallel_loop3A_752 = arith.mulf %parallel_loop3A_257, %parallel_loop3A_733 : vector<16xf32>
        %parallel_loop3A_753 = arith.mulf %parallel_loop3A_261, %parallel_loop3A_739 : vector<16xf32>
        %parallel_loop3A_754 = arith.addf %parallel_loop3A_752, %parallel_loop3A_753 : vector<16xf32>
        %parallel_loop3A_755 = arith.mulf %parallel_loop3A_265, %parallel_loop3A_745 : vector<16xf32>
        %parallel_loop3A_756 = arith.mulf %parallel_loop3A_269, %parallel_loop3A_751 : vector<16xf32>
        %parallel_loop3A_757 = arith.addf %parallel_loop3A_755, %parallel_loop3A_756 : vector<16xf32>
        %parallel_loop3A_758 = arith.addf %parallel_loop3A_754, %parallel_loop3A_757 : vector<16xf32>
        %parallel_loop3A_759 = arith.constant 12 : i32
        %parallel_loop3A_760 = arith.addi %parallel_loop3A_271, %parallel_loop3A_759 : i32
        %parallel_loop3A_761 = arith.index_cast %parallel_loop3A_760 : i32 to index
        %parallel_loop3A_762 = arith.constant 0 : index
        %parallel_loop3A_763 = tpu.vector_load %arg14[%parallel_loop3A_761, %parallel_loop3A_762] {strides = array<i32>} : memref<400x16xf32, #tpu.memory_space<vmem>>, vector<1x16xf32>,
        %parallel_loop3A_764 = vector.shape_cast %parallel_loop3A_763 : vector<1x16xf32> to vector<16xf32>
        %parallel_loop3A_765 = vector.shape_cast %parallel_loop3A_758 : vector<16xf32> to vector<1x16xf32>
        tpu.vector_store %arg14[%parallel_loop3A_761, %parallel_loop3A_762], %parallel_loop3A_765 {strides = array<i32>} : memref<400x16xf32, #tpu.memory_space<vmem>>, vector<1x16xf32>,
        %parallel_loop3A_766 = arith.constant 13 : i32
        %parallel_loop3A_767 = arith.addi %parallel_loop3A_271, %parallel_loop3A_766 : i32
        %parallel_loop3A_768 = arith.index_cast %parallel_loop3A_767 : i32 to index
        %parallel_loop3A_769 = arith.constant 0 : index
        %parallel_loop3A_770 = tpu.vector_load %arg12[%parallel_loop3A_768, %parallel_loop3A_769] {strides = array<i32>} : memref<400x64xf32, #tpu.memory_space<vmem>>, vector<1x16xf32>,
        %parallel_loop3A_771 = vector.shape_cast %parallel_loop3A_770 : vector<1x16xf32> to vector<16xf32>
        %parallel_loop3A_772 = arith.constant 13 : i32
        %parallel_loop3A_773 = arith.addi %parallel_loop3A_271, %parallel_loop3A_772 : i32
        %parallel_loop3A_774 = arith.index_cast %parallel_loop3A_773 : i32 to index
        %parallel_loop3A_775 = arith.constant 16 : index
        %parallel_loop3A_776 = tpu.vector_load %arg12[%parallel_loop3A_774, %parallel_loop3A_775] {strides = array<i32>} : memref<400x64xf32, #tpu.memory_space<vmem>>, vector<1x16xf32>,
        %parallel_loop3A_777 = vector.shape_cast %parallel_loop3A_776 : vector<1x16xf32> to vector<16xf32>
        %parallel_loop3A_778 = arith.constant 13 : i32
        %parallel_loop3A_779 = arith.addi %parallel_loop3A_271, %parallel_loop3A_778 : i32
        %parallel_loop3A_780 = arith.index_cast %parallel_loop3A_779 : i32 to index
        %parallel_loop3A_781 = arith.constant 32 : index
        %parallel_loop3A_782 = tpu.vector_load %arg12[%parallel_loop3A_780, %parallel_loop3A_781] {strides = array<i32>} : memref<400x64xf32, #tpu.memory_space<vmem>>, vector<1x16xf32>,
        %parallel_loop3A_783 = vector.shape_cast %parallel_loop3A_782 : vector<1x16xf32> to vector<16xf32>
        %parallel_loop3A_784 = arith.constant 13 : i32
        %parallel_loop3A_785 = arith.addi %parallel_loop3A_271, %parallel_loop3A_784 : i32
        %parallel_loop3A_786 = arith.index_cast %parallel_loop3A_785 : i32 to index
        %parallel_loop3A_787 = arith.constant 48 : index
        %parallel_loop3A_788 = tpu.vector_load %arg12[%parallel_loop3A_786, %parallel_loop3A_787] {strides = array<i32>} : memref<400x64xf32, #tpu.memory_space<vmem>>, vector<1x16xf32>,
        %parallel_loop3A_789 = vector.shape_cast %parallel_loop3A_788 : vector<1x16xf32> to vector<16xf32>
        %parallel_loop3A_790 = arith.mulf %parallel_loop3A_257, %parallel_loop3A_771 : vector<16xf32>
        %parallel_loop3A_791 = arith.mulf %parallel_loop3A_261, %parallel_loop3A_777 : vector<16xf32>
        %parallel_loop3A_792 = arith.addf %parallel_loop3A_790, %parallel_loop3A_791 : vector<16xf32>
        %parallel_loop3A_793 = arith.mulf %parallel_loop3A_265, %parallel_loop3A_783 : vector<16xf32>
        %parallel_loop3A_794 = arith.mulf %parallel_loop3A_269, %parallel_loop3A_789 : vector<16xf32>
        %parallel_loop3A_795 = arith.addf %parallel_loop3A_793, %parallel_loop3A_794 : vector<16xf32>
        %parallel_loop3A_796 = arith.addf %parallel_loop3A_792, %parallel_loop3A_795 : vector<16xf32>
        %parallel_loop3A_797 = arith.constant 13 : i32
        %parallel_loop3A_798 = arith.addi %parallel_loop3A_271, %parallel_loop3A_797 : i32
        %parallel_loop3A_799 = arith.index_cast %parallel_loop3A_798 : i32 to index
        %parallel_loop3A_800 = arith.constant 0 : index
        %parallel_loop3A_801 = tpu.vector_load %arg14[%parallel_loop3A_799, %parallel_loop3A_800] {strides = array<i32>} : memref<400x16xf32, #tpu.memory_space<vmem>>, vector<1x16xf32>,
        %parallel_loop3A_802 = vector.shape_cast %parallel_loop3A_801 : vector<1x16xf32> to vector<16xf32>
        %parallel_loop3A_803 = vector.shape_cast %parallel_loop3A_796 : vector<16xf32> to vector<1x16xf32>
        tpu.vector_store %arg14[%parallel_loop3A_799, %parallel_loop3A_800], %parallel_loop3A_803 {strides = array<i32>} : memref<400x16xf32, #tpu.memory_space<vmem>>, vector<1x16xf32>,
        %parallel_loop3A_804 = arith.constant 14 : i32
        %parallel_loop3A_805 = arith.addi %parallel_loop3A_271, %parallel_loop3A_804 : i32
        %parallel_loop3A_806 = arith.index_cast %parallel_loop3A_805 : i32 to index
        %parallel_loop3A_807 = arith.constant 0 : index
        %parallel_loop3A_808 = tpu.vector_load %arg12[%parallel_loop3A_806, %parallel_loop3A_807] {strides = array<i32>} : memref<400x64xf32, #tpu.memory_space<vmem>>, vector<1x16xf32>,
        %parallel_loop3A_809 = vector.shape_cast %parallel_loop3A_808 : vector<1x16xf32> to vector<16xf32>
        %parallel_loop3A_810 = arith.constant 14 : i32
        %parallel_loop3A_811 = arith.addi %parallel_loop3A_271, %parallel_loop3A_810 : i32
        %parallel_loop3A_812 = arith.index_cast %parallel_loop3A_811 : i32 to index
        %parallel_loop3A_813 = arith.constant 16 : index
        %parallel_loop3A_814 = tpu.vector_load %arg12[%parallel_loop3A_812, %parallel_loop3A_813] {strides = array<i32>} : memref<400x64xf32, #tpu.memory_space<vmem>>, vector<1x16xf32>,
        %parallel_loop3A_815 = vector.shape_cast %parallel_loop3A_814 : vector<1x16xf32> to vector<16xf32>
        %parallel_loop3A_816 = arith.constant 14 : i32
        %parallel_loop3A_817 = arith.addi %parallel_loop3A_271, %parallel_loop3A_816 : i32
        %parallel_loop3A_818 = arith.index_cast %parallel_loop3A_817 : i32 to index
        %parallel_loop3A_819 = arith.constant 32 : index
        %parallel_loop3A_820 = tpu.vector_load %arg12[%parallel_loop3A_818, %parallel_loop3A_819] {strides = array<i32>} : memref<400x64xf32, #tpu.memory_space<vmem>>, vector<1x16xf32>,
        %parallel_loop3A_821 = vector.shape_cast %parallel_loop3A_820 : vector<1x16xf32> to vector<16xf32>
        %parallel_loop3A_822 = arith.constant 14 : i32
        %parallel_loop3A_823 = arith.addi %parallel_loop3A_271, %parallel_loop3A_822 : i32
        %parallel_loop3A_824 = arith.index_cast %parallel_loop3A_823 : i32 to index
        %parallel_loop3A_825 = arith.constant 48 : index
        %parallel_loop3A_826 = tpu.vector_load %arg12[%parallel_loop3A_824, %parallel_loop3A_825] {strides = array<i32>} : memref<400x64xf32, #tpu.memory_space<vmem>>, vector<1x16xf32>,
        %parallel_loop3A_827 = vector.shape_cast %parallel_loop3A_826 : vector<1x16xf32> to vector<16xf32>
        %parallel_loop3A_828 = arith.mulf %parallel_loop3A_257, %parallel_loop3A_809 : vector<16xf32>
        %parallel_loop3A_829 = arith.mulf %parallel_loop3A_261, %parallel_loop3A_815 : vector<16xf32>
        %parallel_loop3A_830 = arith.addf %parallel_loop3A_828, %parallel_loop3A_829 : vector<16xf32>
        %parallel_loop3A_831 = arith.mulf %parallel_loop3A_265, %parallel_loop3A_821 : vector<16xf32>
        %parallel_loop3A_832 = arith.mulf %parallel_loop3A_269, %parallel_loop3A_827 : vector<16xf32>
        %parallel_loop3A_833 = arith.addf %parallel_loop3A_831, %parallel_loop3A_832 : vector<16xf32>
        %parallel_loop3A_834 = arith.addf %parallel_loop3A_830, %parallel_loop3A_833 : vector<16xf32>
        %parallel_loop3A_835 = arith.constant 14 : i32
        %parallel_loop3A_836 = arith.addi %parallel_loop3A_271, %parallel_loop3A_835 : i32
        %parallel_loop3A_837 = arith.index_cast %parallel_loop3A_836 : i32 to index
        %parallel_loop3A_838 = arith.constant 0 : index
        %parallel_loop3A_839 = tpu.vector_load %arg14[%parallel_loop3A_837, %parallel_loop3A_838] {strides = array<i32>} : memref<400x16xf32, #tpu.memory_space<vmem>>, vector<1x16xf32>,
        %parallel_loop3A_840 = vector.shape_cast %parallel_loop3A_839 : vector<1x16xf32> to vector<16xf32>
        %parallel_loop3A_841 = vector.shape_cast %parallel_loop3A_834 : vector<16xf32> to vector<1x16xf32>
        tpu.vector_store %arg14[%parallel_loop3A_837, %parallel_loop3A_838], %parallel_loop3A_841 {strides = array<i32>} : memref<400x16xf32, #tpu.memory_space<vmem>>, vector<1x16xf32>,
        %parallel_loop3A_842 = arith.constant 15 : i32
        %parallel_loop3A_843 = arith.addi %parallel_loop3A_271, %parallel_loop3A_842 : i32
        %parallel_loop3A_844 = arith.index_cast %parallel_loop3A_843 : i32 to index
        %parallel_loop3A_845 = arith.constant 0 : index
        %parallel_loop3A_846 = tpu.vector_load %arg12[%parallel_loop3A_844, %parallel_loop3A_845] {strides = array<i32>} : memref<400x64xf32, #tpu.memory_space<vmem>>, vector<1x16xf32>,
        %parallel_loop3A_847 = vector.shape_cast %parallel_loop3A_846 : vector<1x16xf32> to vector<16xf32>
        %parallel_loop3A_848 = arith.constant 15 : i32
        %parallel_loop3A_849 = arith.addi %parallel_loop3A_271, %parallel_loop3A_848 : i32
        %parallel_loop3A_850 = arith.index_cast %parallel_loop3A_849 : i32 to index
        %parallel_loop3A_851 = arith.constant 16 : index
        %parallel_loop3A_852 = tpu.vector_load %arg12[%parallel_loop3A_850, %parallel_loop3A_851] {strides = array<i32>} : memref<400x64xf32, #tpu.memory_space<vmem>>, vector<1x16xf32>,
        %parallel_loop3A_853 = vector.shape_cast %parallel_loop3A_852 : vector<1x16xf32> to vector<16xf32>
        %parallel_loop3A_854 = arith.constant 15 : i32
        %parallel_loop3A_855 = arith.addi %parallel_loop3A_271, %parallel_loop3A_854 : i32
        %parallel_loop3A_856 = arith.index_cast %parallel_loop3A_855 : i32 to index
        %parallel_loop3A_857 = arith.constant 32 : index
        %parallel_loop3A_858 = tpu.vector_load %arg12[%parallel_loop3A_856, %parallel_loop3A_857] {strides = array<i32>} : memref<400x64xf32, #tpu.memory_space<vmem>>, vector<1x16xf32>,
        %parallel_loop3A_859 = vector.shape_cast %parallel_loop3A_858 : vector<1x16xf32> to vector<16xf32>
        %parallel_loop3A_860 = arith.constant 15 : i32
        %parallel_loop3A_861 = arith.addi %parallel_loop3A_271, %parallel_loop3A_860 : i32
        %parallel_loop3A_862 = arith.index_cast %parallel_loop3A_861 : i32 to index
        %parallel_loop3A_863 = arith.constant 48 : index
        %parallel_loop3A_864 = tpu.vector_load %arg12[%parallel_loop3A_862, %parallel_loop3A_863] {strides = array<i32>} : memref<400x64xf32, #tpu.memory_space<vmem>>, vector<1x16xf32>,
        %parallel_loop3A_865 = vector.shape_cast %parallel_loop3A_864 : vector<1x16xf32> to vector<16xf32>
        %parallel_loop3A_866 = arith.mulf %parallel_loop3A_257, %parallel_loop3A_847 : vector<16xf32>
        %parallel_loop3A_867 = arith.mulf %parallel_loop3A_261, %parallel_loop3A_853 : vector<16xf32>
        %parallel_loop3A_868 = arith.addf %parallel_loop3A_866, %parallel_loop3A_867 : vector<16xf32>
        %parallel_loop3A_869 = arith.mulf %parallel_loop3A_265, %parallel_loop3A_859 : vector<16xf32>
        %parallel_loop3A_870 = arith.mulf %parallel_loop3A_269, %parallel_loop3A_865 : vector<16xf32>
        %parallel_loop3A_871 = arith.addf %parallel_loop3A_869, %parallel_loop3A_870 : vector<16xf32>
        %parallel_loop3A_872 = arith.addf %parallel_loop3A_868, %parallel_loop3A_871 : vector<16xf32>
        %parallel_loop3A_873 = arith.constant 15 : i32
        %parallel_loop3A_874 = arith.addi %parallel_loop3A_271, %parallel_loop3A_873 : i32
        %parallel_loop3A_875 = arith.index_cast %parallel_loop3A_874 : i32 to index
        %parallel_loop3A_876 = arith.constant 0 : index
        %parallel_loop3A_877 = tpu.vector_load %arg14[%parallel_loop3A_875, %parallel_loop3A_876] {strides = array<i32>} : memref<400x16xf32, #tpu.memory_space<vmem>>, vector<1x16xf32>,
        %parallel_loop3A_878 = vector.shape_cast %parallel_loop3A_877 : vector<1x16xf32> to vector<16xf32>
        %parallel_loop3A_879 = vector.shape_cast %parallel_loop3A_872 : vector<16xf32> to vector<1x16xf32>
        tpu.vector_store %arg14[%parallel_loop3A_875, %parallel_loop3A_876], %parallel_loop3A_879 {strides = array<i32>} : memref<400x16xf32, #tpu.memory_space<vmem>>, vector<1x16xf32>,
        %parallel_loop3A_880 = arith.constant 16 : i32
        %parallel_loop3A_881 = arith.addi %parallel_loop3A_271, %parallel_loop3A_880 : i32
        %parallel_loop3A_882 = arith.index_cast %parallel_loop3A_881 : i32 to index
        %parallel_loop3A_883 = arith.constant 0 : index
        %parallel_loop3A_884 = tpu.vector_load %arg12[%parallel_loop3A_882, %parallel_loop3A_883] {strides = array<i32>} : memref<400x64xf32, #tpu.memory_space<vmem>>, vector<1x16xf32>,
        %parallel_loop3A_885 = vector.shape_cast %parallel_loop3A_884 : vector<1x16xf32> to vector<16xf32>
        %parallel_loop3A_886 = arith.constant 16 : i32
        %parallel_loop3A_887 = arith.addi %parallel_loop3A_271, %parallel_loop3A_886 : i32
        %parallel_loop3A_888 = arith.index_cast %parallel_loop3A_887 : i32 to index
        %parallel_loop3A_889 = arith.constant 16 : index
        %parallel_loop3A_890 = tpu.vector_load %arg12[%parallel_loop3A_888, %parallel_loop3A_889] {strides = array<i32>} : memref<400x64xf32, #tpu.memory_space<vmem>>, vector<1x16xf32>,
        %parallel_loop3A_891 = vector.shape_cast %parallel_loop3A_890 : vector<1x16xf32> to vector<16xf32>
        %parallel_loop3A_892 = arith.constant 16 : i32
        %parallel_loop3A_893 = arith.addi %parallel_loop3A_271, %parallel_loop3A_892 : i32
        %parallel_loop3A_894 = arith.index_cast %parallel_loop3A_893 : i32 to index
        %parallel_loop3A_895 = arith.constant 32 : index
        %parallel_loop3A_896 = tpu.vector_load %arg12[%parallel_loop3A_894, %parallel_loop3A_895] {strides = array<i32>} : memref<400x64xf32, #tpu.memory_space<vmem>>, vector<1x16xf32>,
        %parallel_loop3A_897 = vector.shape_cast %parallel_loop3A_896 : vector<1x16xf32> to vector<16xf32>
        %parallel_loop3A_898 = arith.constant 16 : i32
        %parallel_loop3A_899 = arith.addi %parallel_loop3A_271, %parallel_loop3A_898 : i32
        %parallel_loop3A_900 = arith.index_cast %parallel_loop3A_899 : i32 to index
        %parallel_loop3A_901 = arith.constant 48 : index
        %parallel_loop3A_902 = tpu.vector_load %arg12[%parallel_loop3A_900, %parallel_loop3A_901] {strides = array<i32>} : memref<400x64xf32, #tpu.memory_space<vmem>>, vector<1x16xf32>,
        %parallel_loop3A_903 = vector.shape_cast %parallel_loop3A_902 : vector<1x16xf32> to vector<16xf32>
        %parallel_loop3A_904 = arith.mulf %parallel_loop3A_257, %parallel_loop3A_885 : vector<16xf32>
        %parallel_loop3A_905 = arith.mulf %parallel_loop3A_261, %parallel_loop3A_891 : vector<16xf32>
        %parallel_loop3A_906 = arith.addf %parallel_loop3A_904, %parallel_loop3A_905 : vector<16xf32>
        %parallel_loop3A_907 = arith.mulf %parallel_loop3A_265, %parallel_loop3A_897 : vector<16xf32>
        %parallel_loop3A_908 = arith.mulf %parallel_loop3A_269, %parallel_loop3A_903 : vector<16xf32>
        %parallel_loop3A_909 = arith.addf %parallel_loop3A_907, %parallel_loop3A_908 : vector<16xf32>
        %parallel_loop3A_910 = arith.addf %parallel_loop3A_906, %parallel_loop3A_909 : vector<16xf32>
        %parallel_loop3A_911 = arith.constant 16 : i32
        %parallel_loop3A_912 = arith.addi %parallel_loop3A_271, %parallel_loop3A_911 : i32
        %parallel_loop3A_913 = arith.index_cast %parallel_loop3A_912 : i32 to index
        %parallel_loop3A_914 = arith.constant 0 : index
        %parallel_loop3A_915 = tpu.vector_load %arg14[%parallel_loop3A_913, %parallel_loop3A_914] {strides = array<i32>} : memref<400x16xf32, #tpu.memory_space<vmem>>, vector<1x16xf32>,
        %parallel_loop3A_916 = vector.shape_cast %parallel_loop3A_915 : vector<1x16xf32> to vector<16xf32>
        %parallel_loop3A_917 = vector.shape_cast %parallel_loop3A_910 : vector<16xf32> to vector<1x16xf32>
        tpu.vector_store %arg14[%parallel_loop3A_913, %parallel_loop3A_914], %parallel_loop3A_917 {strides = array<i32>} : memref<400x16xf32, #tpu.memory_space<vmem>>, vector<1x16xf32>,
        %parallel_loop3A_918 = arith.constant 17 : i32
        %parallel_loop3A_919 = arith.addi %parallel_loop3A_271, %parallel_loop3A_918 : i32
        %parallel_loop3A_920 = arith.index_cast %parallel_loop3A_919 : i32 to index
        %parallel_loop3A_921 = arith.constant 0 : index
        %parallel_loop3A_922 = tpu.vector_load %arg12[%parallel_loop3A_920, %parallel_loop3A_921] {strides = array<i32>} : memref<400x64xf32, #tpu.memory_space<vmem>>, vector<1x16xf32>,
        %parallel_loop3A_923 = vector.shape_cast %parallel_loop3A_922 : vector<1x16xf32> to vector<16xf32>
        %parallel_loop3A_924 = arith.constant 17 : i32
        %parallel_loop3A_925 = arith.addi %parallel_loop3A_271, %parallel_loop3A_924 : i32
        %parallel_loop3A_926 = arith.index_cast %parallel_loop3A_925 : i32 to index
        %parallel_loop3A_927 = arith.constant 16 : index
        %parallel_loop3A_928 = tpu.vector_load %arg12[%parallel_loop3A_926, %parallel_loop3A_927] {strides = array<i32>} : memref<400x64xf32, #tpu.memory_space<vmem>>, vector<1x16xf32>,
        %parallel_loop3A_929 = vector.shape_cast %parallel_loop3A_928 : vector<1x16xf32> to vector<16xf32>
        %parallel_loop3A_930 = arith.constant 17 : i32
        %parallel_loop3A_931 = arith.addi %parallel_loop3A_271, %parallel_loop3A_930 : i32
        %parallel_loop3A_932 = arith.index_cast %parallel_loop3A_931 : i32 to index
        %parallel_loop3A_933 = arith.constant 32 : index
        %parallel_loop3A_934 = tpu.vector_load %arg12[%parallel_loop3A_932, %parallel_loop3A_933] {strides = array<i32>} : memref<400x64xf32, #tpu.memory_space<vmem>>, vector<1x16xf32>,
        %parallel_loop3A_935 = vector.shape_cast %parallel_loop3A_934 : vector<1x16xf32> to vector<16xf32>
        %parallel_loop3A_936 = arith.constant 17 : i32
        %parallel_loop3A_937 = arith.addi %parallel_loop3A_271, %parallel_loop3A_936 : i32
        %parallel_loop3A_938 = arith.index_cast %parallel_loop3A_937 : i32 to index
        %parallel_loop3A_939 = arith.constant 48 : index
        %parallel_loop3A_940 = tpu.vector_load %arg12[%parallel_loop3A_938, %parallel_loop3A_939] {strides = array<i32>} : memref<400x64xf32, #tpu.memory_space<vmem>>, vector<1x16xf32>,
        %parallel_loop3A_941 = vector.shape_cast %parallel_loop3A_940 : vector<1x16xf32> to vector<16xf32>
        %parallel_loop3A_942 = arith.mulf %parallel_loop3A_257, %parallel_loop3A_923 : vector<16xf32>
        %parallel_loop3A_943 = arith.mulf %parallel_loop3A_261, %parallel_loop3A_929 : vector<16xf32>
        %parallel_loop3A_944 = arith.addf %parallel_loop3A_942, %parallel_loop3A_943 : vector<16xf32>
        %parallel_loop3A_945 = arith.mulf %parallel_loop3A_265, %parallel_loop3A_935 : vector<16xf32>
        %parallel_loop3A_946 = arith.mulf %parallel_loop3A_269, %parallel_loop3A_941 : vector<16xf32>
        %parallel_loop3A_947 = arith.addf %parallel_loop3A_945, %parallel_loop3A_946 : vector<16xf32>
        %parallel_loop3A_948 = arith.addf %parallel_loop3A_944, %parallel_loop3A_947 : vector<16xf32>
        %parallel_loop3A_949 = arith.constant 17 : i32
        %parallel_loop3A_950 = arith.addi %parallel_loop3A_271, %parallel_loop3A_949 : i32
        %parallel_loop3A_951 = arith.index_cast %parallel_loop3A_950 : i32 to index
        %parallel_loop3A_952 = arith.constant 0 : index
        %parallel_loop3A_953 = tpu.vector_load %arg14[%parallel_loop3A_951, %parallel_loop3A_952] {strides = array<i32>} : memref<400x16xf32, #tpu.memory_space<vmem>>, vector<1x16xf32>,
        %parallel_loop3A_954 = vector.shape_cast %parallel_loop3A_953 : vector<1x16xf32> to vector<16xf32>
        %parallel_loop3A_955 = vector.shape_cast %parallel_loop3A_948 : vector<16xf32> to vector<1x16xf32>
        tpu.vector_store %arg14[%parallel_loop3A_951, %parallel_loop3A_952], %parallel_loop3A_955 {strides = array<i32>} : memref<400x16xf32, #tpu.memory_space<vmem>>, vector<1x16xf32>,
        %parallel_loop3A_956 = arith.constant 18 : i32
        %parallel_loop3A_957 = arith.addi %parallel_loop3A_271, %parallel_loop3A_956 : i32
        %parallel_loop3A_958 = arith.index_cast %parallel_loop3A_957 : i32 to index
        %parallel_loop3A_959 = arith.constant 0 : index
        %parallel_loop3A_960 = tpu.vector_load %arg12[%parallel_loop3A_958, %parallel_loop3A_959] {strides = array<i32>} : memref<400x64xf32, #tpu.memory_space<vmem>>, vector<1x16xf32>,
        %parallel_loop3A_961 = vector.shape_cast %parallel_loop3A_960 : vector<1x16xf32> to vector<16xf32>
        %parallel_loop3A_962 = arith.constant 18 : i32
        %parallel_loop3A_963 = arith.addi %parallel_loop3A_271, %parallel_loop3A_962 : i32
        %parallel_loop3A_964 = arith.index_cast %parallel_loop3A_963 : i32 to index
        %parallel_loop3A_965 = arith.constant 16 : index
        %parallel_loop3A_966 = tpu.vector_load %arg12[%parallel_loop3A_964, %parallel_loop3A_965] {strides = array<i32>} : memref<400x64xf32, #tpu.memory_space<vmem>>, vector<1x16xf32>,
        %parallel_loop3A_967 = vector.shape_cast %parallel_loop3A_966 : vector<1x16xf32> to vector<16xf32>
        %parallel_loop3A_968 = arith.constant 18 : i32
        %parallel_loop3A_969 = arith.addi %parallel_loop3A_271, %parallel_loop3A_968 : i32
        %parallel_loop3A_970 = arith.index_cast %parallel_loop3A_969 : i32 to index
        %parallel_loop3A_971 = arith.constant 32 : index
        %parallel_loop3A_972 = tpu.vector_load %arg12[%parallel_loop3A_970, %parallel_loop3A_971] {strides = array<i32>} : memref<400x64xf32, #tpu.memory_space<vmem>>, vector<1x16xf32>,
        %parallel_loop3A_973 = vector.shape_cast %parallel_loop3A_972 : vector<1x16xf32> to vector<16xf32>
        %parallel_loop3A_974 = arith.constant 18 : i32
        %parallel_loop3A_975 = arith.addi %parallel_loop3A_271, %parallel_loop3A_974 : i32
        %parallel_loop3A_976 = arith.index_cast %parallel_loop3A_975 : i32 to index
        %parallel_loop3A_977 = arith.constant 48 : index
        %parallel_loop3A_978 = tpu.vector_load %arg12[%parallel_loop3A_976, %parallel_loop3A_977] {strides = array<i32>} : memref<400x64xf32, #tpu.memory_space<vmem>>, vector<1x16xf32>,
        %parallel_loop3A_979 = vector.shape_cast %parallel_loop3A_978 : vector<1x16xf32> to vector<16xf32>
        %parallel_loop3A_980 = arith.mulf %parallel_loop3A_257, %parallel_loop3A_961 : vector<16xf32>
        %parallel_loop3A_981 = arith.mulf %parallel_loop3A_261, %parallel_loop3A_967 : vector<16xf32>
        %parallel_loop3A_982 = arith.addf %parallel_loop3A_980, %parallel_loop3A_981 : vector<16xf32>
        %parallel_loop3A_983 = arith.mulf %parallel_loop3A_265, %parallel_loop3A_973 : vector<16xf32>
        %parallel_loop3A_984 = arith.mulf %parallel_loop3A_269, %parallel_loop3A_979 : vector<16xf32>
        %parallel_loop3A_985 = arith.addf %parallel_loop3A_983, %parallel_loop3A_984 : vector<16xf32>
        %parallel_loop3A_986 = arith.addf %parallel_loop3A_982, %parallel_loop3A_985 : vector<16xf32>
        %parallel_loop3A_987 = arith.constant 18 : i32
        %parallel_loop3A_988 = arith.addi %parallel_loop3A_271, %parallel_loop3A_987 : i32
        %parallel_loop3A_989 = arith.index_cast %parallel_loop3A_988 : i32 to index
        %parallel_loop3A_990 = arith.constant 0 : index
        %parallel_loop3A_991 = tpu.vector_load %arg14[%parallel_loop3A_989, %parallel_loop3A_990] {strides = array<i32>} : memref<400x16xf32, #tpu.memory_space<vmem>>, vector<1x16xf32>,
        %parallel_loop3A_992 = vector.shape_cast %parallel_loop3A_991 : vector<1x16xf32> to vector<16xf32>
        %parallel_loop3A_993 = vector.shape_cast %parallel_loop3A_986 : vector<16xf32> to vector<1x16xf32>
        tpu.vector_store %arg14[%parallel_loop3A_989, %parallel_loop3A_990], %parallel_loop3A_993 {strides = array<i32>} : memref<400x16xf32, #tpu.memory_space<vmem>>, vector<1x16xf32>,
        %parallel_loop3A_994 = arith.constant 19 : i32
        %parallel_loop3A_995 = arith.addi %parallel_loop3A_271, %parallel_loop3A_994 : i32
        %parallel_loop3A_996 = arith.index_cast %parallel_loop3A_995 : i32 to index
        %parallel_loop3A_997 = arith.constant 0 : index
        %parallel_loop3A_998 = tpu.vector_load %arg12[%parallel_loop3A_996, %parallel_loop3A_997] {strides = array<i32>} : memref<400x64xf32, #tpu.memory_space<vmem>>, vector<1x16xf32>,
        %parallel_loop3A_999 = vector.shape_cast %parallel_loop3A_998 : vector<1x16xf32> to vector<16xf32>
        %parallel_loop3A_1000 = arith.constant 19 : i32
        %parallel_loop3A_1001 = arith.addi %parallel_loop3A_271, %parallel_loop3A_1000 : i32
        %parallel_loop3A_1002 = arith.index_cast %parallel_loop3A_1001 : i32 to index
        %parallel_loop3A_1003 = arith.constant 16 : index
        %parallel_loop3A_1004 = tpu.vector_load %arg12[%parallel_loop3A_1002, %parallel_loop3A_1003] {strides = array<i32>} : memref<400x64xf32, #tpu.memory_space<vmem>>, vector<1x16xf32>,
        %parallel_loop3A_1005 = vector.shape_cast %parallel_loop3A_1004 : vector<1x16xf32> to vector<16xf32>
        %parallel_loop3A_1006 = arith.constant 19 : i32
        %parallel_loop3A_1007 = arith.addi %parallel_loop3A_271, %parallel_loop3A_1006 : i32
        %parallel_loop3A_1008 = arith.index_cast %parallel_loop3A_1007 : i32 to index
        %parallel_loop3A_1009 = arith.constant 32 : index
        %parallel_loop3A_1010 = tpu.vector_load %arg12[%parallel_loop3A_1008, %parallel_loop3A_1009] {strides = array<i32>} : memref<400x64xf32, #tpu.memory_space<vmem>>, vector<1x16xf32>,
        %parallel_loop3A_1011 = vector.shape_cast %parallel_loop3A_1010 : vector<1x16xf32> to vector<16xf32>
        %parallel_loop3A_1012 = arith.constant 19 : i32
        %parallel_loop3A_1013 = arith.addi %parallel_loop3A_271, %parallel_loop3A_1012 : i32
        %parallel_loop3A_1014 = arith.index_cast %parallel_loop3A_1013 : i32 to index
        %parallel_loop3A_1015 = arith.constant 48 : index
        %parallel_loop3A_1016 = tpu.vector_load %arg12[%parallel_loop3A_1014, %parallel_loop3A_1015] {strides = array<i32>} : memref<400x64xf32, #tpu.memory_space<vmem>>, vector<1x16xf32>,
        %parallel_loop3A_1017 = vector.shape_cast %parallel_loop3A_1016 : vector<1x16xf32> to vector<16xf32>
        %parallel_loop3A_1018 = arith.mulf %parallel_loop3A_257, %parallel_loop3A_999 : vector<16xf32>
        %parallel_loop3A_1019 = arith.mulf %parallel_loop3A_261, %parallel_loop3A_1005 : vector<16xf32>
        %parallel_loop3A_1020 = arith.addf %parallel_loop3A_1018, %parallel_loop3A_1019 : vector<16xf32>
        %parallel_loop3A_1021 = arith.mulf %parallel_loop3A_265, %parallel_loop3A_1011 : vector<16xf32>
        %parallel_loop3A_1022 = arith.mulf %parallel_loop3A_269, %parallel_loop3A_1017 : vector<16xf32>
        %parallel_loop3A_1023 = arith.addf %parallel_loop3A_1021, %parallel_loop3A_1022 : vector<16xf32>
        %parallel_loop3A_1024 = arith.addf %parallel_loop3A_1020, %parallel_loop3A_1023 : vector<16xf32>
        %parallel_loop3A_1025 = arith.constant 19 : i32
        %parallel_loop3A_1026 = arith.addi %parallel_loop3A_271, %parallel_loop3A_1025 : i32
        %parallel_loop3A_1027 = arith.index_cast %parallel_loop3A_1026 : i32 to index
        %parallel_loop3A_1028 = arith.constant 0 : index
        %parallel_loop3A_1029 = tpu.vector_load %arg14[%parallel_loop3A_1027, %parallel_loop3A_1028] {strides = array<i32>} : memref<400x16xf32, #tpu.memory_space<vmem>>, vector<1x16xf32>,
        %parallel_loop3A_1030 = vector.shape_cast %parallel_loop3A_1029 : vector<1x16xf32> to vector<16xf32>
        %parallel_loop3A_1031 = vector.shape_cast %parallel_loop3A_1024 : vector<16xf32> to vector<1x16xf32>
        tpu.vector_store %arg14[%parallel_loop3A_1027, %parallel_loop3A_1028], %parallel_loop3A_1031 {strides = array<i32>} : memref<400x16xf32, #tpu.memory_space<vmem>>, vector<1x16xf32>,
        %parallel_loop3A_1032 = arith.constant 20 : i32
        %parallel_loop3A_1033 = arith.addi %parallel_loop3A_271, %parallel_loop3A_1032 : i32
        %parallel_loop3A_1034 = arith.index_cast %parallel_loop3A_1033 : i32 to index
        %parallel_loop3A_1035 = arith.constant 0 : index
        %parallel_loop3A_1036 = tpu.vector_load %arg12[%parallel_loop3A_1034, %parallel_loop3A_1035] {strides = array<i32>} : memref<400x64xf32, #tpu.memory_space<vmem>>, vector<1x16xf32>,
        %parallel_loop3A_1037 = vector.shape_cast %parallel_loop3A_1036 : vector<1x16xf32> to vector<16xf32>
        %parallel_loop3A_1038 = arith.constant 20 : i32
        %parallel_loop3A_1039 = arith.addi %parallel_loop3A_271, %parallel_loop3A_1038 : i32
        %parallel_loop3A_1040 = arith.index_cast %parallel_loop3A_1039 : i32 to index
        %parallel_loop3A_1041 = arith.constant 16 : index
        %parallel_loop3A_1042 = tpu.vector_load %arg12[%parallel_loop3A_1040, %parallel_loop3A_1041] {strides = array<i32>} : memref<400x64xf32, #tpu.memory_space<vmem>>, vector<1x16xf32>,
        %parallel_loop3A_1043 = vector.shape_cast %parallel_loop3A_1042 : vector<1x16xf32> to vector<16xf32>
        %parallel_loop3A_1044 = arith.constant 20 : i32
        %parallel_loop3A_1045 = arith.addi %parallel_loop3A_271, %parallel_loop3A_1044 : i32
        %parallel_loop3A_1046 = arith.index_cast %parallel_loop3A_1045 : i32 to index
        %parallel_loop3A_1047 = arith.constant 32 : index
        %parallel_loop3A_1048 = tpu.vector_load %arg12[%parallel_loop3A_1046, %parallel_loop3A_1047] {strides = array<i32>} : memref<400x64xf32, #tpu.memory_space<vmem>>, vector<1x16xf32>,
        %parallel_loop3A_1049 = vector.shape_cast %parallel_loop3A_1048 : vector<1x16xf32> to vector<16xf32>
        %parallel_loop3A_1050 = arith.constant 20 : i32
        %parallel_loop3A_1051 = arith.addi %parallel_loop3A_271, %parallel_loop3A_1050 : i32
        %parallel_loop3A_1052 = arith.index_cast %parallel_loop3A_1051 : i32 to index
        %parallel_loop3A_1053 = arith.constant 48 : index
        %parallel_loop3A_1054 = tpu.vector_load %arg12[%parallel_loop3A_1052, %parallel_loop3A_1053] {strides = array<i32>} : memref<400x64xf32, #tpu.memory_space<vmem>>, vector<1x16xf32>,
        %parallel_loop3A_1055 = vector.shape_cast %parallel_loop3A_1054 : vector<1x16xf32> to vector<16xf32>
        %parallel_loop3A_1056 = arith.mulf %parallel_loop3A_257, %parallel_loop3A_1037 : vector<16xf32>
        %parallel_loop3A_1057 = arith.mulf %parallel_loop3A_261, %parallel_loop3A_1043 : vector<16xf32>
        %parallel_loop3A_1058 = arith.addf %parallel_loop3A_1056, %parallel_loop3A_1057 : vector<16xf32>
        %parallel_loop3A_1059 = arith.mulf %parallel_loop3A_265, %parallel_loop3A_1049 : vector<16xf32>
        %parallel_loop3A_1060 = arith.mulf %parallel_loop3A_269, %parallel_loop3A_1055 : vector<16xf32>
        %parallel_loop3A_1061 = arith.addf %parallel_loop3A_1059, %parallel_loop3A_1060 : vector<16xf32>
        %parallel_loop3A_1062 = arith.addf %parallel_loop3A_1058, %parallel_loop3A_1061 : vector<16xf32>
        %parallel_loop3A_1063 = arith.constant 20 : i32
        %parallel_loop3A_1064 = arith.addi %parallel_loop3A_271, %parallel_loop3A_1063 : i32
        %parallel_loop3A_1065 = arith.index_cast %parallel_loop3A_1064 : i32 to index
        %parallel_loop3A_1066 = arith.constant 0 : index
        %parallel_loop3A_1067 = tpu.vector_load %arg14[%parallel_loop3A_1065, %parallel_loop3A_1066] {strides = array<i32>} : memref<400x16xf32, #tpu.memory_space<vmem>>, vector<1x16xf32>,
        %parallel_loop3A_1068 = vector.shape_cast %parallel_loop3A_1067 : vector<1x16xf32> to vector<16xf32>
        %parallel_loop3A_1069 = vector.shape_cast %parallel_loop3A_1062 : vector<16xf32> to vector<1x16xf32>
        tpu.vector_store %arg14[%parallel_loop3A_1065, %parallel_loop3A_1066], %parallel_loop3A_1069 {strides = array<i32>} : memref<400x16xf32, #tpu.memory_space<vmem>>, vector<1x16xf32>,
        %parallel_loop3A_1070 = arith.constant 21 : i32
        %parallel_loop3A_1071 = arith.addi %parallel_loop3A_271, %parallel_loop3A_1070 : i32
        %parallel_loop3A_1072 = arith.index_cast %parallel_loop3A_1071 : i32 to index
        %parallel_loop3A_1073 = arith.constant 0 : index
        %parallel_loop3A_1074 = tpu.vector_load %arg12[%parallel_loop3A_1072, %parallel_loop3A_1073] {strides = array<i32>} : memref<400x64xf32, #tpu.memory_space<vmem>>, vector<1x16xf32>,
        %parallel_loop3A_1075 = vector.shape_cast %parallel_loop3A_1074 : vector<1x16xf32> to vector<16xf32>
        %parallel_loop3A_1076 = arith.constant 21 : i32
        %parallel_loop3A_1077 = arith.addi %parallel_loop3A_271, %parallel_loop3A_1076 : i32
        %parallel_loop3A_1078 = arith.index_cast %parallel_loop3A_1077 : i32 to index
        %parallel_loop3A_1079 = arith.constant 16 : index
        %parallel_loop3A_1080 = tpu.vector_load %arg12[%parallel_loop3A_1078, %parallel_loop3A_1079] {strides = array<i32>} : memref<400x64xf32, #tpu.memory_space<vmem>>, vector<1x16xf32>,
        %parallel_loop3A_1081 = vector.shape_cast %parallel_loop3A_1080 : vector<1x16xf32> to vector<16xf32>
        %parallel_loop3A_1082 = arith.constant 21 : i32
        %parallel_loop3A_1083 = arith.addi %parallel_loop3A_271, %parallel_loop3A_1082 : i32
        %parallel_loop3A_1084 = arith.index_cast %parallel_loop3A_1083 : i32 to index
        %parallel_loop3A_1085 = arith.constant 32 : index
        %parallel_loop3A_1086 = tpu.vector_load %arg12[%parallel_loop3A_1084, %parallel_loop3A_1085] {strides = array<i32>} : memref<400x64xf32, #tpu.memory_space<vmem>>, vector<1x16xf32>,
        %parallel_loop3A_1087 = vector.shape_cast %parallel_loop3A_1086 : vector<1x16xf32> to vector<16xf32>
        %parallel_loop3A_1088 = arith.constant 21 : i32
        %parallel_loop3A_1089 = arith.addi %parallel_loop3A_271, %parallel_loop3A_1088 : i32
        %parallel_loop3A_1090 = arith.index_cast %parallel_loop3A_1089 : i32 to index
        %parallel_loop3A_1091 = arith.constant 48 : index
        %parallel_loop3A_1092 = tpu.vector_load %arg12[%parallel_loop3A_1090, %parallel_loop3A_1091] {strides = array<i32>} : memref<400x64xf32, #tpu.memory_space<vmem>>, vector<1x16xf32>,
        %parallel_loop3A_1093 = vector.shape_cast %parallel_loop3A_1092 : vector<1x16xf32> to vector<16xf32>
        %parallel_loop3A_1094 = arith.mulf %parallel_loop3A_257, %parallel_loop3A_1075 : vector<16xf32>
        %parallel_loop3A_1095 = arith.mulf %parallel_loop3A_261, %parallel_loop3A_1081 : vector<16xf32>
        %parallel_loop3A_1096 = arith.addf %parallel_loop3A_1094, %parallel_loop3A_1095 : vector<16xf32>
        %parallel_loop3A_1097 = arith.mulf %parallel_loop3A_265, %parallel_loop3A_1087 : vector<16xf32>
        %parallel_loop3A_1098 = arith.mulf %parallel_loop3A_269, %parallel_loop3A_1093 : vector<16xf32>
        %parallel_loop3A_1099 = arith.addf %parallel_loop3A_1097, %parallel_loop3A_1098 : vector<16xf32>
        %parallel_loop3A_1100 = arith.addf %parallel_loop3A_1096, %parallel_loop3A_1099 : vector<16xf32>
        %parallel_loop3A_1101 = arith.constant 21 : i32
        %parallel_loop3A_1102 = arith.addi %parallel_loop3A_271, %parallel_loop3A_1101 : i32
        %parallel_loop3A_1103 = arith.index_cast %parallel_loop3A_1102 : i32 to index
        %parallel_loop3A_1104 = arith.constant 0 : index
        %parallel_loop3A_1105 = tpu.vector_load %arg14[%parallel_loop3A_1103, %parallel_loop3A_1104] {strides = array<i32>} : memref<400x16xf32, #tpu.memory_space<vmem>>, vector<1x16xf32>,
        %parallel_loop3A_1106 = vector.shape_cast %parallel_loop3A_1105 : vector<1x16xf32> to vector<16xf32>
        %parallel_loop3A_1107 = vector.shape_cast %parallel_loop3A_1100 : vector<16xf32> to vector<1x16xf32>
        tpu.vector_store %arg14[%parallel_loop3A_1103, %parallel_loop3A_1104], %parallel_loop3A_1107 {strides = array<i32>} : memref<400x16xf32, #tpu.memory_space<vmem>>, vector<1x16xf32>,
        %parallel_loop3A_1108 = arith.constant 22 : i32
        %parallel_loop3A_1109 = arith.addi %parallel_loop3A_271, %parallel_loop3A_1108 : i32
        %parallel_loop3A_1110 = arith.index_cast %parallel_loop3A_1109 : i32 to index
        %parallel_loop3A_1111 = arith.constant 0 : index
        %parallel_loop3A_1112 = tpu.vector_load %arg12[%parallel_loop3A_1110, %parallel_loop3A_1111] {strides = array<i32>} : memref<400x64xf32, #tpu.memory_space<vmem>>, vector<1x16xf32>,
        %parallel_loop3A_1113 = vector.shape_cast %parallel_loop3A_1112 : vector<1x16xf32> to vector<16xf32>
        %parallel_loop3A_1114 = arith.constant 22 : i32
        %parallel_loop3A_1115 = arith.addi %parallel_loop3A_271, %parallel_loop3A_1114 : i32
        %parallel_loop3A_1116 = arith.index_cast %parallel_loop3A_1115 : i32 to index
        %parallel_loop3A_1117 = arith.constant 16 : index
        %parallel_loop3A_1118 = tpu.vector_load %arg12[%parallel_loop3A_1116, %parallel_loop3A_1117] {strides = array<i32>} : memref<400x64xf32, #tpu.memory_space<vmem>>, vector<1x16xf32>,
        %parallel_loop3A_1119 = vector.shape_cast %parallel_loop3A_1118 : vector<1x16xf32> to vector<16xf32>
        %parallel_loop3A_1120 = arith.constant 22 : i32
        %parallel_loop3A_1121 = arith.addi %parallel_loop3A_271, %parallel_loop3A_1120 : i32
        %parallel_loop3A_1122 = arith.index_cast %parallel_loop3A_1121 : i32 to index
        %parallel_loop3A_1123 = arith.constant 32 : index
        %parallel_loop3A_1124 = tpu.vector_load %arg12[%parallel_loop3A_1122, %parallel_loop3A_1123] {strides = array<i32>} : memref<400x64xf32, #tpu.memory_space<vmem>>, vector<1x16xf32>,
        %parallel_loop3A_1125 = vector.shape_cast %parallel_loop3A_1124 : vector<1x16xf32> to vector<16xf32>
        %parallel_loop3A_1126 = arith.constant 22 : i32
        %parallel_loop3A_1127 = arith.addi %parallel_loop3A_271, %parallel_loop3A_1126 : i32
        %parallel_loop3A_1128 = arith.index_cast %parallel_loop3A_1127 : i32 to index
        %parallel_loop3A_1129 = arith.constant 48 : index
        %parallel_loop3A_1130 = tpu.vector_load %arg12[%parallel_loop3A_1128, %parallel_loop3A_1129] {strides = array<i32>} : memref<400x64xf32, #tpu.memory_space<vmem>>, vector<1x16xf32>,
        %parallel_loop3A_1131 = vector.shape_cast %parallel_loop3A_1130 : vector<1x16xf32> to vector<16xf32>
        %parallel_loop3A_1132 = arith.mulf %parallel_loop3A_257, %parallel_loop3A_1113 : vector<16xf32>
        %parallel_loop3A_1133 = arith.mulf %parallel_loop3A_261, %parallel_loop3A_1119 : vector<16xf32>
        %parallel_loop3A_1134 = arith.addf %parallel_loop3A_1132, %parallel_loop3A_1133 : vector<16xf32>
        %parallel_loop3A_1135 = arith.mulf %parallel_loop3A_265, %parallel_loop3A_1125 : vector<16xf32>
        %parallel_loop3A_1136 = arith.mulf %parallel_loop3A_269, %parallel_loop3A_1131 : vector<16xf32>
        %parallel_loop3A_1137 = arith.addf %parallel_loop3A_1135, %parallel_loop3A_1136 : vector<16xf32>
        %parallel_loop3A_1138 = arith.addf %parallel_loop3A_1134, %parallel_loop3A_1137 : vector<16xf32>
        %parallel_loop3A_1139 = arith.constant 22 : i32
        %parallel_loop3A_1140 = arith.addi %parallel_loop3A_271, %parallel_loop3A_1139 : i32
        %parallel_loop3A_1141 = arith.index_cast %parallel_loop3A_1140 : i32 to index
        %parallel_loop3A_1142 = arith.constant 0 : index
        %parallel_loop3A_1143 = tpu.vector_load %arg14[%parallel_loop3A_1141, %parallel_loop3A_1142] {strides = array<i32>} : memref<400x16xf32, #tpu.memory_space<vmem>>, vector<1x16xf32>,
        %parallel_loop3A_1144 = vector.shape_cast %parallel_loop3A_1143 : vector<1x16xf32> to vector<16xf32>
        %parallel_loop3A_1145 = vector.shape_cast %parallel_loop3A_1138 : vector<16xf32> to vector<1x16xf32>
        tpu.vector_store %arg14[%parallel_loop3A_1141, %parallel_loop3A_1142], %parallel_loop3A_1145 {strides = array<i32>} : memref<400x16xf32, #tpu.memory_space<vmem>>, vector<1x16xf32>,
        %parallel_loop3A_1146 = arith.constant 23 : i32
        %parallel_loop3A_1147 = arith.addi %parallel_loop3A_271, %parallel_loop3A_1146 : i32
        %parallel_loop3A_1148 = arith.index_cast %parallel_loop3A_1147 : i32 to index
        %parallel_loop3A_1149 = arith.constant 0 : index
        %parallel_loop3A_1150 = tpu.vector_load %arg12[%parallel_loop3A_1148, %parallel_loop3A_1149] {strides = array<i32>} : memref<400x64xf32, #tpu.memory_space<vmem>>, vector<1x16xf32>,
        %parallel_loop3A_1151 = vector.shape_cast %parallel_loop3A_1150 : vector<1x16xf32> to vector<16xf32>
        %parallel_loop3A_1152 = arith.constant 23 : i32
        %parallel_loop3A_1153 = arith.addi %parallel_loop3A_271, %parallel_loop3A_1152 : i32
        %parallel_loop3A_1154 = arith.index_cast %parallel_loop3A_1153 : i32 to index
        %parallel_loop3A_1155 = arith.constant 16 : index
        %parallel_loop3A_1156 = tpu.vector_load %arg12[%parallel_loop3A_1154, %parallel_loop3A_1155] {strides = array<i32>} : memref<400x64xf32, #tpu.memory_space<vmem>>, vector<1x16xf32>,
        %parallel_loop3A_1157 = vector.shape_cast %parallel_loop3A_1156 : vector<1x16xf32> to vector<16xf32>
        %parallel_loop3A_1158 = arith.constant 23 : i32
        %parallel_loop3A_1159 = arith.addi %parallel_loop3A_271, %parallel_loop3A_1158 : i32
        %parallel_loop3A_1160 = arith.index_cast %parallel_loop3A_1159 : i32 to index
        %parallel_loop3A_1161 = arith.constant 32 : index
        %parallel_loop3A_1162 = tpu.vector_load %arg12[%parallel_loop3A_1160, %parallel_loop3A_1161] {strides = array<i32>} : memref<400x64xf32, #tpu.memory_space<vmem>>, vector<1x16xf32>,
        %parallel_loop3A_1163 = vector.shape_cast %parallel_loop3A_1162 : vector<1x16xf32> to vector<16xf32>
        %parallel_loop3A_1164 = arith.constant 23 : i32
        %parallel_loop3A_1165 = arith.addi %parallel_loop3A_271, %parallel_loop3A_1164 : i32
        %parallel_loop3A_1166 = arith.index_cast %parallel_loop3A_1165 : i32 to index
        %parallel_loop3A_1167 = arith.constant 48 : index
        %parallel_loop3A_1168 = tpu.vector_load %arg12[%parallel_loop3A_1166, %parallel_loop3A_1167] {strides = array<i32>} : memref<400x64xf32, #tpu.memory_space<vmem>>, vector<1x16xf32>,
        %parallel_loop3A_1169 = vector.shape_cast %parallel_loop3A_1168 : vector<1x16xf32> to vector<16xf32>
        %parallel_loop3A_1170 = arith.mulf %parallel_loop3A_257, %parallel_loop3A_1151 : vector<16xf32>
        %parallel_loop3A_1171 = arith.mulf %parallel_loop3A_261, %parallel_loop3A_1157 : vector<16xf32>
        %parallel_loop3A_1172 = arith.addf %parallel_loop3A_1170, %parallel_loop3A_1171 : vector<16xf32>
        %parallel_loop3A_1173 = arith.mulf %parallel_loop3A_265, %parallel_loop3A_1163 : vector<16xf32>
        %parallel_loop3A_1174 = arith.mulf %parallel_loop3A_269, %parallel_loop3A_1169 : vector<16xf32>
        %parallel_loop3A_1175 = arith.addf %parallel_loop3A_1173, %parallel_loop3A_1174 : vector<16xf32>
        %parallel_loop3A_1176 = arith.addf %parallel_loop3A_1172, %parallel_loop3A_1175 : vector<16xf32>
        %parallel_loop3A_1177 = arith.constant 23 : i32
        %parallel_loop3A_1178 = arith.addi %parallel_loop3A_271, %parallel_loop3A_1177 : i32
        %parallel_loop3A_1179 = arith.index_cast %parallel_loop3A_1178 : i32 to index
        %parallel_loop3A_1180 = arith.constant 0 : index
        %parallel_loop3A_1181 = tpu.vector_load %arg14[%parallel_loop3A_1179, %parallel_loop3A_1180] {strides = array<i32>} : memref<400x16xf32, #tpu.memory_space<vmem>>, vector<1x16xf32>,
        %parallel_loop3A_1182 = vector.shape_cast %parallel_loop3A_1181 : vector<1x16xf32> to vector<16xf32>
        %parallel_loop3A_1183 = vector.shape_cast %parallel_loop3A_1176 : vector<16xf32> to vector<1x16xf32>
        tpu.vector_store %arg14[%parallel_loop3A_1179, %parallel_loop3A_1180], %parallel_loop3A_1183 {strides = array<i32>} : memref<400x16xf32, #tpu.memory_space<vmem>>, vector<1x16xf32>,
        %parallel_loop3A_1184 = arith.constant 24 : i32
        %parallel_loop3A_1185 = arith.addi %parallel_loop3A_271, %parallel_loop3A_1184 : i32
        %parallel_loop3A_1186 = arith.index_cast %parallel_loop3A_1185 : i32 to index
        %parallel_loop3A_1187 = arith.constant 0 : index
        %parallel_loop3A_1188 = tpu.vector_load %arg12[%parallel_loop3A_1186, %parallel_loop3A_1187] {strides = array<i32>} : memref<400x64xf32, #tpu.memory_space<vmem>>, vector<1x16xf32>,
        %parallel_loop3A_1189 = vector.shape_cast %parallel_loop3A_1188 : vector<1x16xf32> to vector<16xf32>
        %parallel_loop3A_1190 = arith.constant 24 : i32
        %parallel_loop3A_1191 = arith.addi %parallel_loop3A_271, %parallel_loop3A_1190 : i32
        %parallel_loop3A_1192 = arith.index_cast %parallel_loop3A_1191 : i32 to index
        %parallel_loop3A_1193 = arith.constant 16 : index
        %parallel_loop3A_1194 = tpu.vector_load %arg12[%parallel_loop3A_1192, %parallel_loop3A_1193] {strides = array<i32>} : memref<400x64xf32, #tpu.memory_space<vmem>>, vector<1x16xf32>,
        %parallel_loop3A_1195 = vector.shape_cast %parallel_loop3A_1194 : vector<1x16xf32> to vector<16xf32>
        %parallel_loop3A_1196 = arith.constant 24 : i32
        %parallel_loop3A_1197 = arith.addi %parallel_loop3A_271, %parallel_loop3A_1196 : i32
        %parallel_loop3A_1198 = arith.index_cast %parallel_loop3A_1197 : i32 to index
        %parallel_loop3A_1199 = arith.constant 32 : index
        %parallel_loop3A_1200 = tpu.vector_load %arg12[%parallel_loop3A_1198, %parallel_loop3A_1199] {strides = array<i32>} : memref<400x64xf32, #tpu.memory_space<vmem>>, vector<1x16xf32>,
        %parallel_loop3A_1201 = vector.shape_cast %parallel_loop3A_1200 : vector<1x16xf32> to vector<16xf32>
        %parallel_loop3A_1202 = arith.constant 24 : i32
        %parallel_loop3A_1203 = arith.addi %parallel_loop3A_271, %parallel_loop3A_1202 : i32
        %parallel_loop3A_1204 = arith.index_cast %parallel_loop3A_1203 : i32 to index
        %parallel_loop3A_1205 = arith.constant 48 : index
        %parallel_loop3A_1206 = tpu.vector_load %arg12[%parallel_loop3A_1204, %parallel_loop3A_1205] {strides = array<i32>} : memref<400x64xf32, #tpu.memory_space<vmem>>, vector<1x16xf32>,
        %parallel_loop3A_1207 = vector.shape_cast %parallel_loop3A_1206 : vector<1x16xf32> to vector<16xf32>
        %parallel_loop3A_1208 = arith.mulf %parallel_loop3A_257, %parallel_loop3A_1189 : vector<16xf32>
        %parallel_loop3A_1209 = arith.mulf %parallel_loop3A_261, %parallel_loop3A_1195 : vector<16xf32>
        %parallel_loop3A_1210 = arith.addf %parallel_loop3A_1208, %parallel_loop3A_1209 : vector<16xf32>
        %parallel_loop3A_1211 = arith.mulf %parallel_loop3A_265, %parallel_loop3A_1201 : vector<16xf32>
        %parallel_loop3A_1212 = arith.mulf %parallel_loop3A_269, %parallel_loop3A_1207 : vector<16xf32>
        %parallel_loop3A_1213 = arith.addf %parallel_loop3A_1211, %parallel_loop3A_1212 : vector<16xf32>
        %parallel_loop3A_1214 = arith.addf %parallel_loop3A_1210, %parallel_loop3A_1213 : vector<16xf32>
        %parallel_loop3A_1215 = arith.constant 24 : i32
        %parallel_loop3A_1216 = arith.addi %parallel_loop3A_271, %parallel_loop3A_1215 : i32
        %parallel_loop3A_1217 = arith.index_cast %parallel_loop3A_1216 : i32 to index
        %parallel_loop3A_1218 = arith.constant 0 : index
        %parallel_loop3A_1219 = tpu.vector_load %arg14[%parallel_loop3A_1217, %parallel_loop3A_1218] {strides = array<i32>} : memref<400x16xf32, #tpu.memory_space<vmem>>, vector<1x16xf32>,
        %parallel_loop3A_1220 = vector.shape_cast %parallel_loop3A_1219 : vector<1x16xf32> to vector<16xf32>
        %parallel_loop3A_1221 = vector.shape_cast %parallel_loop3A_1214 : vector<16xf32> to vector<1x16xf32>
        tpu.vector_store %arg14[%parallel_loop3A_1217, %parallel_loop3A_1218], %parallel_loop3A_1221 {strides = array<i32>} : memref<400x16xf32, #tpu.memory_space<vmem>>, vector<1x16xf32>,
      } {sc.loop_unroll_factor = 1 : i64, sc.parallel_access}
      %mul3A_244 = arith.constant 16 : i32
      %mul3A_245 = arith.muli %add3A_68, %mul3A_244 : i32
      %add3A_246 = arith.addi %mul3A_2, %mul3A_245 : i32
      %mul3A_247 = arith.constant 25 : i32
      %mul3A_248 = arith.muli %add3A_246, %mul3A_247 : i32
      %dma_start3A_249 = arith.constant 0 : i32
      %dma_start3A_250 = tpu.memref_slice %arg6[%mul3A_248, %dma_start3A_249] : memref<409600x16xf32, #tpu.memory_space<hbm>> -> memref<400x16xf32, #tpu.memory_space<hbm>>
      %dma_start3A_251 = arith.constant 0 : i32
      %dma_start3A_252 = tpu.memref_slice %arg6[%mul3A_248, %dma_start3A_251] : memref<409600x16xf32, #tpu.memory_space<hbm>> -> memref<400x16xf32, #tpu.memory_space<hbm>>
      tpu.enqueue_dma source(%arg14 : memref<400x16xf32, #tpu.memory_space<vmem>>) target(%dma_start3A_252 : memref<400x16xf32, #tpu.memory_space<hbm>>) target_semaphore(%arg18 : memref<!tpu.dma_semaphore, #tpu.memory_space<semaphore_mem>>)
    }
    %scan3A_44 = arith.constant 16 : i32
    %add3A_45 = arith.constant 480 : i32
    %add3A_46 = arith.addi %mul3A_2, %add3A_45 : i32
    %mul3A_47 = arith.constant 25 : i32
    %mul3A_48 = arith.muli %add3A_46, %mul3A_47 : i32
    %dma_wait3A = arith.constant 0 : i32
    %dma_wait3A_49 = tpu.memref_slice %arg6[%mul3A_48, %dma_wait3A] : memref<409600x16xf32, #tpu.memory_space<hbm>> -> memref<400x16xf32, #tpu.memory_space<hbm>>
    %dma_wait3A_50 = arith.constant 0 : i32
    %dma_wait3A_51 = tpu.memref_slice %arg6[%mul3A_48, %dma_wait3A_50] : memref<409600x16xf32, #tpu.memory_space<hbm>> -> memref<400x16xf32, #tpu.memory_space<hbm>>
    tpu.wait_dma2 semaphore(%arg17 : memref<!tpu.dma_semaphore, #tpu.memory_space<semaphore_mem>>) src(%arg13 : memref<400x16xf32, #tpu.memory_space<vmem>>) dst(%dma_wait3A_51 : memref<400x16xf32, #tpu.memory_space<hbm>>)
    %add3A_52 = arith.constant 496 : i32
    %add3A_53 = arith.addi %mul3A_2, %add3A_52 : i32
    %mul3A_54 = arith.constant 25 : i32
    %mul3A_55 = arith.muli %add3A_53, %mul3A_54 : i32
    %dma_wait3A_56 = arith.constant 0 : i32
    %dma_wait3A_57 = tpu.memref_slice %arg6[%mul3A_55, %dma_wait3A_56] : memref<409600x16xf32, #tpu.memory_space<hbm>> -> memref<400x16xf32, #tpu.memory_space<hbm>>
    %dma_wait3A_58 = arith.constant 0 : i32
    %dma_wait3A_59 = tpu.memref_slice %arg6[%mul3A_55, %dma_wait3A_58] : memref<409600x16xf32, #tpu.memory_space<hbm>> -> memref<400x16xf32, #tpu.memory_space<hbm>>
    tpu.wait_dma2 semaphore(%arg18 : memref<!tpu.dma_semaphore, #tpu.memory_space<semaphore_mem>>) src(%arg14 : memref<400x16xf32, #tpu.memory_space<vmem>>) dst(%dma_wait3A_59 : memref<400x16xf32, #tpu.memory_space<hbm>>)
    return
  }
}

module attributes {stable_mosaic.version = 14 : i64} {
  func.func @_tc_loss_body(%arg0: i32, %arg1: memref<400x2048xf32, #tpu.memory_space<vmem>>, %arg2: memref<1x1xf32, #tpu.memory_space<smem>>) attributes {dimension_semantics = [#tpu.dimension_semantics<arbitrary>], iteration_bounds = array<i64: 8>, scalar_prefetch = 0 : i64, scratch_operands = 0 : i64, tpu.core_type = #tpu.core_type<tc>, window_params = [{transform_indices = @transform_0, window_bounds = array<i64: 400, 2048>}, {transform_indices = @transform_1, window_bounds = array<i64: 1, 1>}]} {
    %get3A = arith.constant 0 : index
    %get3A_0 = arith.constant 0 : index
    %get3A_1 = vector.load %arg1[%get3A, %get3A_0] : memref<400x2048xf32, #tpu.memory_space<vmem>>, vector<400x2048xf32>
    %iota3A = tpu.iota {dimensions = array<i32: 0>} : vector<2048x128xi32>
    %iota3A_2 = tpu.iota {dimensions = array<i32: 1>} : vector<2048x128xi32>
    %jit3A = arith.constant 16 : i32
    %div3A = vector.broadcast %jit3A : i32 to vector<2048x128xi32>
    %div3A_3 = arith.divsi %iota3A, %div3A : vector<2048x128xi32>
    %sign3A = arith.constant 0 : i32
    %sign3A_4 = vector.broadcast %sign3A : i32 to vector<2048x128xi32>
    %sign3A_5 = arith.cmpi sgt, %iota3A, %sign3A_4 : vector<2048x128xi32>
    %sign3A_6 = arith.extui %sign3A_5 : vector<2048x128xi1> to vector<2048x128xi32>
    %sign3A_7 = arith.constant 0 : i32
    %sign3A_8 = vector.broadcast %sign3A_7 : i32 to vector<2048x128xi32>
    %sign3A_9 = arith.cmpi slt, %iota3A, %sign3A_8 : vector<2048x128xi32>
    %sign3A_10 = arith.extui %sign3A_9 : vector<2048x128xi1> to vector<2048x128xi32>
    %sign3A_11 = arith.subi %sign3A_6, %sign3A_10 : vector<2048x128xi32>
    %sign3A_12 = arith.constant 0 : i32
    %sign3A_13 = arith.cmpi sgt, %jit3A, %sign3A_12 : i32
    %sign3A_14 = arith.extui %sign3A_13 : i1 to i32
    %sign3A_15 = arith.constant 0 : i32
    %sign3A_16 = arith.cmpi slt, %jit3A, %sign3A_15 : i32
    %sign3A_17 = arith.extui %sign3A_16 : i1 to i32
    %sign3A_18 = arith.subi %sign3A_14, %sign3A_17 : i32
    %ne3A = vector.broadcast %sign3A_18 : i32 to vector<2048x128xi32>
    %ne3A_19 = arith.cmpi ne, %sign3A_11, %ne3A : vector<2048x128xi32>
    %rem3A = vector.broadcast %jit3A : i32 to vector<2048x128xi32>
    %rem3A_20 = arith.remsi %iota3A, %rem3A : vector<2048x128xi32>
    %ne3A_21 = arith.constant 0 : i32
    %ne3A_22 = vector.broadcast %ne3A_21 : i32 to vector<2048x128xi32>
    %ne3A_23 = arith.cmpi ne, %rem3A_20, %ne3A_22 : vector<2048x128xi32>
    %and3A = arith.andi %ne3A_19, %ne3A_23 : vector<2048x128xi1>
    %sub3A = arith.constant 1 : i32
    %sub3A_24 = vector.broadcast %sub3A : i32 to vector<2048x128xi32>
    %sub3A_25 = arith.subi %div3A_3, %sub3A_24 : vector<2048x128xi32>
    %select_n3A = arith.select %and3A, %sub3A_25, %div3A_3 : vector<2048x128xi1>, vector<2048x128xi32>
    %eq3A = arith.cmpi eq, %select_n3A, %iota3A_2 : vector<2048x128xi32>
    %convert_element_type3A = arith.extui %eq3A : vector<2048x128xi1> to vector<2048x128xi32>
    %convert_element_type3A_26 = arith.sitofp %convert_element_type3A : vector<2048x128xi32> to vector<2048x128xf32>
    %convert_element_type3A_27 = arith.truncf %convert_element_type3A_26 : vector<2048x128xf32> to vector<2048x128xbf16>
    %convert_element_type3A_28 = arith.truncf %get3A_1 : vector<400x2048xf32> to vector<400x2048xbf16>
    %dot_general3A = arith.constant dense<0.000000e+00> : vector<400x128xf32>
    %dot_general3A_29 = tpu.matmul %convert_element_type3A_28, %convert_element_type3A_27, %dot_general3A {dimension_numbers = #tpu.dot_dimension_numbers<[1], [0], [0], [1], [0, 0, 1, 1], [], []>, transpose_lhs_hint = false} : vector<400x2048xbf16>, vector<2048x128xbf16>, vector<400x128xf32> -> vector<400x128xf32>
    %iota3A_30 = tpu.iota {dimensions = array<i32: 0>} : vector<400x128xi32>
    %iota3A_31 = tpu.iota {dimensions = array<i32: 1>} : vector<400x128xi32>
    %mul3A = arith.constant 400 : i32
    %mul3A_32 = arith.muli %arg0, %mul3A : i32
    %add3A = vector.broadcast %mul3A_32 : i32 to vector<400x128xi32>
    %add3A_33 = arith.addi %add3A, %iota3A_30 : vector<400x128xi32>
    %mul3A_34 = arith.constant 128 : i32
    %mul3A_35 = vector.broadcast %mul3A_34 : i32 to vector<400x128xi32>
    %mul3A_36 = arith.muli %add3A_33, %mul3A_35 : vector<400x128xi32>
    %add3A_37 = arith.addi %mul3A_36, %iota3A_31 : vector<400x128xi32>
    %rem3A_38 = arith.constant 25 : i32
    %rem3A_39 = vector.broadcast %rem3A_38 : i32 to vector<400x128xi32>
    %rem3A_40 = arith.remsi %add3A_37, %rem3A_39 : vector<400x128xi32>
    %lt3A = arith.constant 5 : i32
    %lt3A_41 = vector.broadcast %lt3A : i32 to vector<400x128xi32>
    %lt3A_42 = arith.cmpi slt, %rem3A_40, %lt3A_41 : vector<400x128xi32>
    %jit3A_43 = arith.constant 1.000000e+00 : f32
    %jit3A_44 = arith.constant -1.000000e+00 : f32
    %broadcast_in_dim3A = vector.broadcast %jit3A_43 : f32 to vector<400x128xf32>
    %broadcast_in_dim3A_45 = vector.broadcast %jit3A_44 : f32 to vector<400x128xf32>
    %select_n3A_46 = arith.select %lt3A_42, %broadcast_in_dim3A, %broadcast_in_dim3A_45 : vector<400x128xi1>, vector<400x128xf32>
    %mul3A_47 = arith.mulf %select_n3A_46, %dot_general3A_29 : vector<400x128xf32>
    %min3A = arith.constant 0.000000e+00 : f32
    %min3A_48 = vector.broadcast %min3A : f32 to vector<400x128xf32>
    %min3A_49 = arith.minimumf %mul3A_47, %min3A_48 : vector<400x128xf32>
    %abs3A = math.absf %mul3A_47 : vector<400x128xf32>
    %neg3A = arith.constant 0.000000e+00 : f32
    %neg3A_50 = vector.broadcast %neg3A : f32 to vector<400x128xf32>
    %neg3A_51 = arith.subf %neg3A_50, %abs3A : vector<400x128xf32>
    %exp3A = math.exp %neg3A_51 : vector<400x128xf32>
    %add3A_52 = arith.constant 1.000000e+00 : f32
    %add3A_53 = vector.broadcast %add3A_52 : f32 to vector<400x128xf32>
    %add3A_54 = arith.addf %add3A_53, %exp3A : vector<400x128xf32>
    %log3A = math.log %add3A_54 : vector<400x128xf32>
    %sub3A_55 = arith.subf %min3A_49, %log3A : vector<400x128xf32>
    %eq3A_56 = arith.constant 0 : i32
    %eq3A_57 = arith.cmpi eq, %arg0, %eq3A_56 : i32
    %convert_element_type3A_58 = arith.extui %eq3A_57 : i1 to i32
    %cond3A = arith.constant 0 : i32
    %cond3A_59 = arith.cmpi ne, %convert_element_type3A_58, %cond3A : i32
    scf.if %cond3A_59 {
      %swap3A_70 = arith.constant 0.000000e+00 : f32
      %swap3A_71 = arith.constant 0 : index
      %swap3A_72 = arith.constant 0 : index
      %swap3A_73 = memref.load %arg2[%swap3A_71, %swap3A_72] : memref<1x1xf32, #tpu.memory_space<smem>>
      memref.store %swap3A_70, %arg2[%swap3A_71, %swap3A_72] : memref<1x1xf32, #tpu.memory_space<smem>>
    } else {
    }
    %get3A_60 = arith.constant 0 : index
    %get3A_61 = arith.constant 0 : index
    %get3A_62 = memref.load %arg2[%get3A_60, %get3A_61] : memref<1x1xf32, #tpu.memory_space<smem>>
    %reduce_sum3A = vector.shape_cast %sub3A_55 : vector<400x128xf32> to vector<1x400x128xf32>
    %reduce_sum3A_63 = arith.constant dense<0.000000e+00> : vector<1xf32>
    %reduce_sum3A_64 = vector.multi_reduction <add>, %reduce_sum3A, %reduce_sum3A_63 [1, 2] : vector<1x400x128xf32> to vector<1xf32>
    %reduce_sum3A_65 = vector.shape_cast %reduce_sum3A_64 : vector<1xf32> to vector<1x1x1xf32>
    %reduce_sum3A_66 = vector.extract %reduce_sum3A_65[0, 0, 0] : f32 from vector<1x1x1xf32>
    %sub3A_67 = arith.subf %get3A_62, %reduce_sum3A_66 : f32
    %swap3A = arith.constant 0 : index
    %swap3A_68 = arith.constant 0 : index
    %swap3A_69 = memref.load %arg2[%swap3A, %swap3A_68] : memref<1x1xf32, #tpu.memory_space<smem>>
    memref.store %sub3A_67, %arg2[%swap3A, %swap3A_68] : memref<1x1xf32, #tpu.memory_space<smem>>
    return
  }
  func.func @transform_0(%arg0: i32) -> (i32, i32) {
    %c0_i32 = arith.constant 0 : i32
    %c0_i32_0 = arith.constant 0 : i32
    return %arg0, %c0_i32 : i32, i32
  }
  func.func @transform_1(%arg0: i32) -> (i32, i32) {
    %c0_i32 = arith.constant 0 : i32
    %c0_i32_0 = arith.constant 0 : i32
    %c0_i32_1 = arith.constant 0 : i32
    return %c0_i32, %c0_i32_0 : i32, i32
  }
}

</mosaic_0001>

<sc_bundles>
// kernel: kernel.4.cloned.1.call-start
scs
__scs_entry_jumppad:
0x0: {  	(pc) =	sbr.rel $0x88, $3  }
0x1: {  	(tag) =	ssettag $0x0;
	lr =	simm.s32 $0x1  }
0x2: {  	[smem:$0x3F9C] =	sst lr;
	_ =	strace $0xD0000000  }
0x3: {  	_ = 	snop  }
0x4: {  	_ = 	snop  }
0x5: {  	_ = 	snop  }
0x6: {  	_ = 	snop  }
0x7: {  	_ = 	snop  }
__scs_overlays_trampoline_lowered:
0x8: {  	[smem:$0x3FAB] =	sst s0  }
0x9: {  	[smem:$0x3FAC] =	sst s1  }
0xa: {  	[smem:$0x3FAD] =	sst s2  }
0xb: {  	[smem:$0x3FAE] =	sst s3  }
0xc: {  	[smem:$0x3FAF] =	sst s4  }
0xd: {  	[smem:$0x3FB0] =	sst s5  }
0xe: {  	[smem:$0x3FB1] =	sst s6  }
0xf: {  	[smem:$0x3FB2] =	sst s7  }
0x10: {  	[smem:$0x3FB3] =	sst s8  }
0x11: {  	[smem:$0x3FB4] =	sst s9;
	s0 =	simm.s32 @!p0 $0x0  }
0x12: {  	s1 =	sld [smem:$0x3F9A];
	s0 =	simm.s32 @p0 $0x1  }
0x13: {  	[smem:$0x3FB5] =	sst s0;
	s0 =	simm.s32 @!p1 $0x0  }
0x14: {  	s2 =	sld [smem:$0x3F99];
	s0 =	simm.s32 @p1 $0x1  }
0x15: {  	[smem:$0x3FB6] =	sst s0;
	s0 =	simm.s32 @!p2 $0x0  }
0x16: {  	s3 =	sld [smem:$0x3FDB];
	s0 =	simm.s32 @p2 $0x1  }
0x17: {  	s4 =	simm.s32 $0x1BF5;
	[smem:$0x3FB8] =	sst s0  }
0x18: {  	s0 =	sld [smem:$0x3F9B];
	_ =	swait.ge [sflag:s4], $0x0  }
0x19: {  	s7 =	sld [smem:$0x3F9C]  }
0x1a: {  	s8 =	sadd.s32 $0xFFFFE003, lr  }
0x1b: {  	s9 =	sadd.s32 $0xFFFFFEF7, lr;
	s5 =	simm.s32 $0xFFFFFFFF;
	p2 =	slt.u32 s8, $0xFFFFF086  }
0x1c: {  	p1 =	slt.u32 s9, $0xF7A;
	s5 =	simm.s32 @!p2 $0x0  }
0x1d: {  	s5 =	simm.s32 @p1 $0x1;
	p0 =	seq.s32 s7, s2  }
0x1e: {  	s7 =	smul.u32 @!p0 $0xF7A, s2;
	p2 =	seq.s32 @!p0 s5, $0x0  }
0x1f: {  	s9 =	smul.u32 $0xF7A, s1;
	s8 =	simm.s32 @!p0 $0x1BF5;
	p2 =	por !p2, p0  }
0x20: {  	[sflag:s8] =	ssyncset.s32 @!p0 $0xFFFFF086;
	s6 =	sadd.s32 @!p0 s3, s7;
	s7 =	simm.s32 @!p0 $0x108  }
0x21: {  	s3 =	sadd.s32 s3, s9;
	s6 =	sadd.s32 @!p0 $0x88, s6;
	s7 =	simm.s32 @p2 $0x1082  }
0x22: {  	[simem:s7], [sflag:s8] =	dma.local @!p0 [hbm:s6], $0xF7A  }
0x23: {  	s9 =	sor.u32 $0xD0000000, s2;
	s6 =	simm.s32 $0x108;
	_ =	swait.ge @!p0 [sflag:s8], $0x0  }
0x24: {  	s3 =	sadd.s32 $0x88, s3;
	s6 =	simm.s32 @!p1 $0x1082;
	[sflag:s4] =	ssyncset.s32 $0xFFFFF086  }
0x25: {  	[simem:s6], [sflag:s4] =	dma.local [hbm:s3], $0xF7A  }
0x26: {  	[smem:$0x3F9C] =	sst s1;
	(tag) =	ssettag s2;
	_ =	strace s9  }
0x27: {  	s1 =	sld [smem:$0x3FAC]  }
0x28: {  	s2 =	sld [smem:$0x3FAD]  }
0x29: {  	s4 =	sld [smem:$0x3FAF]  }
0x2a: {  	p0 =	seq.s32 s5, $0x0;
	s5 =	sld [smem:$0x3FB0]  }
0x2b: {  	s6 =	sld [smem:$0x3FB1]  }
0x2c: {  	s7 =	sld [smem:$0x3FB2]  }
0x2d: {  	s3 =	simm.s32 $0x108;
	s8 =	sld [smem:$0x3FB3]  }
0x2e: {  	s3 =	simm.s32 @!p0 $0x1082;
	s9 =	sld [smem:$0x3FB4]  }
0x2f: {  	lr =	sadd.s32 s0, s3;
	s0 =	sld [smem:$0x3FAB]  }
0x30: {  	s3 =	sld [smem:$0x3FAE]  }
0x31: {  	[smem:$0x3FB7] =	sst s10  }
0x32: {  	s10 =	sld [smem:$0x3FB5];
	_ =	sdelay $0x3  }
0x33: {  	p0 =	seq.s32 s10, $0x1;
	s10 =	sld [smem:$0x3FB7];
	_ =	sdelay $0x3  }
0x34: {  	[smem:$0x3FB7] =	sst s10  }
0x35: {  	s10 =	sld [smem:$0x3FB6];
	_ =	sdelay $0x3  }
0x36: {  	p1 =	seq.s32 s10, $0x1;
	s10 =	sld [smem:$0x3FB7];
	_ =	sdelay $0x3  }
0x37: {  	[smem:$0x3FB7] =	sst s10  }
0x38: {  	s10 =	sld [smem:$0x3FB8]  }
0x39: {  	_ = 	snop;
	(pc) =	sbr.ind lr, $3  }
0x3a: {  	_ = 	snop  }
0x3b: {  	_ = 	snop  }
0x3c: {  	p2 =	seq.s32 s10, $0x1;
	s10 =	sld [smem:$0x3FB7]  }
0x3d: {  	_ =	shalt  }
0x3e: {  	_ =	shalt  }
0x3f: {  	_ =	shalt  }
0x40: {  	_ =	shalt  }
0x41: {  	_ =	shalt  }
0x42: {  	_ =	shalt  }
0x43: {  	_ =	shalt  }
0x44: {  	_ =	shalt  }
0x45: {  	_ =	shalt  }
0x46: {  	_ =	shalt  }
0x47: {  	_ =	shalt  }
0x48: {  	_ =	shalt  }
0x49: {  	_ =	shalt  }
0x4a: {  	_ =	shalt  }
0x4b: {  	_ =	shalt  }
0x4c: {  	_ =	shalt  }
0x4d: {  	_ =	shalt  }
0x4e: {  	_ =	shalt  }
0x4f: {  	_ =	shalt  }
0x50: {  	_ =	shalt  }
0x51: {  	_ =	shalt  }
0x52: {  	_ =	shalt  }
0x53: {  	_ =	shalt  }
0x54: {  	_ =	shalt  }
0x55: {  	_ =	shalt  }
0x56: {  	_ =	shalt  }
0x57: {  	_ =	shalt  }
0x58: {  	_ =	shalt  }
0x59: {  	_ =	shalt  }
0x5a: {  	_ =	shalt  }
0x5b: {  	_ =	shalt  }
0x5c: {  	_ =	shalt  }
0x5d: {  	_ =	shalt  }
0x5e: {  	_ =	shalt  }
0x5f: {  	_ =	shalt  }
0x60: {  	_ =	shalt  }
0x61: {  	_ =	shalt  }
0x62: {  	_ =	shalt  }
0x63: {  	_ =	shalt  }
0x64: {  	_ =	shalt  }
0x65: {  	_ =	shalt  }
0x66: {  	_ =	shalt  }
0x67: {  	_ =	shalt  }
0x68: {  	_ =	shalt  }
0x69: {  	_ =	shalt  }
0x6a: {  	_ =	shalt  }
0x6b: {  	_ =	shalt  }
0x6c: {  	_ =	shalt  }
0x6d: {  	_ =	shalt  }
0x6e: {  	_ =	shalt  }
0x6f: {  	_ =	shalt  }
0x70: {  	_ =	shalt  }
0x71: {  	_ =	shalt  }
0x72: {  	_ =	shalt  }
0x73: {  	_ =	shalt  }
0x74: {  	_ =	shalt  }
0x75: {  	_ =	shalt  }
0x76: {  	_ =	shalt  }
0x77: {  	_ =	shalt  }
0x78: {  	_ =	shalt  }
0x79: {  	_ =	shalt  }
0x7a: {  	_ =	shalt  }
0x7b: {  	_ =	shalt  }
0x7c: {  	_ =	shalt  }
0x7d: {  	_ =	shalt  }
0x7e: {  	_ =	shalt  }
0x7f: {  	_ =	shalt  }
0x80: {  	_ =	shalt  }
0x81: {  	_ =	shalt  }
0x82: {  	_ =	shalt  }
0x83: {  	_ =	shalt  }
0x84: {  	_ =	shalt  }
0x85: {  	_ =	shalt  }
0x86: {  	_ =	shalt  }
0x87: {  	_ =	shalt  }
.Lfunc_end0:
.L_simem_size_0:
called_computation_lowered:
.L_overlay_start_0:
0x88: {  	s2 =	sld [smem:$0x3FD9]  }
0x89: {  	s3 =	sld [smem:$0x3FFE];
	_ =	sdelay $0x1  }
0x8a: {  	s1 =	srdreg.scid  }
0x8b: {  	s0 =	sand.u32 $0x1, s1  }
0x8c: {  	s17 =	sshll.u32 s0, $0xA;
	s2 =	sadd.s32 s3, s2  }
0x8d: {  	s2 =	sadd.s32 s2, s17  }
0x8e: {  	[smem:$0x3FC3] =	sst s2  }
0x8f: {  	_ = 	snop  }
0x90: {  	s2 =	sld [smem:$0x3FC9];
	(tm) =	ssettm $0x1  }
0x91: {  	s18 =	sld [smem:$0x3FFB];
	_ =	sdelay $0x3  }
0x92: {  	_ =	strace s18  }
0x93: {  	s3 =	sld [smem:$0x3FFC];
	_ =	sdelay $0x3  }
0x94: {  	_ =	strace s3  }
0x95: {  	s3 =	sld [smem:$0x3FFD];
	_ =	sdelay $0x3  }
0x96: {  	_ =	strace s3  }
0x97: {  	_ =	strace $0x8FFFFFFF  }
0x98: {  	s19 =	sld [smem:$0x3FDB];
	_ =	sdelay $0x1  }
0x99: {  	s4 =	simm.s32 $_scs_section_size  }
0x9a: {  	s5 =	simm.s32 $_size__tile_overlayer_lowered;
	s6 =	simm.s32 $_tile_overlayer_lowered  }
0x9b: {  	s22 =	simm.s32 $0x1BFF;
	s21 =	sshll.u32 s6, $0x1;
	s3 =	sadd.s32 s4, s19  }
0x9c: {  	s7 =	simm.s32 $0x0;
	s20 =	sshll.u32 s5, $0x1;
	s5 =	sadd.s32 s21, s3  }
0x9d: {  	[timem:s7], [sflag:s22] =	dma.local [hbm:s5], s20  }
0x9e: {  	_ =	swait.ge [sflag:s22], s20  }
0x9f: {  	s4 =	ssub.s32 $0x0, s20;
	[sflag:s22] =	ssyncset.done $0x0  }
0xa0: {  	[sflag:s22] =	ssyncadd.s32 s4;
	_ =	sdelay $0x1  }
0xa1: {  	s23 =	simm.s32 $0x1B8B  }
0xa2: {  	_ =	swait.ge [sflag:s23], $0x1  }
0xa3: {  	[sflag:s23] =	ssyncset.done $0x0  }
0xa4: {  	s25 =	simm.s32 $0x1B8E;
	s24 =	sld [smem:$0x3FFE];
	[sflag:s23] =	ssyncadd.s32 $0xFFFFFFFF  }
0xa5: {  	s26 =	simm.s32 $execute0_lowered;
	[smem:$0x3FD2] =	sst s25  }
0xa6: {  	s5 =	sshll.u32 s26, $0x1;
	_ =	strace $0x80000046;
	[dreg:$0x1] =	wrdreg $0xFFFFFFFF  }
0xa7: {  	s28 =	simm.s32 $_size_execute0_lowered;
	s3 =	sadd.s32 s3, s5;
	[dreg:$0x0] =	wrdreg $0x0  }
0xa8: {  	s5 =	sshll.u32 s28, $0x1;
	[dreg:$0x2] =	wrdreg s3  }
0xa9: {  	[dreg:$0x3] =	wrdreg s5  }
0xaa: {  	[dreg:$0x4] =	wrdreg $0xC0  }
0xab: {  	_ =	task [dreg:s7], $0x5FFFF  }
0xac: {  	[dreg:$0x1] =	wrdreg $0xFFFFFFFF  }
0xad: {  	[dreg:$0x0] =	wrdreg $0x60  }
0xae: {  	[dreg:$0x2] =	wrdreg s2  }
0xaf: {  	[dreg:$0x3] =	wrdreg s24  }
0xb0: {  	[dreg:$0x4] =	wrdreg $0x9  }
0xb1: {  	_ =	task.clear_ibuf [dreg:s7], $0x5FFFF;
	_ =	strace $0x90000046  }
0xb2: {  	s29 =	simm.s32 $0x9;
	_ =	strace $0x80000048  }
0xb3: {  	_ =	swait.ge [sflag:s29], $0x1  }
0xb4: {  	[sflag:s29] =	ssyncadd.s32 $0xFFFFFFFF  }
0xb5: {  	_ =	strace $0x90000048  }
0xb6: {  	_ =	sfence  }
0xb7: {  	s30 =	sld [smem:$0x0];
	_ =	sdelay $0x2  }
0xb8: {  	s31 =	sshll.u32 s1, $0xD;
	s1 =	sshrl.u32 s1, $0x2  }
0xb9: {  	s3 =	sand.u32 $0x4000, s31;
	s1 =	sadd.s32 s1, s30  }
0xba: {  	s0 =	sor.u32 s3, s0;
	s1 =	sshll.u32 s1, $0x11  }
0xbb: {  	s0 =	sor.u32 s1, s0  }
0xbc: {  	s0 =	sadd.s32 $0x8F2B, s0  }
0xbd: {  	[sflag:s0] =	ssyncadd.remote.s32 $0x1  }
0xbe: {  	_ =	sfence.sel $0xFFFF  }
0xbf: {  	[dreg:$0x0] =	wrdreg $0xFFFFFFFF;
	(pc) =	sbr.abs _section_cstart, $3  }
0xc0: {  	[dreg:$0x1] =	wrdreg $0xFFFFFFFF  }
0xc1: {  	_ =	task.clear_ibuf [dreg:s7], $0x2FFFF;
	_ =	strace $0x9FFFFFFF  }
0xc2: {  	(tm) =	ssettm $0x7FFFFFFF  }
0xc3: {  	_ =	shalt  }
tec
execute0_lowered:
.L_overlay_start_1:
0x0: {  	(tag) =	ssettag $0x1  }
0x1: {  	s0 =	rddreg [dreg:$0x0]  }
0x2: {  	s1 =	srdreg.scid;
	s2 =	stileid.u32  }
0x3: {  	s5 =	rddreg [dreg:$0x1];
	s10 =	simm.s32 $0x5;
	s12 =	simm.s32 $0x10  }
0x4: {  	s14 =	simm.s32 $0x80;
	s22 =	simm.s32 $0x3800;
	s23 =	simm.s32 $0xA000  }
0x5: {  	s24 =	simm.s32 $0xC000;
	s28 =	simm.s32 $0x1;
	s29 =	simm.s32 $0x10400  }
0x6: {  	s30 =	simm.s32 $0x2;
	s31 =	simm.s32 $0x11D00;
	s13 =	simm.s32 $0x0  }
0x7: {  	s1 =	sand.u32 $0x1, s1;
	s3 =	sshll.u32 s2, $0x1;
	s2 =	simm.s32 $0x0  }
0x8: {  	s4 =	sadd.s32 $0xF42C00, s5;
	s7 =	sor.u32 s1, s3;
	s1 =	ssub.s32 $0x2, s1  }
0x9: {  	[smem:$0x7FF] =	sst s2;
	s3 =	smul.u32 $0x640, s7;
	s6 =	sshrl.u32 s1, $0x1  }
0xa: {  	s1 =	ssub.s32 s1, s6;
	s6 =	sshll.u32 s7, $0x9;
	s7 =	sshll.u32 s7, $0x6  }
0xb: {  	_ =	strace $0x80000047;
	s8 =	sadd.s32 s3, s5;
	s0 =	sadd.s32 s0, s7  }
0xc: {  	s3 =	sadd.s32 $0x16E3E00, s5;
	s26 =	smax.u32 s1, $0x1;
	[dreg:$0x3] =	wrdreg s0  }
0xd: {  	s5 =	sadd.s32 $0xD000, s5;
	s25 =	sadd.s32 $0x800, s8;
	[dreg:$0x5] =	wrdreg s26  }
0xe: {  	s26 =	simm.s32 $0x10000;
	[dreg:$0x4] =	wrdreg s25;
	s25 =	simm.s32 $0xE000  }
.LBB2_1:
0xf: {  	s0 =	rddreg [dreg:$0x3]  }
0x10: {  	[tilespmem:s2], [sflag:$0x5] =	stream.linear.gather [hbm4b:s0+s2], $0x200, $0x38;
	[tilespmem:$0x13600] =	vst v63  }
0x11: {  	_ =	swait.ge [sflag:s10], $0x200  }
0x12: {  	[sflag:s10] =	ssyncset.done $0x0  }
0x13: {  	s1 =	simm.s32 $0x200;
	s9 =	rddreg [dreg:$0x4];
	[sflag:s10] =	ssyncadd.s32 $0xFFFFFE00  }
0x14: {  	[tilespmem:s1], [sflag:$0x5] =	stream.linear.gather [hbm4b:s9+s2], $0x3200, $0x38;
	[tilespmem:$0x13600] =	vst v63  }
0x15: {  	_ =	swait.ge [sflag:s10], $0x3200  }
0x16: {  	[sflag:s10] =	ssyncset.done $0x0  }
0x17: {  	s11 =	simm.s32 $0x3400;
	[sflag:s10] =	ssyncadd.s32 $0xFFFFCE00  }
0x18: {  	[tilespmem:s11], [sflag:$0x1] =	stream.indirect.gather [hbm4b:s3+s12], $0x40, s2, s12, $0xb8;
	[tilespmem:$0x13600] =	vst v63  }
0x19: {  	s15 =	simm.s32 $0x3C00  }
0x1a: {  	[tilespmem:s15], [sflag:$0x1] =	stream.indirect.gather [hbm4b:s4+s14], $0x40, s1, s14, $0xb8;
	[tilespmem:$0x13600] =	vst v63  }
0x1b: {  	s16 =	simm.s32 $0x280;
	s17 =	simm.s32 $0x5C00  }
0x1c: {  	[tilespmem:s17], [sflag:$0x1] =	stream.indirect.gather [hbm4b:s4+s14], $0x40, s16, s14, $0xb8;
	[tilespmem:$0x13600] =	vst v63  }
0x1d: {  	s18 =	simm.s32 $0x300;
	s19 =	simm.s32 $0x7C00  }
0x1e: {  	[tilespmem:s19], [sflag:$0x1] =	stream.indirect.gather [hbm4b:s4+s14], $0x40, s18, s14, $0xb8;
	[tilespmem:$0x13600] =	vst v63  }
0x1f: {  	s20 =	simm.s32 $0x380;
	s21 =	simm.s32 $0x9C00;
	s15 =	simm.s32 $0x0  }
0x20: {  	[tilespmem:s21], [sflag:$0x1] =	stream.indirect.gather [hbm4b:s4+s12], $0x40, s20, s12, $0xb8;
	[tilespmem:$0x13600] =	vst v63  }
.LBB2_2:
0x21: {  	s1 =	sshllo.u32 s15, $0x1  }
0x22: {  	s16 =	sshll.u32 s1, $0x4;
	s1 =	smul.u32 $0x640, s1  }
0x23: {  	[tilespmem:s22], [sflag:$0x2] =	stream.indirect.gather [hbm4b:s3+s12], $0x40, s16, s12, $0xb8;
	[tilespmem:$0x13600] =	vst v63  }
0x24: {  	s1 =	sshra.s32 s1, $0x2  }
0x25: {  	s7 =	sadd.s32 $0x200, s1  }
0x26: {  	[tilespmem:s23], [sflag:$0x2] =	stream.indirect.gather [hbm4b:s4+s14], $0x40, s7, s14, $0xb8;
	[tilespmem:$0x13600] =	vst v63  }
0x27: {  	s17 =	sadd.s32 $0x280, s1  }
0x28: {  	[tilespmem:s24], [sflag:$0x2] =	stream.indirect.gather [hbm4b:s4+s14], $0x40, s17, s14, $0xb8;
	[tilespmem:$0x13600] =	vst v63  }
0x29: {  	s18 =	sadd.s32 $0x300, s1  }
0x2a: {  	[tilespmem:s25], [sflag:$0x2] =	stream.indirect.gather [hbm4b:s4+s14], $0x40, s18, s14, $0xb8;
	[tilespmem:$0x13600] =	vst v63  }
0x2b: {  	s1 =	sadd.s32 $0x380, s1  }
0x2c: {  	[tilespmem:s26], [sflag:$0x2] =	stream.indirect.gather [hbm4b:s4+s12], $0x40, s1, s12, $0xb8;
	[tilespmem:$0x13600] =	vst v63  }
0x2d: {  	_ =	swait.ge [sflag:s28], $0x400  }
0x2e: {  	[sflag:s28] =	ssyncset.done $0x0  }
0x2f: {  	[sflag:s28] =	ssyncadd.s32 $0xFFFFFC00  }
0x30: {  	_ =	swait.ge [sflag:s28], $0x2000  }
0x31: {  	[sflag:s28] =	ssyncset.done $0x0  }
0x32: {  	[sflag:s28] =	ssyncadd.s32 $0xFFFFE000  }
0x33: {  	_ =	swait.ge [sflag:s28], $0x2000  }
0x34: {  	[sflag:s28] =	ssyncset.done $0x0  }
0x35: {  	[sflag:s28] =	ssyncadd.s32 $0xFFFFE000  }
0x36: {  	_ =	swait.ge [sflag:s28], $0x2000  }
0x37: {  	[sflag:s28] =	ssyncset.done $0x0  }
0x38: {  	[sflag:s28] =	ssyncadd.s32 $0xFFFFE000  }
0x39: {  	_ =	swait.ge [sflag:s28], $0x400  }
0x3a: {  	p0 =	seq.s32 s15, $0x0;
	[sflag:s28] =	ssyncset.done $0x0  }
0x3b: {  	s1 =	simm.s32 @!p0 $0x3;
	[sflag:s28] =	ssyncadd.s32 $0xFFFFFC00  }
0x3c: {  	_ =	swait.ge @!p0 [sflag:s1], $0x1900  }
0x3d: {  	[sflag:s1] =	ssyncset.done @!p0 $0x0  }
0x3e: {  	s18 =	simm.s32 $0x3F20;
	[sflag:s1] =	ssyncadd.s32 @!p0 $0xFFFFE700  }
0x3f: {  	v4 =	vld [tilespmem:s18+$0xFFFFFCE0]  }
0x40: {  	v5 =	vld [tilespmem:s18+$0xFFFFFCF0]  }
0x41: {  	v6 =	vld [tilespmem:s18+$0xFFFFFD00]  }
0x42: {  	s19 =	simm.s32 $0x0;
	v7 =	vld [tilespmem:s18+$0xFFFFFD10]  }
0x43: {  	v0 =	vld [tilespmem:s19+$0x3400]  }
0x44: {  	v2 =	vld [tilespmem:s19+$0x3410]  }
0x45: {  	v1 =	vld [tilespmem:s19+$0x3420]  }
0x46: {  	v3 =	vld [tilespmem:s19+$0x3430];
	_ =	sdelay $0x3  }
0x47: {  	v4 =	vmul.f32 v4, v0;
	v5 =	vmul.f32 v5, v2  }
0x48: {  	v6 =	vmul.f32 v6, v1;
	v7 =	vmul.f32 v7, v3;
	_ =	sdelay $0x1  }
0x49: {  	v4 =	vadd.f32 v5, v4;
	v5 =	vadd.f32 v7, v6;
	_ =	sdelay $0x1  }
0x4a: {  	v4 =	vadd.f32 v5, v4  }
0x4b: {  	s17 =	simm.s32 $0x104C0  }
0x4c: {  	[tilespmem:s17+$0xFFFFFF40] =	vst v4  }
0x4d: {  	v4 =	vld [tilespmem:s18+$0xFFFFFD20]  }
0x4e: {  	v5 =	vld [tilespmem:s18+$0xFFFFFD30]  }
0x4f: {  	v6 =	vld [tilespmem:s18+$0xFFFFFD40]  }
0x50: {  	v7 =	vld [tilespmem:s18+$0xFFFFFD50];
	_ =	sdelay $0x3  }
0x51: {  	v4 =	vmul.f32 v4, v0;
	v5 =	vmul.f32 v5, v2  }
0x52: {  	v6 =	vmul.f32 v6, v1;
	v7 =	vmul.f32 v7, v3;
	_ =	sdelay $0x1  }
0x53: {  	v4 =	vadd.f32 v5, v4;
	v5 =	vadd.f32 v7, v6;
	_ =	sdelay $0x1  }
0x54: {  	v4 =	vadd.f32 v5, v4;
	_ =	sdelay $0x1  }
0x55: {  	[tilespmem:s17+$0xFFFFFF50] =	vst v4  }
0x56: {  	v4 =	vld [tilespmem:s18+$0xFFFFFD60]  }
0x57: {  	v5 =	vld [tilespmem:s18+$0xFFFFFD70]  }
0x58: {  	v6 =	vld [tilespmem:s18+$0xFFFFFD80]  }
0x59: {  	v7 =	vld [tilespmem:s18+$0xFFFFFD90];
	_ =	sdelay $0x3  }
0x5a: {  	v4 =	vmul.f32 v4, v0;
	v5 =	vmul.f32 v5, v2  }
0x5b: {  	v6 =	vmul.f32 v6, v1;
	v7 =	vmul.f32 v7, v3;
	_ =	sdelay $0x1  }
0x5c: {  	v4 =	vadd.f32 v5, v4;
	v5 =	vadd.f32 v7, v6;
	_ =	sdelay $0x1  }
0x5d: {  	v4 =	vadd.f32 v5, v4;
	_ =	sdelay $0x1  }
0x5e: {  	[tilespmem:s17+$0xFFFFFF60] =	vst v4  }
0x5f: {  	v4 =	vld [tilespmem:s18+$0xFFFFFDA0]  }
0x60: {  	v5 =	vld [tilespmem:s18+$0xFFFFFDB0]  }
0x61: {  	v6 =	vld [tilespmem:s18+$0xFFFFFDC0]  }
0x62: {  	v7 =	vld [tilespmem:s18+$0xFFFFFDD0];
	_ =	sdelay $0x3  }
0x63: {  	v4 =	vmul.f32 v4, v0;
	v5 =	vmul.f32 v5, v2  }
0x64: {  	v6 =	vmul.f32 v6, v1;
	v7 =	vmul.f32 v7, v3;
	_ =	sdelay $0x1  }
0x65: {  	v4 =	vadd.f32 v5, v4;
	v5 =	vadd.f32 v7, v6;
	_ =	sdelay $0x1  }
0x66: {  	v4 =	vadd.f32 v5, v4;
	_ =	sdelay $0x1  }
0x67: {  	[tilespmem:s17+$0xFFFFFF70] =	vst v4  }
0x68: {  	v4 =	vld [tilespmem:s18+$0xFFFFFDE0]  }
0x69: {  	v5 =	vld [tilespmem:s18+$0xFFFFFDF0]  }
0x6a: {  	v6 =	vld [tilespmem:s18+$0xFFFFFE00]  }
0x6b: {  	v7 =	vld [tilespmem:s18+$0xFFFFFE10];
	_ =	sdelay $0x3  }
0x6c: {  	v4 =	vmul.f32 v4, v0;
	v5 =	vmul.f32 v5, v2  }
0x6d: {  	v6 =	vmul.f32 v6, v1;
	v7 =	vmul.f32 v7, v3;
	_ =	sdelay $0x1  }
0x6e: {  	v4 =	vadd.f32 v5, v4;
	v5 =	vadd.f32 v7, v6;
	_ =	sdelay $0x1  }
0x6f: {  	v4 =	vadd.f32 v5, v4;
	_ =	sdelay $0x1  }
0x70: {  	[tilespmem:s17+$0xFFFFFF80] =	vst v4  }
0x71: {  	v4 =	vld [tilespmem:s18+$0xFFFFFE20]  }
0x72: {  	v5 =	vld [tilespmem:s18+$0xFFFFFE30]  }
0x73: {  	v6 =	vld [tilespmem:s18+$0xFFFFFE40]  }
0x74: {  	v7 =	vld [tilespmem:s18+$0xFFFFFE50];
	_ =	sdelay $0x3  }
0x75: {  	v4 =	vmul.f32 v4, v0;
	v5 =	vmul.f32 v5, v2  }
0x76: {  	v6 =	vmul.f32 v6, v1;
	v7 =	vmul.f32 v7, v3;
	_ =	sdelay $0x1  }
0x77: {  	v4 =	vadd.f32 v5, v4;
	v5 =	vadd.f32 v7, v6;
	_ =	sdelay $0x1  }
0x78: {  	v4 =	vadd.f32 v5, v4;
	_ =	sdelay $0x1  }
0x79: {  	[tilespmem:s17+$0xFFFFFF90] =	vst v4  }
0x7a: {  	v4 =	vld [tilespmem:s18+$0xFFFFFE60]  }
0x7b: {  	v5 =	vld [tilespmem:s18+$0xFFFFFE70]  }
0x7c: {  	v6 =	vld [tilespmem:s18+$0xFFFFFE80]  }
0x7d: {  	v7 =	vld [tilespmem:s18+$0xFFFFFE90];
	_ =	sdelay $0x3  }
0x7e: {  	v4 =	vmul.f32 v4, v0;
	v5 =	vmul.f32 v5, v2  }
0x7f: {  	v6 =	vmul.f32 v6, v1;
	v7 =	vmul.f32 v7, v3;
	_ =	sdelay $0x1  }
0x80: {  	v4 =	vadd.f32 v5, v4;
	v5 =	vadd.f32 v7, v6;
	_ =	sdelay $0x1  }
0x81: {  	v4 =	vadd.f32 v5, v4;
	_ =	sdelay $0x1  }
0x82: {  	[tilespmem:s17+$0xFFFFFFA0] =	vst v4  }
0x83: {  	v4 =	vld [tilespmem:s18+$0xFFFFFEA0]  }
0x84: {  	v5 =	vld [tilespmem:s18+$0xFFFFFEB0]  }
0x85: {  	v6 =	vld [tilespmem:s18+$0xFFFFFEC0]  }
0x86: {  	v7 =	vld [tilespmem:s18+$0xFFFFFED0];
	_ =	sdelay $0x2  }
0x87: {  	s19 =	simm.s32 $0x4560  }
0x88: {  	v8 =	vld [tilespmem:s19+$0xFFFFFCE0];
	v4 =	vmul.f32 v4, v0;
	v5 =	vmul.f32 v5, v2  }
0x89: {  	v9 =	vld [tilespmem:s19+$0xFFFFFCF0];
	v6 =	vmul.f32 v6, v1;
	v7 =	vmul.f32 v7, v3  }
0x8a: {  	v10 =	vld [tilespmem:s19+$0xFFFFFD00]  }
0x8b: {  	s20 =	simm.s32 $0x40;
	v11 =	vld [tilespmem:s19+$0xFFFFFD10];
	v12 =	vadd.f32 v5, v4;
	v6 =	vadd.f32 v7, v6  }
0x8c: {  	v4 =	vld [tilespmem:s20+$0x3400]  }
0x8d: {  	v5 =	vld [tilespmem:s20+$0x3410];
	v12 =	vadd.f32 v6, v12  }
0x8e: {  	v7 =	vld [tilespmem:s20+$0x3430]  }
0x8f: {  	v6 =	vld [tilespmem:s20+$0x3420];
	[tilespmem:s17+$0xFFFFFFB0] =	vst v12  }
0x90: {  	v12 =	vld [tilespmem:s18+$0xFFFFFEE0]  }
0x91: {  	v13 =	vld [tilespmem:s18+$0xFFFFFEF0]  }
0x92: {  	v14 =	vld [tilespmem:s18+$0xFFFFFF00]  }
0x93: {  	v15 =	vld [tilespmem:s18+$0xFFFFFF10];
	v8 =	vmul.f32 v8, v4;
	v9 =	vmul.f32 v9, v5  }
0x94: {  	v11 =	vmul.f32 v11, v7;
	v10 =	vmul.f32 v10, v6;
	_ =	sdelay $0x1  }
0x95: {  	v8 =	vadd.f32 v9, v8;
	v9 =	vadd.f32 v11, v10  }
0x96: {  	v10 =	vmul.f32 v12, v0;
	v11 =	vmul.f32 v13, v2  }
0x97: {  	v12 =	vmul.f32 v15, v3;
	v8 =	vadd.f32 v9, v8;
	v9 =	vmul.f32 v14, v1  }
0x98: {  	s20 =	simm.s32 $0x10650  }
0x99: {  	[tilespmem:s20+$0xFFFFFF40] =	vst v8;
	v8 =	vadd.f32 v11, v10;
	v9 =	vadd.f32 v12, v9  }
0x9a: {  	v10 =	vld [tilespmem:s19+$0xFFFFFD20]  }
0x9b: {  	v11 =	vld [tilespmem:s19+$0xFFFFFD30];
	v8 =	vadd.f32 v9, v8  }
0x9c: {  	v12 =	vld [tilespmem:s19+$0xFFFFFD50]  }
0x9d: {  	v9 =	vld [tilespmem:s19+$0xFFFFFD40];
	[tilespmem:s17+$0xFFFFFFC0] =	vst v8  }
0x9e: {  	v8 =	vld [tilespmem:s18+$0xFFFFFF20]  }
0x9f: {  	v13 =	vld [tilespmem:s18+$0xFFFFFF30]  }
0xa0: {  	v14 =	vld [tilespmem:s18+$0xFFFFFF40]  }
0xa1: {  	v15 =	vld [tilespmem:s18+$0xFFFFFF50];
	v10 =	vmul.f32 v10, v4;
	v11 =	vmul.f32 v11, v5  }
0xa2: {  	v12 =	vmul.f32 v12, v7;
	v9 =	vmul.f32 v9, v6;
	_ =	sdelay $0x1  }
0xa3: {  	v10 =	vadd.f32 v11, v10;
	v9 =	vadd.f32 v12, v9  }
0xa4: {  	v8 =	vmul.f32 v8, v0;
	v11 =	vmul.f32 v13, v2  }
0xa5: {  	v12 =	vmul.f32 v15, v3;
	v9 =	vadd.f32 v9, v10;
	v10 =	vmul.f32 v14, v1;
	_ =	sdelay $0x1  }
0xa6: {  	v8 =	vadd.f32 v11, v8;
	[tilespmem:s20+$0xFFFFFF50] =	vst v9;
	v9 =	vadd.f32 v12, v10  }
0xa7: {  	v10 =	vld [tilespmem:s19+$0xFFFFFD60]  }
0xa8: {  	v11 =	vld [tilespmem:s19+$0xFFFFFD70];
	v8 =	vadd.f32 v9, v8  }
0xa9: {  	v12 =	vld [tilespmem:s19+$0xFFFFFD90]  }
0xaa: {  	v9 =	vld [tilespmem:s19+$0xFFFFFD80];
	[tilespmem:s17+$0xFFFFFFD0] =	vst v8  }
0xab: {  	v8 =	vld [tilespmem:s18+$0xFFFFFF60]  }
0xac: {  	v13 =	vld [tilespmem:s18+$0xFFFFFF70]  }
0xad: {  	v14 =	vld [tilespmem:s18+$0xFFFFFF80]  }
0xae: {  	v15 =	vld [tilespmem:s18+$0xFFFFFF90];
	v10 =	vmul.f32 v10, v4;
	v11 =	vmul.f32 v11, v5  }
0xaf: {  	v12 =	vmul.f32 v12, v7;
	v9 =	vmul.f32 v9, v6;
	_ =	sdelay $0x1  }
0xb0: {  	v10 =	vadd.f32 v11, v10;
	v9 =	vadd.f32 v12, v9  }
0xb1: {  	v8 =	vmul.f32 v8, v0;
	v11 =	vmul.f32 v13, v2  }
0xb2: {  	v12 =	vmul.f32 v15, v3;
	v9 =	vadd.f32 v9, v10;
	v10 =	vmul.f32 v14, v1;
	_ =	sdelay $0x1  }
0xb3: {  	v8 =	vadd.f32 v11, v8;
	[tilespmem:s20+$0xFFFFFF60] =	vst v9;
	v9 =	vadd.f32 v12, v10  }
0xb4: {  	v10 =	vld [tilespmem:s19+$0xFFFFFDA0]  }
0xb5: {  	v11 =	vld [tilespmem:s19+$0xFFFFFDB0];
	v8 =	vadd.f32 v9, v8  }
0xb6: {  	v12 =	vld [tilespmem:s19+$0xFFFFFDD0]  }
0xb7: {  	v9 =	vld [tilespmem:s19+$0xFFFFFDC0];
	[tilespmem:s17+$0xFFFFFFE0] =	vst v8  }
0xb8: {  	v8 =	vld [tilespmem:s18+$0xFFFFFFA0]  }
0xb9: {  	v13 =	vld [tilespmem:s18+$0xFFFFFFB0]  }
0xba: {  	v14 =	vld [tilespmem:s18+$0xFFFFFFC0]  }
0xbb: {  	v15 =	vld [tilespmem:s18+$0xFFFFFFD0];
	v10 =	vmul.f32 v10, v4;
	v11 =	vmul.f32 v11, v5  }
0xbc: {  	v12 =	vmul.f32 v12, v7;
	v9 =	vmul.f32 v9, v6;
	_ =	sdelay $0x1  }
0xbd: {  	v10 =	vadd.f32 v11, v10;
	v9 =	vadd.f32 v12, v9  }
0xbe: {  	v8 =	vmul.f32 v8, v0;
	v11 =	vmul.f32 v13, v2  }
0xbf: {  	v12 =	vmul.f32 v15, v3;
	v9 =	vadd.f32 v9, v10;
	v10 =	vmul.f32 v14, v1;
	_ =	sdelay $0x1  }
0xc0: {  	v8 =	vadd.f32 v11, v8;
	[tilespmem:s20+$0xFFFFFF70] =	vst v9;
	v9 =	vadd.f32 v12, v10  }
0xc1: {  	v10 =	vld [tilespmem:s19+$0xFFFFFDE0]  }
0xc2: {  	v11 =	vld [tilespmem:s19+$0xFFFFFDF0];
	v8 =	vadd.f32 v9, v8  }
0xc3: {  	v12 =	vld [tilespmem:s19+$0xFFFFFE10]  }
0xc4: {  	v9 =	vld [tilespmem:s19+$0xFFFFFE00];
	[tilespmem:s17+$0xFFFFFFF0] =	vst v8  }
0xc5: {  	v8 =	vld [tilespmem:s18+$0xFFFFFFE0]  }
0xc6: {  	v13 =	vld [tilespmem:s18+$0xFFFFFFF0]  }
0xc7: {  	v14 =	vld [tilespmem:s18+$0x0]  }
0xc8: {  	v15 =	vld [tilespmem:s18+$0x10];
	v10 =	vmul.f32 v10, v4;
	v11 =	vmul.f32 v11, v5  }
0xc9: {  	v12 =	vmul.f32 v12, v7;
	v9 =	vmul.f32 v9, v6;
	_ =	sdelay $0x1  }
0xca: {  	v10 =	vadd.f32 v11, v10;
	v9 =	vadd.f32 v12, v9  }
0xcb: {  	v8 =	vmul.f32 v8, v0;
	v11 =	vmul.f32 v13, v2  }
0xcc: {  	v12 =	vmul.f32 v15, v3;
	v9 =	vadd.f32 v9, v10;
	v10 =	vmul.f32 v14, v1;
	_ =	sdelay $0x1  }
0xcd: {  	v8 =	vadd.f32 v11, v8;
	[tilespmem:s20+$0xFFFFFF80] =	vst v9;
	v9 =	vadd.f32 v12, v10  }
0xce: {  	v10 =	vld [tilespmem:s19+$0xFFFFFE20]  }
0xcf: {  	v11 =	vld [tilespmem:s19+$0xFFFFFE30];
	v8 =	vadd.f32 v9, v8  }
0xd0: {  	v12 =	vld [tilespmem:s19+$0xFFFFFE50]  }
0xd1: {  	v9 =	vld [tilespmem:s19+$0xFFFFFE40];
	[tilespmem:s17+$0x0] =	vst v8  }
0xd2: {  	v8 =	vld [tilespmem:s18+$0x20]  }
0xd3: {  	v13 =	vld [tilespmem:s18+$0x30]  }
0xd4: {  	v14 =	vld [tilespmem:s18+$0x40]  }
0xd5: {  	v15 =	vld [tilespmem:s18+$0x50];
	v10 =	vmul.f32 v10, v4;
	v11 =	vmul.f32 v11, v5  }
0xd6: {  	v12 =	vmul.f32 v12, v7;
	v9 =	vmul.f32 v9, v6;
	_ =	sdelay $0x1  }
0xd7: {  	v10 =	vadd.f32 v11, v10;
	v9 =	vadd.f32 v12, v9  }
0xd8: {  	v8 =	vmul.f32 v8, v0;
	v11 =	vmul.f32 v13, v2  }
0xd9: {  	v12 =	vmul.f32 v15, v3;
	v9 =	vadd.f32 v9, v10;
	v10 =	vmul.f32 v14, v1;
	_ =	sdelay $0x1  }
0xda: {  	v8 =	vadd.f32 v11, v8;
	[tilespmem:s20+$0xFFFFFF90] =	vst v9;
	v9 =	vadd.f32 v12, v10  }
0xdb: {  	v10 =	vld [tilespmem:s19+$0xFFFFFE60]  }
0xdc: {  	v11 =	vld [tilespmem:s19+$0xFFFFFE70];
	v8 =	vadd.f32 v9, v8  }
0xdd: {  	v12 =	vld [tilespmem:s19+$0xFFFFFE90]  }
0xde: {  	v9 =	vld [tilespmem:s19+$0xFFFFFE80];
	[tilespmem:s17+$0x10] =	vst v8  }
0xdf: {  	v8 =	vld [tilespmem:s18+$0x60]  }
0xe0: {  	v13 =	vld [tilespmem:s18+$0x70]  }
0xe1: {  	v14 =	vld [tilespmem:s18+$0x80]  }
0xe2: {  	v15 =	vld [tilespmem:s18+$0x90];
	v10 =	vmul.f32 v10, v4;
	v11 =	vmul.f32 v11, v5  }
0xe3: {  	v12 =	vmul.f32 v12, v7;
	v9 =	vmul.f32 v9, v6;
	_ =	sdelay $0x1  }
0xe4: {  	v10 =	vadd.f32 v11, v10;
	v9 =	vadd.f32 v12, v9  }
0xe5: {  	v8 =	vmul.f32 v8, v0;
	v11 =	vmul.f32 v13, v2  }
0xe6: {  	v12 =	vmul.f32 v15, v3;
	v9 =	vadd.f32 v9, v10;
	v10 =	vmul.f32 v14, v1  }
0xe7: {  	s8 =	simm.s32 $0x4BA0  }
0xe8: {  	v17 =	vld [tilespmem:s8+$0xFFFFFCF0];
	v8 =	vadd.f32 v11, v8;
	[tilespmem:s20+$0xFFFFFFA0] =	vst v9;
	v9 =	vadd.f32 v12, v10  }
0xe9: {  	v10 =	vld [tilespmem:s19+$0xFFFFFEA0]  }
0xea: {  	v11 =	vld [tilespmem:s19+$0xFFFFFEB0];
	v8 =	vadd.f32 v9, v8  }
0xeb: {  	v12 =	vld [tilespmem:s19+$0xFFFFFED0]  }
0xec: {  	v9 =	vld [tilespmem:s19+$0xFFFFFEC0];
	[tilespmem:s17+$0x20] =	vst v8  }
0xed: {  	v14 =	vld [tilespmem:s18+$0xA0]  }
0xee: {  	v15 =	vld [tilespmem:s18+$0xB0]  }
0xef: {  	v16 =	vld [tilespmem:s18+$0xC0]  }
0xf0: {  	v8 =	vmul.f32 v10, v4;
	v10 =	vmul.f32 v11, v5;
	v11 =	vld [tilespmem:s18+$0xD0]  }
0xf1: {  	v18 =	vld [tilespmem:s8+$0xFFFFFD00];
	v12 =	vmul.f32 v12, v7;
	v9 =	vmul.f32 v9, v6  }
0xf2: {  	v19 =	vld [tilespmem:s8+$0xFFFFFD10]  }
0xf3: {  	s21 =	simm.s32 $0x80;
	v13 =	vld [tilespmem:s8+$0xFFFFFCE0];
	v10 =	vadd.f32 v10, v8;
	v12 =	vadd.f32 v12, v9  }
0xf4: {  	v8 =	vld [tilespmem:s21+$0x3400];
	v14 =	vmul.f32 v14, v0;
	v15 =	vmul.f32 v15, v2  }
0xf5: {  	v16 =	vmul.f32 v16, v1;
	v12 =	vadd.f32 v12, v10;
	v20 =	vmul.f32 v11, v3;
	v10 =	vld [tilespmem:s21+$0x3420]  }
0xf6: {  	v11 =	vld [tilespmem:s21+$0x3430]  }
0xf7: {  	v9 =	vld [tilespmem:s21+$0x3410];
	[tilespmem:s20+$0xFFFFFFB0] =	vst v12;
	v12 =	vadd.f32 v15, v14;
	v14 =	vadd.f32 v20, v16  }
0xf8: {  	v15 =	vld [tilespmem:s19+$0xFFFFFEE0]  }
0xf9: {  	v16 =	vld [tilespmem:s19+$0xFFFFFEF0];
	v12 =	vadd.f32 v14, v12  }
0xfa: {  	v20 =	vld [tilespmem:s19+$0xFFFFFF10]  }
0xfb: {  	v14 =	vld [tilespmem:s19+$0xFFFFFF00];
	v18 =	vmul.f32 v18, v10;
	v19 =	vmul.f32 v19, v11;
	[tilespmem:s17+$0x30] =	vst v12  }
0xfc: {  	v12 =	vmul.f32 v13, v8;
	v13 =	vmul.f32 v17, v9;
	v17 =	vld [tilespmem:s18+$0xE0]  }
0xfd: {  	v21 =	vld [tilespmem:s18+$0xF0]  }
0xfe: {  	v22 =	vld [tilespmem:s18+$0x100];
	v12 =	vadd.f32 v13, v12;
	v13 =	vadd.f32 v19, v18  }
0xff: {  	v18 =	vld [tilespmem:s18+$0x110];
	v15 =	vmul.f32 v15, v4;
	v16 =	vmul.f32 v16, v5  }
0x100: {  	v12 =	vadd.f32 v13, v12;
	v13 =	vmul.f32 v14, v6;
	v14 =	vmul.f32 v20, v7  }
0x101: {  	s9 =	simm.s32 $0x107E0  }
0x102: {  	[tilespmem:s9+$0xFFFFFF40] =	vst v12;
	v12 =	vadd.f32 v16, v15;
	v13 =	vadd.f32 v14, v13  }
0x103: {  	v15 =	vmul.f32 v17, v0;
	v16 =	vmul.f32 v21, v2;
	v14 =	vld [tilespmem:s8+$0xFFFFFD20]  }
0x104: {  	v17 =	vld [tilespmem:s8+$0xFFFFFD30];
	v18 =	vmul.f32 v18, v3;
	v12 =	vadd.f32 v13, v12;
	v13 =	vmul.f32 v22, v1  }
0x105: {  	v19 =	vld [tilespmem:s8+$0xFFFFFD40]  }
0x106: {  	v15 =	vadd.f32 v16, v15;
	v16 =	vld [tilespmem:s8+$0xFFFFFD50];
	[tilespmem:s20+$0xFFFFFFC0] =	vst v12;
	v12 =	vadd.f32 v18, v13  }
0x107: {  	v13 =	vld [tilespmem:s19+$0xFFFFFF20]  }
0x108: {  	v18 =	vld [tilespmem:s19+$0xFFFFFF30];
	v12 =	vadd.f32 v12, v15  }
0x109: {  	v20 =	vld [tilespmem:s19+$0xFFFFFF50]  }
0x10a: {  	v15 =	vld [tilespmem:s19+$0xFFFFFF40];
	v14 =	vmul.f32 v14, v8;
	v17 =	vmul.f32 v17, v9;
	[tilespmem:s17+$0x40] =	vst v12  }
0x10b: {  	v16 =	vmul.f32 v16, v11;
	v12 =	vmul.f32 v19, v10;
	v19 =	vld [tilespmem:s18+$0x120]  }
0x10c: {  	v59 =	vld [tilespmem:s18+$0x130]  }
0x10d: {  	v14 =	vadd.f32 v17, v14;
	v12 =	vadd.f32 v16, v12;
	v16 =	vld [tilespmem:s18+$0x140]  }
0x10e: {  	v13 =	vmul.f32 v13, v4;
	v17 =	vmul.f32 v18, v5;
	v18 =	vld [tilespmem:s18+$0x150]  }
0x10f: {  	v12 =	vadd.f32 v12, v14;
	v14 =	vmul.f32 v15, v6;
	v15 =	vmul.f32 v20, v7;
	_ =	sdelay $0x1  }
0x110: {  	[tilespmem:s9+$0xFFFFFF50] =	vst v12;
	v12 =	vadd.f32 v17, v13;
	v13 =	vadd.f32 v15, v14  }
0x111: {  	v15 =	vmul.f32 v19, v0;
	v17 =	vmul.f32 v59, v2;
	v14 =	vld [tilespmem:s8+$0xFFFFFD60]  }
0x112: {  	v19 =	vld [tilespmem:s8+$0xFFFFFD70];
	v12 =	vadd.f32 v13, v12;
	v13 =	vmul.f32 v16, v1;
	v16 =	vmul.f32 v18, v3  }
0x113: {  	v20 =	vld [tilespmem:s8+$0xFFFFFD90]  }
0x114: {  	v18 =	vld [tilespmem:s8+$0xFFFFFD80];
	[tilespmem:s20+$0xFFFFFFD0] =	vst v12;
	v12 =	vadd.f32 v17, v15;
	v13 =	vadd.f32 v16, v13  }
0x115: {  	v15 =	vld [tilespmem:s19+$0xFFFFFF60]  }
0x116: {  	v16 =	vld [tilespmem:s19+$0xFFFFFF70];
	v12 =	vadd.f32 v13, v12  }
0x117: {  	v13 =	vld [tilespmem:s19+$0xFFFFFF80]  }
0x118: {  	v14 =	vmul.f32 v14, v8;
	v17 =	vmul.f32 v19, v9;
	v19 =	vld [tilespmem:s19+$0xFFFFFF90];
	[tilespmem:s17+$0x50] =	vst v12  }
0x119: {  	v12 =	vmul.f32 v18, v10;
	v18 =	vmul.f32 v20, v11;
	v20 =	vld [tilespmem:s18+$0x160]  }
0x11a: {  	v60 =	vld [tilespmem:s18+$0x170]  }
0x11b: {  	v14 =	vadd.f32 v17, v14;
	v17 =	vld [tilespmem:s18+$0x180];
	v12 =	vadd.f32 v18, v12  }
0x11c: {  	v15 =	vmul.f32 v15, v4;
	v16 =	vmul.f32 v16, v5;
	v18 =	vld [tilespmem:s18+$0x190]  }
0x11d: {  	v13 =	vmul.f32 v13, v6;
	v12 =	vadd.f32 v12, v14;
	v14 =	vmul.f32 v19, v7;
	_ =	sdelay $0x1  }
0x11e: {  	[tilespmem:s9+$0xFFFFFF60] =	vst v12;
	v12 =	vadd.f32 v16, v15;
	v13 =	vadd.f32 v14, v13  }
0x11f: {  	v15 =	vmul.f32 v20, v0;
	v16 =	vmul.f32 v60, v2;
	v14 =	vld [tilespmem:s8+$0xFFFFFDA0]  }
0x120: {  	v19 =	vld [tilespmem:s8+$0xFFFFFDB0];
	v12 =	vadd.f32 v13, v12;
	v13 =	vmul.f32 v17, v1;
	v17 =	vmul.f32 v18, v3  }
0x121: {  	v20 =	vld [tilespmem:s8+$0xFFFFFDD0]  }
0x122: {  	v18 =	vld [tilespmem:s8+$0xFFFFFDC0];
	[tilespmem:s20+$0xFFFFFFE0] =	vst v12;
	v12 =	vadd.f32 v16, v15;
	v13 =	vadd.f32 v17, v13  }
0x123: {  	v15 =	vld [tilespmem:s19+$0xFFFFFFA0]  }
0x124: {  	v16 =	vld [tilespmem:s19+$0xFFFFFFB0];
	v12 =	vadd.f32 v13, v12  }
0x125: {  	v13 =	vld [tilespmem:s19+$0xFFFFFFC0]  }
0x126: {  	v14 =	vmul.f32 v14, v8;
	v17 =	vmul.f32 v19, v9;
	v19 =	vld [tilespmem:s19+$0xFFFFFFD0];
	[tilespmem:s17+$0x60] =	vst v12  }
0x127: {  	v12 =	vmul.f32 v18, v10;
	v18 =	vmul.f32 v20, v11;
	v20 =	vld [tilespmem:s18+$0x1A0]  }
0x128: {  	v61 =	vld [tilespmem:s18+$0x1B0]  }
0x129: {  	v14 =	vadd.f32 v17, v14;
	v17 =	vld [tilespmem:s18+$0x1C0];
	v12 =	vadd.f32 v18, v12  }
0x12a: {  	v15 =	vmul.f32 v15, v4;
	v16 =	vmul.f32 v16, v5;
	v18 =	vld [tilespmem:s18+$0x1D0]  }
0x12b: {  	v13 =	vmul.f32 v13, v6;
	v12 =	vadd.f32 v12, v14;
	v14 =	vmul.f32 v19, v7;
	_ =	sdelay $0x1  }
0x12c: {  	[tilespmem:s9+$0xFFFFFF70] =	vst v12;
	v12 =	vadd.f32 v16, v15;
	v13 =	vadd.f32 v14, v13  }
0x12d: {  	v15 =	vmul.f32 v20, v0;
	v16 =	vmul.f32 v61, v2;
	v14 =	vld [tilespmem:s8+$0xFFFFFDE0]  }
0x12e: {  	v19 =	vld [tilespmem:s8+$0xFFFFFDF0];
	v12 =	vadd.f32 v13, v12;
	v13 =	vmul.f32 v17, v1;
	v17 =	vmul.f32 v18, v3  }
0x12f: {  	v20 =	vld [tilespmem:s8+$0xFFFFFE10]  }
0x130: {  	v18 =	vld [tilespmem:s8+$0xFFFFFE00];
	[tilespmem:s20+$0xFFFFFFF0] =	vst v12;
	v12 =	vadd.f32 v16, v15;
	v13 =	vadd.f32 v17, v13  }
0x131: {  	v15 =	vld [tilespmem:s19+$0xFFFFFFE0]  }
0x132: {  	v16 =	vld [tilespmem:s19+$0xFFFFFFF0];
	v12 =	vadd.f32 v13, v12  }
0x133: {  	v13 =	vld [tilespmem:s19+$0x0]  }
0x134: {  	v14 =	vmul.f32 v14, v8;
	v17 =	vmul.f32 v19, v9;
	v19 =	vld [tilespmem:s19+$0x10];
	[tilespmem:s17+$0x70] =	vst v12  }
0x135: {  	v12 =	vmul.f32 v18, v10;
	v18 =	vmul.f32 v20, v11;
	v20 =	vld [tilespmem:s18+$0x1E0]  }
0x136: {  	v62 =	vld [tilespmem:s18+$0x1F0]  }
0x137: {  	v14 =	vadd.f32 v17, v14;
	v63 =	vld [tilespmem:s18+$0x200];
	v12 =	vadd.f32 v18, v12  }
0x138: {  	v23 =	vld [tilespmem:s18+$0x210];
	v15 =	vmul.f32 v15, v4;
	v16 =	vmul.f32 v16, v5  }
0x139: {  	v13 =	vmul.f32 v13, v6;
	v12 =	vadd.f32 v12, v14;
	v14 =	vmul.f32 v19, v7;
	_ =	sdelay $0x1  }
0x13a: {  	v15 =	vadd.f32 v16, v15;
	[tilespmem:s9+$0xFFFFFF80] =	vst v12;
	v14 =	vadd.f32 v14, v13  }
0x13b: {  	s11 =	simm.s32 $0x107E0;
	v12 =	vmul.f32 v20, v0;
	v13 =	vmul.f32 v62, v2;
	v17 =	vld [tilespmem:s8+$0xFFFFFE20]  }
0x13c: {  	s7 =	simm.s32 $0x4BA0;
	s1 =	simm.s32 $0x300;
	s21 =	sshll.u32 s15, $0x1;
	v18 =	vld [tilespmem:s8+$0xFFFFFE30];
	v16 =	vadd.f32 v14, v15;
	v14 =	vmul.f32 v63, v1;
	v15 =	vmul.f32 v23, v3  }
.LBB2_3:
0x13d: {  	p1 =	sne.s32 s1, $0xF00;
	v19 =	vld [tilespmem:s8+$0xFFFFFE40]  }
0x13e: {  	v12 =	vadd.f32 v13, v12;
	v20 =	vld [tilespmem:s8+$0xFFFFFE50];
	[tilespmem:s20+$0x0] =	vst v16;
	v13 =	vadd.f32 v15, v14  }
0x13f: {  	v14 =	vld [tilespmem:s19+$0x20]  }
0x140: {  	v15 =	vld [tilespmem:s19+$0x30];
	v12 =	vadd.f32 v13, v12  }
0x141: {  	v13 =	vld [tilespmem:s19+$0x40]  }
0x142: {  	v16 =	vmul.f32 v17, v8;
	v17 =	vmul.f32 v18, v9;
	v18 =	vld [tilespmem:s19+$0x50];
	[tilespmem:s17+$0x80] =	vst v12  }
0x143: {  	v12 =	vmul.f32 v19, v10;
	v19 =	vmul.f32 v20, v11;
	v20 =	vld [tilespmem:s18+$0x220]  }
0x144: {  	v21 =	vld [tilespmem:s18+$0x230]  }
0x145: {  	v16 =	vadd.f32 v17, v16;
	v12 =	vadd.f32 v19, v12;
	v17 =	vld [tilespmem:s18+$0x240]  }
0x146: {  	v19 =	vmul.f32 v14, v4;
	v15 =	vmul.f32 v15, v5;
	v22 =	vld [tilespmem:s18+$0x250]  }
0x147: {  	s8 =	sadd.s32 $0x640, s8;
	v12 =	vadd.f32 v12, v16;
	v16 =	vmul.f32 v13, v6;
	v18 =	vmul.f32 v18, v7  }
0x148: {  	v13 =	vld [tilespmem:s8+$0xFFFFFCE0]  }
0x149: {  	v14 =	vld [tilespmem:s8+$0xFFFFFCF0];
	[tilespmem:s9+$0xFFFFFF90] =	vst v12;
	v12 =	vadd.f32 v15, v19;
	v15 =	vadd.f32 v18, v16  }
0x14a: {  	v18 =	vmul.f32 v20, v0;
	v19 =	vmul.f32 v21, v2;
	v16 =	vld [tilespmem:s7+$0xFFFFFE60]  }
0x14b: {  	v20 =	vld [tilespmem:s7+$0xFFFFFE70];
	v12 =	vadd.f32 v15, v12;
	v15 =	vmul.f32 v17, v1;
	v17 =	vmul.f32 v22, v3  }
0x14c: {  	v21 =	vld [tilespmem:s7+$0xFFFFFE80]  }
0x14d: {  	v22 =	vld [tilespmem:s7+$0xFFFFFE90];
	[tilespmem:s20+$0x10] =	vst v12;
	v12 =	vadd.f32 v19, v18;
	v15 =	vadd.f32 v17, v15  }
0x14e: {  	v17 =	vld [tilespmem:s19+$0x60]  }
0x14f: {  	v18 =	vld [tilespmem:s19+$0x70];
	v12 =	vadd.f32 v15, v12  }
0x150: {  	v15 =	vld [tilespmem:s19+$0x80]  }
0x151: {  	v16 =	vmul.f32 v16, v8;
	v19 =	vmul.f32 v20, v9;
	v20 =	vld [tilespmem:s19+$0x90];
	[tilespmem:s17+$0x90] =	vst v12  }
0x152: {  	v12 =	vmul.f32 v21, v10;
	v21 =	vmul.f32 v22, v11;
	v22 =	vld [tilespmem:s18+$0x260]  }
0x153: {  	v23 =	vld [tilespmem:s18+$0x270]  }
0x154: {  	v16 =	vadd.f32 v19, v16;
	v12 =	vadd.f32 v21, v12;
	v19 =	vld [tilespmem:s18+$0x280]  }
0x155: {  	v17 =	vmul.f32 v17, v4;
	v18 =	vmul.f32 v18, v5;
	v21 =	vld [tilespmem:s18+$0x290]  }
0x156: {  	v15 =	vmul.f32 v15, v6;
	v24 =	vld [tilespmem:s8+$0xFFFFFD00];
	v16 =	vadd.f32 v12, v16;
	v20 =	vmul.f32 v20, v7  }
0x157: {  	s0 =	sshra.s32 s1, $0x2;
	v25 =	vld [tilespmem:s8+$0xFFFFFD10]  }
0x158: {  	v12 =	vld [tilespmem:s0+$0x3400];
	[tilespmem:s9+$0xFFFFFFA0] =	vst v16;
	v16 =	vadd.f32 v18, v17;
	v15 =	vadd.f32 v20, v15  }
0x159: {  	v18 =	vmul.f32 v22, v0;
	v20 =	vmul.f32 v23, v2;
	v17 =	vld [tilespmem:s7+$0xFFFFFEA0]  }
0x15a: {  	v22 =	vld [tilespmem:s7+$0xFFFFFEB0];
	v15 =	vadd.f32 v15, v16;
	v16 =	vmul.f32 v19, v1;
	v19 =	vmul.f32 v21, v3  }
0x15b: {  	v21 =	vld [tilespmem:s7+$0xFFFFFEC0]  }
0x15c: {  	v23 =	vld [tilespmem:s7+$0xFFFFFED0];
	[tilespmem:s20+$0x20] =	vst v15;
	v15 =	vadd.f32 v20, v18;
	v16 =	vadd.f32 v19, v16  }
0x15d: {  	v18 =	vld [tilespmem:s19+$0xA0]  }
0x15e: {  	v19 =	vld [tilespmem:s19+$0xB0];
	v15 =	vadd.f32 v16, v15  }
0x15f: {  	v16 =	vld [tilespmem:s19+$0xC0]  }
0x160: {  	v17 =	vmul.f32 v17, v8;
	v20 =	vmul.f32 v22, v9;
	v22 =	vld [tilespmem:s19+$0xD0];
	[tilespmem:s17+$0xA0] =	vst v15  }
0x161: {  	v15 =	vmul.f32 v21, v10;
	v21 =	vmul.f32 v23, v11;
	v23 =	vld [tilespmem:s18+$0x2A0]  }
0x162: {  	v26 =	vld [tilespmem:s18+$0x2B0]  }
0x163: {  	v17 =	vadd.f32 v20, v17;
	v15 =	vadd.f32 v21, v15;
	v20 =	vld [tilespmem:s18+$0x2C0]  }
0x164: {  	v18 =	vmul.f32 v18, v4;
	v19 =	vmul.f32 v19, v5;
	v21 =	vld [tilespmem:s18+$0x2D0]  }
0x165: {  	v16 =	vmul.f32 v16, v6;
	v27 =	vld [tilespmem:s0+$0x3410];
	v15 =	vadd.f32 v15, v17;
	v17 =	vmul.f32 v22, v7  }
0x166: {  	v22 =	vld [tilespmem:s0+$0x3420]  }
0x167: {  	v28 =	vld [tilespmem:s0+$0x3430];
	[tilespmem:s9+$0xFFFFFFB0] =	vst v15;
	v15 =	vadd.f32 v19, v18;
	v16 =	vadd.f32 v17, v16  }
0x168: {  	v18 =	vmul.f32 v23, v0;
	v19 =	vmul.f32 v26, v2;
	v17 =	vld [tilespmem:s7+$0xFFFFFEE0]  }
0x169: {  	v23 =	vld [tilespmem:s7+$0xFFFFFEF0];
	v15 =	vadd.f32 v16, v15;
	v16 =	vmul.f32 v20, v1;
	v20 =	vmul.f32 v21, v3  }
0x16a: {  	v21 =	vld [tilespmem:s7+$0xFFFFFF00]  }
0x16b: {  	v26 =	vld [tilespmem:s7+$0xFFFFFF10];
	[tilespmem:s20+$0x30] =	vst v15;
	v15 =	vadd.f32 v19, v18;
	v16 =	vadd.f32 v20, v16  }
0x16c: {  	v13 =	vmul.f32 v13, v12;
	v14 =	vmul.f32 v14, v27;
	v18 =	vld [tilespmem:s19+$0xE0]  }
0x16d: {  	v19 =	vmul.f32 v24, v22;
	v20 =	vmul.f32 v25, v28;
	v24 =	vld [tilespmem:s19+$0xF0];
	v15 =	vadd.f32 v16, v15  }
0x16e: {  	v16 =	vld [tilespmem:s19+$0x100]  }
0x16f: {  	v13 =	vadd.f32 v14, v13;
	v14 =	vadd.f32 v20, v19;
	v19 =	vld [tilespmem:s19+$0x110];
	[tilespmem:s17+$0xB0] =	vst v15  }
0x170: {  	v15 =	vmul.f32 v17, v8;
	v17 =	vmul.f32 v23, v9;
	v20 =	vld [tilespmem:s18+$0x2E0]  }
0x171: {  	v13 =	vadd.f32 v14, v13;
	v14 =	vmul.f32 v21, v10;
	v21 =	vmul.f32 v26, v11;
	v23 =	vld [tilespmem:s18+$0x2F0]  }
0x172: {  	s9 =	sadd.s32 $0x190, s9;
	v25 =	vld [tilespmem:s18+$0x300]  }
0x173: {  	v14 =	vadd.f32 v21, v14;
	[tilespmem:s9+$0xFFFFFF40] =	vst v13;
	v13 =	vadd.f32 v17, v15;
	v15 =	vld [tilespmem:s18+$0x310];
	s18 =	smov.u32 s19;
	s19 =	smov.u32 s7;
	s7 =	smov.u32 s8  }
0x174: {  	v18 =	vmul.f32 v18, v4;
	v21 =	vmul.f32 v24, v5;
	v17 =	vld [tilespmem:s8+$0xFFFFFD20]  }
0x175: {  	v24 =	vld [tilespmem:s8+$0xFFFFFD30];
	v13 =	vadd.f32 v14, v13;
	v14 =	vmul.f32 v16, v6;
	v16 =	vmul.f32 v19, v7  }
0x176: {  	v18 =	vadd.f32 v21, v18;
	v19 =	vld [tilespmem:s8+$0xFFFFFD40]  }
0x177: {  	v21 =	vld [tilespmem:s8+$0xFFFFFD50];
	[tilespmem:s11+$0xFFFFFFC0] =	vst v13;
	v13 =	vadd.f32 v16, v14;
	v14 =	vmul.f32 v20, v0;
	v16 =	vmul.f32 v23, v2  }
0x178: {  	v23 =	vmul.f32 v25, v1;
	v0 =	vmovc v4;
	v4 =	vmovc v8;
	v8 =	vmov v12;
	v20 =	vld [tilespmem:s19+$0xFFFFFF20];
	v25 =	vmul.f32 v15, v3  }
0x179: {  	v2 =	vmovc v5;
	v5 =	vmovc v9;
	v9 =	vmov v27;
	v1 =	vmov v6;
	v12 =	vld [tilespmem:s19+$0xFFFFFF30];
	v13 =	vadd.f32 v13, v18  }
0x17a: {  	v6 =	vmovc v10;
	v10 =	vmovc v22;
	v3 =	vmov v7;
	v14 =	vadd.f32 v16, v14;
	v15 =	vld [tilespmem:s19+$0xFFFFFF40];
	v16 =	vadd.f32 v25, v23  }
0x17b: {  	v7 =	vmovc v11;
	v11 =	vmov v28;
	v17 =	vmul.f32 v17, v8;
	v18 =	vmul.f32 v24, v9;
	v22 =	vld [tilespmem:s19+$0xFFFFFF50];
	[tilespmem:s20+$0x40] =	vst v13  }
0x17c: {  	v13 =	vmul.f32 v19, v10;
	v19 =	vmul.f32 v21, v11;
	v21 =	vld [tilespmem:s18+$0x120];
	v14 =	vadd.f32 v16, v14  }
0x17d: {  	v16 =	vld [tilespmem:s18+$0x130]  }
0x17e: {  	v17 =	vadd.f32 v18, v17;
	v13 =	vadd.f32 v19, v13;
	v18 =	vld [tilespmem:s18+$0x140];
	[tilespmem:s17+$0xC0] =	vst v14;
	s17 =	smov.u32 s20;
	s20 =	smov.u32 s11;
	s11 =	smov.u32 s9  }
0x17f: {  	v14 =	vmul.f32 v20, v4;
	v12 =	vmul.f32 v12, v5;
	v19 =	vld [tilespmem:s18+$0x150]  }
0x180: {  	v15 =	vmul.f32 v15, v6;
	v13 =	vadd.f32 v13, v17;
	v17 =	vmul.f32 v22, v7;
	_ =	sdelay $0x1  }
0x181: {  	v12 =	vadd.f32 v12, v14;
	[tilespmem:s9+$0xFFFFFF50] =	vst v13;
	v13 =	vadd.f32 v17, v15  }
0x182: {  	v15 =	vmul.f32 v21, v0;
	v16 =	vmul.f32 v16, v2;
	v14 =	vld [tilespmem:s8+$0xFFFFFD60]  }
0x183: {  	v17 =	vld [tilespmem:s8+$0xFFFFFD70];
	v12 =	vadd.f32 v13, v12;
	v13 =	vmul.f32 v18, v1;
	v18 =	vmul.f32 v19, v3  }
0x184: {  	v19 =	vld [tilespmem:s8+$0xFFFFFD80]  }
0x185: {  	v20 =	vld [tilespmem:s8+$0xFFFFFD90];
	[tilespmem:s20+$0xFFFFFFD0] =	vst v12;
	v12 =	vadd.f32 v16, v15;
	v13 =	vadd.f32 v18, v13  }
0x186: {  	v15 =	vld [tilespmem:s19+$0xFFFFFF60]  }
0x187: {  	v16 =	vld [tilespmem:s19+$0xFFFFFF70];
	v12 =	vadd.f32 v13, v12  }
0x188: {  	v13 =	vld [tilespmem:s19+$0xFFFFFF80]  }
0x189: {  	v14 =	vmul.f32 v14, v8;
	v17 =	vmul.f32 v17, v9;
	v18 =	vld [tilespmem:s19+$0xFFFFFF90];
	[tilespmem:s17+$0x50] =	vst v12  }
0x18a: {  	v12 =	vmul.f32 v19, v10;
	v19 =	vmul.f32 v20, v11;
	v20 =	vld [tilespmem:s18+$0x160]  }
0x18b: {  	v21 =	vld [tilespmem:s18+$0x170]  }
0x18c: {  	v14 =	vadd.f32 v17, v14;
	v12 =	vadd.f32 v19, v12;
	v17 =	vld [tilespmem:s18+$0x180]  }
0x18d: {  	v15 =	vmul.f32 v15, v4;
	v16 =	vmul.f32 v16, v5;
	v19 =	vld [tilespmem:s18+$0x190]  }
0x18e: {  	v13 =	vmul.f32 v13, v6;
	v12 =	vadd.f32 v12, v14;
	v14 =	vmul.f32 v18, v7;
	_ =	sdelay $0x1  }
0x18f: {  	[tilespmem:s9+$0xFFFFFF60] =	vst v12;
	v12 =	vadd.f32 v16, v15;
	v13 =	vadd.f32 v14, v13  }
0x190: {  	v15 =	vmul.f32 v20, v0;
	v16 =	vmul.f32 v21, v2;
	v14 =	vld [tilespmem:s8+$0xFFFFFDA0]  }
0x191: {  	v18 =	vld [tilespmem:s8+$0xFFFFFDB0];
	v12 =	vadd.f32 v13, v12;
	v13 =	vmul.f32 v17, v1;
	v17 =	vmul.f32 v19, v3  }
0x192: {  	v19 =	vld [tilespmem:s8+$0xFFFFFDC0]  }
0x193: {  	v20 =	vld [tilespmem:s8+$0xFFFFFDD0];
	[tilespmem:s20+$0xFFFFFFE0] =	vst v12;
	v12 =	vadd.f32 v16, v15;
	v13 =	vadd.f32 v17, v13  }
0x194: {  	v15 =	vld [tilespmem:s19+$0xFFFFFFA0]  }
0x195: {  	v16 =	vld [tilespmem:s19+$0xFFFFFFB0];
	v12 =	vadd.f32 v13, v12  }
0x196: {  	v13 =	vld [tilespmem:s19+$0xFFFFFFC0]  }
0x197: {  	v14 =	vmul.f32 v14, v8;
	v17 =	vmul.f32 v18, v9;
	v18 =	vld [tilespmem:s19+$0xFFFFFFD0];
	[tilespmem:s17+$0x60] =	vst v12  }
0x198: {  	v12 =	vmul.f32 v19, v10;
	v19 =	vmul.f32 v20, v11;
	v20 =	vld [tilespmem:s18+$0x1A0]  }
0x199: {  	v21 =	vld [tilespmem:s18+$0x1B0]  }
0x19a: {  	v14 =	vadd.f32 v17, v14;
	v12 =	vadd.f32 v19, v12;
	v17 =	vld [tilespmem:s18+$0x1C0]  }
0x19b: {  	v15 =	vmul.f32 v15, v4;
	v16 =	vmul.f32 v16, v5;
	v19 =	vld [tilespmem:s18+$0x1D0]  }
0x19c: {  	v13 =	vmul.f32 v13, v6;
	v12 =	vadd.f32 v12, v14;
	v14 =	vmul.f32 v18, v7;
	_ =	sdelay $0x1  }
0x19d: {  	[tilespmem:s9+$0xFFFFFF70] =	vst v12;
	v12 =	vadd.f32 v16, v15;
	v13 =	vadd.f32 v14, v13  }
0x19e: {  	v15 =	vmul.f32 v20, v0;
	v16 =	vmul.f32 v21, v2;
	v14 =	vld [tilespmem:s8+$0xFFFFFDE0]  }
0x19f: {  	v18 =	vld [tilespmem:s8+$0xFFFFFDF0];
	v12 =	vadd.f32 v13, v12;
	v13 =	vmul.f32 v17, v1;
	v17 =	vmul.f32 v19, v3  }
0x1a0: {  	v19 =	vld [tilespmem:s8+$0xFFFFFE00]  }
0x1a1: {  	v20 =	vld [tilespmem:s8+$0xFFFFFE10];
	[tilespmem:s20+$0xFFFFFFF0] =	vst v12;
	v12 =	vadd.f32 v16, v15;
	v13 =	vadd.f32 v17, v13  }
0x1a2: {  	v15 =	vld [tilespmem:s19+$0xFFFFFFE0]  }
0x1a3: {  	v16 =	vld [tilespmem:s19+$0xFFFFFFF0];
	v12 =	vadd.f32 v13, v12  }
0x1a4: {  	v13 =	vld [tilespmem:s19+$0x0]  }
0x1a5: {  	v14 =	vmul.f32 v14, v8;
	v17 =	vmul.f32 v18, v9;
	v18 =	vld [tilespmem:s19+$0x10];
	[tilespmem:s17+$0x70] =	vst v12  }
0x1a6: {  	v12 =	vmul.f32 v19, v10;
	v19 =	vmul.f32 v20, v11;
	v20 =	vld [tilespmem:s18+$0x1E0]  }
0x1a7: {  	v21 =	vld [tilespmem:s18+$0x1F0]  }
0x1a8: {  	v14 =	vadd.f32 v17, v14;
	v12 =	vadd.f32 v19, v12;
	v19 =	vld [tilespmem:s18+$0x200]  }
0x1a9: {  	v15 =	vmul.f32 v15, v4;
	v16 =	vmul.f32 v16, v5;
	v22 =	vld [tilespmem:s18+$0x210]  }
.Ltmp0:
0x1aa: {  	v13 =	vmul.f32 v13, v6;
	v12 =	vadd.f32 v12, v14;
	v14 =	vmul.f32 v18, v7;
	(pc) =	sbr.rel @p1 .LBB2_3-.Ltmp0, $4  }
0x1ab: {  	_ = 	snop  }
0x1ac: {  	v15 =	vadd.f32 v16, v15;
	[tilespmem:s9+$0xFFFFFF80] =	vst v12;
	v14 =	vadd.f32 v14, v13  }
0x1ad: {  	v12 =	vmul.f32 v20, v0;
	v13 =	vmul.f32 v21, v2;
	v17 =	vld [tilespmem:s8+$0xFFFFFE20]  }
0x1ae: {  	s1 =	sadd.s32 $0x100, s1;
	v18 =	vld [tilespmem:s8+$0xFFFFFE30];
	v16 =	vadd.f32 v14, v15;
	v14 =	vmul.f32 v19, v1;
	v15 =	vmul.f32 v22, v3  }
0x1af: {  	v19 =	vld [tilespmem:s8+$0xFFFFFE40]  }
0x1b0: {  	v20 =	vld [tilespmem:s8+$0xFFFFFE50];
	_ =	sdelay $0x3  }
0x1b1: {  	v17 =	vmul.f32 v17, v8;
	v18 =	vmul.f32 v18, v9  }
0x1b2: {  	v19 =	vmul.f32 v19, v10;
	v20 =	vmul.f32 v20, v11;
	_ =	sdelay $0x1  }
0x1b3: {  	v17 =	vadd.f32 v18, v17;
	v18 =	vadd.f32 v20, v19;
	_ =	sdelay $0x1  }
0x1b4: {  	v17 =	vadd.f32 v18, v17;
	_ =	sdelay $0x1  }
0x1b5: {  	[tilespmem:s9+$0xFFFFFF90] =	vst v17  }
0x1b6: {  	v17 =	vld [tilespmem:s7+$0xFFFFFE60]  }
0x1b7: {  	v18 =	vld [tilespmem:s7+$0xFFFFFE70]  }
0x1b8: {  	v19 =	vld [tilespmem:s7+$0xFFFFFE80]  }
0x1b9: {  	v20 =	vld [tilespmem:s7+$0xFFFFFE90];
	_ =	sdelay $0x3  }
0x1ba: {  	v17 =	vmul.f32 v17, v8;
	v18 =	vmul.f32 v18, v9  }
0x1bb: {  	v19 =	vmul.f32 v19, v10;
	v20 =	vmul.f32 v20, v11;
	_ =	sdelay $0x1  }
0x1bc: {  	v17 =	vadd.f32 v18, v17;
	v18 =	vadd.f32 v20, v19;
	_ =	sdelay $0x1  }
0x1bd: {  	v17 =	vadd.f32 v18, v17;
	_ =	sdelay $0x1  }
0x1be: {  	[tilespmem:s9+$0xFFFFFFA0] =	vst v17  }
0x1bf: {  	v17 =	vld [tilespmem:s7+$0xFFFFFEA0]  }
0x1c0: {  	v18 =	vld [tilespmem:s7+$0xFFFFFEB0]  }
0x1c1: {  	v19 =	vld [tilespmem:s7+$0xFFFFFEC0]  }
0x1c2: {  	v20 =	vld [tilespmem:s7+$0xFFFFFED0];
	_ =	sdelay $0x3  }
0x1c3: {  	v17 =	vmul.f32 v17, v8;
	v18 =	vmul.f32 v18, v9  }
0x1c4: {  	v19 =	vmul.f32 v19, v10;
	v20 =	vmul.f32 v20, v11;
	_ =	sdelay $0x1  }
0x1c5: {  	v17 =	vadd.f32 v18, v17;
	v18 =	vadd.f32 v20, v19;
	_ =	sdelay $0x1  }
0x1c6: {  	v17 =	vadd.f32 v18, v17;
	_ =	sdelay $0x1  }
0x1c7: {  	[tilespmem:s9+$0xFFFFFFB0] =	vst v17  }
0x1c8: {  	v17 =	vld [tilespmem:s7+$0xFFFFFEE0]  }
0x1c9: {  	v18 =	vld [tilespmem:s7+$0xFFFFFEF0]  }
0x1ca: {  	v19 =	vld [tilespmem:s7+$0xFFFFFF00]  }
0x1cb: {  	v20 =	vld [tilespmem:s7+$0xFFFFFF10];
	_ =	sdelay $0x3  }
0x1cc: {  	v17 =	vmul.f32 v17, v8;
	v18 =	vmul.f32 v18, v9  }
0x1cd: {  	v19 =	vmul.f32 v19, v10;
	v20 =	vmul.f32 v20, v11;
	_ =	sdelay $0x1  }
0x1ce: {  	v17 =	vadd.f32 v18, v17;
	v18 =	vadd.f32 v20, v19;
	_ =	sdelay $0x1  }
0x1cf: {  	v17 =	vadd.f32 v18, v17;
	_ =	sdelay $0x1  }
0x1d0: {  	[tilespmem:s11+$0xFFFFFFC0] =	vst v17  }
0x1d1: {  	v17 =	vld [tilespmem:s7+$0xFFFFFF20]  }
0x1d2: {  	v18 =	vld [tilespmem:s7+$0xFFFFFF30]  }
0x1d3: {  	v19 =	vld [tilespmem:s7+$0xFFFFFF40]  }
0x1d4: {  	v20 =	vld [tilespmem:s7+$0xFFFFFF50];
	_ =	sdelay $0x3  }
0x1d5: {  	v17 =	vmul.f32 v17, v8;
	v18 =	vmul.f32 v18, v9  }
0x1d6: {  	v19 =	vmul.f32 v19, v10;
	v20 =	vmul.f32 v20, v11;
	_ =	sdelay $0x1  }
0x1d7: {  	v17 =	vadd.f32 v18, v17;
	v18 =	vadd.f32 v20, v19;
	_ =	sdelay $0x1  }
0x1d8: {  	v17 =	vadd.f32 v18, v17;
	_ =	sdelay $0x1  }
0x1d9: {  	[tilespmem:s11+$0xFFFFFFD0] =	vst v17  }
0x1da: {  	v17 =	vld [tilespmem:s7+$0xFFFFFF60]  }
0x1db: {  	v18 =	vld [tilespmem:s7+$0xFFFFFF70]  }
0x1dc: {  	v19 =	vld [tilespmem:s7+$0xFFFFFF80]  }
0x1dd: {  	v20 =	vld [tilespmem:s7+$0xFFFFFF90];
	_ =	sdelay $0x3  }
0x1de: {  	v17 =	vmul.f32 v17, v8;
	v18 =	vmul.f32 v18, v9  }
0x1df: {  	v19 =	vmul.f32 v19, v10;
	v20 =	vmul.f32 v20, v11;
	_ =	sdelay $0x1  }
0x1e0: {  	v17 =	vadd.f32 v18, v17;
	v18 =	vadd.f32 v20, v19;
	_ =	sdelay $0x1  }
0x1e1: {  	v17 =	vadd.f32 v18, v17;
	_ =	sdelay $0x1  }
0x1e2: {  	[tilespmem:s11+$0xFFFFFFE0] =	vst v17  }
0x1e3: {  	v17 =	vld [tilespmem:s7+$0xFFFFFFA0]  }
0x1e4: {  	v18 =	vld [tilespmem:s7+$0xFFFFFFB0]  }
0x1e5: {  	v19 =	vld [tilespmem:s7+$0xFFFFFFC0]  }
0x1e6: {  	v20 =	vld [tilespmem:s7+$0xFFFFFFD0];
	_ =	sdelay $0x3  }
0x1e7: {  	v17 =	vmul.f32 v17, v8;
	v18 =	vmul.f32 v18, v9  }
0x1e8: {  	v19 =	vmul.f32 v19, v10;
	v20 =	vmul.f32 v20, v11;
	_ =	sdelay $0x1  }
0x1e9: {  	v17 =	vadd.f32 v18, v17;
	v18 =	vadd.f32 v20, v19;
	_ =	sdelay $0x1  }
0x1ea: {  	v17 =	vadd.f32 v18, v17;
	_ =	sdelay $0x1  }
0x1eb: {  	[tilespmem:s11+$0xFFFFFFF0] =	vst v17  }
0x1ec: {  	v17 =	vld [tilespmem:s7+$0xFFFFFFE0]  }
0x1ed: {  	v18 =	vld [tilespmem:s7+$0xFFFFFFF0]  }
0x1ee: {  	v19 =	vld [tilespmem:s7+$0x0]  }
0x1ef: {  	v20 =	vld [tilespmem:s7+$0x10];
	_ =	sdelay $0x3  }
0x1f0: {  	v17 =	vmul.f32 v17, v8;
	v18 =	vmul.f32 v18, v9  }
0x1f1: {  	v19 =	vmul.f32 v19, v10;
	v20 =	vmul.f32 v20, v11;
	_ =	sdelay $0x1  }
0x1f2: {  	[tilespmem:s20+$0x0] =	vst v16;
	v16 =	vadd.f32 v18, v17;
	v17 =	vadd.f32 v20, v19  }
0x1f3: {  	v18 =	vld [tilespmem:s19+$0x20]  }
0x1f4: {  	v19 =	vld [tilespmem:s19+$0x30];
	v16 =	vadd.f32 v17, v16  }
0x1f5: {  	v20 =	vld [tilespmem:s19+$0x50]  }
0x1f6: {  	v17 =	vld [tilespmem:s19+$0x40];
	[tilespmem:s11+$0x0] =	vst v16  }
0x1f7: {  	v16 =	vld [tilespmem:s7+$0x20]  }
0x1f8: {  	v21 =	vld [tilespmem:s7+$0x30]  }
0x1f9: {  	v22 =	vld [tilespmem:s7+$0x40]  }
0x1fa: {  	v18 =	vmul.f32 v18, v4;
	v19 =	vmul.f32 v19, v5;
	v23 =	vld [tilespmem:s7+$0x50]  }
0x1fb: {  	v20 =	vmul.f32 v20, v7;
	v17 =	vmul.f32 v17, v6;
	_ =	sdelay $0x1  }
0x1fc: {  	v18 =	vadd.f32 v19, v18;
	v17 =	vadd.f32 v20, v17  }
0x1fd: {  	v16 =	vmul.f32 v16, v8;
	v19 =	vmul.f32 v21, v9  }
0x1fe: {  	v20 =	vmul.f32 v23, v11;
	v17 =	vadd.f32 v17, v18;
	v18 =	vmul.f32 v22, v10;
	_ =	sdelay $0x1  }
0x1ff: {  	v16 =	vadd.f32 v19, v16;
	[tilespmem:s20+$0x10] =	vst v17;
	v17 =	vadd.f32 v20, v18  }
0x200: {  	v18 =	vld [tilespmem:s19+$0x60]  }
0x201: {  	v19 =	vld [tilespmem:s19+$0x70];
	v16 =	vadd.f32 v17, v16  }
0x202: {  	v20 =	vld [tilespmem:s19+$0x90]  }
0x203: {  	v17 =	vld [tilespmem:s19+$0x80];
	[tilespmem:s11+$0x10] =	vst v16  }
0x204: {  	v16 =	vld [tilespmem:s7+$0x60]  }
0x205: {  	v32 =	vld [tilespmem:s7+$0x70]  }
0x206: {  	v33 =	vld [tilespmem:s7+$0x80]  }
0x207: {  	v34 =	vld [tilespmem:s7+$0x90];
	v18 =	vmul.f32 v18, v4;
	v19 =	vmul.f32 v19, v5  }
0x208: {  	v20 =	vmul.f32 v20, v7;
	v17 =	vmul.f32 v17, v6;
	_ =	sdelay $0x1  }
0x209: {  	v18 =	vadd.f32 v19, v18;
	v17 =	vadd.f32 v20, v17  }
0x20a: {  	v16 =	vmul.f32 v16, v8;
	v19 =	vmul.f32 v32, v9  }
0x20b: {  	v20 =	vmul.f32 v34, v11;
	v17 =	vadd.f32 v17, v18;
	v18 =	vmul.f32 v33, v10;
	_ =	sdelay $0x1  }
0x20c: {  	v16 =	vadd.f32 v19, v16;
	[tilespmem:s20+$0x20] =	vst v17;
	v17 =	vadd.f32 v20, v18  }
0x20d: {  	v18 =	vld [tilespmem:s19+$0xA0]  }
0x20e: {  	v19 =	vld [tilespmem:s19+$0xB0];
	v16 =	vadd.f32 v17, v16  }
0x20f: {  	v20 =	vld [tilespmem:s19+$0xD0]  }
0x210: {  	v17 =	vld [tilespmem:s19+$0xC0];
	[tilespmem:s11+$0x20] =	vst v16  }
0x211: {  	v16 =	vld [tilespmem:s7+$0xA0]  }
0x212: {  	v35 =	vld [tilespmem:s7+$0xB0]  }
0x213: {  	v36 =	vld [tilespmem:s7+$0xC0]  }
0x214: {  	v37 =	vld [tilespmem:s7+$0xD0];
	v18 =	vmul.f32 v18, v4;
	v19 =	vmul.f32 v19, v5  }
0x215: {  	v20 =	vmul.f32 v20, v7;
	v17 =	vmul.f32 v17, v6;
	_ =	sdelay $0x1  }
0x216: {  	v18 =	vadd.f32 v19, v18;
	v17 =	vadd.f32 v20, v17  }
0x217: {  	v16 =	vmul.f32 v16, v8;
	v19 =	vmul.f32 v35, v9  }
0x218: {  	v20 =	vmul.f32 v37, v11;
	v17 =	vadd.f32 v17, v18;
	v18 =	vmul.f32 v36, v10;
	_ =	sdelay $0x1  }
0x219: {  	v16 =	vadd.f32 v19, v16;
	[tilespmem:s20+$0x30] =	vst v17;
	v17 =	vadd.f32 v20, v18  }
0x21a: {  	v18 =	vld [tilespmem:s19+$0xE0]  }
0x21b: {  	v19 =	vld [tilespmem:s19+$0xF0];
	v16 =	vadd.f32 v17, v16  }
0x21c: {  	v20 =	vld [tilespmem:s19+$0x110]  }
0x21d: {  	v17 =	vld [tilespmem:s19+$0x100];
	[tilespmem:s11+$0x30] =	vst v16  }
0x21e: {  	v16 =	vld [tilespmem:s7+$0xE0]  }
0x21f: {  	v38 =	vld [tilespmem:s7+$0xF0]  }
0x220: {  	v39 =	vld [tilespmem:s7+$0x100]  }
0x221: {  	v40 =	vld [tilespmem:s7+$0x110];
	v18 =	vmul.f32 v18, v4;
	v19 =	vmul.f32 v19, v5  }
0x222: {  	v20 =	vmul.f32 v20, v7;
	v17 =	vmul.f32 v17, v6;
	_ =	sdelay $0x1  }
0x223: {  	v18 =	vadd.f32 v19, v18;
	v17 =	vadd.f32 v20, v17  }
0x224: {  	v16 =	vmul.f32 v16, v8;
	v19 =	vmul.f32 v38, v9  }
0x225: {  	v20 =	vmul.f32 v40, v11;
	v17 =	vadd.f32 v17, v18;
	v18 =	vmul.f32 v39, v10;
	_ =	sdelay $0x1  }
0x226: {  	v16 =	vadd.f32 v19, v16;
	[tilespmem:s20+$0x40] =	vst v17;
	v17 =	vadd.f32 v20, v18  }
0x227: {  	v18 =	vld [tilespmem:s19+$0x120]  }
0x228: {  	v19 =	vld [tilespmem:s19+$0x130];
	v16 =	vadd.f32 v17, v16  }
0x229: {  	v20 =	vld [tilespmem:s19+$0x150]  }
0x22a: {  	v17 =	vld [tilespmem:s19+$0x140];
	[tilespmem:s11+$0x40] =	vst v16  }
0x22b: {  	v16 =	vld [tilespmem:s7+$0x120]  }
0x22c: {  	v41 =	vld [tilespmem:s7+$0x130]  }
0x22d: {  	v42 =	vld [tilespmem:s7+$0x140]  }
0x22e: {  	v43 =	vld [tilespmem:s7+$0x150];
	v18 =	vmul.f32 v18, v4;
	v19 =	vmul.f32 v19, v5  }
0x22f: {  	v20 =	vmul.f32 v20, v7;
	v17 =	vmul.f32 v17, v6;
	_ =	sdelay $0x1  }
0x230: {  	v18 =	vadd.f32 v19, v18;
	v17 =	vadd.f32 v20, v17  }
0x231: {  	v16 =	vmul.f32 v16, v8;
	v19 =	vmul.f32 v41, v9  }
0x232: {  	v20 =	vmul.f32 v43, v11;
	v17 =	vadd.f32 v17, v18;
	v18 =	vmul.f32 v42, v10;
	_ =	sdelay $0x1  }
0x233: {  	v16 =	vadd.f32 v19, v16;
	[tilespmem:s20+$0x50] =	vst v17;
	v17 =	vadd.f32 v20, v18  }
0x234: {  	v18 =	vld [tilespmem:s19+$0x160]  }
0x235: {  	v19 =	vld [tilespmem:s19+$0x170];
	v16 =	vadd.f32 v17, v16  }
0x236: {  	v20 =	vld [tilespmem:s19+$0x190]  }
0x237: {  	v17 =	vld [tilespmem:s19+$0x180];
	[tilespmem:s11+$0x50] =	vst v16  }
0x238: {  	v16 =	vld [tilespmem:s7+$0x160]  }
0x239: {  	v44 =	vld [tilespmem:s7+$0x170]  }
0x23a: {  	v45 =	vld [tilespmem:s7+$0x180]  }
0x23b: {  	v46 =	vld [tilespmem:s7+$0x190];
	v18 =	vmul.f32 v18, v4;
	v19 =	vmul.f32 v19, v5  }
0x23c: {  	v20 =	vmul.f32 v20, v7;
	v17 =	vmul.f32 v17, v6;
	_ =	sdelay $0x1  }
0x23d: {  	v18 =	vadd.f32 v19, v18;
	v17 =	vadd.f32 v20, v17  }
0x23e: {  	v16 =	vmul.f32 v16, v8;
	v19 =	vmul.f32 v44, v9  }
0x23f: {  	v20 =	vmul.f32 v46, v11;
	v17 =	vadd.f32 v17, v18;
	v18 =	vmul.f32 v45, v10;
	_ =	sdelay $0x1  }
0x240: {  	v16 =	vadd.f32 v19, v16;
	[tilespmem:s20+$0x60] =	vst v17;
	v17 =	vadd.f32 v20, v18  }
0x241: {  	v18 =	vld [tilespmem:s19+$0x1A0]  }
0x242: {  	v19 =	vld [tilespmem:s19+$0x1B0];
	v16 =	vadd.f32 v17, v16  }
0x243: {  	v20 =	vld [tilespmem:s19+$0x1D0]  }
0x244: {  	v17 =	vld [tilespmem:s19+$0x1C0];
	[tilespmem:s11+$0x60] =	vst v16  }
0x245: {  	v16 =	vld [tilespmem:s7+$0x1A0]  }
0x246: {  	v47 =	vld [tilespmem:s7+$0x1B0]  }
0x247: {  	v48 =	vld [tilespmem:s7+$0x1C0]  }
0x248: {  	v49 =	vld [tilespmem:s7+$0x1D0];
	v18 =	vmul.f32 v18, v4;
	v19 =	vmul.f32 v19, v5  }
0x249: {  	v20 =	vmul.f32 v20, v7;
	v17 =	vmul.f32 v17, v6;
	_ =	sdelay $0x1  }
0x24a: {  	v18 =	vadd.f32 v19, v18;
	v17 =	vadd.f32 v20, v17  }
0x24b: {  	v16 =	vmul.f32 v16, v8;
	v19 =	vmul.f32 v47, v9  }
0x24c: {  	v20 =	vmul.f32 v49, v11;
	v17 =	vadd.f32 v17, v18;
	v18 =	vmul.f32 v48, v10;
	_ =	sdelay $0x1  }
0x24d: {  	v16 =	vadd.f32 v19, v16;
	[tilespmem:s20+$0x70] =	vst v17;
	v17 =	vadd.f32 v20, v18  }
0x24e: {  	v18 =	vld [tilespmem:s19+$0x1E0]  }
0x24f: {  	v19 =	vld [tilespmem:s19+$0x1F0];
	v16 =	vadd.f32 v17, v16  }
0x250: {  	v20 =	vld [tilespmem:s19+$0x210]  }
0x251: {  	v17 =	vld [tilespmem:s19+$0x200];
	[tilespmem:s11+$0x70] =	vst v16  }
0x252: {  	v16 =	vld [tilespmem:s7+$0x1E0]  }
0x253: {  	v50 =	vld [tilespmem:s7+$0x1F0]  }
0x254: {  	v12 =	vadd.f32 v13, v12;
	v13 =	vadd.f32 v15, v14;
	v14 =	vld [tilespmem:s7+$0x200]  }
0x255: {  	v15 =	vmul.f32 v18, v4;
	v18 =	vmul.f32 v19, v5;
	v19 =	vld [tilespmem:s7+$0x210]  }
0x256: {  	v12 =	vadd.f32 v13, v12;
	v13 =	vmul.f32 v17, v6;
	v17 =	vmul.f32 v20, v7;
	_ =	sdelay $0x1  }
0x257: {  	[tilespmem:s17+$0x80] =	vst v12;
	v12 =	vadd.f32 v18, v15;
	v13 =	vadd.f32 v17, v13  }
0x258: {  	v20 =	vld [tilespmem:s18+$0x250];
	v16 =	vmul.f32 v16, v8;
	v17 =	vmul.f32 v50, v9  }
0x259: {  	v18 =	vld [tilespmem:s18+$0x230];
	v12 =	vadd.f32 v13, v12;
	v13 =	vmul.f32 v14, v10;
	v14 =	vmul.f32 v19, v11  }
0x25a: {  	v15 =	vld [tilespmem:s18+$0x220]  }
0x25b: {  	v19 =	vld [tilespmem:s18+$0x240];
	[tilespmem:s20+$0x80] =	vst v12;
	v12 =	vadd.f32 v17, v16;
	v13 =	vadd.f32 v14, v13  }
0x25c: {  	v14 =	vld [tilespmem:s19+$0x220]  }
0x25d: {  	v16 =	vld [tilespmem:s19+$0x230];
	v12 =	vadd.f32 v13, v12  }
0x25e: {  	v17 =	vmul.f32 v18, v2;
	v18 =	vld [tilespmem:s19+$0x250]  }
0x25f: {  	v15 =	vmul.f32 v15, v0;
	v13 =	vld [tilespmem:s19+$0x240];
	[tilespmem:s11+$0x80] =	vst v12  }
0x260: {  	v12 =	vmul.f32 v19, v1;
	v19 =	vmul.f32 v20, v3;
	v20 =	vld [tilespmem:s7+$0x220]  }
0x261: {  	v51 =	vld [tilespmem:s7+$0x230]  }
0x262: {  	v15 =	vadd.f32 v17, v15;
	v17 =	vld [tilespmem:s7+$0x240];
	v12 =	vadd.f32 v19, v12  }
0x263: {  	v14 =	vmul.f32 v14, v4;
	v16 =	vmul.f32 v16, v5;
	v19 =	vld [tilespmem:s7+$0x250]  }
0x264: {  	v13 =	vmul.f32 v13, v6;
	v12 =	vadd.f32 v12, v15;
	v15 =	vmul.f32 v18, v7;
	_ =	sdelay $0x1  }
0x265: {  	[tilespmem:s17+$0x90] =	vst v12;
	v12 =	vadd.f32 v16, v14;
	v13 =	vadd.f32 v15, v13  }
0x266: {  	v15 =	vmul.f32 v20, v8;
	v16 =	vmul.f32 v51, v9;
	v14 =	vld [tilespmem:s18+$0x260]  }
0x267: {  	v18 =	vld [tilespmem:s18+$0x270];
	v12 =	vadd.f32 v13, v12;
	v13 =	vmul.f32 v17, v10;
	v17 =	vmul.f32 v19, v11  }
0x268: {  	v20 =	vld [tilespmem:s18+$0x290]  }
0x269: {  	v19 =	vld [tilespmem:s18+$0x280];
	[tilespmem:s20+$0x90] =	vst v12;
	v12 =	vadd.f32 v16, v15;
	v13 =	vadd.f32 v17, v13  }
0x26a: {  	v15 =	vld [tilespmem:s19+$0x260]  }
0x26b: {  	v16 =	vld [tilespmem:s19+$0x270];
	v12 =	vadd.f32 v13, v12  }
0x26c: {  	v13 =	vld [tilespmem:s19+$0x280]  }
0x26d: {  	v14 =	vmul.f32 v14, v0;
	v17 =	vmul.f32 v18, v2;
	v18 =	vld [tilespmem:s19+$0x290];
	[tilespmem:s11+$0x90] =	vst v12  }
0x26e: {  	v12 =	vmul.f32 v19, v1;
	v19 =	vmul.f32 v20, v3;
	v20 =	vld [tilespmem:s7+$0x260]  }
0x26f: {  	v52 =	vld [tilespmem:s7+$0x270]  }
0x270: {  	v14 =	vadd.f32 v17, v14;
	v17 =	vld [tilespmem:s7+$0x280];
	v12 =	vadd.f32 v19, v12  }
0x271: {  	v15 =	vmul.f32 v15, v4;
	v16 =	vmul.f32 v16, v5;
	v19 =	vld [tilespmem:s7+$0x290]  }
0x272: {  	v13 =	vmul.f32 v13, v6;
	v12 =	vadd.f32 v12, v14;
	v14 =	vmul.f32 v18, v7;
	_ =	sdelay $0x1  }
0x273: {  	[tilespmem:s17+$0xA0] =	vst v12;
	v12 =	vadd.f32 v16, v15;
	v13 =	vadd.f32 v14, v13  }
0x274: {  	v15 =	vmul.f32 v20, v8;
	v16 =	vmul.f32 v52, v9;
	v14 =	vld [tilespmem:s18+$0x2A0]  }
0x275: {  	v18 =	vld [tilespmem:s18+$0x2B0];
	v12 =	vadd.f32 v13, v12;
	v13 =	vmul.f32 v17, v10;
	v17 =	vmul.f32 v19, v11  }
0x276: {  	v20 =	vld [tilespmem:s18+$0x2D0]  }
0x277: {  	v19 =	vld [tilespmem:s18+$0x2C0];
	[tilespmem:s20+$0xA0] =	vst v12;
	v12 =	vadd.f32 v16, v15;
	v13 =	vadd.f32 v17, v13  }
0x278: {  	v15 =	vld [tilespmem:s19+$0x2A0]  }
0x279: {  	v16 =	vld [tilespmem:s19+$0x2B0];
	v12 =	vadd.f32 v13, v12  }
0x27a: {  	v13 =	vld [tilespmem:s19+$0x2C0]  }
0x27b: {  	v14 =	vmul.f32 v14, v0;
	v17 =	vmul.f32 v18, v2;
	v18 =	vld [tilespmem:s19+$0x2D0];
	[tilespmem:s11+$0xA0] =	vst v12  }
0x27c: {  	v12 =	vmul.f32 v19, v1;
	v19 =	vmul.f32 v20, v3;
	v20 =	vld [tilespmem:s7+$0x2A0]  }
0x27d: {  	v53 =	vld [tilespmem:s7+$0x2B0]  }
0x27e: {  	v14 =	vadd.f32 v17, v14;
	v17 =	vld [tilespmem:s7+$0x2C0];
	v12 =	vadd.f32 v19, v12  }
0x27f: {  	v15 =	vmul.f32 v15, v4;
	v16 =	vmul.f32 v16, v5;
	v19 =	vld [tilespmem:s7+$0x2D0]  }
0x280: {  	v13 =	vmul.f32 v13, v6;
	v12 =	vadd.f32 v12, v14;
	v14 =	vmul.f32 v18, v7;
	_ =	sdelay $0x1  }
0x281: {  	[tilespmem:s17+$0xB0] =	vst v12;
	v12 =	vadd.f32 v16, v15;
	v13 =	vadd.f32 v14, v13  }
0x282: {  	v15 =	vmul.f32 v20, v8;
	v16 =	vmul.f32 v53, v9;
	v14 =	vld [tilespmem:s18+$0x2E0]  }
0x283: {  	v18 =	vld [tilespmem:s18+$0x2F0];
	v12 =	vadd.f32 v13, v12;
	v13 =	vmul.f32 v17, v10;
	v17 =	vmul.f32 v19, v11  }
0x284: {  	v20 =	vld [tilespmem:s18+$0x310]  }
0x285: {  	v19 =	vld [tilespmem:s18+$0x300];
	[tilespmem:s20+$0xB0] =	vst v12;
	v12 =	vadd.f32 v16, v15;
	v13 =	vadd.f32 v17, v13  }
0x286: {  	v15 =	vld [tilespmem:s19+$0x2E0]  }
0x287: {  	v16 =	vld [tilespmem:s19+$0x2F0];
	v12 =	vadd.f32 v13, v12  }
0x288: {  	v17 =	vld [tilespmem:s19+$0x310]  }
0x289: {  	v13 =	vld [tilespmem:s19+$0x300];
	[tilespmem:s11+$0xB0] =	vst v12  }
0x28a: {  	v12 =	vld [tilespmem:s7+$0x2E0]  }
0x28b: {  	v54 =	vld [tilespmem:s7+$0x2F0]  }
0x28c: {  	v55 =	vld [tilespmem:s7+$0x300]  }
0x28d: {  	v0 =	vmul.f32 v14, v0;
	v2 =	vmul.f32 v18, v2;
	v14 =	vld [tilespmem:s7+$0x310]  }
0x28e: {  	v3 =	vmul.f32 v20, v3;
	v1 =	vmul.f32 v19, v1  }
0x28f: {  	v0 =	vadd.f32 v2, v0;
	v2 =	vmul.f32 v15, v4;
	v4 =	vmul.f32 v16, v5  }
0x290: {  	v1 =	vadd.f32 v3, v1;
	v5 =	vmul.f32 v17, v7;
	v3 =	vmul.f32 v13, v6  }
0x291: {  	v6 =	vmul.f32 v12, v8;
	v7 =	vmul.f32 v54, v9  }
0x292: {  	v0 =	vadd.f32 v1, v0;
	v1 =	vmul.f32 v55, v10;
	v8 =	vmul.f32 v14, v11  }
0x293: {  	v2 =	vadd.f32 v4, v2;
	v3 =	vadd.f32 v5, v3  }
0x294: {  	s0 =	sshll.u32 s15, $0x5;
	v4 =	vadd.f32 v7, v6;
	v1 =	vadd.f32 v8, v1  }
0x295: {  	s0 =	sadd.s32 s6, s0;
	v2 =	vadd.f32 v3, v2  }
0x296: {  	s0 =	smul.u32 $0x32, s0;
	[tilespmem:s17+$0xC0] =	vst v0;
	v0 =	vadd.f32 v1, v4  }
0x297: {  	[tilespmem:s20+$0xC0] =	vst v2  }
0x298: {  	p1 =	seq.s32 s15, $0xF;
	s0 =	sadd.s32 s5, s0;
	[tilespmem:s11+$0xC0] =	vst v0  }
0x299: {  	[hbm4b:s0+s2] =	stream.linear.scatter [tilespmem:s29], [sflag:$0x3], $0x1900, $0x38;
	[tilespmem:$0x13600] =	vst v63  }
0x29a: {  	s0 =	sadd.s32 @!p1 $0x2, s21  }
0x29b: {  	s8 =	simm.s32 @!p1 $0x3400;
	s1 =	sshll.u32 @!p1 s0, $0x4  }
0x29c: {  	s7 =	simm.s32 @!p1 $0x10;
	s0 =	smul.u32 @!p1 $0x640, s0;
	s1 =	sand.u32 @!p1 $0x3FFFFFF0, s1  }
0x29d: {  	[tilespmem:s8], [sflag:$0x1] =	stream.indirect.gather @!p1 [hbm4b:s3+s7], $0x40, s1, s7, $0xb8;
	[tilespmem:$0x13600] =	vst v63  }
0x29e: {  	s0 =	sshra.s32 @!p1 s0, $0x2  }
0x29f: {  	s9 =	simm.s32 @!p1 $0x3C00;
	s8 =	simm.s32 @!p1 $0x80;
	s1 =	sadd.s32 @!p1 $0x200, s0  }
0x2a0: {  	[tilespmem:s9], [sflag:$0x1] =	stream.indirect.gather @!p1 [hbm4b:s4+s8], $0x40, s1, s8, $0xb8;
	[tilespmem:$0x13600] =	vst v63  }
0x2a1: {  	s1 =	sadd.s32 @!p1 $0x280, s0;
	s9 =	simm.s32 @!p1 $0x5C00  }
0x2a2: {  	[tilespmem:s9], [sflag:$0x1] =	stream.indirect.gather @!p1 [hbm4b:s4+s8], $0x40, s1, s8, $0xb8;
	[tilespmem:$0x13600] =	vst v63  }
0x2a3: {  	s1 =	sadd.s32 @!p1 $0x300, s0;
	s9 =	simm.s32 @!p1 $0x7C00  }
0x2a4: {  	[tilespmem:s9], [sflag:$0x1] =	stream.indirect.gather @!p1 [hbm4b:s4+s8], $0x40, s1, s8, $0xb8;
	[tilespmem:$0x13600] =	vst v63  }
0x2a5: {  	s0 =	sadd.s32 @!p1 $0x380, s0;
	s1 =	simm.s32 @!p1 $0x9C00  }
0x2a6: {  	[tilespmem:s1], [sflag:$0x1] =	stream.indirect.gather @!p1 [hbm4b:s4+s7], $0x40, s0, s7, $0xb8;
	[tilespmem:$0x13600] =	vst v63  }
0x2a7: {  	_ =	swait.ge [sflag:s30], $0x400  }
0x2a8: {  	[sflag:s30] =	ssyncset.done $0x0  }
0x2a9: {  	[sflag:s30] =	ssyncadd.s32 $0xFFFFFC00  }
0x2aa: {  	_ =	swait.ge [sflag:s30], $0x2000  }
0x2ab: {  	[sflag:s30] =	ssyncset.done $0x0  }
0x2ac: {  	[sflag:s30] =	ssyncadd.s32 $0xFFFFE000  }
0x2ad: {  	_ =	swait.ge [sflag:s30], $0x2000  }
0x2ae: {  	[sflag:s30] =	ssyncset.done $0x0  }
0x2af: {  	[sflag:s30] =	ssyncadd.s32 $0xFFFFE000  }
0x2b0: {  	_ =	swait.ge [sflag:s30], $0x2000  }
0x2b1: {  	[sflag:s30] =	ssyncset.done $0x0  }
0x2b2: {  	[sflag:s30] =	ssyncadd.s32 $0xFFFFE000  }
0x2b3: {  	_ =	swait.ge [sflag:s30], $0x400  }
0x2b4: {  	[sflag:s30] =	ssyncset.done $0x0  }
0x2b5: {  	s0 =	simm.s32 @!p0 $0x4;
	[sflag:s30] =	ssyncadd.s32 $0xFFFFFC00  }
0x2b6: {  	_ =	swait.ge @!p0 [sflag:s0], $0x1900  }
0x2b7: {  	[sflag:s0] =	ssyncset.done @!p0 $0x0  }
0x2b8: {  	s18 =	simm.s32 $0xA320;
	[sflag:s0] =	ssyncadd.s32 @!p0 $0xFFFFE700  }
0x2b9: {  	v4 =	vld [tilespmem:s18+$0xFFFFFCE0]  }
0x2ba: {  	v5 =	vld [tilespmem:s18+$0xFFFFFCF0]  }
0x2bb: {  	v6 =	vld [tilespmem:s18+$0xFFFFFD00]  }
0x2bc: {  	s19 =	simm.s32 $0x0;
	v7 =	vld [tilespmem:s18+$0xFFFFFD10]  }
0x2bd: {  	v0 =	vld [tilespmem:s19+$0x3800]  }
0x2be: {  	v2 =	vld [tilespmem:s19+$0x3810]  }
0x2bf: {  	v1 =	vld [tilespmem:s19+$0x3820]  }
0x2c0: {  	v3 =	vld [tilespmem:s19+$0x3830];
	_ =	sdelay $0x3  }
0x2c1: {  	v4 =	vmul.f32 v4, v0;
	v5 =	vmul.f32 v5, v2  }
0x2c2: {  	v6 =	vmul.f32 v6, v1;
	v7 =	vmul.f32 v7, v3;
	_ =	sdelay $0x1  }
0x2c3: {  	v4 =	vadd.f32 v5, v4;
	v5 =	vadd.f32 v7, v6;
	_ =	sdelay $0x1  }
0x2c4: {  	v4 =	vadd.f32 v5, v4  }
0x2c5: {  	s17 =	simm.s32 $0x11DC0  }
0x2c6: {  	[tilespmem:s17+$0xFFFFFF40] =	vst v4  }
0x2c7: {  	v4 =	vld [tilespmem:s18+$0xFFFFFD20]  }
0x2c8: {  	v5 =	vld [tilespmem:s18+$0xFFFFFD30]  }
0x2c9: {  	v6 =	vld [tilespmem:s18+$0xFFFFFD40]  }
0x2ca: {  	v7 =	vld [tilespmem:s18+$0xFFFFFD50];
	_ =	sdelay $0x3  }
0x2cb: {  	v4 =	vmul.f32 v4, v0;
	v5 =	vmul.f32 v5, v2  }
0x2cc: {  	v6 =	vmul.f32 v6, v1;
	v7 =	vmul.f32 v7, v3;
	_ =	sdelay $0x1  }
0x2cd: {  	v4 =	vadd.f32 v5, v4;
	v5 =	vadd.f32 v7, v6;
	_ =	sdelay $0x1  }
0x2ce: {  	v4 =	vadd.f32 v5, v4;
	_ =	sdelay $0x1  }
0x2cf: {  	[tilespmem:s17+$0xFFFFFF50] =	vst v4  }
0x2d0: {  	v4 =	vld [tilespmem:s18+$0xFFFFFD60]  }
0x2d1: {  	v5 =	vld [tilespmem:s18+$0xFFFFFD70]  }
0x2d2: {  	v6 =	vld [tilespmem:s18+$0xFFFFFD80]  }
0x2d3: {  	v7 =	vld [tilespmem:s18+$0xFFFFFD90];
	_ =	sdelay $0x3  }
0x2d4: {  	v4 =	vmul.f32 v4, v0;
	v5 =	vmul.f32 v5, v2  }
0x2d5: {  	v6 =	vmul.f32 v6, v1;
	v7 =	vmul.f32 v7, v3;
	_ =	sdelay $0x1  }
0x2d6: {  	v4 =	vadd.f32 v5, v4;
	v5 =	vadd.f32 v7, v6;
	_ =	sdelay $0x1  }
0x2d7: {  	v4 =	vadd.f32 v5, v4;
	_ =	sdelay $0x1  }
0x2d8: {  	[tilespmem:s17+$0xFFFFFF60] =	vst v4  }
0x2d9: {  	v4 =	vld [tilespmem:s18+$0xFFFFFDA0]  }
0x2da: {  	v5 =	vld [tilespmem:s18+$0xFFFFFDB0]  }
0x2db: {  	v6 =	vld [tilespmem:s18+$0xFFFFFDC0]  }
0x2dc: {  	v7 =	vld [tilespmem:s18+$0xFFFFFDD0];
	_ =	sdelay $0x3  }
0x2dd: {  	v4 =	vmul.f32 v4, v0;
	v5 =	vmul.f32 v5, v2  }
0x2de: {  	v6 =	vmul.f32 v6, v1;
	v7 =	vmul.f32 v7, v3;
	_ =	sdelay $0x1  }
0x2df: {  	v4 =	vadd.f32 v5, v4;
	v5 =	vadd.f32 v7, v6;
	_ =	sdelay $0x1  }
0x2e0: {  	v4 =	vadd.f32 v5, v4;
	_ =	sdelay $0x1  }
0x2e1: {  	[tilespmem:s17+$0xFFFFFF70] =	vst v4  }
0x2e2: {  	v4 =	vld [tilespmem:s18+$0xFFFFFDE0]  }
0x2e3: {  	v5 =	vld [tilespmem:s18+$0xFFFFFDF0]  }
0x2e4: {  	v6 =	vld [tilespmem:s18+$0xFFFFFE00]  }
0x2e5: {  	v7 =	vld [tilespmem:s18+$0xFFFFFE10];
	_ =	sdelay $0x3  }
0x2e6: {  	v4 =	vmul.f32 v4, v0;
	v5 =	vmul.f32 v5, v2  }
0x2e7: {  	v6 =	vmul.f32 v6, v1;
	v7 =	vmul.f32 v7, v3;
	_ =	sdelay $0x1  }
0x2e8: {  	v4 =	vadd.f32 v5, v4;
	v5 =	vadd.f32 v7, v6;
	_ =	sdelay $0x1  }
0x2e9: {  	v4 =	vadd.f32 v5, v4;
	_ =	sdelay $0x1  }
0x2ea: {  	[tilespmem:s17+$0xFFFFFF80] =	vst v4  }
0x2eb: {  	v4 =	vld [tilespmem:s18+$0xFFFFFE20]  }
0x2ec: {  	v5 =	vld [tilespmem:s18+$0xFFFFFE30]  }
0x2ed: {  	v6 =	vld [tilespmem:s18+$0xFFFFFE40]  }
0x2ee: {  	v7 =	vld [tilespmem:s18+$0xFFFFFE50];
	_ =	sdelay $0x3  }
0x2ef: {  	v4 =	vmul.f32 v4, v0;
	v5 =	vmul.f32 v5, v2  }
0x2f0: {  	v6 =	vmul.f32 v6, v1;
	v7 =	vmul.f32 v7, v3;
	_ =	sdelay $0x1  }
0x2f1: {  	v4 =	vadd.f32 v5, v4;
	v5 =	vadd.f32 v7, v6;
	_ =	sdelay $0x1  }
0x2f2: {  	v4 =	vadd.f32 v5, v4;
	_ =	sdelay $0x1  }
0x2f3: {  	[tilespmem:s17+$0xFFFFFF90] =	vst v4  }
0x2f4: {  	v4 =	vld [tilespmem:s18+$0xFFFFFE60]  }
0x2f5: {  	v5 =	vld [tilespmem:s18+$0xFFFFFE70]  }
0x2f6: {  	v6 =	vld [tilespmem:s18+$0xFFFFFE80]  }
0x2f7: {  	v7 =	vld [tilespmem:s18+$0xFFFFFE90];
	_ =	sdelay $0x3  }
0x2f8: {  	v4 =	vmul.f32 v4, v0;
	v5 =	vmul.f32 v5, v2  }
0x2f9: {  	v6 =	vmul.f32 v6, v1;
	v7 =	vmul.f32 v7, v3;
	_ =	sdelay $0x1  }
0x2fa: {  	v4 =	vadd.f32 v5, v4;
	v5 =	vadd.f32 v7, v6;
	_ =	sdelay $0x1  }
0x2fb: {  	v4 =	vadd.f32 v5, v4;
	_ =	sdelay $0x1  }
0x2fc: {  	[tilespmem:s17+$0xFFFFFFA0] =	vst v4  }
0x2fd: {  	v4 =	vld [tilespmem:s18+$0xFFFFFEA0]  }
0x2fe: {  	v5 =	vld [tilespmem:s18+$0xFFFFFEB0]  }
0x2ff: {  	v6 =	vld [tilespmem:s18+$0xFFFFFEC0]  }
0x300: {  	v7 =	vld [tilespmem:s18+$0xFFFFFED0];
	_ =	sdelay $0x2  }
0x301: {  	s19 =	simm.s32 $0xA960  }
0x302: {  	v8 =	vld [tilespmem:s19+$0xFFFFFCE0];
	v4 =	vmul.f32 v4, v0;
	v5 =	vmul.f32 v5, v2  }
0x303: {  	v9 =	vld [tilespmem:s19+$0xFFFFFCF0];
	v6 =	vmul.f32 v6, v1;
	v7 =	vmul.f32 v7, v3  }
0x304: {  	v10 =	vld [tilespmem:s19+$0xFFFFFD00]  }
0x305: {  	s20 =	simm.s32 $0x40;
	v11 =	vld [tilespmem:s19+$0xFFFFFD10];
	v12 =	vadd.f32 v5, v4;
	v6 =	vadd.f32 v7, v6  }
0x306: {  	v4 =	vld [tilespmem:s20+$0x3800]  }
0x307: {  	v5 =	vld [tilespmem:s20+$0x3810];
	v12 =	vadd.f32 v6, v12  }
0x308: {  	v7 =	vld [tilespmem:s20+$0x3830]  }
0x309: {  	v6 =	vld [tilespmem:s20+$0x3820];
	[tilespmem:s17+$0xFFFFFFB0] =	vst v12  }
0x30a: {  	v12 =	vld [tilespmem:s18+$0xFFFFFEE0]  }
0x30b: {  	v13 =	vld [tilespmem:s18+$0xFFFFFEF0]  }
0x30c: {  	v14 =	vld [tilespmem:s18+$0xFFFFFF00]  }
0x30d: {  	v15 =	vld [tilespmem:s18+$0xFFFFFF10];
	v8 =	vmul.f32 v8, v4;
	v9 =	vmul.f32 v9, v5  }
0x30e: {  	v11 =	vmul.f32 v11, v7;
	v10 =	vmul.f32 v10, v6;
	_ =	sdelay $0x1  }
0x30f: {  	v8 =	vadd.f32 v9, v8;
	v9 =	vadd.f32 v11, v10  }
0x310: {  	v10 =	vmul.f32 v12, v0;
	v11 =	vmul.f32 v13, v2  }
0x311: {  	v12 =	vmul.f32 v15, v3;
	v8 =	vadd.f32 v9, v8;
	v9 =	vmul.f32 v14, v1  }
0x312: {  	s20 =	simm.s32 $0x11F50  }
0x313: {  	[tilespmem:s20+$0xFFFFFF40] =	vst v8;
	v8 =	vadd.f32 v11, v10;
	v9 =	vadd.f32 v12, v9  }
0x314: {  	v10 =	vld [tilespmem:s19+$0xFFFFFD20]  }
0x315: {  	v11 =	vld [tilespmem:s19+$0xFFFFFD30];
	v8 =	vadd.f32 v9, v8  }
0x316: {  	v12 =	vld [tilespmem:s19+$0xFFFFFD50]  }
0x317: {  	v9 =	vld [tilespmem:s19+$0xFFFFFD40];
	[tilespmem:s17+$0xFFFFFFC0] =	vst v8  }
0x318: {  	v8 =	vld [tilespmem:s18+$0xFFFFFF20]  }
0x319: {  	v13 =	vld [tilespmem:s18+$0xFFFFFF30]  }
0x31a: {  	v14 =	vld [tilespmem:s18+$0xFFFFFF40]  }
0x31b: {  	v15 =	vld [tilespmem:s18+$0xFFFFFF50];
	v10 =	vmul.f32 v10, v4;
	v11 =	vmul.f32 v11, v5  }
0x31c: {  	v12 =	vmul.f32 v12, v7;
	v9 =	vmul.f32 v9, v6;
	_ =	sdelay $0x1  }
0x31d: {  	v10 =	vadd.f32 v11, v10;
	v9 =	vadd.f32 v12, v9  }
0x31e: {  	v8 =	vmul.f32 v8, v0;
	v11 =	vmul.f32 v13, v2  }
0x31f: {  	v12 =	vmul.f32 v15, v3;
	v9 =	vadd.f32 v9, v10;
	v10 =	vmul.f32 v14, v1;
	_ =	sdelay $0x1  }
0x320: {  	v8 =	vadd.f32 v11, v8;
	[tilespmem:s20+$0xFFFFFF50] =	vst v9;
	v9 =	vadd.f32 v12, v10  }
0x321: {  	v10 =	vld [tilespmem:s19+$0xFFFFFD60]  }
0x322: {  	v11 =	vld [tilespmem:s19+$0xFFFFFD70];
	v8 =	vadd.f32 v9, v8  }
0x323: {  	v12 =	vld [tilespmem:s19+$0xFFFFFD90]  }
0x324: {  	v9 =	vld [tilespmem:s19+$0xFFFFFD80];
	[tilespmem:s17+$0xFFFFFFD0] =	vst v8  }
0x325: {  	v8 =	vld [tilespmem:s18+$0xFFFFFF60]  }
0x326: {  	v13 =	vld [tilespmem:s18+$0xFFFFFF70]  }
0x327: {  	v14 =	vld [tilespmem:s18+$0xFFFFFF80]  }
0x328: {  	v15 =	vld [tilespmem:s18+$0xFFFFFF90];
	v10 =	vmul.f32 v10, v4;
	v11 =	vmul.f32 v11, v5  }
0x329: {  	v12 =	vmul.f32 v12, v7;
	v9 =	vmul.f32 v9, v6;
	_ =	sdelay $0x1  }
0x32a: {  	v10 =	vadd.f32 v11, v10;
	v9 =	vadd.f32 v12, v9  }
0x32b: {  	v8 =	vmul.f32 v8, v0;
	v11 =	vmul.f32 v13, v2  }
0x32c: {  	v12 =	vmul.f32 v15, v3;
	v9 =	vadd.f32 v9, v10;
	v10 =	vmul.f32 v14, v1;
	_ =	sdelay $0x1  }
0x32d: {  	v8 =	vadd.f32 v11, v8;
	[tilespmem:s20+$0xFFFFFF60] =	vst v9;
	v9 =	vadd.f32 v12, v10  }
0x32e: {  	v10 =	vld [tilespmem:s19+$0xFFFFFDA0]  }
0x32f: {  	v11 =	vld [tilespmem:s19+$0xFFFFFDB0];
	v8 =	vadd.f32 v9, v8  }
0x330: {  	v12 =	vld [tilespmem:s19+$0xFFFFFDD0]  }
0x331: {  	v9 =	vld [tilespmem:s19+$0xFFFFFDC0];
	[tilespmem:s17+$0xFFFFFFE0] =	vst v8  }
0x332: {  	v8 =	vld [tilespmem:s18+$0xFFFFFFA0]  }
0x333: {  	v13 =	vld [tilespmem:s18+$0xFFFFFFB0]  }
0x334: {  	v14 =	vld [tilespmem:s18+$0xFFFFFFC0]  }
0x335: {  	v15 =	vld [tilespmem:s18+$0xFFFFFFD0];
	v10 =	vmul.f32 v10, v4;
	v11 =	vmul.f32 v11, v5  }
0x336: {  	v12 =	vmul.f32 v12, v7;
	v9 =	vmul.f32 v9, v6;
	_ =	sdelay $0x1  }
0x337: {  	v10 =	vadd.f32 v11, v10;
	v9 =	vadd.f32 v12, v9  }
0x338: {  	v8 =	vmul.f32 v8, v0;
	v11 =	vmul.f32 v13, v2  }
0x339: {  	v12 =	vmul.f32 v15, v3;
	v9 =	vadd.f32 v9, v10;
	v10 =	vmul.f32 v14, v1;
	_ =	sdelay $0x1  }
0x33a: {  	v8 =	vadd.f32 v11, v8;
	[tilespmem:s20+$0xFFFFFF70] =	vst v9;
	v9 =	vadd.f32 v12, v10  }
0x33b: {  	v10 =	vld [tilespmem:s19+$0xFFFFFDE0]  }
0x33c: {  	v11 =	vld [tilespmem:s19+$0xFFFFFDF0];
	v8 =	vadd.f32 v9, v8  }
0x33d: {  	v12 =	vld [tilespmem:s19+$0xFFFFFE10]  }
0x33e: {  	v9 =	vld [tilespmem:s19+$0xFFFFFE00];
	[tilespmem:s17+$0xFFFFFFF0] =	vst v8  }
0x33f: {  	v8 =	vld [tilespmem:s18+$0xFFFFFFE0]  }
0x340: {  	v13 =	vld [tilespmem:s18+$0xFFFFFFF0]  }
0x341: {  	v14 =	vld [tilespmem:s18+$0x0]  }
0x342: {  	v15 =	vld [tilespmem:s18+$0x10];
	v10 =	vmul.f32 v10, v4;
	v11 =	vmul.f32 v11, v5  }
0x343: {  	v12 =	vmul.f32 v12, v7;
	v9 =	vmul.f32 v9, v6;
	_ =	sdelay $0x1  }
0x344: {  	v10 =	vadd.f32 v11, v10;
	v9 =	vadd.f32 v12, v9  }
0x345: {  	v8 =	vmul.f32 v8, v0;
	v11 =	vmul.f32 v13, v2  }
0x346: {  	v12 =	vmul.f32 v15, v3;
	v9 =	vadd.f32 v9, v10;
	v10 =	vmul.f32 v14, v1;
	_ =	sdelay $0x1  }
0x347: {  	v8 =	vadd.f32 v11, v8;
	[tilespmem:s20+$0xFFFFFF80] =	vst v9;
	v9 =	vadd.f32 v12, v10  }
0x348: {  	v10 =	vld [tilespmem:s19+$0xFFFFFE20]  }
0x349: {  	v11 =	vld [tilespmem:s19+$0xFFFFFE30];
	v8 =	vadd.f32 v9, v8  }
0x34a: {  	v12 =	vld [tilespmem:s19+$0xFFFFFE50]  }
0x34b: {  	v9 =	vld [tilespmem:s19+$0xFFFFFE40];
	[tilespmem:s17+$0x0] =	vst v8  }
0x34c: {  	v8 =	vld [tilespmem:s18+$0x20]  }
0x34d: {  	v13 =	vld [tilespmem:s18+$0x30]  }
0x34e: {  	v14 =	vld [tilespmem:s18+$0x40]  }
0x34f: {  	v15 =	vld [tilespmem:s18+$0x50];
	v10 =	vmul.f32 v10, v4;
	v11 =	vmul.f32 v11, v5  }
0x350: {  	v12 =	vmul.f32 v12, v7;
	v9 =	vmul.f32 v9, v6;
	_ =	sdelay $0x1  }
0x351: {  	v10 =	vadd.f32 v11, v10;
	v9 =	vadd.f32 v12, v9  }
0x352: {  	v8 =	vmul.f32 v8, v0;
	v11 =	vmul.f32 v13, v2  }
0x353: {  	v12 =	vmul.f32 v15, v3;
	v9 =	vadd.f32 v9, v10;
	v10 =	vmul.f32 v14, v1;
	_ =	sdelay $0x1  }
0x354: {  	v8 =	vadd.f32 v11, v8;
	[tilespmem:s20+$0xFFFFFF90] =	vst v9;
	v9 =	vadd.f32 v12, v10  }
0x355: {  	v10 =	vld [tilespmem:s19+$0xFFFFFE60]  }
0x356: {  	v11 =	vld [tilespmem:s19+$0xFFFFFE70];
	v8 =	vadd.f32 v9, v8  }
0x357: {  	v12 =	vld [tilespmem:s19+$0xFFFFFE90]  }
0x358: {  	v9 =	vld [tilespmem:s19+$0xFFFFFE80];
	[tilespmem:s17+$0x10] =	vst v8  }
0x359: {  	v8 =	vld [tilespmem:s18+$0x60]  }
0x35a: {  	v13 =	vld [tilespmem:s18+$0x70]  }
0x35b: {  	v14 =	vld [tilespmem:s18+$0x80]  }
0x35c: {  	v15 =	vld [tilespmem:s18+$0x90];
	v10 =	vmul.f32 v10, v4;
	v11 =	vmul.f32 v11, v5  }
0x35d: {  	v12 =	vmul.f32 v12, v7;
	v9 =	vmul.f32 v9, v6;
	_ =	sdelay $0x1  }
0x35e: {  	v10 =	vadd.f32 v11, v10;
	v9 =	vadd.f32 v12, v9  }
0x35f: {  	v8 =	vmul.f32 v8, v0;
	v11 =	vmul.f32 v13, v2  }
0x360: {  	v12 =	vmul.f32 v15, v3;
	v9 =	vadd.f32 v9, v10;
	v10 =	vmul.f32 v14, v1  }
0x361: {  	s8 =	simm.s32 $0xAFA0  }
0x362: {  	v17 =	vld [tilespmem:s8+$0xFFFFFCF0];
	v8 =	vadd.f32 v11, v8;
	[tilespmem:s20+$0xFFFFFFA0] =	vst v9;
	v9 =	vadd.f32 v12, v10  }
0x363: {  	v10 =	vld [tilespmem:s19+$0xFFFFFEA0]  }
0x364: {  	v11 =	vld [tilespmem:s19+$0xFFFFFEB0];
	v8 =	vadd.f32 v9, v8  }
0x365: {  	v12 =	vld [tilespmem:s19+$0xFFFFFED0]  }
0x366: {  	v9 =	vld [tilespmem:s19+$0xFFFFFEC0];
	[tilespmem:s17+$0x20] =	vst v8  }
0x367: {  	v14 =	vld [tilespmem:s18+$0xA0]  }
0x368: {  	v15 =	vld [tilespmem:s18+$0xB0]  }
0x369: {  	v16 =	vld [tilespmem:s18+$0xC0]  }
0x36a: {  	v8 =	vmul.f32 v10, v4;
	v10 =	vmul.f32 v11, v5;
	v11 =	vld [tilespmem:s18+$0xD0]  }
0x36b: {  	v18 =	vld [tilespmem:s8+$0xFFFFFD00];
	v12 =	vmul.f32 v12, v7;
	v9 =	vmul.f32 v9, v6  }
0x36c: {  	v19 =	vld [tilespmem:s8+$0xFFFFFD10]  }
0x36d: {  	s21 =	simm.s32 $0x80;
	v13 =	vld [tilespmem:s8+$0xFFFFFCE0];
	v10 =	vadd.f32 v10, v8;
	v12 =	vadd.f32 v12, v9  }
0x36e: {  	v8 =	vld [tilespmem:s21+$0x3800];
	v14 =	vmul.f32 v14, v0;
	v15 =	vmul.f32 v15, v2  }
0x36f: {  	v16 =	vmul.f32 v16, v1;
	v12 =	vadd.f32 v12, v10;
	v20 =	vmul.f32 v11, v3;
	v10 =	vld [tilespmem:s21+$0x3820]  }
0x370: {  	v11 =	vld [tilespmem:s21+$0x3830]  }
0x371: {  	v9 =	vld [tilespmem:s21+$0x3810];
	[tilespmem:s20+$0xFFFFFFB0] =	vst v12;
	v12 =	vadd.f32 v15, v14;
	v14 =	vadd.f32 v20, v16  }
0x372: {  	v15 =	vld [tilespmem:s19+$0xFFFFFEE0]  }
0x373: {  	v16 =	vld [tilespmem:s19+$0xFFFFFEF0];
	v12 =	vadd.f32 v14, v12  }
0x374: {  	v20 =	vld [tilespmem:s19+$0xFFFFFF10]  }
0x375: {  	v14 =	vld [tilespmem:s19+$0xFFFFFF00];
	v18 =	vmul.f32 v18, v10;
	v19 =	vmul.f32 v19, v11;
	[tilespmem:s17+$0x30] =	vst v12  }
0x376: {  	v12 =	vmul.f32 v13, v8;
	v13 =	vmul.f32 v17, v9;
	v17 =	vld [tilespmem:s18+$0xE0]  }
0x377: {  	v56 =	vld [tilespmem:s18+$0xF0]  }
0x378: {  	v57 =	vld [tilespmem:s18+$0x100];
	v12 =	vadd.f32 v13, v12;
	v13 =	vadd.f32 v19, v18  }
0x379: {  	v18 =	vld [tilespmem:s18+$0x110];
	v15 =	vmul.f32 v15, v4;
	v16 =	vmul.f32 v16, v5  }
0x37a: {  	v12 =	vadd.f32 v13, v12;
	v13 =	vmul.f32 v14, v6;
	v14 =	vmul.f32 v20, v7  }
0x37b: {  	s9 =	simm.s32 $0x120E0  }
0x37c: {  	[tilespmem:s9+$0xFFFFFF40] =	vst v12;
	v12 =	vadd.f32 v16, v15;
	v13 =	vadd.f32 v14, v13  }
0x37d: {  	v15 =	vmul.f32 v17, v0;
	v16 =	vmul.f32 v56, v2;
	v14 =	vld [tilespmem:s8+$0xFFFFFD20]  }
0x37e: {  	v17 =	vld [tilespmem:s8+$0xFFFFFD30];
	v18 =	vmul.f32 v18, v3;
	v12 =	vadd.f32 v13, v12;
	v13 =	vmul.f32 v57, v1  }
0x37f: {  	v19 =	vld [tilespmem:s8+$0xFFFFFD40]  }
0x380: {  	v15 =	vadd.f32 v16, v15;
	v16 =	vld [tilespmem:s8+$0xFFFFFD50];
	[tilespmem:s20+$0xFFFFFFC0] =	vst v12;
	v12 =	vadd.f32 v18, v13  }
0x381: {  	v13 =	vld [tilespmem:s19+$0xFFFFFF20]  }
0x382: {  	v18 =	vld [tilespmem:s19+$0xFFFFFF30];
	v12 =	vadd.f32 v12, v15  }
0x383: {  	v20 =	vld [tilespmem:s19+$0xFFFFFF50]  }
0x384: {  	v15 =	vld [tilespmem:s19+$0xFFFFFF40];
	v14 =	vmul.f32 v14, v8;
	v17 =	vmul.f32 v17, v9;
	[tilespmem:s17+$0x40] =	vst v12  }
0x385: {  	v16 =	vmul.f32 v16, v11;
	v12 =	vmul.f32 v19, v10;
	v19 =	vld [tilespmem:s18+$0x120]  }
0x386: {  	v58 =	vld [tilespmem:s18+$0x130]  }
0x387: {  	v14 =	vadd.f32 v17, v14;
	v12 =	vadd.f32 v16, v12;
	v16 =	vld [tilespmem:s18+$0x140]  }
0x388: {  	v13 =	vmul.f32 v13, v4;
	v17 =	vmul.f32 v18, v5;
	v18 =	vld [tilespmem:s18+$0x150]  }
0x389: {  	v12 =	vadd.f32 v12, v14;
	v14 =	vmul.f32 v15, v6;
	v15 =	vmul.f32 v20, v7;
	_ =	sdelay $0x1  }
0x38a: {  	[tilespmem:s9+$0xFFFFFF50] =	vst v12;
	v12 =	vadd.f32 v17, v13;
	v13 =	vadd.f32 v15, v14  }
0x38b: {  	v15 =	vmul.f32 v19, v0;
	v17 =	vmul.f32 v58, v2;
	v14 =	vld [tilespmem:s8+$0xFFFFFD60]  }
0x38c: {  	v19 =	vld [tilespmem:s8+$0xFFFFFD70];
	v12 =	vadd.f32 v13, v12;
	v13 =	vmul.f32 v16, v1;
	v16 =	vmul.f32 v18, v3  }
0x38d: {  	v20 =	vld [tilespmem:s8+$0xFFFFFD90]  }
0x38e: {  	v18 =	vld [tilespmem:s8+$0xFFFFFD80];
	[tilespmem:s20+$0xFFFFFFD0] =	vst v12;
	v12 =	vadd.f32 v17, v15;
	v13 =	vadd.f32 v16, v13  }
0x38f: {  	v15 =	vld [tilespmem:s19+$0xFFFFFF60]  }
0x390: {  	v16 =	vld [tilespmem:s19+$0xFFFFFF70];
	v12 =	vadd.f32 v13, v12  }
0x391: {  	v13 =	vld [tilespmem:s19+$0xFFFFFF80]  }
0x392: {  	v14 =	vmul.f32 v14, v8;
	v17 =	vmul.f32 v19, v9;
	v19 =	vld [tilespmem:s19+$0xFFFFFF90];
	[tilespmem:s17+$0x50] =	vst v12  }
0x393: {  	v12 =	vmul.f32 v18, v10;
	v18 =	vmul.f32 v20, v11;
	v20 =	vld [tilespmem:s18+$0x160]  }
0x394: {  	v59 =	vld [tilespmem:s18+$0x170]  }
0x395: {  	v14 =	vadd.f32 v17, v14;
	v17 =	vld [tilespmem:s18+$0x180];
	v12 =	vadd.f32 v18, v12  }
0x396: {  	v15 =	vmul.f32 v15, v4;
	v16 =	vmul.f32 v16, v5;
	v18 =	vld [tilespmem:s18+$0x190]  }
0x397: {  	v13 =	vmul.f32 v13, v6;
	v12 =	vadd.f32 v12, v14;
	v14 =	vmul.f32 v19, v7;
	_ =	sdelay $0x1  }
0x398: {  	[tilespmem:s9+$0xFFFFFF60] =	vst v12;
	v12 =	vadd.f32 v16, v15;
	v13 =	vadd.f32 v14, v13  }
0x399: {  	v15 =	vmul.f32 v20, v0;
	v16 =	vmul.f32 v59, v2;
	v14 =	vld [tilespmem:s8+$0xFFFFFDA0]  }
0x39a: {  	v19 =	vld [tilespmem:s8+$0xFFFFFDB0];
	v12 =	vadd.f32 v13, v12;
	v13 =	vmul.f32 v17, v1;
	v17 =	vmul.f32 v18, v3  }
0x39b: {  	v20 =	vld [tilespmem:s8+$0xFFFFFDD0]  }
0x39c: {  	v18 =	vld [tilespmem:s8+$0xFFFFFDC0];
	[tilespmem:s20+$0xFFFFFFE0] =	vst v12;
	v12 =	vadd.f32 v16, v15;
	v13 =	vadd.f32 v17, v13  }
0x39d: {  	v15 =	vld [tilespmem:s19+$0xFFFFFFA0]  }
0x39e: {  	v16 =	vld [tilespmem:s19+$0xFFFFFFB0];
	v12 =	vadd.f32 v13, v12  }
0x39f: {  	v13 =	vld [tilespmem:s19+$0xFFFFFFC0]  }
0x3a0: {  	v14 =	vmul.f32 v14, v8;
	v17 =	vmul.f32 v19, v9;
	v19 =	vld [tilespmem:s19+$0xFFFFFFD0];
	[tilespmem:s17+$0x60] =	vst v12  }
0x3a1: {  	v12 =	vmul.f32 v18, v10;
	v18 =	vmul.f32 v20, v11;
	v20 =	vld [tilespmem:s18+$0x1A0]  }
0x3a2: {  	v60 =	vld [tilespmem:s18+$0x1B0]  }
0x3a3: {  	v14 =	vadd.f32 v17, v14;
	v17 =	vld [tilespmem:s18+$0x1C0];
	v12 =	vadd.f32 v18, v12  }
0x3a4: {  	v15 =	vmul.f32 v15, v4;
	v16 =	vmul.f32 v16, v5;
	v18 =	vld [tilespmem:s18+$0x1D0]  }
0x3a5: {  	v13 =	vmul.f32 v13, v6;
	v12 =	vadd.f32 v12, v14;
	v14 =	vmul.f32 v19, v7;
	_ =	sdelay $0x1  }
0x3a6: {  	[tilespmem:s9+$0xFFFFFF70] =	vst v12;
	v12 =	vadd.f32 v16, v15;
	v13 =	vadd.f32 v14, v13  }
0x3a7: {  	v15 =	vmul.f32 v20, v0;
	v16 =	vmul.f32 v60, v2;
	v14 =	vld [tilespmem:s8+$0xFFFFFDE0]  }
0x3a8: {  	v19 =	vld [tilespmem:s8+$0xFFFFFDF0];
	v12 =	vadd.f32 v13, v12;
	v13 =	vmul.f32 v17, v1;
	v17 =	vmul.f32 v18, v3  }
0x3a9: {  	v20 =	vld [tilespmem:s8+$0xFFFFFE10]  }
0x3aa: {  	v18 =	vld [tilespmem:s8+$0xFFFFFE00];
	[tilespmem:s20+$0xFFFFFFF0] =	vst v12;
	v12 =	vadd.f32 v16, v15;
	v13 =	vadd.f32 v17, v13  }
0x3ab: {  	v15 =	vld [tilespmem:s19+$0xFFFFFFE0]  }
0x3ac: {  	v16 =	vld [tilespmem:s19+$0xFFFFFFF0];
	v12 =	vadd.f32 v13, v12  }
0x3ad: {  	v13 =	vld [tilespmem:s19+$0x0]  }
0x3ae: {  	v14 =	vmul.f32 v14, v8;
	v17 =	vmul.f32 v19, v9;
	v19 =	vld [tilespmem:s19+$0x10];
	[tilespmem:s17+$0x70] =	vst v12  }
0x3af: {  	v12 =	vmul.f32 v18, v10;
	v18 =	vmul.f32 v20, v11;
	v20 =	vld [tilespmem:s18+$0x1E0]  }
0x3b0: {  	v61 =	vld [tilespmem:s18+$0x1F0]  }
0x3b1: {  	v14 =	vadd.f32 v17, v14;
	v62 =	vld [tilespmem:s18+$0x200];
	v12 =	vadd.f32 v18, v12  }
0x3b2: {  	v63 =	vld [tilespmem:s18+$0x210];
	v15 =	vmul.f32 v15, v4;
	v16 =	vmul.f32 v16, v5  }
0x3b3: {  	v13 =	vmul.f32 v13, v6;
	v12 =	vadd.f32 v12, v14;
	v14 =	vmul.f32 v19, v7;
	_ =	sdelay $0x1  }
0x3b4: {  	v15 =	vadd.f32 v16, v15;
	[tilespmem:s9+$0xFFFFFF80] =	vst v12;
	v14 =	vadd.f32 v14, v13  }
0x3b5: {  	v12 =	vmul.f32 v20, v0;
	v13 =	vmul.f32 v61, v2;
	v17 =	vld [tilespmem:s8+$0xFFFFFE20]  }
0x3b6: {  	s11 =	simm.s32 $0x120E0;
	s1 =	simm.s32 $0x300;
	s7 =	simm.s32 $0xAFA0;
	v18 =	vld [tilespmem:s8+$0xFFFFFE30];
	v16 =	vadd.f32 v14, v15;
	v14 =	vmul.f32 v62, v1;
	v15 =	vmul.f32 v63, v3  }
.LBB2_5:
0x3b7: {  	p0 =	sne.s32 s1, $0xF00;
	v19 =	vld [tilespmem:s8+$0xFFFFFE40]  }
0x3b8: {  	v12 =	vadd.f32 v13, v12;
	v20 =	vld [tilespmem:s8+$0xFFFFFE50];
	[tilespmem:s20+$0x0] =	vst v16;
	v13 =	vadd.f32 v15, v14  }
0x3b9: {  	v14 =	vld [tilespmem:s19+$0x20]  }
0x3ba: {  	v15 =	vld [tilespmem:s19+$0x30];
	v12 =	vadd.f32 v13, v12  }
0x3bb: {  	v13 =	vld [tilespmem:s19+$0x40]  }
0x3bc: {  	v16 =	vmul.f32 v17, v8;
	v17 =	vmul.f32 v18, v9;
	v18 =	vld [tilespmem:s19+$0x50];
	[tilespmem:s17+$0x80] =	vst v12  }
0x3bd: {  	v12 =	vmul.f32 v19, v10;
	v19 =	vmul.f32 v20, v11;
	v20 =	vld [tilespmem:s18+$0x220]  }
0x3be: {  	v21 =	vld [tilespmem:s18+$0x230]  }
0x3bf: {  	v16 =	vadd.f32 v17, v16;
	v12 =	vadd.f32 v19, v12;
	v17 =	vld [tilespmem:s18+$0x240]  }
0x3c0: {  	v19 =	vmul.f32 v14, v4;
	v15 =	vmul.f32 v15, v5;
	v22 =	vld [tilespmem:s18+$0x250]  }
0x3c1: {  	s8 =	sadd.s32 $0x640, s8;
	v12 =	vadd.f32 v12, v16;
	v16 =	vmul.f32 v13, v6;
	v18 =	vmul.f32 v18, v7  }
0x3c2: {  	v13 =	vld [tilespmem:s8+$0xFFFFFCE0]  }
0x3c3: {  	v14 =	vld [tilespmem:s8+$0xFFFFFCF0];
	[tilespmem:s9+$0xFFFFFF90] =	vst v12;
	v12 =	vadd.f32 v15, v19;
	v15 =	vadd.f32 v18, v16  }
0x3c4: {  	v18 =	vmul.f32 v20, v0;
	v19 =	vmul.f32 v21, v2;
	v16 =	vld [tilespmem:s7+$0xFFFFFE60]  }
0x3c5: {  	v20 =	vld [tilespmem:s7+$0xFFFFFE70];
	v12 =	vadd.f32 v15, v12;
	v15 =	vmul.f32 v17, v1;
	v17 =	vmul.f32 v22, v3  }
0x3c6: {  	v21 =	vld [tilespmem:s7+$0xFFFFFE80]  }
0x3c7: {  	v22 =	vld [tilespmem:s7+$0xFFFFFE90];
	[tilespmem:s20+$0x10] =	vst v12;
	v12 =	vadd.f32 v19, v18;
	v15 =	vadd.f32 v17, v15  }
0x3c8: {  	v17 =	vld [tilespmem:s19+$0x60]  }
0x3c9: {  	v18 =	vld [tilespmem:s19+$0x70];
	v12 =	vadd.f32 v15, v12  }
0x3ca: {  	v15 =	vld [tilespmem:s19+$0x80]  }
0x3cb: {  	v16 =	vmul.f32 v16, v8;
	v19 =	vmul.f32 v20, v9;
	v20 =	vld [tilespmem:s19+$0x90];
	[tilespmem:s17+$0x90] =	vst v12  }
0x3cc: {  	v12 =	vmul.f32 v21, v10;
	v21 =	vmul.f32 v22, v11;
	v22 =	vld [tilespmem:s18+$0x260]  }
0x3cd: {  	v23 =	vld [tilespmem:s18+$0x270]  }
0x3ce: {  	v16 =	vadd.f32 v19, v16;
	v12 =	vadd.f32 v21, v12;
	v19 =	vld [tilespmem:s18+$0x280]  }
0x3cf: {  	v17 =	vmul.f32 v17, v4;
	v18 =	vmul.f32 v18, v5;
	v21 =	vld [tilespmem:s18+$0x290]  }
0x3d0: {  	v15 =	vmul.f32 v15, v6;
	v24 =	vld [tilespmem:s8+$0xFFFFFD00];
	v16 =	vadd.f32 v12, v16;
	v20 =	vmul.f32 v20, v7  }
0x3d1: {  	s0 =	sshra.s32 s1, $0x2;
	v25 =	vld [tilespmem:s8+$0xFFFFFD10]  }
0x3d2: {  	v12 =	vld [tilespmem:s0+$0x3800];
	[tilespmem:s9+$0xFFFFFFA0] =	vst v16;
	v16 =	vadd.f32 v18, v17;
	v15 =	vadd.f32 v20, v15  }
0x3d3: {  	v18 =	vmul.f32 v22, v0;
	v20 =	vmul.f32 v23, v2;
	v17 =	vld [tilespmem:s7+$0xFFFFFEA0]  }
0x3d4: {  	v22 =	vld [tilespmem:s7+$0xFFFFFEB0];
	v15 =	vadd.f32 v15, v16;
	v16 =	vmul.f32 v19, v1;
	v19 =	vmul.f32 v21, v3  }
0x3d5: {  	v21 =	vld [tilespmem:s7+$0xFFFFFEC0]  }
0x3d6: {  	v23 =	vld [tilespmem:s7+$0xFFFFFED0];
	[tilespmem:s20+$0x20] =	vst v15;
	v15 =	vadd.f32 v20, v18;
	v16 =	vadd.f32 v19, v16  }
0x3d7: {  	v18 =	vld [tilespmem:s19+$0xA0]  }
0x3d8: {  	v19 =	vld [tilespmem:s19+$0xB0];
	v15 =	vadd.f32 v16, v15  }
0x3d9: {  	v16 =	vld [tilespmem:s19+$0xC0]  }
0x3da: {  	v17 =	vmul.f32 v17, v8;
	v20 =	vmul.f32 v22, v9;
	v22 =	vld [tilespmem:s19+$0xD0];
	[tilespmem:s17+$0xA0] =	vst v15  }
0x3db: {  	v15 =	vmul.f32 v21, v10;
	v21 =	vmul.f32 v23, v11;
	v23 =	vld [tilespmem:s18+$0x2A0]  }
0x3dc: {  	v26 =	vld [tilespmem:s18+$0x2B0]  }
0x3dd: {  	v17 =	vadd.f32 v20, v17;
	v15 =	vadd.f32 v21, v15;
	v20 =	vld [tilespmem:s18+$0x2C0]  }
0x3de: {  	v18 =	vmul.f32 v18, v4;
	v19 =	vmul.f32 v19, v5;
	v21 =	vld [tilespmem:s18+$0x2D0]  }
0x3df: {  	v16 =	vmul.f32 v16, v6;
	v27 =	vld [tilespmem:s0+$0x3810];
	v15 =	vadd.f32 v15, v17;
	v17 =	vmul.f32 v22, v7  }
0x3e0: {  	v22 =	vld [tilespmem:s0+$0x3820]  }
0x3e1: {  	v28 =	vld [tilespmem:s0+$0x3830];
	[tilespmem:s9+$0xFFFFFFB0] =	vst v15;
	v15 =	vadd.f32 v19, v18;
	v16 =	vadd.f32 v17, v16  }
0x3e2: {  	v18 =	vmul.f32 v23, v0;
	v19 =	vmul.f32 v26, v2;
	v17 =	vld [tilespmem:s7+$0xFFFFFEE0]  }
0x3e3: {  	v23 =	vld [tilespmem:s7+$0xFFFFFEF0];
	v15 =	vadd.f32 v16, v15;
	v16 =	vmul.f32 v20, v1;
	v20 =	vmul.f32 v21, v3  }
0x3e4: {  	v21 =	vld [tilespmem:s7+$0xFFFFFF00]  }
0x3e5: {  	v26 =	vld [tilespmem:s7+$0xFFFFFF10];
	[tilespmem:s20+$0x30] =	vst v15;
	v15 =	vadd.f32 v19, v18;
	v16 =	vadd.f32 v20, v16  }
0x3e6: {  	v13 =	vmul.f32 v13, v12;
	v14 =	vmul.f32 v14, v27;
	v18 =	vld [tilespmem:s19+$0xE0]  }
0x3e7: {  	v19 =	vmul.f32 v24, v22;
	v20 =	vmul.f32 v25, v28;
	v24 =	vld [tilespmem:s19+$0xF0];
	v15 =	vadd.f32 v16, v15  }
0x3e8: {  	v16 =	vld [tilespmem:s19+$0x100]  }
0x3e9: {  	v13 =	vadd.f32 v14, v13;
	v14 =	vadd.f32 v20, v19;
	v19 =	vld [tilespmem:s19+$0x110];
	[tilespmem:s17+$0xB0] =	vst v15  }
0x3ea: {  	v15 =	vmul.f32 v17, v8;
	v17 =	vmul.f32 v23, v9;
	v20 =	vld [tilespmem:s18+$0x2E0]  }
0x3eb: {  	v13 =	vadd.f32 v14, v13;
	v14 =	vmul.f32 v21, v10;
	v21 =	vmul.f32 v26, v11;
	v23 =	vld [tilespmem:s18+$0x2F0]  }
0x3ec: {  	s9 =	sadd.s32 $0x190, s9;
	v25 =	vld [tilespmem:s18+$0x300]  }
0x3ed: {  	v14 =	vadd.f32 v21, v14;
	[tilespmem:s9+$0xFFFFFF40] =	vst v13;
	v13 =	vadd.f32 v17, v15;
	v15 =	vld [tilespmem:s18+$0x310];
	s18 =	smov.u32 s19;
	s19 =	smov.u32 s7;
	s7 =	smov.u32 s8  }
0x3ee: {  	v18 =	vmul.f32 v18, v4;
	v21 =	vmul.f32 v24, v5;
	v17 =	vld [tilespmem:s8+$0xFFFFFD20]  }
0x3ef: {  	v24 =	vld [tilespmem:s8+$0xFFFFFD30];
	v13 =	vadd.f32 v14, v13;
	v14 =	vmul.f32 v16, v6;
	v16 =	vmul.f32 v19, v7  }
0x3f0: {  	v18 =	vadd.f32 v21, v18;
	v19 =	vld [tilespmem:s8+$0xFFFFFD40]  }
0x3f1: {  	v21 =	vld [tilespmem:s8+$0xFFFFFD50];
	[tilespmem:s11+$0xFFFFFFC0] =	vst v13;
	v13 =	vadd.f32 v16, v14;
	v14 =	vmul.f32 v20, v0;
	v16 =	vmul.f32 v23, v2  }
0x3f2: {  	v23 =	vmul.f32 v25, v1;
	v0 =	vmovc v4;
	v4 =	vmovc v8;
	v8 =	vmov v12;
	v20 =	vld [tilespmem:s19+$0xFFFFFF20];
	v25 =	vmul.f32 v15, v3  }
0x3f3: {  	v2 =	vmovc v5;
	v5 =	vmovc v9;
	v9 =	vmov v27;
	v1 =	vmov v6;
	v12 =	vld [tilespmem:s19+$0xFFFFFF30];
	v13 =	vadd.f32 v13, v18  }
0x3f4: {  	v6 =	vmovc v10;
	v10 =	vmovc v22;
	v3 =	vmov v7;
	v14 =	vadd.f32 v16, v14;
	v15 =	vld [tilespmem:s19+$0xFFFFFF40];
	v16 =	vadd.f32 v25, v23  }
0x3f5: {  	v7 =	vmovc v11;
	v11 =	vmov v28;
	v17 =	vmul.f32 v17, v8;
	v18 =	vmul.f32 v24, v9;
	v22 =	vld [tilespmem:s19+$0xFFFFFF50];
	[tilespmem:s20+$0x40] =	vst v13  }
0x3f6: {  	v13 =	vmul.f32 v19, v10;
	v19 =	vmul.f32 v21, v11;
	v21 =	vld [tilespmem:s18+$0x120];
	v14 =	vadd.f32 v16, v14  }
0x3f7: {  	v16 =	vld [tilespmem:s18+$0x130]  }
0x3f8: {  	v17 =	vadd.f32 v18, v17;
	v13 =	vadd.f32 v19, v13;
	v18 =	vld [tilespmem:s18+$0x140];
	[tilespmem:s17+$0xC0] =	vst v14;
	s17 =	smov.u32 s20;
	s20 =	smov.u32 s11;
	s11 =	smov.u32 s9  }
0x3f9: {  	v14 =	vmul.f32 v20, v4;
	v12 =	vmul.f32 v12, v5;
	v19 =	vld [tilespmem:s18+$0x150]  }
0x3fa: {  	v15 =	vmul.f32 v15, v6;
	v13 =	vadd.f32 v13, v17;
	v17 =	vmul.f32 v22, v7;
	_ =	sdelay $0x1  }
0x3fb: {  	v12 =	vadd.f32 v12, v14;
	[tilespmem:s9+$0xFFFFFF50] =	vst v13;
	v13 =	vadd.f32 v17, v15  }
0x3fc: {  	v15 =	vmul.f32 v21, v0;
	v16 =	vmul.f32 v16, v2;
	v14 =	vld [tilespmem:s8+$0xFFFFFD60]  }
0x3fd: {  	v17 =	vld [tilespmem:s8+$0xFFFFFD70];
	v12 =	vadd.f32 v13, v12;
	v13 =	vmul.f32 v18, v1;
	v18 =	vmul.f32 v19, v3  }
0x3fe: {  	v19 =	vld [tilespmem:s8+$0xFFFFFD80]  }
0x3ff: {  	v20 =	vld [tilespmem:s8+$0xFFFFFD90];
	[tilespmem:s20+$0xFFFFFFD0] =	vst v12;
	v12 =	vadd.f32 v16, v15;
	v13 =	vadd.f32 v18, v13  }
0x400: {  	v15 =	vld [tilespmem:s19+$0xFFFFFF60]  }
0x401: {  	v16 =	vld [tilespmem:s19+$0xFFFFFF70];
	v12 =	vadd.f32 v13, v12  }
0x402: {  	v13 =	vld [tilespmem:s19+$0xFFFFFF80]  }
0x403: {  	v14 =	vmul.f32 v14, v8;
	v17 =	vmul.f32 v17, v9;
	v18 =	vld [tilespmem:s19+$0xFFFFFF90];
	[tilespmem:s17+$0x50] =	vst v12  }
0x404: {  	v12 =	vmul.f32 v19, v10;
	v19 =	vmul.f32 v20, v11;
	v20 =	vld [tilespmem:s18+$0x160]  }
0x405: {  	v21 =	vld [tilespmem:s18+$0x170]  }
0x406: {  	v14 =	vadd.f32 v17, v14;
	v12 =	vadd.f32 v19, v12;
	v17 =	vld [tilespmem:s18+$0x180]  }
0x407: {  	v15 =	vmul.f32 v15, v4;
	v16 =	vmul.f32 v16, v5;
	v19 =	vld [tilespmem:s18+$0x190]  }
0x408: {  	v13 =	vmul.f32 v13, v6;
	v12 =	vadd.f32 v12, v14;
	v14 =	vmul.f32 v18, v7;
	_ =	sdelay $0x1  }
0x409: {  	[tilespmem:s9+$0xFFFFFF60] =	vst v12;
	v12 =	vadd.f32 v16, v15;
	v13 =	vadd.f32 v14, v13  }
0x40a: {  	v15 =	vmul.f32 v20, v0;
	v16 =	vmul.f32 v21, v2;
	v14 =	vld [tilespmem:s8+$0xFFFFFDA0]  }
0x40b: {  	v18 =	vld [tilespmem:s8+$0xFFFFFDB0];
	v12 =	vadd.f32 v13, v12;
	v13 =	vmul.f32 v17, v1;
	v17 =	vmul.f32 v19, v3  }
0x40c: {  	v19 =	vld [tilespmem:s8+$0xFFFFFDC0]  }
0x40d: {  	v20 =	vld [tilespmem:s8+$0xFFFFFDD0];
	[tilespmem:s20+$0xFFFFFFE0] =	vst v12;
	v12 =	vadd.f32 v16, v15;
	v13 =	vadd.f32 v17, v13  }
0x40e: {  	v15 =	vld [tilespmem:s19+$0xFFFFFFA0]  }
0x40f: {  	v16 =	vld [tilespmem:s19+$0xFFFFFFB0];
	v12 =	vadd.f32 v13, v12  }
0x410: {  	v13 =	vld [tilespmem:s19+$0xFFFFFFC0]  }
0x411: {  	v14 =	vmul.f32 v14, v8;
	v17 =	vmul.f32 v18, v9;
	v18 =	vld [tilespmem:s19+$0xFFFFFFD0];
	[tilespmem:s17+$0x60] =	vst v12  }
0x412: {  	v12 =	vmul.f32 v19, v10;
	v19 =	vmul.f32 v20, v11;
	v20 =	vld [tilespmem:s18+$0x1A0]  }
0x413: {  	v21 =	vld [tilespmem:s18+$0x1B0]  }
0x414: {  	v14 =	vadd.f32 v17, v14;
	v12 =	vadd.f32 v19, v12;
	v17 =	vld [tilespmem:s18+$0x1C0]  }
0x415: {  	v15 =	vmul.f32 v15, v4;
	v16 =	vmul.f32 v16, v5;
	v19 =	vld [tilespmem:s18+$0x1D0]  }
0x416: {  	v13 =	vmul.f32 v13, v6;
	v12 =	vadd.f32 v12, v14;
	v14 =	vmul.f32 v18, v7;
	_ =	sdelay $0x1  }
0x417: {  	[tilespmem:s9+$0xFFFFFF70] =	vst v12;
	v12 =	vadd.f32 v16, v15;
	v13 =	vadd.f32 v14, v13  }
0x418: {  	v15 =	vmul.f32 v20, v0;
	v16 =	vmul.f32 v21, v2;
	v14 =	vld [tilespmem:s8+$0xFFFFFDE0]  }
0x419: {  	v18 =	vld [tilespmem:s8+$0xFFFFFDF0];
	v12 =	vadd.f32 v13, v12;
	v13 =	vmul.f32 v17, v1;
	v17 =	vmul.f32 v19, v3  }
0x41a: {  	v19 =	vld [tilespmem:s8+$0xFFFFFE00]  }
0x41b: {  	v20 =	vld [tilespmem:s8+$0xFFFFFE10];
	[tilespmem:s20+$0xFFFFFFF0] =	vst v12;
	v12 =	vadd.f32 v16, v15;
	v13 =	vadd.f32 v17, v13  }
0x41c: {  	v15 =	vld [tilespmem:s19+$0xFFFFFFE0]  }
0x41d: {  	v16 =	vld [tilespmem:s19+$0xFFFFFFF0];
	v12 =	vadd.f32 v13, v12  }
0x41e: {  	v13 =	vld [tilespmem:s19+$0x0]  }
0x41f: {  	v14 =	vmul.f32 v14, v8;
	v17 =	vmul.f32 v18, v9;
	v18 =	vld [tilespmem:s19+$0x10];
	[tilespmem:s17+$0x70] =	vst v12  }
0x420: {  	v12 =	vmul.f32 v19, v10;
	v19 =	vmul.f32 v20, v11;
	v20 =	vld [tilespmem:s18+$0x1E0]  }
0x421: {  	v21 =	vld [tilespmem:s18+$0x1F0]  }
0x422: {  	v14 =	vadd.f32 v17, v14;
	v12 =	vadd.f32 v19, v12;
	v19 =	vld [tilespmem:s18+$0x200]  }
0x423: {  	v15 =	vmul.f32 v15, v4;
	v16 =	vmul.f32 v16, v5;
	v22 =	vld [tilespmem:s18+$0x210]  }
.Ltmp1:
0x424: {  	v13 =	vmul.f32 v13, v6;
	v12 =	vadd.f32 v12, v14;
	v14 =	vmul.f32 v18, v7;
	(pc) =	sbr.rel @p0 .LBB2_5-.Ltmp1, $4  }
0x425: {  	_ = 	snop  }
0x426: {  	v15 =	vadd.f32 v16, v15;
	[tilespmem:s9+$0xFFFFFF80] =	vst v12;
	v14 =	vadd.f32 v14, v13  }
0x427: {  	v12 =	vmul.f32 v20, v0;
	v13 =	vmul.f32 v21, v2;
	v17 =	vld [tilespmem:s8+$0xFFFFFE20]  }
0x428: {  	s1 =	sadd.s32 $0x100, s1;
	v18 =	vld [tilespmem:s8+$0xFFFFFE30];
	v16 =	vadd.f32 v14, v15;
	v14 =	vmul.f32 v19, v1;
	v15 =	vmul.f32 v22, v3  }
0x429: {  	v19 =	vld [tilespmem:s8+$0xFFFFFE40]  }
0x42a: {  	v20 =	vld [tilespmem:s8+$0xFFFFFE50];
	_ =	sdelay $0x3  }
0x42b: {  	v17 =	vmul.f32 v17, v8;
	v18 =	vmul.f32 v18, v9  }
0x42c: {  	v19 =	vmul.f32 v19, v10;
	v20 =	vmul.f32 v20, v11;
	_ =	sdelay $0x1  }
0x42d: {  	v17 =	vadd.f32 v18, v17;
	v52 =	vadd.f32 v20, v19;
	_ =	sdelay $0x1  }
0x42e: {  	v17 =	vadd.f32 v52, v17;
	_ =	sdelay $0x1  }
0x42f: {  	[tilespmem:s9+$0xFFFFFF90] =	vst v17  }
0x430: {  	v17 =	vld [tilespmem:s7+$0xFFFFFE60]  }
0x431: {  	v53 =	vld [tilespmem:s7+$0xFFFFFE70]  }
0x432: {  	v54 =	vld [tilespmem:s7+$0xFFFFFE80]  }
0x433: {  	v55 =	vld [tilespmem:s7+$0xFFFFFE90];
	_ =	sdelay $0x3  }
0x434: {  	v17 =	vmul.f32 v17, v8;
	v18 =	vmul.f32 v53, v9  }
0x435: {  	v19 =	vmul.f32 v54, v10;
	v20 =	vmul.f32 v55, v11;
	_ =	sdelay $0x1  }
0x436: {  	v17 =	vadd.f32 v18, v17;
	v56 =	vadd.f32 v20, v19;
	_ =	sdelay $0x1  }
0x437: {  	v17 =	vadd.f32 v56, v17;
	_ =	sdelay $0x1  }
0x438: {  	[tilespmem:s9+$0xFFFFFFA0] =	vst v17  }
0x439: {  	v17 =	vld [tilespmem:s7+$0xFFFFFEA0]  }
0x43a: {  	v57 =	vld [tilespmem:s7+$0xFFFFFEB0]  }
0x43b: {  	v58 =	vld [tilespmem:s7+$0xFFFFFEC0]  }
0x43c: {  	v59 =	vld [tilespmem:s7+$0xFFFFFED0];
	_ =	sdelay $0x3  }
0x43d: {  	v17 =	vmul.f32 v17, v8;
	v18 =	vmul.f32 v57, v9  }
0x43e: {  	v19 =	vmul.f32 v58, v10;
	v20 =	vmul.f32 v59, v11;
	_ =	sdelay $0x1  }
0x43f: {  	v17 =	vadd.f32 v18, v17;
	v60 =	vadd.f32 v20, v19;
	_ =	sdelay $0x1  }
0x440: {  	v17 =	vadd.f32 v60, v17;
	_ =	sdelay $0x1  }
0x441: {  	[tilespmem:s9+$0xFFFFFFB0] =	vst v17  }
0x442: {  	v17 =	vld [tilespmem:s7+$0xFFFFFEE0]  }
0x443: {  	v61 =	vld [tilespmem:s7+$0xFFFFFEF0]  }
0x444: {  	v62 =	vld [tilespmem:s7+$0xFFFFFF00]  }
0x445: {  	v63 =	vld [tilespmem:s7+$0xFFFFFF10];
	_ =	sdelay $0x3  }
0x446: {  	v17 =	vmul.f32 v17, v8;
	v18 =	vmul.f32 v61, v9  }
0x447: {  	v19 =	vmul.f32 v62, v10;
	v20 =	vmul.f32 v63, v11;
	_ =	sdelay $0x1  }
0x448: {  	v17 =	vadd.f32 v18, v17;
	v24 =	vadd.f32 v20, v19;
	_ =	sdelay $0x1  }
0x449: {  	v17 =	vadd.f32 v24, v17;
	_ =	sdelay $0x1  }
0x44a: {  	[tilespmem:s11+$0xFFFFFFC0] =	vst v17  }
0x44b: {  	v17 =	vld [tilespmem:s7+$0xFFFFFF20]  }
0x44c: {  	v25 =	vld [tilespmem:s7+$0xFFFFFF30]  }
0x44d: {  	v26 =	vld [tilespmem:s7+$0xFFFFFF40]  }
0x44e: {  	v27 =	vld [tilespmem:s7+$0xFFFFFF50];
	_ =	sdelay $0x3  }
0x44f: {  	v17 =	vmul.f32 v17, v8;
	v18 =	vmul.f32 v25, v9  }
0x450: {  	v19 =	vmul.f32 v26, v10;
	v20 =	vmul.f32 v27, v11;
	_ =	sdelay $0x1  }
0x451: {  	v17 =	vadd.f32 v18, v17;
	v28 =	vadd.f32 v20, v19;
	_ =	sdelay $0x1  }
0x452: {  	v17 =	vadd.f32 v28, v17;
	_ =	sdelay $0x1  }
0x453: {  	[tilespmem:s11+$0xFFFFFFD0] =	vst v17  }
0x454: {  	v17 =	vld [tilespmem:s7+$0xFFFFFF60]  }
0x455: {  	v29 =	vld [tilespmem:s7+$0xFFFFFF70]  }
0x456: {  	v30 =	vld [tilespmem:s7+$0xFFFFFF80]  }
0x457: {  	v31 =	vld [tilespmem:s7+$0xFFFFFF90];
	_ =	sdelay $0x3  }
0x458: {  	v17 =	vmul.f32 v17, v8;
	v18 =	vmul.f32 v29, v9  }
0x459: {  	v19 =	vmul.f32 v30, v10;
	v20 =	vmul.f32 v31, v11;
	_ =	sdelay $0x1  }
0x45a: {  	v17 =	vadd.f32 v18, v17;
	v32 =	vadd.f32 v20, v19;
	_ =	sdelay $0x1  }
0x45b: {  	v17 =	vadd.f32 v32, v17;
	_ =	sdelay $0x1  }
0x45c: {  	[tilespmem:s11+$0xFFFFFFE0] =	vst v17  }
0x45d: {  	v17 =	vld [tilespmem:s7+$0xFFFFFFA0]  }
0x45e: {  	v33 =	vld [tilespmem:s7+$0xFFFFFFB0]  }
0x45f: {  	v34 =	vld [tilespmem:s7+$0xFFFFFFC0]  }
0x460: {  	v35 =	vld [tilespmem:s7+$0xFFFFFFD0];
	_ =	sdelay $0x3  }
0x461: {  	v17 =	vmul.f32 v17, v8;
	v18 =	vmul.f32 v33, v9  }
0x462: {  	v19 =	vmul.f32 v34, v10;
	v20 =	vmul.f32 v35, v11;
	_ =	sdelay $0x1  }
0x463: {  	v17 =	vadd.f32 v18, v17;
	v36 =	vadd.f32 v20, v19;
	_ =	sdelay $0x1  }
0x464: {  	v17 =	vadd.f32 v36, v17;
	_ =	sdelay $0x1  }
0x465: {  	[tilespmem:s11+$0xFFFFFFF0] =	vst v17  }
0x466: {  	v17 =	vld [tilespmem:s7+$0xFFFFFFE0]  }
0x467: {  	v37 =	vld [tilespmem:s7+$0xFFFFFFF0]  }
0x468: {  	v38 =	vld [tilespmem:s7+$0x0]  }
0x469: {  	v39 =	vld [tilespmem:s7+$0x10];
	_ =	sdelay $0x3  }
0x46a: {  	v17 =	vmul.f32 v17, v8;
	v18 =	vmul.f32 v37, v9  }
0x46b: {  	v19 =	vmul.f32 v38, v10;
	v20 =	vmul.f32 v39, v11;
	_ =	sdelay $0x1  }
0x46c: {  	[tilespmem:s20+$0x0] =	vst v16;
	v40 =	vadd.f32 v18, v17;
	v41 =	vadd.f32 v20, v19  }
0x46d: {  	v42 =	vld [tilespmem:s19+$0x20]  }
0x46e: {  	v43 =	vld [tilespmem:s19+$0x30];
	v16 =	vadd.f32 v41, v40  }
0x46f: {  	v44 =	vld [tilespmem:s19+$0x40]  }
0x470: {  	v45 =	vld [tilespmem:s19+$0x50];
	[tilespmem:s11+$0x0] =	vst v16  }
0x471: {  	v16 =	vld [tilespmem:s7+$0x20]  }
0x472: {  	v21 =	vld [tilespmem:s7+$0x30]  }
0x473: {  	v22 =	vld [tilespmem:s7+$0x40]  }
0x474: {  	v18 =	vmul.f32 v42, v4;
	v19 =	vmul.f32 v43, v5;
	v23 =	vld [tilespmem:s7+$0x50]  }
0x475: {  	v17 =	vmul.f32 v44, v6;
	v20 =	vmul.f32 v45, v7;
	_ =	sdelay $0x1  }
0x476: {  	v18 =	vadd.f32 v19, v18;
	v17 =	vadd.f32 v20, v17  }
0x477: {  	v16 =	vmul.f32 v16, v8;
	v46 =	vmul.f32 v21, v9  }
0x478: {  	v17 =	vadd.f32 v17, v18;
	v47 =	vmul.f32 v22, v10;
	v48 =	vmul.f32 v23, v11;
	_ =	sdelay $0x1  }
0x479: {  	[tilespmem:s20+$0x10] =	vst v17;
	v16 =	vadd.f32 v46, v16;
	v49 =	vadd.f32 v48, v47  }
0x47a: {  	v50 =	vld [tilespmem:s19+$0x60]  }
0x47b: {  	v51 =	vld [tilespmem:s19+$0x70];
	v16 =	vadd.f32 v49, v16  }
0x47c: {  	v52 =	vld [tilespmem:s19+$0x80]  }
0x47d: {  	v53 =	vld [tilespmem:s19+$0x90];
	[tilespmem:s11+$0x10] =	vst v16  }
0x47e: {  	v16 =	vld [tilespmem:s7+$0x60]  }
0x47f: {  	v54 =	vld [tilespmem:s7+$0x70]  }
0x480: {  	v55 =	vld [tilespmem:s7+$0x80]  }
0x481: {  	v18 =	vmul.f32 v50, v4;
	v19 =	vmul.f32 v51, v5;
	v56 =	vld [tilespmem:s7+$0x90]  }
0x482: {  	v17 =	vmul.f32 v52, v6;
	v20 =	vmul.f32 v53, v7;
	_ =	sdelay $0x1  }
0x483: {  	v18 =	vadd.f32 v19, v18;
	v17 =	vadd.f32 v20, v17  }
0x484: {  	v16 =	vmul.f32 v16, v8;
	v57 =	vmul.f32 v54, v9  }
0x485: {  	v17 =	vadd.f32 v17, v18;
	v58 =	vmul.f32 v55, v10;
	v59 =	vmul.f32 v56, v11;
	_ =	sdelay $0x1  }
0x486: {  	[tilespmem:s20+$0x20] =	vst v17;
	v16 =	vadd.f32 v57, v16;
	v60 =	vadd.f32 v59, v58  }
0x487: {  	v61 =	vld [tilespmem:s19+$0xA0]  }
0x488: {  	v62 =	vld [tilespmem:s19+$0xB0];
	v16 =	vadd.f32 v60, v16  }
0x489: {  	v63 =	vld [tilespmem:s19+$0xC0]  }
0x48a: {  	v24 =	vld [tilespmem:s19+$0xD0];
	[tilespmem:s11+$0x20] =	vst v16  }
0x48b: {  	v16 =	vld [tilespmem:s7+$0xA0]  }
0x48c: {  	v25 =	vld [tilespmem:s7+$0xB0]  }
0x48d: {  	v26 =	vld [tilespmem:s7+$0xC0]  }
0x48e: {  	v18 =	vmul.f32 v61, v4;
	v19 =	vmul.f32 v62, v5;
	v27 =	vld [tilespmem:s7+$0xD0]  }
0x48f: {  	v17 =	vmul.f32 v63, v6;
	v20 =	vmul.f32 v24, v7;
	_ =	sdelay $0x1  }
0x490: {  	v18 =	vadd.f32 v19, v18;
	v17 =	vadd.f32 v20, v17  }
0x491: {  	v16 =	vmul.f32 v16, v8;
	v28 =	vmul.f32 v25, v9  }
0x492: {  	v17 =	vadd.f32 v17, v18;
	v29 =	vmul.f32 v26, v10;
	v30 =	vmul.f32 v27, v11;
	_ =	sdelay $0x1  }
0x493: {  	[tilespmem:s20+$0x30] =	vst v17;
	v16 =	vadd.f32 v28, v16;
	v31 =	vadd.f32 v30, v29  }
0x494: {  	v32 =	vld [tilespmem:s19+$0xE0]  }
0x495: {  	v33 =	vld [tilespmem:s19+$0xF0];
	v16 =	vadd.f32 v31, v16  }
0x496: {  	v34 =	vld [tilespmem:s19+$0x100]  }
0x497: {  	v35 =	vld [tilespmem:s19+$0x110];
	[tilespmem:s11+$0x30] =	vst v16  }
0x498: {  	v16 =	vld [tilespmem:s7+$0xE0]  }
0x499: {  	v36 =	vld [tilespmem:s7+$0xF0]  }
0x49a: {  	v37 =	vld [tilespmem:s7+$0x100]  }
0x49b: {  	v18 =	vmul.f32 v32, v4;
	v19 =	vmul.f32 v33, v5;
	v38 =	vld [tilespmem:s7+$0x110]  }
0x49c: {  	v17 =	vmul.f32 v34, v6;
	v20 =	vmul.f32 v35, v7;
	_ =	sdelay $0x1  }
0x49d: {  	v18 =	vadd.f32 v19, v18;
	v17 =	vadd.f32 v20, v17  }
0x49e: {  	v16 =	vmul.f32 v16, v8;
	v39 =	vmul.f32 v36, v9  }
0x49f: {  	v17 =	vadd.f32 v17, v18;
	v40 =	vmul.f32 v37, v10;
	v41 =	vmul.f32 v38, v11;
	_ =	sdelay $0x1  }
0x4a0: {  	[tilespmem:s20+$0x40] =	vst v17;
	v16 =	vadd.f32 v39, v16;
	v42 =	vadd.f32 v41, v40  }
0x4a1: {  	v43 =	vld [tilespmem:s19+$0x120]  }
0x4a2: {  	v44 =	vld [tilespmem:s19+$0x130];
	v16 =	vadd.f32 v42, v16  }
0x4a3: {  	v45 =	vld [tilespmem:s19+$0x140]  }
0x4a4: {  	v46 =	vld [tilespmem:s19+$0x150];
	[tilespmem:s11+$0x40] =	vst v16  }
0x4a5: {  	v16 =	vld [tilespmem:s7+$0x120]  }
0x4a6: {  	v47 =	vld [tilespmem:s7+$0x130]  }
0x4a7: {  	v48 =	vld [tilespmem:s7+$0x140]  }
0x4a8: {  	v18 =	vmul.f32 v43, v4;
	v19 =	vmul.f32 v44, v5;
	v49 =	vld [tilespmem:s7+$0x150]  }
0x4a9: {  	v17 =	vmul.f32 v45, v6;
	v20 =	vmul.f32 v46, v7;
	_ =	sdelay $0x1  }
0x4aa: {  	v18 =	vadd.f32 v19, v18;
	v17 =	vadd.f32 v20, v17  }
0x4ab: {  	v16 =	vmul.f32 v16, v8;
	v50 =	vmul.f32 v47, v9  }
0x4ac: {  	v17 =	vadd.f32 v17, v18;
	v51 =	vmul.f32 v48, v10;
	v52 =	vmul.f32 v49, v11;
	_ =	sdelay $0x1  }
0x4ad: {  	[tilespmem:s20+$0x50] =	vst v17;
	v16 =	vadd.f32 v50, v16;
	v53 =	vadd.f32 v52, v51  }
0x4ae: {  	v54 =	vld [tilespmem:s19+$0x160]  }
0x4af: {  	v55 =	vld [tilespmem:s19+$0x170];
	v16 =	vadd.f32 v53, v16  }
0x4b0: {  	v56 =	vld [tilespmem:s19+$0x180]  }
0x4b1: {  	v57 =	vld [tilespmem:s19+$0x190];
	[tilespmem:s11+$0x50] =	vst v16  }
0x4b2: {  	v16 =	vld [tilespmem:s7+$0x160]  }
0x4b3: {  	v58 =	vld [tilespmem:s7+$0x170]  }
0x4b4: {  	v59 =	vld [tilespmem:s7+$0x180]  }
0x4b5: {  	v18 =	vmul.f32 v54, v4;
	v19 =	vmul.f32 v55, v5;
	v60 =	vld [tilespmem:s7+$0x190]  }
0x4b6: {  	v17 =	vmul.f32 v56, v6;
	v20 =	vmul.f32 v57, v7;
	_ =	sdelay $0x1  }
0x4b7: {  	v18 =	vadd.f32 v19, v18;
	v17 =	vadd.f32 v20, v17  }
0x4b8: {  	v16 =	vmul.f32 v16, v8;
	v61 =	vmul.f32 v58, v9  }
0x4b9: {  	v17 =	vadd.f32 v17, v18;
	v62 =	vmul.f32 v59, v10;
	v63 =	vmul.f32 v60, v11;
	_ =	sdelay $0x1  }
0x4ba: {  	[tilespmem:s20+$0x60] =	vst v17;
	v16 =	vadd.f32 v61, v16;
	v24 =	vadd.f32 v63, v62  }
0x4bb: {  	v25 =	vld [tilespmem:s19+$0x1A0]  }
0x4bc: {  	v26 =	vld [tilespmem:s19+$0x1B0];
	v16 =	vadd.f32 v24, v16  }
0x4bd: {  	v27 =	vld [tilespmem:s19+$0x1C0]  }
0x4be: {  	v28 =	vld [tilespmem:s19+$0x1D0];
	[tilespmem:s11+$0x60] =	vst v16  }
0x4bf: {  	v16 =	vld [tilespmem:s7+$0x1A0]  }
0x4c0: {  	v29 =	vld [tilespmem:s7+$0x1B0]  }
0x4c1: {  	v30 =	vld [tilespmem:s7+$0x1C0]  }
0x4c2: {  	v18 =	vmul.f32 v25, v4;
	v19 =	vmul.f32 v26, v5;
	v31 =	vld [tilespmem:s7+$0x1D0]  }
0x4c3: {  	v17 =	vmul.f32 v27, v6;
	v20 =	vmul.f32 v28, v7;
	_ =	sdelay $0x1  }
0x4c4: {  	v18 =	vadd.f32 v19, v18;
	v17 =	vadd.f32 v20, v17  }
0x4c5: {  	v16 =	vmul.f32 v16, v8;
	v32 =	vmul.f32 v29, v9  }
0x4c6: {  	v17 =	vadd.f32 v17, v18;
	v33 =	vmul.f32 v30, v10;
	v34 =	vmul.f32 v31, v11;
	_ =	sdelay $0x1  }
0x4c7: {  	[tilespmem:s20+$0x70] =	vst v17;
	v16 =	vadd.f32 v32, v16;
	v35 =	vadd.f32 v34, v33  }
0x4c8: {  	v36 =	vld [tilespmem:s19+$0x1E0]  }
0x4c9: {  	v37 =	vld [tilespmem:s19+$0x1F0];
	v16 =	vadd.f32 v35, v16  }
0x4ca: {  	v38 =	vld [tilespmem:s19+$0x200]  }
0x4cb: {  	v39 =	vld [tilespmem:s19+$0x210];
	[tilespmem:s11+$0x70] =	vst v16  }
0x4cc: {  	v16 =	vld [tilespmem:s7+$0x1E0]  }
0x4cd: {  	v40 =	vld [tilespmem:s7+$0x1F0]  }
0x4ce: {  	v12 =	vadd.f32 v13, v12;
	v41 =	vadd.f32 v15, v14;
	v42 =	vld [tilespmem:s7+$0x200]  }
0x4cf: {  	v43 =	vmul.f32 v36, v4;
	v44 =	vmul.f32 v37, v5;
	v45 =	vld [tilespmem:s7+$0x210]  }
0x4d0: {  	v12 =	vadd.f32 v41, v12;
	v46 =	vmul.f32 v38, v6;
	v47 =	vmul.f32 v39, v7;
	_ =	sdelay $0x1  }
0x4d1: {  	[tilespmem:s17+$0x80] =	vst v12;
	v48 =	vadd.f32 v44, v43;
	v13 =	vadd.f32 v47, v46  }
0x4d2: {  	v49 =	vld [tilespmem:s18+$0x220];
	v16 =	vmul.f32 v16, v8;
	v50 =	vmul.f32 v40, v9  }
0x4d3: {  	v51 =	vld [tilespmem:s18+$0x230];
	v12 =	vadd.f32 v13, v48;
	v52 =	vmul.f32 v42, v10;
	v53 =	vmul.f32 v45, v11  }
0x4d4: {  	v54 =	vld [tilespmem:s18+$0x240]  }
0x4d5: {  	v55 =	vld [tilespmem:s18+$0x250];
	[tilespmem:s20+$0x80] =	vst v12;
	v56 =	vadd.f32 v50, v16;
	v13 =	vadd.f32 v53, v52  }
0x4d6: {  	v57 =	vld [tilespmem:s19+$0x220]  }
0x4d7: {  	v58 =	vld [tilespmem:s19+$0x230];
	v12 =	vadd.f32 v13, v56  }
0x4d8: {  	v59 =	vld [tilespmem:s19+$0x240]  }
0x4d9: {  	v15 =	vmul.f32 v49, v0;
	v60 =	vmul.f32 v51, v2;
	v61 =	vld [tilespmem:s19+$0x250];
	[tilespmem:s11+$0x80] =	vst v12  }
0x4da: {  	v62 =	vmul.f32 v54, v1;
	v63 =	vmul.f32 v55, v3;
	v24 =	vld [tilespmem:s7+$0x220]  }
0x4db: {  	v25 =	vld [tilespmem:s7+$0x230]  }
0x4dc: {  	v15 =	vadd.f32 v60, v15;
	v12 =	vadd.f32 v63, v62;
	v26 =	vld [tilespmem:s7+$0x240]  }
0x4dd: {  	v14 =	vmul.f32 v57, v4;
	v16 =	vmul.f32 v58, v5;
	v27 =	vld [tilespmem:s7+$0x250]  }
0x4de: {  	v28 =	vmul.f32 v61, v7;
	v13 =	vmul.f32 v59, v6;
	v12 =	vadd.f32 v12, v15;
	_ =	sdelay $0x1  }
0x4df: {  	v29 =	vadd.f32 v16, v14;
	v13 =	vadd.f32 v28, v13;
	[tilespmem:s17+$0x90] =	vst v12  }
0x4e0: {  	v30 =	vld [tilespmem:s18+$0x260];
	v31 =	vmul.f32 v24, v8;
	v32 =	vmul.f32 v25, v9  }
0x4e1: {  	v12 =	vadd.f32 v13, v29;
	v33 =	vld [tilespmem:s18+$0x270];
	v34 =	vmul.f32 v26, v10;
	v35 =	vmul.f32 v27, v11  }
0x4e2: {  	v36 =	vld [tilespmem:s18+$0x280]  }
0x4e3: {  	v37 =	vld [tilespmem:s18+$0x290];
	[tilespmem:s20+$0x90] =	vst v12;
	v38 =	vadd.f32 v32, v31;
	v13 =	vadd.f32 v35, v34  }
0x4e4: {  	v39 =	vld [tilespmem:s19+$0x260]  }
0x4e5: {  	v40 =	vld [tilespmem:s19+$0x270];
	v12 =	vadd.f32 v13, v38  }
0x4e6: {  	v41 =	vld [tilespmem:s19+$0x280]  }
0x4e7: {  	v43 =	vld [tilespmem:s19+$0x290];
	v14 =	vmul.f32 v30, v0;
	v42 =	vmul.f32 v33, v2;
	[tilespmem:s11+$0x90] =	vst v12  }
0x4e8: {  	v44 =	vmul.f32 v36, v1;
	v45 =	vmul.f32 v37, v3;
	v46 =	vld [tilespmem:s7+$0x260]  }
0x4e9: {  	v47 =	vld [tilespmem:s7+$0x270]  }
0x4ea: {  	v14 =	vadd.f32 v42, v14;
	v12 =	vadd.f32 v45, v44;
	v48 =	vld [tilespmem:s7+$0x280]  }
0x4eb: {  	v15 =	vmul.f32 v39, v4;
	v16 =	vmul.f32 v40, v5;
	v49 =	vld [tilespmem:s7+$0x290]  }
0x4ec: {  	v13 =	vmul.f32 v41, v6;
	v50 =	vmul.f32 v43, v7;
	v12 =	vadd.f32 v12, v14;
	_ =	sdelay $0x1  }
0x4ed: {  	v51 =	vadd.f32 v16, v15;
	v13 =	vadd.f32 v50, v13;
	[tilespmem:s17+$0xA0] =	vst v12  }
0x4ee: {  	v52 =	vld [tilespmem:s18+$0x2A0];
	v53 =	vmul.f32 v46, v8;
	v54 =	vmul.f32 v47, v9  }
0x4ef: {  	v12 =	vadd.f32 v13, v51;
	v55 =	vld [tilespmem:s18+$0x2B0];
	v56 =	vmul.f32 v48, v10;
	v57 =	vmul.f32 v49, v11  }
0x4f0: {  	v58 =	vld [tilespmem:s18+$0x2C0]  }
0x4f1: {  	v59 =	vld [tilespmem:s18+$0x2D0];
	[tilespmem:s20+$0xA0] =	vst v12;
	v60 =	vadd.f32 v54, v53;
	v13 =	vadd.f32 v57, v56  }
0x4f2: {  	v61 =	vld [tilespmem:s19+$0x2A0]  }
0x4f3: {  	v62 =	vld [tilespmem:s19+$0x2B0];
	v12 =	vadd.f32 v13, v60  }
0x4f4: {  	v63 =	vld [tilespmem:s19+$0x2C0]  }
0x4f5: {  	v25 =	vld [tilespmem:s19+$0x2D0];
	v14 =	vmul.f32 v52, v0;
	v24 =	vmul.f32 v55, v2;
	[tilespmem:s11+$0xA0] =	vst v12  }
0x4f6: {  	v26 =	vmul.f32 v58, v1;
	v27 =	vmul.f32 v59, v3;
	v28 =	vld [tilespmem:s7+$0x2A0]  }
0x4f7: {  	v29 =	vld [tilespmem:s7+$0x2B0]  }
0x4f8: {  	v14 =	vadd.f32 v24, v14;
	v12 =	vadd.f32 v27, v26;
	v30 =	vld [tilespmem:s7+$0x2C0]  }
0x4f9: {  	v15 =	vmul.f32 v61, v4;
	v16 =	vmul.f32 v62, v5;
	v31 =	vld [tilespmem:s7+$0x2D0]  }
0x4fa: {  	v13 =	vmul.f32 v63, v6;
	v32 =	vmul.f32 v25, v7;
	v12 =	vadd.f32 v12, v14;
	_ =	sdelay $0x1  }
0x4fb: {  	v33 =	vadd.f32 v16, v15;
	v13 =	vadd.f32 v32, v13;
	[tilespmem:s17+$0xB0] =	vst v12  }
0x4fc: {  	v34 =	vld [tilespmem:s18+$0x2E0];
	v35 =	vmul.f32 v28, v8;
	v36 =	vmul.f32 v29, v9  }
0x4fd: {  	v12 =	vadd.f32 v13, v33;
	v37 =	vld [tilespmem:s18+$0x2F0];
	v38 =	vmul.f32 v30, v10;
	v39 =	vmul.f32 v31, v11  }
0x4fe: {  	v40 =	vld [tilespmem:s18+$0x300]  }
0x4ff: {  	v41 =	vld [tilespmem:s18+$0x310];
	[tilespmem:s20+$0xB0] =	vst v12;
	v42 =	vadd.f32 v36, v35;
	v13 =	vadd.f32 v39, v38  }
0x500: {  	v43 =	vld [tilespmem:s19+$0x2E0]  }
0x501: {  	v44 =	vld [tilespmem:s19+$0x2F0];
	v12 =	vadd.f32 v13, v42  }
0x502: {  	v45 =	vld [tilespmem:s19+$0x300]  }
0x503: {  	v46 =	vld [tilespmem:s19+$0x310];
	[tilespmem:s11+$0xB0] =	vst v12  }
0x504: {  	v12 =	vld [tilespmem:s7+$0x2E0]  }
0x505: {  	v47 =	vld [tilespmem:s7+$0x2F0]  }
0x506: {  	v48 =	vld [tilespmem:s7+$0x300]  }
0x507: {  	v49 =	vmul.f32 v34, v0;
	v50 =	vmul.f32 v37, v2;
	v51 =	vld [tilespmem:s7+$0x310]  }
0x508: {  	v52 =	vmul.f32 v40, v1;
	v53 =	vmul.f32 v41, v3  }
0x509: {  	v0 =	vadd.f32 v50, v49;
	v54 =	vmul.f32 v43, v4;
	v55 =	vmul.f32 v44, v5  }
0x50a: {  	v1 =	vadd.f32 v53, v52;
	v56 =	vmul.f32 v45, v6;
	v57 =	vmul.f32 v46, v7  }
0x50b: {  	v58 =	vmul.f32 v12, v8;
	v59 =	vmul.f32 v47, v9  }
0x50c: {  	v0 =	vadd.f32 v1, v0;
	v60 =	vmul.f32 v48, v10;
	v61 =	vmul.f32 v51, v11  }
0x50d: {  	s15 =	sadd.s32 $0x1, s15;
	v2 =	vadd.f32 v55, v54;
	v3 =	vadd.f32 v57, v56  }
0x50e: {  	p0 =	sne.s32 s15, $0x10;
	v62 =	vadd.f32 v59, v58;
	v1 =	vadd.f32 v61, v60  }
.Ltmp2:
0x50f: {  	s0 =	sadd.s32 s6, s16;
	v2 =	vadd.f32 v3, v2;
	(pc) =	sbr.rel @p0 .LBB2_2-.Ltmp2, $4  }
0x510: {  	s0 =	smul.u32 $0x32, s0;
	[tilespmem:s17+$0xC0] =	vst v0;
	v63 =	vadd.f32 v1, v62  }
0x511: {  	[tilespmem:s20+$0xC0] =	vst v2  }
0x512: {  	s0 =	sadd.s32 s5, s0;
	[tilespmem:s11+$0xC0] =	vst v63  }
0x513: {  	[hbm4b:s0+s2] =	stream.linear.scatter [tilespmem:s31], [sflag:$0x4], $0x1900, $0x38;
	[tilespmem:$0x13600] =	vst v63  }
0x514: {  	s0 =	simm.s32 $0x3  }
0x515: {  	_ =	swait.ge [sflag:s0], $0x1900  }
0x516: {  	[sflag:s0] =	ssyncset.done $0x0  }
0x517: {  	s1 =	simm.s32 $0x4;
	[sflag:s0] =	ssyncadd.s32 $0xFFFFE700  }
0x518: {  	_ =	swait.ge [sflag:s1], $0x1900  }
0x519: {  	s13 =	sadd.s32 $0x1, s13;
	s21 =	rddreg [dreg:$0x5]  }
0x51a: {  	p0 =	sne.s32 s13, s21  }
.Ltmp3:
0x51b: {  	_ = 	snop;
	(pc) =	sbr.rel @p0 .LBB2_1-.Ltmp3, $3  }
0x51c: {  	_ =	sdelay $0x1  }
0x51d: {  	[sflag:s1] =	ssyncset.done $0x0  }
0x51e: {  	[sflag:s1] =	ssyncadd.s32 $0xFFFFE700  }
0x51f: {  	_ =	sfence.sel $0x180000  }
0x520: {  	[bflag:$0x0] =	sbarrier.arrive $0xFFFF  }
0x521: {  	_ =	strace $0x90000047  }
0x522: {  	s0 =	stileid.u32;
	[bflag:$0x2] =	sbarrier.arrive $0xFFFF  }
0x523: {  	p0 =	sne.s32 s0, $0x0;
	s0 =	rddreg [dreg:$0x2]  }
0x524: {  	s0 =	sadd.s32 @!p0 $0x100000, s0  }
0x525: {  	[sflag:s0] =	ssyncadd.tile.s32 @!p0 $0x1;
	_ =	shalt  }
.Lfunc_end2:
_tile_overlayer_lowered:
.L_overlay_start_2:
0x526: {  	(tag) =	ssettag $0x2  }
0x527: {  	s0 =	rddreg [dreg:$0x0];
	s2 =	stileid.u32  }
0x528: {  	s1 =	rddreg [dreg:$0x1];
	p0 =	sne.s32 s2, $0x0  }
0x529: {  	s3 =	rddreg [dreg:$0x2];
	[bflag:$0x3] =	sbarrier.arrive $0xFFFF;
	s2 =	simm.s32 @!p0 $0x1C05  }
0x52a: {  	[timem:s3], [sflag:s2] =	dma.local @!p0 [hbm:s0], s1  }
0x52b: {  	s0 =	simm.s32 @!p0 $0x5  }
0x52c: {  	_ =	swait.ge @!p0 [sflag:s0], s1  }
0x52d: {  	s1 =	ssub.s32 @!p0 $0x0, s1;
	[sflag:s0] =	ssyncset.done @!p0 $0x0  }
0x52e: {  	[sflag:s0] =	ssyncadd.s32 @!p0 s1  }
0x52f: {  	[bflag:$0x3] =	sbarrier.arrive $0xFFFF  }
0x530: {  	_ =	shalt  }

</sc_bundles>
